<compile_context>
chip_gen: v7x
topology: tpu7x:2x2x1
jax: 0.10.2.dev20260603
libtpu: 0.0.44.dev20260713+nightly
codegen_flags: <defaults>
</compile_context>

<pallas_src>
import functools

import jax
import jax.numpy as jnp
from jax import lax
from jax.experimental import pallas as pl
from jax.experimental.pallas import tpu as pltpu
from jax.experimental.pallas import tpu_sc as plsc

N = 10000
E = 320000
D = 128
DE = 16
H = 64
G = 64
C = 2

NC = 2
NS = 16
NW = NC * NS

NP = 10240
EP = 327680
EPT = EP // NW
CH = 128
NCHUNK = EPT // CH
RPT = NP // NS

_HI = jax.lax.Precision.HIGHEST



def _sc_prep_body(ea_hbm, src3_hbm, dst3_hbm, sege_out, csrc_out, cdst_out,
                  *bufs):
    rows = bufs[0:NB]
    sems_e = bufs[NB:2 * NB]
    sems_x = bufs[2 * NB:5 * NB]
    ones_v = bufs[5 * NB]
    isa = bufs[5 * NB + 1]
    ida = bufs[5 * NB + 2]
    acc_e, acc_s, acc_d = bufs[5 * NB + 3:5 * NB + 6]
    cid = lax.axis_index("c")
    sid = lax.axis_index("s")
    wid = sid * NC + cid

    pltpu.sync_copy(src3_hbm.at[pl.ds(wid * NCHUNK, NCHUNK)], isa)
    pltpu.sync_copy(dst3_hbm.at[pl.ds(wid * NCHUNK, NCHUNK)], ida)

    def zfill(i, _):
        rows[0][i, :] = jnp.zeros((DE,), jnp.float32)
        return 0
    lax.fori_loop(0, CH, zfill, 0)
    for k in range(RPT // CH):
        off = sid * RPT + k * CH
        pltpu.sync_copy(rows[0], acc_e.at[pl.ds(off, CH)])
        pltpu.sync_copy(rows[0], acc_s.at[pl.ds(off, CH)])
        pltpu.sync_copy(rows[0], acc_d.at[pl.ds(off, CH)])

    def fill(i, _):
        ones_v[i, :] = jnp.ones((DE,), jnp.float32)
        return 0
    lax.fori_loop(0, CH, fill, 0)
    plsc.subcore_barrier()

    for b in range(A):
        pltpu.async_copy(ea_hbm.at[pl.ds((wid * NCHUNK + b) * CH, CH)],
                         rows[b], sems_e[b])

    def outer(i, _):
        for b in range(NB):
            c = i * NB + b
            base = wid * EPT + c * CH
            se = sems_x[3 * b]
            pltpu.make_async_copy(
                ea_hbm.at[pl.ds(base, CH)], rows[b], sems_e[b]).wait()
            pltpu.async_copy(rows[b], acc_e.at[isa.at[c, 0]], se, add=True)
            pltpu.sync_copy(ones_v, acc_s.at[isa.at[c, 0]], add=True)
            pltpu.sync_copy(ones_v, acc_d.at[ida.at[c, 0]], add=True)

            bn = (b + A) % NB

            @pl.when(c + A < NCHUNK)
            def _():
                @pl.when(c + A >= NB)
                def _():
                    pltpu.make_async_copy(
                        rows[bn], acc_e.at[isa.at[c + A - NB, 0]],
                        sems_x[3 * bn]).wait()
                pltpu.async_copy(
                    ea_hbm.at[pl.ds(wid * EPT + (c + A) * CH, CH)],
                    rows[bn], sems_e[bn])
        return 0
    lax.fori_loop(0, NCHUNK // NB, outer, 0)

    for j in range(NB):
        c = NCHUNK - NB + j
        b = c % NB
        pltpu.make_async_copy(
            rows[b], acc_e.at[isa.at[c, 0]], sems_x[3 * b]).wait()

    plsc.subcore_barrier()
    pltpu.sync_copy(acc_e.at[pl.ds(sid * RPT, RPT)],
                    sege_out.at[cid, pl.ds(sid * RPT, RPT)])
    pltpu.sync_copy(acc_s.at[pl.ds(sid * RPT, RPT)],
                    csrc_out.at[cid, pl.ds(sid * RPT, RPT)])
    pltpu.sync_copy(acc_d.at[pl.ds(sid * RPT, RPT)],
                    cdst_out.at[cid, pl.ds(sid * RPT, RPT)])


NB = 4
A = 2


def _sc_edge_agg_body(y_hbm, src_hbm, dst3_hbm, z_out, *bufs):
    rows = bufs[0:NB]
    sems_g = bufs[NB:2 * NB]
    sems_s = bufs[2 * NB:3 * NB]
    isa = bufs[3 * NB]
    ida = bufs[3 * NB + 1]
    acc = bufs[3 * NB + 2]
    cid = lax.axis_index("c")
    sid = lax.axis_index("s")
    wid = sid * NC + cid

    pltpu.sync_copy(src_hbm.at[pl.ds(wid * EPT, EPT)], isa)
    pltpu.sync_copy(dst3_hbm.at[pl.ds(wid * NCHUNK, NCHUNK)], ida)

    def zfill(i, _):
        for j in range(H // 16):
            rows[0][i, pl.ds(j * 16, 16)] = jnp.zeros((16,), jnp.float32)
        return 0
    lax.fori_loop(0, CH, zfill, 0)
    for k in range(RPT // CH):
        pltpu.sync_copy(rows[0], acc.at[pl.ds(sid * RPT + k * CH, CH)])
    plsc.subcore_barrier()

    for b in range(A):
        pltpu.async_copy(
            y_hbm.at[isa.at[pl.ds(b * CH, CH)]], rows[b], sems_g[b])

    def outer(i, _):
        for b in range(NB):
            c = i * NB + b
            pltpu.make_async_copy(
                y_hbm.at[isa.at[pl.ds(c * CH, CH)]],
                rows[b], sems_g[b]).wait()
            pltpu.async_copy(
                rows[b], acc.at[ida.at[c, 0]], sems_s[b], add=True)

            bn = (b + A) % NB

            @pl.when(c + A < NCHUNK)
            def _():
                @pl.when(c + A >= NB)
                def _():
                    pltpu.make_async_copy(
                        rows[bn], acc.at[ida.at[c + A - NB, 0]],
                        sems_s[bn]).wait()
                pltpu.async_copy(
                    y_hbm.at[isa.at[pl.ds((c + A) * CH, CH)]],
                    rows[bn], sems_g[bn])
        return 0
    lax.fori_loop(0, NCHUNK // NB, outer, 0)

    for j in range(NB):
        c = NCHUNK - NB + j
        b = c % NB
        pltpu.make_async_copy(
            rows[b], acc.at[ida.at[c, 0]], sems_s[b]).wait()

    plsc.subcore_barrier()
    pltpu.sync_copy(acc.at[pl.ds(sid * RPT, RPT)],
                    z_out.at[cid, pl.ds(sid * RPT, RPT)])


@functools.lru_cache(maxsize=None)
def _sc_kernels():
    mesh = plsc.VectorSubcoreMesh(
        core_axis_name="c", subcore_axis_name="s",
        num_cores=NC, num_subcores=NS)
    prep = pl.kernel(
        _sc_prep_body,
        out_type=[
            jax.ShapeDtypeStruct((NC, NP, DE), jnp.float32),
            jax.ShapeDtypeStruct((NC, NP, DE), jnp.float32),
            jax.ShapeDtypeStruct((NC, NP, DE), jnp.float32),
        ],
        mesh=mesh,
        scratch_types=(
            [pltpu.VMEM((CH, DE), jnp.float32) for _ in range(NB)]
            + [pltpu.SemaphoreType.DMA for _ in range(NB)]
            + [pltpu.SemaphoreType.DMA for _ in range(3 * NB)]
            + [pltpu.VMEM((CH, DE), jnp.float32),
               pltpu.VMEM((NCHUNK, 1, CH), jnp.int32),
               pltpu.VMEM((NCHUNK, 1, CH), jnp.int32),
               pltpu.VMEM_SHARED((NP, DE), jnp.float32),
               pltpu.VMEM_SHARED((NP, DE), jnp.float32),
               pltpu.VMEM_SHARED((NP, DE), jnp.float32)]
        ),
        compiler_params=pltpu.CompilerParams(use_tc_tiling_on_sc=False),
        name="sc_prep",
    )
    agg = pl.kernel(
        _sc_edge_agg_body,
        out_type=jax.ShapeDtypeStruct((NC, NP, H), jnp.float32),
        mesh=mesh,
        scratch_types=(
            [pltpu.VMEM((CH, H), jnp.float32) for _ in range(NB)]
            + [pltpu.SemaphoreType.DMA for _ in range(2 * NB)]
            + [pltpu.VMEM((EPT,), jnp.int32),
               pltpu.VMEM((NCHUNK, 1, CH), jnp.int32),
               pltpu.VMEM_SHARED((NP, H), jnp.float32)]
        ),
        compiler_params=pltpu.CompilerParams(use_tc_tiling_on_sc=False),
        name="sc_edge_agg",
    )
    return prep, agg


def _sc_prep(ea, src3, dst3):
    return _sc_kernels()[0](ea, src3, dst3)


def _sc_edge_agg(y, src, dst3):
    return _sc_kernels()[1](y, src, dst3)



def _t1_body(x_ref, se0_ref, se1_ref, cs0_ref, cs1_ref, cd0_ref, cd1_ref,
             wet_ref, be_ref, w1lt_ref, w1rt_ref,
             y1_ref, r1_ref, inv_ref):
    sege = se0_ref[...] + se1_ref[...]
    csrc = (cs0_ref[...] + cs1_ref[...])[:, 0:1]
    cdst = (cd0_ref[...] + cd1_ref[...])[:, 0:1]
    inv = 1.0 / jnp.maximum(cdst, 1.0)
    inv_ref[...] = jnp.broadcast_to(inv, (128, H))
    h0 = (x_ref[...]
          + jnp.dot(sege, wet_ref[...], precision=_HI)
          + csrc * be_ref[...])
    y1_ref[...] = jnp.dot(h0, w1lt_ref[...], precision=_HI)
    r1_ref[...] = jnp.dot(h0, w1rt_ref[...], precision=_HI)


def _combine_body(z0_ref, z1_ref, inv_ref, r_ref, b_ref, wlt_ref, wrt_ref,
                  y_ref, rn_ref):
    h = jax.nn.relu((z0_ref[...] + z1_ref[...]) * inv_ref[...]
                    + b_ref[...] + r_ref[...])
    y_ref[...] = jnp.dot(h, wlt_ref[...], precision=_HI)
    rn_ref[...] = jnp.dot(h, wrt_ref[...], precision=_HI)


def _final_body(z0_ref, z1_ref, inv_ref, r_ref, b_ref, batch_ref,
                wfct_ref, bfc_ref, out_ref, accp, accc):
    b = pl.program_id(0)
    h = jax.nn.relu((z0_ref[...] + z1_ref[...]) * inv_ref[...]
                    + b_ref[...] + r_ref[...])
    gid = jnp.broadcast_to(batch_ref[0], (G, 128))
    sel = jnp.where(gid == lax.broadcasted_iota(jnp.int32, (G, 128), 0),
                    1.0, 0.0)

    @pl.when(b == 0)
    def _():
        accp[...] = jnp.zeros((G, H), jnp.float32)
        accc[...] = jnp.zeros((G, H), jnp.float32)

    accp[...] += jnp.dot(sel, h, precision=_HI)
    accc[...] += jnp.dot(sel, jnp.ones((128, H), jnp.float32), precision=_HI)

    @pl.when(b == pl.num_programs(0) - 1)
    def _():
        pooled = accp[...] / jnp.maximum(accc[...], 1.0)
        out_ref[...] = jnp.dot(pooled, wfct_ref[...], precision=_HI) + bfc_ref[...]


def _row_spec(w):
    return pl.BlockSpec((128, w), lambda b: (b, 0))


def _full_spec(r, w):
    return pl.BlockSpec((r, w), lambda b: (0, 0))


def _tc_prep(x_pad, se0, se1, cs0, cs1, cd0, cd1, wet, be_row, w1lt, w1rt):
    grid = NP // 128
    return pl.pallas_call(
        _t1_body,
        grid=(grid,),
        in_specs=[
            _row_spec(D), _row_spec(DE), _row_spec(DE),
            _row_spec(DE), _row_spec(DE), _row_spec(DE), _row_spec(DE),
            _full_spec(DE, D), _full_spec(1, D),
            _full_spec(D, H), _full_spec(D, H),
        ],
        out_specs=[_row_spec(H), _row_spec(H), _row_spec(H)],
        out_shape=[
            jax.ShapeDtypeStruct((NP, H), jnp.float32),
            jax.ShapeDtypeStruct((NP, H), jnp.float32),
            jax.ShapeDtypeStruct((NP, H), jnp.float32),
        ],
    )(x_pad, se0, se1, cs0, cs1, cd0, cd1, wet, be_row, w1lt, w1rt)


def _tc_combine(z0, z1, inv, r, b_row, wlt, wrt):
    grid = NP // 128
    return pl.pallas_call(
        _combine_body,
        grid=(grid,),
        in_specs=[
            _row_spec(H), _row_spec(H), _row_spec(H), _row_spec(H),
            _full_spec(1, H), _full_spec(H, H), _full_spec(H, H),
        ],
        out_specs=[_row_spec(H), _row_spec(H)],
        out_shape=[
            jax.ShapeDtypeStruct((NP, H), jnp.float32),
            jax.ShapeDtypeStruct((NP, H), jnp.float32),
        ],
    )(z0, z1, inv, r, b_row, wlt, wrt)


def _tc_final(z0, z1, inv, r, b_row, batch2d, wfct_pad, bfc_row):
    grid = NP // 128
    return pl.pallas_call(
        _final_body,
        grid=(grid,),
        in_specs=[
            _row_spec(H), _row_spec(H), _row_spec(H), _row_spec(H),
            _full_spec(1, H),
            pl.BlockSpec((1, 1, 128), lambda b: (b, 0, 0)),
            _full_spec(H, 128), _full_spec(1, 128),
        ],
        out_specs=pl.BlockSpec((G, 128), lambda b: (0, 0)),
        out_shape=jax.ShapeDtypeStruct((G, 128), jnp.float32),
        scratch_shapes=[
            pltpu.VMEM((G, H), jnp.float32),
            pltpu.VMEM((G, H), jnp.float32),
        ],
    )(z0, z1, inv, r, b_row, batch2d, wfct_pad, bfc_row)



@jax.jit
def kernel(x, edge_index, edge_attr, batch, W_edge, b_edge, W1l, b1l, W1r,
           W2l, b2l, W2r, W3l, b3l, W3r, Wfc, bfc):
    f32 = jnp.float32
    x_pad = jnp.pad(x, ((0, NP - N), (0, 0)))
    pad_e = EP - E
    src = jnp.concatenate([edge_index[0], jnp.full((pad_e,), N, jnp.int32)])
    dst = jnp.concatenate([edge_index[1], jnp.full((pad_e,), N, jnp.int32)])
    src3 = src.reshape(EP // CH, 1, CH)
    dst3 = dst.reshape(EP // CH, 1, CH)
    ea = jnp.pad(edge_attr, ((0, pad_e), (0, 0)))
    batch2d = jnp.pad(batch, (0, NP - N), constant_values=G).reshape(
        NP // 128, 1, 128)

    wet = W_edge.T
    be_row = b_edge.reshape(1, D)
    w1lt, w1rt = W1l.T, W1r.T
    w2lt, w2rt = W2l.T, W2r.T
    w3lt, w3rt = W3l.T, W3r.T
    b1 = b1l.reshape(1, H)
    b2 = b2l.reshape(1, H)
    b3 = b3l.reshape(1, H)
    wfct_pad = jnp.pad(Wfc.T, ((0, 0), (0, 128 - C)))
    bfc_row = jnp.pad(bfc, (0, 128 - C)).reshape(1, 128)

    sege, csrc, cdst = _sc_prep(ea, src3, dst3)

    y1, r1, inv = _tc_prep(
        x_pad, sege[0], sege[1], csrc[0], csrc[1], cdst[0], cdst[1],
        wet, be_row, w1lt, w1rt)

    z1 = _sc_edge_agg(y1, src, dst3)
    y2, r2 = _tc_combine(z1[0], z1[1], inv, r1, b1, w2lt, w2rt)
    z2 = _sc_edge_agg(y2, src, dst3)
    y3, r3 = _tc_combine(z2[0], z2[1], inv, r2, b2, w3lt, w3rt)
    z3 = _sc_edge_agg(y3, src, dst3)
    out = _tc_final(z3[0], z3[1], inv, r3, b3, batch2d, wfct_pad, bfc_row)
    return out[:, :C].astype(f32)

# --- scband reference (transcript-rebuilt; emitter-appended) ---
"""Pipeline reference for scband-graph-sage-79671643341335 (READ-ONLY COPY).

The authoritative reference and input builder live on the scoring server;
editing this copy changes nothing except your own understanding.
"""

import jax, jax.numpy as jnp
import numpy as np

N = 10000
E = 320000
D = 128
DE = 16
H = 64
C = 2
G = 64


def _sage(x, ei, Wl, bl, Wr):
    src = ei[0]
    dst = ei[1]
    msg = x[src]
    s = jax.ops.segment_sum(msg, dst, num_segments=N)
    cnt = jax.ops.segment_sum(jnp.ones((E,), x.dtype), dst, num_segments=N)
    agg = s / jnp.clip(cnt, 1.0)[:, None]
    return agg @ Wl.T + bl + x @ Wr.T


def setup_inputs(seed: int = 0):
    key = jax.random.key(seed)
    ks = jax.random.split(key, 16)

    def w(k, o, i):
        return jax.random.normal(k, (o, i), jnp.float32) / np.sqrt(i)

    inp = {}
    inp["x"] = jax.random.normal(ks[0], (N, D), jnp.float32)
    inp["edge_index"] = jax.random.randint(ks[1], (2, E), 0, N, jnp.int32)
    inp["edge_attr"] = jax.random.normal(ks[2], (E, DE), jnp.float32)
    inp["batch"] = jnp.sort(jax.random.randint(ks[3], (N,), 0, G, jnp.int32))
    inp["W_edge"] = w(ks[4], D, DE)
    inp["b_edge"] = jnp.zeros((D,), jnp.float32)
    inp["W1l"] = w(ks[5], H, D)
    inp["b1l"] = jnp.zeros((H,), jnp.float32)
    inp["W1r"] = w(ks[6], H, D)
    inp["W2l"] = w(ks[7], H, H)
    inp["b2l"] = jnp.zeros((H,), jnp.float32)
    inp["W2r"] = w(ks[8], H, H)
    inp["W3l"] = w(ks[9], H, H)
    inp["b3l"] = jnp.zeros((H,), jnp.float32)
    inp["W3r"] = w(ks[10], H, H)
    inp["Wfc"] = w(ks[11], C, H)
    inp["bfc"] = jnp.zeros((C,), jnp.float32)
    return inp


def reference(x, edge_index, edge_attr, batch, W_edge, b_edge, W1l, b1l, W1r, W2l, b2l, W2r, W3l, b3l, W3r, Wfc, bfc):
    # edge correction: linear on edge_attr, scatter-add into source nodes
    ec = edge_attr @ W_edge.T + b_edge
    x = x.at[edge_index[0]].add(ec)
    # three SAGEConv layers (mean aggregation) with ReLU
    x = jax.nn.relu(_sage(x, edge_index, W1l, b1l, W1r))
    x = jax.nn.relu(_sage(x, edge_index, W2l, b2l, W2r))
    x = jax.nn.relu(_sage(x, edge_index, W3l, b3l, W3r))
    # global mean pool over graph ids in `batch`
    s = jax.ops.segment_sum(x, batch, num_segments=G)
    cnt = jax.ops.segment_sum(jnp.ones((N,), x.dtype), batch, num_segments=G)
    pooled = s / jnp.clip(cnt, 1.0)[:, None]
    # dropout is identity in eval mode
    return pooled @ Wfc.T + bfc

if __name__ == "__main__":
    import jax
    _d = setup_inputs()
    print(jax.jit(kernel)(*tuple(_d.values())))

</pallas_src>

<mosaic_0001>
#map = affine_map<(d0, d1) -> (0, 0)>
#map1 = affine_map<(d0, d1) -> (0)>
#map2 = affine_map<(d0, d1) -> (0, 0, 0)>
module attributes {stable_mosaic.version = 14 : i64} {
  func.func @sc_edge_agg(%arg0: i32, %arg1: i32, %arg2: memref<10240x64xf32, #tpu.memory_space<hbm>>, %arg3: memref<327680xi32, #tpu.memory_space<hbm>>, %arg4: memref<2560x1x128xi32, #tpu.memory_space<hbm>>, %arg5: memref<2x10240x64xf32, #tpu.memory_space<hbm>>, %arg6: memref<128x64xf32, #tpu.memory_space<vmem>>, %arg7: memref<128x64xf32, #tpu.memory_space<vmem>>, %arg8: memref<128x64xf32, #tpu.memory_space<vmem>>, %arg9: memref<128x64xf32, #tpu.memory_space<vmem>>, %arg10: memref<!tpu.dma_semaphore, #tpu.memory_space<semaphore_mem>>, %arg11: memref<!tpu.dma_semaphore, #tpu.memory_space<semaphore_mem>>, %arg12: memref<!tpu.dma_semaphore, #tpu.memory_space<semaphore_mem>>, %arg13: memref<!tpu.dma_semaphore, #tpu.memory_space<semaphore_mem>>, %arg14: memref<!tpu.dma_semaphore, #tpu.memory_space<semaphore_mem>>, %arg15: memref<!tpu.dma_semaphore, #tpu.memory_space<semaphore_mem>>, %arg16: memref<!tpu.dma_semaphore, #tpu.memory_space<semaphore_mem>>, %arg17: memref<!tpu.dma_semaphore, #tpu.memory_space<semaphore_mem>>, %arg18: memref<10240xi32, #tpu.memory_space<vmem>>, %arg19: memref<80x1x128xi32, #tpu.memory_space<vmem>>, %arg20: memref<10240x64xf32, #tpu.memory_space<vmem_shared>>) attributes {dimension_semantics = [#tpu.dimension_semantics<core_parallel>, #tpu.dimension_semantics<subcore_parallel>], iteration_bounds = array<i64: 2, 16>, scalar_prefetch = 0 : i64, scratch_operands = 15 : i64, tpu.core_type = #tpu.core_type<sc_vector_subcore>, window_params = [{transform_indices = #map}, {transform_indices = #map1}, {transform_indices = #map2}, {transform_indices = #map2}]} {
    %mul3A = arith.constant 2 : i32
    %mul3A_0 = arith.muli %arg1, %mul3A : i32
    %add3A = arith.addi %mul3A_0, %arg0 : i32
    %mul3A_1 = arith.constant 10240 : i32
    %mul3A_2 = arith.muli %add3A, %mul3A_1 : i32
    "tpu.region"() ({
      %run_scoped3A = tpu.sem_alloc : memref<!tpu.dma_semaphore, #tpu.memory_space<semaphore_mem>>
      %dma_start3A_83 = tpu.memref_slice %arg3[%mul3A_2] : memref<327680xi32, #tpu.memory_space<hbm>> -> memref<10240xi32, #tpu.memory_space<hbm>>
      %dma_start3A_84 = tpu.memref_slice %arg3[%mul3A_2] : memref<327680xi32, #tpu.memory_space<hbm>> -> memref<10240xi32, #tpu.memory_space<hbm>>
      tpu.enqueue_dma source(%dma_start3A_84 : memref<10240xi32, #tpu.memory_space<hbm>>) target(%arg18 : memref<10240xi32, #tpu.memory_space<vmem>>) target_semaphore(%run_scoped3A : memref<!tpu.dma_semaphore, #tpu.memory_space<semaphore_mem>>)
      %dma_wait3A_85 = tpu.memref_slice %arg3[%mul3A_2] : memref<327680xi32, #tpu.memory_space<hbm>> -> memref<10240xi32, #tpu.memory_space<hbm>>
      %dma_wait3A_86 = tpu.memref_slice %arg3[%mul3A_2] : memref<327680xi32, #tpu.memory_space<hbm>> -> memref<10240xi32, #tpu.memory_space<hbm>>
      tpu.wait_dma2 semaphore(%run_scoped3A : memref<!tpu.dma_semaphore, #tpu.memory_space<semaphore_mem>>) src(%dma_wait3A_86 : memref<10240xi32, #tpu.memory_space<hbm>>) dst(%arg18 : memref<10240xi32, #tpu.memory_space<vmem>>)
      tpu.yield
    }) : () -> ()
    %mul3A_3 = arith.constant 80 : i32
    %mul3A_4 = arith.muli %add3A, %mul3A_3 : i32
    "tpu.region"() ({
      %run_scoped3A = tpu.sem_alloc : memref<!tpu.dma_semaphore, #tpu.memory_space<semaphore_mem>>
      %dma_start3A_83 = arith.constant 0 : i32
      %dma_start3A_84 = arith.constant 0 : i32
      %dma_start3A_85 = tpu.memref_slice %arg4[%mul3A_4, %dma_start3A_83, %dma_start3A_84] : memref<2560x1x128xi32, #tpu.memory_space<hbm>> -> memref<80x1x128xi32, #tpu.memory_space<hbm>>
      %dma_start3A_86 = arith.constant 0 : i32
      %dma_start3A_87 = arith.constant 0 : i32
      %dma_start3A_88 = tpu.memref_slice %arg4[%mul3A_4, %dma_start3A_86, %dma_start3A_87] : memref<2560x1x128xi32, #tpu.memory_space<hbm>> -> memref<80x1x128xi32, #tpu.memory_space<hbm>>
      tpu.enqueue_dma source(%dma_start3A_88 : memref<80x1x128xi32, #tpu.memory_space<hbm>>) target(%arg19 : memref<80x1x128xi32, #tpu.memory_space<vmem>>) target_semaphore(%run_scoped3A : memref<!tpu.dma_semaphore, #tpu.memory_space<semaphore_mem>>)
      %dma_wait3A_89 = arith.constant 0 : i32
      %dma_wait3A_90 = arith.constant 0 : i32
      %dma_wait3A_91 = tpu.memref_slice %arg4[%mul3A_4, %dma_wait3A_89, %dma_wait3A_90] : memref<2560x1x128xi32, #tpu.memory_space<hbm>> -> memref<80x1x128xi32, #tpu.memory_space<hbm>>
      %dma_wait3A_92 = arith.constant 0 : i32
      %dma_wait3A_93 = arith.constant 0 : i32
      %dma_wait3A_94 = tpu.memref_slice %arg4[%mul3A_4, %dma_wait3A_92, %dma_wait3A_93] : memref<2560x1x128xi32, #tpu.memory_space<hbm>> -> memref<80x1x128xi32, #tpu.memory_space<hbm>>
      tpu.wait_dma2 semaphore(%run_scoped3A : memref<!tpu.dma_semaphore, #tpu.memory_space<semaphore_mem>>) src(%dma_wait3A_94 : memref<80x1x128xi32, #tpu.memory_space<hbm>>) dst(%arg19 : memref<80x1x128xi32, #tpu.memory_space<vmem>>)
      tpu.yield
    }) : () -> ()
    %scan3A = arith.constant 0 : i32
    %scan3A_5 = arith.constant 0 : i32
    %scan3A_6 = arith.constant 128 : i32
    %scan3A_7 = arith.addi %scan3A_5, %scan3A_6 : i32
    %scan3A_8 = arith.constant 1 : i32
    %scan3A_9 = scf.for %scan3A_83 = %scan3A_5 to %scan3A_7 step %scan3A_8 iter_args(%scan3A_84 = %scan3A) -> (i32)  : i32 {
      %broadcast_in_dim3A = arith.constant 0.000000e+00 : f32
      %broadcast_in_dim3A_85 = vector.broadcast %broadcast_in_dim3A : f32 to vector<16xf32>
      %swap3A = arith.index_cast %scan3A_83 : i32 to index
      %swap3A_86 = arith.constant 0 : index
      %swap3A_87 = tpu.vector_load %arg6[%swap3A, %swap3A_86] {strides = array<i32>} : memref<128x64xf32, #tpu.memory_space<vmem>>, vector<1x16xf32>,
      %swap3A_88 = vector.shape_cast %swap3A_87 : vector<1x16xf32> to vector<16xf32>
      %swap3A_89 = vector.shape_cast %broadcast_in_dim3A_85 : vector<16xf32> to vector<1x16xf32>
      tpu.vector_store %arg6[%swap3A, %swap3A_86], %swap3A_89 {strides = array<i32>} : memref<128x64xf32, #tpu.memory_space<vmem>>, vector<1x16xf32>,
      %broadcast_in_dim3A_90 = arith.constant 0.000000e+00 : f32
      %broadcast_in_dim3A_91 = vector.broadcast %broadcast_in_dim3A_90 : f32 to vector<16xf32>
      %swap3A_92 = arith.index_cast %scan3A_83 : i32 to index
      %swap3A_93 = arith.constant 16 : index
      %swap3A_94 = tpu.vector_load %arg6[%swap3A_92, %swap3A_93] {strides = array<i32>} : memref<128x64xf32, #tpu.memory_space<vmem>>, vector<1x16xf32>,
      %swap3A_95 = vector.shape_cast %swap3A_94 : vector<1x16xf32> to vector<16xf32>
      %swap3A_96 = vector.shape_cast %broadcast_in_dim3A_91 : vector<16xf32> to vector<1x16xf32>
      tpu.vector_store %arg6[%swap3A_92, %swap3A_93], %swap3A_96 {strides = array<i32>} : memref<128x64xf32, #tpu.memory_space<vmem>>, vector<1x16xf32>,
      %broadcast_in_dim3A_97 = arith.constant 0.000000e+00 : f32
      %broadcast_in_dim3A_98 = vector.broadcast %broadcast_in_dim3A_97 : f32 to vector<16xf32>
      %swap3A_99 = arith.index_cast %scan3A_83 : i32 to index
      %swap3A_100 = arith.constant 32 : index
      %swap3A_101 = tpu.vector_load %arg6[%swap3A_99, %swap3A_100] {strides = array<i32>} : memref<128x64xf32, #tpu.memory_space<vmem>>, vector<1x16xf32>,
      %swap3A_102 = vector.shape_cast %swap3A_101 : vector<1x16xf32> to vector<16xf32>
      %swap3A_103 = vector.shape_cast %broadcast_in_dim3A_98 : vector<16xf32> to vector<1x16xf32>
      tpu.vector_store %arg6[%swap3A_99, %swap3A_100], %swap3A_103 {strides = array<i32>} : memref<128x64xf32, #tpu.memory_space<vmem>>, vector<1x16xf32>,
      %broadcast_in_dim3A_104 = arith.constant 0.000000e+00 : f32
      %broadcast_in_dim3A_105 = vector.broadcast %broadcast_in_dim3A_104 : f32 to vector<16xf32>
      %swap3A_106 = arith.index_cast %scan3A_83 : i32 to index
      %swap3A_107 = arith.constant 48 : index
      %swap3A_108 = tpu.vector_load %arg6[%swap3A_106, %swap3A_107] {strides = array<i32>} : memref<128x64xf32, #tpu.memory_space<vmem>>, vector<1x16xf32>,
      %swap3A_109 = vector.shape_cast %swap3A_108 : vector<1x16xf32> to vector<16xf32>
      %swap3A_110 = vector.shape_cast %broadcast_in_dim3A_105 : vector<16xf32> to vector<1x16xf32>
      tpu.vector_store %arg6[%swap3A_106, %swap3A_107], %swap3A_110 {strides = array<i32>} : memref<128x64xf32, #tpu.memory_space<vmem>>, vector<1x16xf32>,
      %scan3A_111 = arith.constant 0 : i32
      scf.yield %scan3A_111 : i32
    }
    %scan3A_10 = arith.constant 128 : i32
    %mul3A_11 = arith.constant 640 : i32
    %mul3A_12 = arith.muli %arg1, %mul3A_11 : i32
    %add3A_13 = arith.constant 0 : i32
    %add3A_14 = arith.addi %mul3A_12, %add3A_13 : i32
    "tpu.region"() ({
      %run_scoped3A = tpu.sem_alloc : memref<!tpu.dma_semaphore, #tpu.memory_space<semaphore_mem>>
      %dma_start3A_83 = arith.constant 0 : i32
      %dma_start3A_84 = tpu.memref_slice %arg20[%add3A_14, %dma_start3A_83] : memref<10240x64xf32, #tpu.memory_space<vmem_shared>> -> memref<128x64xf32, #tpu.memory_space<vmem_shared>>
      %dma_start3A_85 = arith.constant 0 : i32
      %dma_start3A_86 = tpu.memref_slice %arg20[%add3A_14, %dma_start3A_85] : memref<10240x64xf32, #tpu.memory_space<vmem_shared>> -> memref<128x64xf32, #tpu.memory_space<vmem_shared>>
      tpu.enqueue_dma source(%arg6 : memref<128x64xf32, #tpu.memory_space<vmem>>) target(%dma_start3A_86 : memref<128x64xf32, #tpu.memory_space<vmem_shared>>) target_semaphore(%run_scoped3A : memref<!tpu.dma_semaphore, #tpu.memory_space<semaphore_mem>>)
      %dma_wait3A_87 = arith.constant 0 : i32
      %dma_wait3A_88 = tpu.memref_slice %arg20[%add3A_14, %dma_wait3A_87] : memref<10240x64xf32, #tpu.memory_space<vmem_shared>> -> memref<128x64xf32, #tpu.memory_space<vmem_shared>>
      %dma_wait3A_89 = arith.constant 0 : i32
      %dma_wait3A_90 = tpu.memref_slice %arg20[%add3A_14, %dma_wait3A_89] : memref<10240x64xf32, #tpu.memory_space<vmem_shared>> -> memref<128x64xf32, #tpu.memory_space<vmem_shared>>
      tpu.wait_dma2 semaphore(%run_scoped3A : memref<!tpu.dma_semaphore, #tpu.memory_space<semaphore_mem>>) src(%arg6 : memref<128x64xf32, #tpu.memory_space<vmem>>) dst(%dma_wait3A_90 : memref<128x64xf32, #tpu.memory_space<vmem_shared>>)
      tpu.yield
    }) : () -> ()
    %mul3A_15 = arith.constant 640 : i32
    %mul3A_16 = arith.muli %arg1, %mul3A_15 : i32
    %add3A_17 = arith.constant 128 : i32
    %add3A_18 = arith.addi %mul3A_16, %add3A_17 : i32
    "tpu.region"() ({
      %run_scoped3A = tpu.sem_alloc : memref<!tpu.dma_semaphore, #tpu.memory_space<semaphore_mem>>
      %dma_start3A_83 = arith.constant 0 : i32
      %dma_start3A_84 = tpu.memref_slice %arg20[%add3A_18, %dma_start3A_83] : memref<10240x64xf32, #tpu.memory_space<vmem_shared>> -> memref<128x64xf32, #tpu.memory_space<vmem_shared>>
      %dma_start3A_85 = arith.constant 0 : i32
      %dma_start3A_86 = tpu.memref_slice %arg20[%add3A_18, %dma_start3A_85] : memref<10240x64xf32, #tpu.memory_space<vmem_shared>> -> memref<128x64xf32, #tpu.memory_space<vmem_shared>>
      tpu.enqueue_dma source(%arg6 : memref<128x64xf32, #tpu.memory_space<vmem>>) target(%dma_start3A_86 : memref<128x64xf32, #tpu.memory_space<vmem_shared>>) target_semaphore(%run_scoped3A : memref<!tpu.dma_semaphore, #tpu.memory_space<semaphore_mem>>)
      %dma_wait3A_87 = arith.constant 0 : i32
      %dma_wait3A_88 = tpu.memref_slice %arg20[%add3A_18, %dma_wait3A_87] : memref<10240x64xf32, #tpu.memory_space<vmem_shared>> -> memref<128x64xf32, #tpu.memory_space<vmem_shared>>
      %dma_wait3A_89 = arith.constant 0 : i32
      %dma_wait3A_90 = tpu.memref_slice %arg20[%add3A_18, %dma_wait3A_89] : memref<10240x64xf32, #tpu.memory_space<vmem_shared>> -> memref<128x64xf32, #tpu.memory_space<vmem_shared>>
      tpu.wait_dma2 semaphore(%run_scoped3A : memref<!tpu.dma_semaphore, #tpu.memory_space<semaphore_mem>>) src(%arg6 : memref<128x64xf32, #tpu.memory_space<vmem>>) dst(%dma_wait3A_90 : memref<128x64xf32, #tpu.memory_space<vmem_shared>>)
      tpu.yield
    }) : () -> ()
    %mul3A_19 = arith.constant 640 : i32
    %mul3A_20 = arith.muli %arg1, %mul3A_19 : i32
    %add3A_21 = arith.constant 256 : i32
    %add3A_22 = arith.addi %mul3A_20, %add3A_21 : i32
    "tpu.region"() ({
      %run_scoped3A = tpu.sem_alloc : memref<!tpu.dma_semaphore, #tpu.memory_space<semaphore_mem>>
      %dma_start3A_83 = arith.constant 0 : i32
      %dma_start3A_84 = tpu.memref_slice %arg20[%add3A_22, %dma_start3A_83] : memref<10240x64xf32, #tpu.memory_space<vmem_shared>> -> memref<128x64xf32, #tpu.memory_space<vmem_shared>>
      %dma_start3A_85 = arith.constant 0 : i32
      %dma_start3A_86 = tpu.memref_slice %arg20[%add3A_22, %dma_start3A_85] : memref<10240x64xf32, #tpu.memory_space<vmem_shared>> -> memref<128x64xf32, #tpu.memory_space<vmem_shared>>
      tpu.enqueue_dma source(%arg6 : memref<128x64xf32, #tpu.memory_space<vmem>>) target(%dma_start3A_86 : memref<128x64xf32, #tpu.memory_space<vmem_shared>>) target_semaphore(%run_scoped3A : memref<!tpu.dma_semaphore, #tpu.memory_space<semaphore_mem>>)
      %dma_wait3A_87 = arith.constant 0 : i32
      %dma_wait3A_88 = tpu.memref_slice %arg20[%add3A_22, %dma_wait3A_87] : memref<10240x64xf32, #tpu.memory_space<vmem_shared>> -> memref<128x64xf32, #tpu.memory_space<vmem_shared>>
      %dma_wait3A_89 = arith.constant 0 : i32
      %dma_wait3A_90 = tpu.memref_slice %arg20[%add3A_22, %dma_wait3A_89] : memref<10240x64xf32, #tpu.memory_space<vmem_shared>> -> memref<128x64xf32, #tpu.memory_space<vmem_shared>>
      tpu.wait_dma2 semaphore(%run_scoped3A : memref<!tpu.dma_semaphore, #tpu.memory_space<semaphore_mem>>) src(%arg6 : memref<128x64xf32, #tpu.memory_space<vmem>>) dst(%dma_wait3A_90 : memref<128x64xf32, #tpu.memory_space<vmem_shared>>)
      tpu.yield
    }) : () -> ()
    %mul3A_23 = arith.constant 640 : i32
    %mul3A_24 = arith.muli %arg1, %mul3A_23 : i32
    %add3A_25 = arith.constant 384 : i32
    %add3A_26 = arith.addi %mul3A_24, %add3A_25 : i32
    "tpu.region"() ({
      %run_scoped3A = tpu.sem_alloc : memref<!tpu.dma_semaphore, #tpu.memory_space<semaphore_mem>>
      %dma_start3A_83 = arith.constant 0 : i32
      %dma_start3A_84 = tpu.memref_slice %arg20[%add3A_26, %dma_start3A_83] : memref<10240x64xf32, #tpu.memory_space<vmem_shared>> -> memref<128x64xf32, #tpu.memory_space<vmem_shared>>
      %dma_start3A_85 = arith.constant 0 : i32
      %dma_start3A_86 = tpu.memref_slice %arg20[%add3A_26, %dma_start3A_85] : memref<10240x64xf32, #tpu.memory_space<vmem_shared>> -> memref<128x64xf32, #tpu.memory_space<vmem_shared>>
      tpu.enqueue_dma source(%arg6 : memref<128x64xf32, #tpu.memory_space<vmem>>) target(%dma_start3A_86 : memref<128x64xf32, #tpu.memory_space<vmem_shared>>) target_semaphore(%run_scoped3A : memref<!tpu.dma_semaphore, #tpu.memory_space<semaphore_mem>>)
      %dma_wait3A_87 = arith.constant 0 : i32
      %dma_wait3A_88 = tpu.memref_slice %arg20[%add3A_26, %dma_wait3A_87] : memref<10240x64xf32, #tpu.memory_space<vmem_shared>> -> memref<128x64xf32, #tpu.memory_space<vmem_shared>>
      %dma_wait3A_89 = arith.constant 0 : i32
      %dma_wait3A_90 = tpu.memref_slice %arg20[%add3A_26, %dma_wait3A_89] : memref<10240x64xf32, #tpu.memory_space<vmem_shared>> -> memref<128x64xf32, #tpu.memory_space<vmem_shared>>
      tpu.wait_dma2 semaphore(%run_scoped3A : memref<!tpu.dma_semaphore, #tpu.memory_space<semaphore_mem>>) src(%arg6 : memref<128x64xf32, #tpu.memory_space<vmem>>) dst(%dma_wait3A_90 : memref<128x64xf32, #tpu.memory_space<vmem_shared>>)
      tpu.yield
    }) : () -> ()
    %mul3A_27 = arith.constant 640 : i32
    %mul3A_28 = arith.muli %arg1, %mul3A_27 : i32
    %add3A_29 = arith.constant 512 : i32
    %add3A_30 = arith.addi %mul3A_28, %add3A_29 : i32
    "tpu.region"() ({
      %run_scoped3A = tpu.sem_alloc : memref<!tpu.dma_semaphore, #tpu.memory_space<semaphore_mem>>
      %dma_start3A_83 = arith.constant 0 : i32
      %dma_start3A_84 = tpu.memref_slice %arg20[%add3A_30, %dma_start3A_83] : memref<10240x64xf32, #tpu.memory_space<vmem_shared>> -> memref<128x64xf32, #tpu.memory_space<vmem_shared>>
      %dma_start3A_85 = arith.constant 0 : i32
      %dma_start3A_86 = tpu.memref_slice %arg20[%add3A_30, %dma_start3A_85] : memref<10240x64xf32, #tpu.memory_space<vmem_shared>> -> memref<128x64xf32, #tpu.memory_space<vmem_shared>>
      tpu.enqueue_dma source(%arg6 : memref<128x64xf32, #tpu.memory_space<vmem>>) target(%dma_start3A_86 : memref<128x64xf32, #tpu.memory_space<vmem_shared>>) target_semaphore(%run_scoped3A : memref<!tpu.dma_semaphore, #tpu.memory_space<semaphore_mem>>)
      %dma_wait3A_87 = arith.constant 0 : i32
      %dma_wait3A_88 = tpu.memref_slice %arg20[%add3A_30, %dma_wait3A_87] : memref<10240x64xf32, #tpu.memory_space<vmem_shared>> -> memref<128x64xf32, #tpu.memory_space<vmem_shared>>
      %dma_wait3A_89 = arith.constant 0 : i32
      %dma_wait3A_90 = tpu.memref_slice %arg20[%add3A_30, %dma_wait3A_89] : memref<10240x64xf32, #tpu.memory_space<vmem_shared>> -> memref<128x64xf32, #tpu.memory_space<vmem_shared>>
      tpu.wait_dma2 semaphore(%run_scoped3A : memref<!tpu.dma_semaphore, #tpu.memory_space<semaphore_mem>>) src(%arg6 : memref<128x64xf32, #tpu.memory_space<vmem>>) dst(%dma_wait3A_90 : memref<128x64xf32, #tpu.memory_space<vmem_shared>>)
      tpu.yield
    }) : () -> ()
    %barrier3A = arith.constant 0 : index
    tpu.barrier barrier_id(%barrier3A)
    %dma_start3A = arith.constant 0 : i32
    %dma_start3A_31 = tpu.memref_slice %arg18[%dma_start3A] : memref<10240xi32, #tpu.memory_space<vmem>> -> memref<128xi32, #tpu.memory_space<vmem>>
    %dma_start3A_32 = arith.constant 0 : i32
    %dma_start3A_33 = arith.constant 0 : i32
    %dma_start3A_34 = tpu.memref_slice %arg2[%dma_start3A_32, %dma_start3A_33] : memref<10240x64xf32, #tpu.memory_space<hbm>> -> memref<10240x64xf32, #tpu.memory_space<hbm>>
    tpu.enqueue_indirect_dma source(%dma_start3A_34 : memref<10240x64xf32, #tpu.memory_space<hbm>>) target(%arg6 : memref<128x64xf32, #tpu.memory_space<vmem>>) offsets(%dma_start3A_31 : memref<128xi32, #tpu.memory_space<vmem>>) semaphore(%arg10 : memref<!tpu.dma_semaphore, #tpu.memory_space<semaphore_mem>>)
    %dma_start3A_35 = arith.constant 128 : i32
    %dma_start3A_36 = tpu.memref_slice %arg18[%dma_start3A_35] : memref<10240xi32, #tpu.memory_space<vmem>> -> memref<128xi32, #tpu.memory_space<vmem>>
    %dma_start3A_37 = arith.constant 0 : i32
    %dma_start3A_38 = arith.constant 0 : i32
    %dma_start3A_39 = tpu.memref_slice %arg2[%dma_start3A_37, %dma_start3A_38] : memref<10240x64xf32, #tpu.memory_space<hbm>> -> memref<10240x64xf32, #tpu.memory_space<hbm>>
    tpu.enqueue_indirect_dma source(%dma_start3A_39 : memref<10240x64xf32, #tpu.memory_space<hbm>>) target(%arg7 : memref<128x64xf32, #tpu.memory_space<vmem>>) offsets(%dma_start3A_36 : memref<128xi32, #tpu.memory_space<vmem>>) semaphore(%arg11 : memref<!tpu.dma_semaphore, #tpu.memory_space<semaphore_mem>>)
    %scan3A_40 = arith.constant 0 : i32
    %scan3A_41 = arith.constant 0 : i32
    %scan3A_42 = arith.constant 20 : i32
    %scan3A_43 = arith.addi %scan3A_41, %scan3A_42 : i32
    %scan3A_44 = arith.constant 1 : i32
    %scan3A_45 = scf.for %scan3A_83 = %scan3A_41 to %scan3A_43 step %scan3A_44 iter_args(%scan3A_84 = %scan3A_40) -> (i32)  : i32 {
      %mul3A_85 = arith.constant 4 : i32
      %mul3A_86 = arith.muli %scan3A_83, %mul3A_85 : i32
      %add3A_87 = arith.constant 0 : i32
      %add3A_88 = arith.addi %mul3A_86, %add3A_87 : i32
      %mul3A_89 = arith.constant 128 : i32
      %mul3A_90 = arith.muli %add3A_88, %mul3A_89 : i32
      %dma_wait3A_91 = tpu.memref_slice %arg18[%mul3A_90] : memref<10240xi32, #tpu.memory_space<vmem>> -> memref<128xi32, #tpu.memory_space<vmem>>
      %dma_wait3A_92 = arith.constant 0 : i32
      %dma_wait3A_93 = arith.constant 0 : i32
      %dma_wait3A_94 = tpu.memref_slice %arg2[%dma_wait3A_92, %dma_wait3A_93] : memref<10240x64xf32, #tpu.memory_space<hbm>> -> memref<10240x64xf32, #tpu.memory_space<hbm>>
      tpu.wait_indirect_dma semaphore(%arg10 : memref<!tpu.dma_semaphore, #tpu.memory_space<semaphore_mem>>) src(%dma_wait3A_94 : memref<10240x64xf32, #tpu.memory_space<hbm>>) dst(%arg6 : memref<128x64xf32, #tpu.memory_space<vmem>>)
      %dma_start3A_95 = arith.constant 0 : i32
      %dma_start3A_96 = arith.constant 0 : i32
      %dma_start3A_97 = tpu.memref_slice %arg19[%add3A_88, %dma_start3A_95, %dma_start3A_96] : memref<80x1x128xi32, #tpu.memory_space<vmem>> -> memref<1x1x128xi32, #tpu.memory_space<vmem>>
      %dma_start3A_98 = tpu.memref_squeeze %dma_start3A_97 : memref<1x1x128xi32, #tpu.memory_space<vmem>> -> memref<128xi32, #tpu.memory_space<vmem>>
      %dma_start3A_99 = arith.constant 0 : i32
      %dma_start3A_100 = arith.constant 0 : i32
      %dma_start3A_101 = tpu.memref_slice %arg20[%dma_start3A_99, %dma_start3A_100] : memref<10240x64xf32, #tpu.memory_space<vmem_shared>> -> memref<10240x64xf32, #tpu.memory_space<vmem_shared>>
      tpu.enqueue_indirect_dma source(%arg6 : memref<128x64xf32, #tpu.memory_space<vmem>>) target(%dma_start3A_101 : memref<10240x64xf32, #tpu.memory_space<vmem_shared>>) offsets(%dma_start3A_98 : memref<128xi32, #tpu.memory_space<vmem>>) semaphore(%arg14 : memref<!tpu.dma_semaphore, #tpu.memory_space<semaphore_mem>>) {add = true}
      %add3A_102 = arith.constant 2 : i32
      %add3A_103 = arith.addi %add3A_88, %add3A_102 : i32
      %lt3A = arith.constant 80 : i32
      %lt3A_104 = arith.cmpi slt, %add3A_103, %lt3A : i32
      %convert_element_type3A = arith.extui %lt3A_104 : i1 to i32
      %cond3A = arith.constant 0 : i32
      %cond3A_105 = arith.cmpi ne, %convert_element_type3A, %cond3A : i32
      scf.if %cond3A_105 {
        %add3A_179 = arith.constant 2 : i32
        %add3A_180 = arith.addi %add3A_88, %add3A_179 : i32
        %ge3A = arith.constant 4 : i32
        %ge3A_181 = arith.cmpi sge, %add3A_180, %ge3A : i32
        %convert_element_type3A_182 = arith.extui %ge3A_181 : i1 to i32
        %cond3A_183 = arith.constant 0 : i32
        %cond3A_184 = arith.cmpi ne, %convert_element_type3A_182, %cond3A_183 : i32
        scf.if %cond3A_184 {
          %add3A_193 = arith.constant 2 : i32
          %add3A_194 = arith.addi %add3A_88, %add3A_193 : i32
          %sub3A = arith.constant 4 : i32
          %sub3A_195 = arith.subi %add3A_194, %sub3A : i32
          %dma_wait3A_196 = arith.constant 0 : i32
          %dma_wait3A_197 = arith.constant 0 : i32
          %dma_wait3A_198 = tpu.memref_slice %arg19[%sub3A_195, %dma_wait3A_196, %dma_wait3A_197] : memref<80x1x128xi32, #tpu.memory_space<vmem>> -> memref<1x1x128xi32, #tpu.memory_space<vmem>>
          %dma_wait3A_199 = tpu.memref_squeeze %dma_wait3A_198 : memref<1x1x128xi32, #tpu.memory_space<vmem>> -> memref<128xi32, #tpu.memory_space<vmem>>
          %dma_wait3A_200 = arith.constant 0 : i32
          %dma_wait3A_201 = arith.constant 0 : i32
          %dma_wait3A_202 = tpu.memref_slice %arg20[%dma_wait3A_200, %dma_wait3A_201] : memref<10240x64xf32, #tpu.memory_space<vmem_shared>> -> memref<10240x64xf32, #tpu.memory_space<vmem_shared>>
          tpu.wait_indirect_dma semaphore(%arg16 : memref<!tpu.dma_semaphore, #tpu.memory_space<semaphore_mem>>) src(%arg8 : memref<128x64xf32, #tpu.memory_space<vmem>>) dst(%dma_wait3A_202 : memref<10240x64xf32, #tpu.memory_space<vmem_shared>>)
        } else {
        }
        %add3A_185 = arith.constant 2 : i32
        %add3A_186 = arith.addi %add3A_88, %add3A_185 : i32
        %mul3A_187 = arith.constant 128 : i32
        %mul3A_188 = arith.muli %add3A_186, %mul3A_187 : i32
        %dma_start3A_189 = tpu.memref_slice %arg18[%mul3A_188] : memref<10240xi32, #tpu.memory_space<vmem>> -> memref<128xi32, #tpu.memory_space<vmem>>
        %dma_start3A_190 = arith.constant 0 : i32
        %dma_start3A_191 = arith.constant 0 : i32
        %dma_start3A_192 = tpu.memref_slice %arg2[%dma_start3A_190, %dma_start3A_191] : memref<10240x64xf32, #tpu.memory_space<hbm>> -> memref<10240x64xf32, #tpu.memory_space<hbm>>
        tpu.enqueue_indirect_dma source(%dma_start3A_192 : memref<10240x64xf32, #tpu.memory_space<hbm>>) target(%arg8 : memref<128x64xf32, #tpu.memory_space<vmem>>) offsets(%dma_start3A_189 : memref<128xi32, #tpu.memory_space<vmem>>) semaphore(%arg12 : memref<!tpu.dma_semaphore, #tpu.memory_space<semaphore_mem>>)
      } else {
      }
      %mul3A_106 = arith.constant 4 : i32
      %mul3A_107 = arith.muli %scan3A_83, %mul3A_106 : i32
      %add3A_108 = arith.constant 1 : i32
      %add3A_109 = arith.addi %mul3A_107, %add3A_108 : i32
      %mul3A_110 = arith.constant 128 : i32
      %mul3A_111 = arith.muli %add3A_109, %mul3A_110 : i32
      %dma_wait3A_112 = tpu.memref_slice %arg18[%mul3A_111] : memref<10240xi32, #tpu.memory_space<vmem>> -> memref<128xi32, #tpu.memory_space<vmem>>
      %dma_wait3A_113 = arith.constant 0 : i32
      %dma_wait3A_114 = arith.constant 0 : i32
      %dma_wait3A_115 = tpu.memref_slice %arg2[%dma_wait3A_113, %dma_wait3A_114] : memref<10240x64xf32, #tpu.memory_space<hbm>> -> memref<10240x64xf32, #tpu.memory_space<hbm>>
      tpu.wait_indirect_dma semaphore(%arg11 : memref<!tpu.dma_semaphore, #tpu.memory_space<semaphore_mem>>) src(%dma_wait3A_115 : memref<10240x64xf32, #tpu.memory_space<hbm>>) dst(%arg7 : memref<128x64xf32, #tpu.memory_space<vmem>>)
      %dma_start3A_116 = arith.constant 0 : i32
      %dma_start3A_117 = arith.constant 0 : i32
      %dma_start3A_118 = tpu.memref_slice %arg19[%add3A_109, %dma_start3A_116, %dma_start3A_117] : memref<80x1x128xi32, #tpu.memory_space<vmem>> -> memref<1x1x128xi32, #tpu.memory_space<vmem>>
      %dma_start3A_119 = tpu.memref_squeeze %dma_start3A_118 : memref<1x1x128xi32, #tpu.memory_space<vmem>> -> memref<128xi32, #tpu.memory_space<vmem>>
      %dma_start3A_120 = arith.constant 0 : i32
      %dma_start3A_121 = arith.constant 0 : i32
      %dma_start3A_122 = tpu.memref_slice %arg20[%dma_start3A_120, %dma_start3A_121] : memref<10240x64xf32, #tpu.memory_space<vmem_shared>> -> memref<10240x64xf32, #tpu.memory_space<vmem_shared>>
      tpu.enqueue_indirect_dma source(%arg7 : memref<128x64xf32, #tpu.memory_space<vmem>>) target(%dma_start3A_122 : memref<10240x64xf32, #tpu.memory_space<vmem_shared>>) offsets(%dma_start3A_119 : memref<128xi32, #tpu.memory_space<vmem>>) semaphore(%arg15 : memref<!tpu.dma_semaphore, #tpu.memory_space<semaphore_mem>>) {add = true}
      %add3A_123 = arith.constant 2 : i32
      %add3A_124 = arith.addi %add3A_109, %add3A_123 : i32
      %lt3A_125 = arith.constant 80 : i32
      %lt3A_126 = arith.cmpi slt, %add3A_124, %lt3A_125 : i32
      %convert_element_type3A_127 = arith.extui %lt3A_126 : i1 to i32
      %cond3A_128 = arith.constant 0 : i32
      %cond3A_129 = arith.cmpi ne, %convert_element_type3A_127, %cond3A_128 : i32
      scf.if %cond3A_129 {
        %add3A_179 = arith.constant 2 : i32
        %add3A_180 = arith.addi %add3A_109, %add3A_179 : i32
        %ge3A = arith.constant 4 : i32
        %ge3A_181 = arith.cmpi sge, %add3A_180, %ge3A : i32
        %convert_element_type3A_182 = arith.extui %ge3A_181 : i1 to i32
        %cond3A_183 = arith.constant 0 : i32
        %cond3A_184 = arith.cmpi ne, %convert_element_type3A_182, %cond3A_183 : i32
        scf.if %cond3A_184 {
          %add3A_193 = arith.constant 2 : i32
          %add3A_194 = arith.addi %add3A_109, %add3A_193 : i32
          %sub3A = arith.constant 4 : i32
          %sub3A_195 = arith.subi %add3A_194, %sub3A : i32
          %dma_wait3A_196 = arith.constant 0 : i32
          %dma_wait3A_197 = arith.constant 0 : i32
          %dma_wait3A_198 = tpu.memref_slice %arg19[%sub3A_195, %dma_wait3A_196, %dma_wait3A_197] : memref<80x1x128xi32, #tpu.memory_space<vmem>> -> memref<1x1x128xi32, #tpu.memory_space<vmem>>
          %dma_wait3A_199 = tpu.memref_squeeze %dma_wait3A_198 : memref<1x1x128xi32, #tpu.memory_space<vmem>> -> memref<128xi32, #tpu.memory_space<vmem>>
          %dma_wait3A_200 = arith.constant 0 : i32
          %dma_wait3A_201 = arith.constant 0 : i32
          %dma_wait3A_202 = tpu.memref_slice %arg20[%dma_wait3A_200, %dma_wait3A_201] : memref<10240x64xf32, #tpu.memory_space<vmem_shared>> -> memref<10240x64xf32, #tpu.memory_space<vmem_shared>>
          tpu.wait_indirect_dma semaphore(%arg17 : memref<!tpu.dma_semaphore, #tpu.memory_space<semaphore_mem>>) src(%arg9 : memref<128x64xf32, #tpu.memory_space<vmem>>) dst(%dma_wait3A_202 : memref<10240x64xf32, #tpu.memory_space<vmem_shared>>)
        } else {
        }
        %add3A_185 = arith.constant 2 : i32
        %add3A_186 = arith.addi %add3A_109, %add3A_185 : i32
        %mul3A_187 = arith.constant 128 : i32
        %mul3A_188 = arith.muli %add3A_186, %mul3A_187 : i32
        %dma_start3A_189 = tpu.memref_slice %arg18[%mul3A_188] : memref<10240xi32, #tpu.memory_space<vmem>> -> memref<128xi32, #tpu.memory_space<vmem>>
        %dma_start3A_190 = arith.constant 0 : i32
        %dma_start3A_191 = arith.constant 0 : i32
        %dma_start3A_192 = tpu.memref_slice %arg2[%dma_start3A_190, %dma_start3A_191] : memref<10240x64xf32, #tpu.memory_space<hbm>> -> memref<10240x64xf32, #tpu.memory_space<hbm>>
        tpu.enqueue_indirect_dma source(%dma_start3A_192 : memref<10240x64xf32, #tpu.memory_space<hbm>>) target(%arg9 : memref<128x64xf32, #tpu.memory_space<vmem>>) offsets(%dma_start3A_189 : memref<128xi32, #tpu.memory_space<vmem>>) semaphore(%arg13 : memref<!tpu.dma_semaphore, #tpu.memory_space<semaphore_mem>>)
      } else {
      }
      %mul3A_130 = arith.constant 4 : i32
      %mul3A_131 = arith.muli %scan3A_83, %mul3A_130 : i32
      %add3A_132 = arith.constant 2 : i32
      %add3A_133 = arith.addi %mul3A_131, %add3A_132 : i32
      %mul3A_134 = arith.constant 128 : i32
      %mul3A_135 = arith.muli %add3A_133, %mul3A_134 : i32
      %dma_wait3A_136 = tpu.memref_slice %arg18[%mul3A_135] : memref<10240xi32, #tpu.memory_space<vmem>> -> memref<128xi32, #tpu.memory_space<vmem>>
      %dma_wait3A_137 = arith.constant 0 : i32
      %dma_wait3A_138 = arith.constant 0 : i32
      %dma_wait3A_139 = tpu.memref_slice %arg2[%dma_wait3A_137, %dma_wait3A_138] : memref<10240x64xf32, #tpu.memory_space<hbm>> -> memref<10240x64xf32, #tpu.memory_space<hbm>>
      tpu.wait_indirect_dma semaphore(%arg12 : memref<!tpu.dma_semaphore, #tpu.memory_space<semaphore_mem>>) src(%dma_wait3A_139 : memref<10240x64xf32, #tpu.memory_space<hbm>>) dst(%arg8 : memref<128x64xf32, #tpu.memory_space<vmem>>)
      %dma_start3A_140 = arith.constant 0 : i32
      %dma_start3A_141 = arith.constant 0 : i32
      %dma_start3A_142 = tpu.memref_slice %arg19[%add3A_133, %dma_start3A_140, %dma_start3A_141] : memref<80x1x128xi32, #tpu.memory_space<vmem>> -> memref<1x1x128xi32, #tpu.memory_space<vmem>>
      %dma_start3A_143 = tpu.memref_squeeze %dma_start3A_142 : memref<1x1x128xi32, #tpu.memory_space<vmem>> -> memref<128xi32, #tpu.memory_space<vmem>>
      %dma_start3A_144 = arith.constant 0 : i32
      %dma_start3A_145 = arith.constant 0 : i32
      %dma_start3A_146 = tpu.memref_slice %arg20[%dma_start3A_144, %dma_start3A_145] : memref<10240x64xf32, #tpu.memory_space<vmem_shared>> -> memref<10240x64xf32, #tpu.memory_space<vmem_shared>>
      tpu.enqueue_indirect_dma source(%arg8 : memref<128x64xf32, #tpu.memory_space<vmem>>) target(%dma_start3A_146 : memref<10240x64xf32, #tpu.memory_space<vmem_shared>>) offsets(%dma_start3A_143 : memref<128xi32, #tpu.memory_space<vmem>>) semaphore(%arg16 : memref<!tpu.dma_semaphore, #tpu.memory_space<semaphore_mem>>) {add = true}
      %add3A_147 = arith.constant 2 : i32
      %add3A_148 = arith.addi %add3A_133, %add3A_147 : i32
      %lt3A_149 = arith.constant 80 : i32
      %lt3A_150 = arith.cmpi slt, %add3A_148, %lt3A_149 : i32
      %convert_element_type3A_151 = arith.extui %lt3A_150 : i1 to i32
      %cond3A_152 = arith.constant 0 : i32
      %cond3A_153 = arith.cmpi ne, %convert_element_type3A_151, %cond3A_152 : i32
      scf.if %cond3A_153 {
        %add3A_179 = arith.constant 2 : i32
        %add3A_180 = arith.addi %add3A_133, %add3A_179 : i32
        %ge3A = arith.constant 4 : i32
        %ge3A_181 = arith.cmpi sge, %add3A_180, %ge3A : i32
        %convert_element_type3A_182 = arith.extui %ge3A_181 : i1 to i32
        %cond3A_183 = arith.constant 0 : i32
        %cond3A_184 = arith.cmpi ne, %convert_element_type3A_182, %cond3A_183 : i32
        scf.if %cond3A_184 {
          %add3A_193 = arith.constant 2 : i32
          %add3A_194 = arith.addi %add3A_133, %add3A_193 : i32
          %sub3A = arith.constant 4 : i32
          %sub3A_195 = arith.subi %add3A_194, %sub3A : i32
          %dma_wait3A_196 = arith.constant 0 : i32
          %dma_wait3A_197 = arith.constant 0 : i32
          %dma_wait3A_198 = tpu.memref_slice %arg19[%sub3A_195, %dma_wait3A_196, %dma_wait3A_197] : memref<80x1x128xi32, #tpu.memory_space<vmem>> -> memref<1x1x128xi32, #tpu.memory_space<vmem>>
          %dma_wait3A_199 = tpu.memref_squeeze %dma_wait3A_198 : memref<1x1x128xi32, #tpu.memory_space<vmem>> -> memref<128xi32, #tpu.memory_space<vmem>>
          %dma_wait3A_200 = arith.constant 0 : i32
          %dma_wait3A_201 = arith.constant 0 : i32
          %dma_wait3A_202 = tpu.memref_slice %arg20[%dma_wait3A_200, %dma_wait3A_201] : memref<10240x64xf32, #tpu.memory_space<vmem_shared>> -> memref<10240x64xf32, #tpu.memory_space<vmem_shared>>
          tpu.wait_indirect_dma semaphore(%arg14 : memref<!tpu.dma_semaphore, #tpu.memory_space<semaphore_mem>>) src(%arg6 : memref<128x64xf32, #tpu.memory_space<vmem>>) dst(%dma_wait3A_202 : memref<10240x64xf32, #tpu.memory_space<vmem_shared>>)
        } else {
        }
        %add3A_185 = arith.constant 2 : i32
        %add3A_186 = arith.addi %add3A_133, %add3A_185 : i32
        %mul3A_187 = arith.constant 128 : i32
        %mul3A_188 = arith.muli %add3A_186, %mul3A_187 : i32
        %dma_start3A_189 = tpu.memref_slice %arg18[%mul3A_188] : memref<10240xi32, #tpu.memory_space<vmem>> -> memref<128xi32, #tpu.memory_space<vmem>>
        %dma_start3A_190 = arith.constant 0 : i32
        %dma_start3A_191 = arith.constant 0 : i32
        %dma_start3A_192 = tpu.memref_slice %arg2[%dma_start3A_190, %dma_start3A_191] : memref<10240x64xf32, #tpu.memory_space<hbm>> -> memref<10240x64xf32, #tpu.memory_space<hbm>>
        tpu.enqueue_indirect_dma source(%dma_start3A_192 : memref<10240x64xf32, #tpu.memory_space<hbm>>) target(%arg6 : memref<128x64xf32, #tpu.memory_space<vmem>>) offsets(%dma_start3A_189 : memref<128xi32, #tpu.memory_space<vmem>>) semaphore(%arg10 : memref<!tpu.dma_semaphore, #tpu.memory_space<semaphore_mem>>)
      } else {
      }
      %mul3A_154 = arith.constant 4 : i32
      %mul3A_155 = arith.muli %scan3A_83, %mul3A_154 : i32
      %add3A_156 = arith.constant 3 : i32
      %add3A_157 = arith.addi %mul3A_155, %add3A_156 : i32
      %mul3A_158 = arith.constant 128 : i32
      %mul3A_159 = arith.muli %add3A_157, %mul3A_158 : i32
      %dma_wait3A_160 = tpu.memref_slice %arg18[%mul3A_159] : memref<10240xi32, #tpu.memory_space<vmem>> -> memref<128xi32, #tpu.memory_space<vmem>>
      %dma_wait3A_161 = arith.constant 0 : i32
      %dma_wait3A_162 = arith.constant 0 : i32
      %dma_wait3A_163 = tpu.memref_slice %arg2[%dma_wait3A_161, %dma_wait3A_162] : memref<10240x64xf32, #tpu.memory_space<hbm>> -> memref<10240x64xf32, #tpu.memory_space<hbm>>
      tpu.wait_indirect_dma semaphore(%arg13 : memref<!tpu.dma_semaphore, #tpu.memory_space<semaphore_mem>>) src(%dma_wait3A_163 : memref<10240x64xf32, #tpu.memory_space<hbm>>) dst(%arg9 : memref<128x64xf32, #tpu.memory_space<vmem>>)
      %dma_start3A_164 = arith.constant 0 : i32
      %dma_start3A_165 = arith.constant 0 : i32
      %dma_start3A_166 = tpu.memref_slice %arg19[%add3A_157, %dma_start3A_164, %dma_start3A_165] : memref<80x1x128xi32, #tpu.memory_space<vmem>> -> memref<1x1x128xi32, #tpu.memory_space<vmem>>
      %dma_start3A_167 = tpu.memref_squeeze %dma_start3A_166 : memref<1x1x128xi32, #tpu.memory_space<vmem>> -> memref<128xi32, #tpu.memory_space<vmem>>
      %dma_start3A_168 = arith.constant 0 : i32
      %dma_start3A_169 = arith.constant 0 : i32
      %dma_start3A_170 = tpu.memref_slice %arg20[%dma_start3A_168, %dma_start3A_169] : memref<10240x64xf32, #tpu.memory_space<vmem_shared>> -> memref<10240x64xf32, #tpu.memory_space<vmem_shared>>
      tpu.enqueue_indirect_dma source(%arg9 : memref<128x64xf32, #tpu.memory_space<vmem>>) target(%dma_start3A_170 : memref<10240x64xf32, #tpu.memory_space<vmem_shared>>) offsets(%dma_start3A_167 : memref<128xi32, #tpu.memory_space<vmem>>) semaphore(%arg17 : memref<!tpu.dma_semaphore, #tpu.memory_space<semaphore_mem>>) {add = true}
      %add3A_171 = arith.constant 2 : i32
      %add3A_172 = arith.addi %add3A_157, %add3A_171 : i32
      %lt3A_173 = arith.constant 80 : i32
      %lt3A_174 = arith.cmpi slt, %add3A_172, %lt3A_173 : i32
      %convert_element_type3A_175 = arith.extui %lt3A_174 : i1 to i32
      %cond3A_176 = arith.constant 0 : i32
      %cond3A_177 = arith.cmpi ne, %convert_element_type3A_175, %cond3A_176 : i32
      scf.if %cond3A_177 {
        %add3A_179 = arith.constant 2 : i32
        %add3A_180 = arith.addi %add3A_157, %add3A_179 : i32
        %ge3A = arith.constant 4 : i32
        %ge3A_181 = arith.cmpi sge, %add3A_180, %ge3A : i32
        %convert_element_type3A_182 = arith.extui %ge3A_181 : i1 to i32
        %cond3A_183 = arith.constant 0 : i32
        %cond3A_184 = arith.cmpi ne, %convert_element_type3A_182, %cond3A_183 : i32
        scf.if %cond3A_184 {
          %add3A_193 = arith.constant 2 : i32
          %add3A_194 = arith.addi %add3A_157, %add3A_193 : i32
          %sub3A = arith.constant 4 : i32
          %sub3A_195 = arith.subi %add3A_194, %sub3A : i32
          %dma_wait3A_196 = arith.constant 0 : i32
          %dma_wait3A_197 = arith.constant 0 : i32
          %dma_wait3A_198 = tpu.memref_slice %arg19[%sub3A_195, %dma_wait3A_196, %dma_wait3A_197] : memref<80x1x128xi32, #tpu.memory_space<vmem>> -> memref<1x1x128xi32, #tpu.memory_space<vmem>>
          %dma_wait3A_199 = tpu.memref_squeeze %dma_wait3A_198 : memref<1x1x128xi32, #tpu.memory_space<vmem>> -> memref<128xi32, #tpu.memory_space<vmem>>
          %dma_wait3A_200 = arith.constant 0 : i32
          %dma_wait3A_201 = arith.constant 0 : i32
          %dma_wait3A_202 = tpu.memref_slice %arg20[%dma_wait3A_200, %dma_wait3A_201] : memref<10240x64xf32, #tpu.memory_space<vmem_shared>> -> memref<10240x64xf32, #tpu.memory_space<vmem_shared>>
          tpu.wait_indirect_dma semaphore(%arg15 : memref<!tpu.dma_semaphore, #tpu.memory_space<semaphore_mem>>) src(%arg7 : memref<128x64xf32, #tpu.memory_space<vmem>>) dst(%dma_wait3A_202 : memref<10240x64xf32, #tpu.memory_space<vmem_shared>>)
        } else {
        }
        %add3A_185 = arith.constant 2 : i32
        %add3A_186 = arith.addi %add3A_157, %add3A_185 : i32
        %mul3A_187 = arith.constant 128 : i32
        %mul3A_188 = arith.muli %add3A_186, %mul3A_187 : i32
        %dma_start3A_189 = tpu.memref_slice %arg18[%mul3A_188] : memref<10240xi32, #tpu.memory_space<vmem>> -> memref<128xi32, #tpu.memory_space<vmem>>
        %dma_start3A_190 = arith.constant 0 : i32
        %dma_start3A_191 = arith.constant 0 : i32
        %dma_start3A_192 = tpu.memref_slice %arg2[%dma_start3A_190, %dma_start3A_191] : memref<10240x64xf32, #tpu.memory_space<hbm>> -> memref<10240x64xf32, #tpu.memory_space<hbm>>
        tpu.enqueue_indirect_dma source(%dma_start3A_192 : memref<10240x64xf32, #tpu.memory_space<hbm>>) target(%arg7 : memref<128x64xf32, #tpu.memory_space<vmem>>) offsets(%dma_start3A_189 : memref<128xi32, #tpu.memory_space<vmem>>) semaphore(%arg11 : memref<!tpu.dma_semaphore, #tpu.memory_space<semaphore_mem>>)
      } else {
      }
      %scan3A_178 = arith.constant 0 : i32
      scf.yield %scan3A_178 : i32
    }
    %scan3A_46 = arith.constant 20 : i32
    %dma_wait3A = arith.constant 76 : i32
    %dma_wait3A_47 = arith.constant 0 : i32
    %dma_wait3A_48 = arith.constant 0 : i32
    %dma_wait3A_49 = tpu.memref_slice %arg19[%dma_wait3A, %dma_wait3A_47, %dma_wait3A_48] : memref<80x1x128xi32, #tpu.memory_space<vmem>> -> memref<1x1x128xi32, #tpu.memory_space<vmem>>
    %dma_wait3A_50 = tpu.memref_squeeze %dma_wait3A_49 : memref<1x1x128xi32, #tpu.memory_space<vmem>> -> memref<128xi32, #tpu.memory_space<vmem>>
    %dma_wait3A_51 = arith.constant 0 : i32
    %dma_wait3A_52 = arith.constant 0 : i32
    %dma_wait3A_53 = tpu.memref_slice %arg20[%dma_wait3A_51, %dma_wait3A_52] : memref<10240x64xf32, #tpu.memory_space<vmem_shared>> -> memref<10240x64xf32, #tpu.memory_space<vmem_shared>>
    tpu.wait_indirect_dma semaphore(%arg14 : memref<!tpu.dma_semaphore, #tpu.memory_space<semaphore_mem>>) src(%arg6 : memref<128x64xf32, #tpu.memory_space<vmem>>) dst(%dma_wait3A_53 : memref<10240x64xf32, #tpu.memory_space<vmem_shared>>)
    %dma_wait3A_54 = arith.constant 77 : i32
    %dma_wait3A_55 = arith.constant 0 : i32
    %dma_wait3A_56 = arith.constant 0 : i32
    %dma_wait3A_57 = tpu.memref_slice %arg19[%dma_wait3A_54, %dma_wait3A_55, %dma_wait3A_56] : memref<80x1x128xi32, #tpu.memory_space<vmem>> -> memref<1x1x128xi32, #tpu.memory_space<vmem>>
    %dma_wait3A_58 = tpu.memref_squeeze %dma_wait3A_57 : memref<1x1x128xi32, #tpu.memory_space<vmem>> -> memref<128xi32, #tpu.memory_space<vmem>>
    %dma_wait3A_59 = arith.constant 0 : i32
    %dma_wait3A_60 = arith.constant 0 : i32
    %dma_wait3A_61 = tpu.memref_slice %arg20[%dma_wait3A_59, %dma_wait3A_60] : memref<10240x64xf32, #tpu.memory_space<vmem_shared>> -> memref<10240x64xf32, #tpu.memory_space<vmem_shared>>
    tpu.wait_indirect_dma semaphore(%arg15 : memref<!tpu.dma_semaphore, #tpu.memory_space<semaphore_mem>>) src(%arg7 : memref<128x64xf32, #tpu.memory_space<vmem>>) dst(%dma_wait3A_61 : memref<10240x64xf32, #tpu.memory_space<vmem_shared>>)
    %dma_wait3A_62 = arith.constant 78 : i32
    %dma_wait3A_63 = arith.constant 0 : i32
    %dma_wait3A_64 = arith.constant 0 : i32
    %dma_wait3A_65 = tpu.memref_slice %arg19[%dma_wait3A_62, %dma_wait3A_63, %dma_wait3A_64] : memref<80x1x128xi32, #tpu.memory_space<vmem>> -> memref<1x1x128xi32, #tpu.memory_space<vmem>>
    %dma_wait3A_66 = tpu.memref_squeeze %dma_wait3A_65 : memref<1x1x128xi32, #tpu.memory_space<vmem>> -> memref<128xi32, #tpu.memory_space<vmem>>
    %dma_wait3A_67 = arith.constant 0 : i32
    %dma_wait3A_68 = arith.constant 0 : i32
    %dma_wait3A_69 = tpu.memref_slice %arg20[%dma_wait3A_67, %dma_wait3A_68] : memref<10240x64xf32, #tpu.memory_space<vmem_shared>> -> memref<10240x64xf32, #tpu.memory_space<vmem_shared>>
    tpu.wait_indirect_dma semaphore(%arg16 : memref<!tpu.dma_semaphore, #tpu.memory_space<semaphore_mem>>) src(%arg8 : memref<128x64xf32, #tpu.memory_space<vmem>>) dst(%dma_wait3A_69 : memref<10240x64xf32, #tpu.memory_space<vmem_shared>>)
    %dma_wait3A_70 = arith.constant 79 : i32
    %dma_wait3A_71 = arith.constant 0 : i32
    %dma_wait3A_72 = arith.constant 0 : i32
    %dma_wait3A_73 = tpu.memref_slice %arg19[%dma_wait3A_70, %dma_wait3A_71, %dma_wait3A_72] : memref<80x1x128xi32, #tpu.memory_space<vmem>> -> memref<1x1x128xi32, #tpu.memory_space<vmem>>
    %dma_wait3A_74 = tpu.memref_squeeze %dma_wait3A_73 : memref<1x1x128xi32, #tpu.memory_space<vmem>> -> memref<128xi32, #tpu.memory_space<vmem>>
    %dma_wait3A_75 = arith.constant 0 : i32
    %dma_wait3A_76 = arith.constant 0 : i32
    %dma_wait3A_77 = tpu.memref_slice %arg20[%dma_wait3A_75, %dma_wait3A_76] : memref<10240x64xf32, #tpu.memory_space<vmem_shared>> -> memref<10240x64xf32, #tpu.memory_space<vmem_shared>>
    tpu.wait_indirect_dma semaphore(%arg17 : memref<!tpu.dma_semaphore, #tpu.memory_space<semaphore_mem>>) src(%arg9 : memref<128x64xf32, #tpu.memory_space<vmem>>) dst(%dma_wait3A_77 : memref<10240x64xf32, #tpu.memory_space<vmem_shared>>)
    %barrier3A_78 = arith.constant 0 : index
    tpu.barrier barrier_id(%barrier3A_78)
    %mul3A_79 = arith.constant 640 : i32
    %mul3A_80 = arith.muli %arg1, %mul3A_79 : i32
    %mul3A_81 = arith.constant 640 : i32
    %mul3A_82 = arith.muli %arg1, %mul3A_81 : i32
    "tpu.region"() ({
      %run_scoped3A = tpu.sem_alloc : memref<!tpu.dma_semaphore, #tpu.memory_space<semaphore_mem>>
      %dma_start3A_83 = arith.constant 0 : i32
      %dma_start3A_84 = tpu.memref_slice %arg5[%arg0, %mul3A_82, %dma_start3A_83] : memref<2x10240x64xf32, #tpu.memory_space<hbm>> -> memref<1x640x64xf32, #tpu.memory_space<hbm>>
      %dma_start3A_85 = tpu.memref_squeeze %dma_start3A_84 : memref<1x640x64xf32, #tpu.memory_space<hbm>> -> memref<640x64xf32, #tpu.memory_space<hbm>>
      %dma_start3A_86 = arith.constant 0 : i32
      %dma_start3A_87 = tpu.memref_slice %arg20[%mul3A_80, %dma_start3A_86] : memref<10240x64xf32, #tpu.memory_space<vmem_shared>> -> memref<640x64xf32, #tpu.memory_space<vmem_shared>>
      tpu.enqueue_dma source(%dma_start3A_87 : memref<640x64xf32, #tpu.memory_space<vmem_shared>>) target(%dma_start3A_85 : memref<640x64xf32, #tpu.memory_space<hbm>>) target_semaphore(%run_scoped3A : memref<!tpu.dma_semaphore, #tpu.memory_space<semaphore_mem>>)
      %dma_wait3A_88 = arith.constant 0 : i32
      %dma_wait3A_89 = tpu.memref_slice %arg5[%arg0, %mul3A_82, %dma_wait3A_88] : memref<2x10240x64xf32, #tpu.memory_space<hbm>> -> memref<1x640x64xf32, #tpu.memory_space<hbm>>
      %dma_wait3A_90 = tpu.memref_squeeze %dma_wait3A_89 : memref<1x640x64xf32, #tpu.memory_space<hbm>> -> memref<640x64xf32, #tpu.memory_space<hbm>>
      %dma_wait3A_91 = arith.constant 0 : i32
      %dma_wait3A_92 = tpu.memref_slice %arg20[%mul3A_80, %dma_wait3A_91] : memref<10240x64xf32, #tpu.memory_space<vmem_shared>> -> memref<640x64xf32, #tpu.memory_space<vmem_shared>>
      tpu.wait_dma2 semaphore(%run_scoped3A : memref<!tpu.dma_semaphore, #tpu.memory_space<semaphore_mem>>) src(%dma_wait3A_92 : memref<640x64xf32, #tpu.memory_space<vmem_shared>>) dst(%dma_wait3A_90 : memref<640x64xf32, #tpu.memory_space<hbm>>)
      tpu.yield
    }) : () -> ()
    return
  }
}

#map = affine_map<(d0, d1) -> (0, 0)>
#map1 = affine_map<(d0, d1) -> (0, 0, 0)>
module attributes {stable_mosaic.version = 14 : i64} {
  func.func @sc_prep(%arg0: i32, %arg1: i32, %arg2: memref<327680x16xf32, #tpu.memory_space<hbm>>, %arg3: memref<2560x1x128xi32, #tpu.memory_space<hbm>>, %arg4: memref<2560x1x128xi32, #tpu.memory_space<hbm>>, %arg5: memref<2x10240x16xf32, #tpu.memory_space<hbm>>, %arg6: memref<2x10240x16xf32, #tpu.memory_space<hbm>>, %arg7: memref<2x10240x16xf32, #tpu.memory_space<hbm>>, %arg8: memref<128x16xf32, #tpu.memory_space<vmem>>, %arg9: memref<128x16xf32, #tpu.memory_space<vmem>>, %arg10: memref<128x16xf32, #tpu.memory_space<vmem>>, %arg11: memref<128x16xf32, #tpu.memory_space<vmem>>, %arg12: memref<!tpu.dma_semaphore, #tpu.memory_space<semaphore_mem>>, %arg13: memref<!tpu.dma_semaphore, #tpu.memory_space<semaphore_mem>>, %arg14: memref<!tpu.dma_semaphore, #tpu.memory_space<semaphore_mem>>, %arg15: memref<!tpu.dma_semaphore, #tpu.memory_space<semaphore_mem>>, %arg16: memref<!tpu.dma_semaphore, #tpu.memory_space<semaphore_mem>>, %arg17: memref<!tpu.dma_semaphore, #tpu.memory_space<semaphore_mem>>, %arg18: memref<!tpu.dma_semaphore, #tpu.memory_space<semaphore_mem>>, %arg19: memref<!tpu.dma_semaphore, #tpu.memory_space<semaphore_mem>>, %arg20: memref<!tpu.dma_semaphore, #tpu.memory_space<semaphore_mem>>, %arg21: memref<!tpu.dma_semaphore, #tpu.memory_space<semaphore_mem>>, %arg22: memref<!tpu.dma_semaphore, #tpu.memory_space<semaphore_mem>>, %arg23: memref<!tpu.dma_semaphore, #tpu.memory_space<semaphore_mem>>, %arg24: memref<!tpu.dma_semaphore, #tpu.memory_space<semaphore_mem>>, %arg25: memref<!tpu.dma_semaphore, #tpu.memory_space<semaphore_mem>>, %arg26: memref<!tpu.dma_semaphore, #tpu.memory_space<semaphore_mem>>, %arg27: memref<!tpu.dma_semaphore, #tpu.memory_space<semaphore_mem>>, %arg28: memref<128x16xf32, #tpu.memory_space<vmem>>, %arg29: memref<80x1x128xi32, #tpu.memory_space<vmem>>, %arg30: memref<80x1x128xi32, #tpu.memory_space<vmem>>, %arg31: memref<10240x16xf32, #tpu.memory_space<vmem_shared>>, %arg32: memref<10240x16xf32, #tpu.memory_space<vmem_shared>>, %arg33: memref<10240x16xf32, #tpu.memory_space<vmem_shared>>) attributes {dimension_semantics = [#tpu.dimension_semantics<core_parallel>, #tpu.dimension_semantics<subcore_parallel>], iteration_bounds = array<i64: 2, 16>, scalar_prefetch = 0 : i64, scratch_operands = 26 : i64, tpu.core_type = #tpu.core_type<sc_vector_subcore>, window_params = [{transform_indices = #map}, {transform_indices = #map1}, {transform_indices = #map1}, {transform_indices = #map1}, {transform_indices = #map1}, {transform_indices = #map1}]} {
    %mul3A = arith.constant 2 : i32
    %mul3A_0 = arith.muli %arg1, %mul3A : i32
    %add3A = arith.addi %mul3A_0, %arg0 : i32
    %mul3A_1 = arith.constant 80 : i32
    %mul3A_2 = arith.muli %add3A, %mul3A_1 : i32
    "tpu.region"() ({
      %run_scoped3A = tpu.sem_alloc : memref<!tpu.dma_semaphore, #tpu.memory_space<semaphore_mem>>
      %dma_start3A_108 = arith.constant 0 : i32
      %dma_start3A_109 = arith.constant 0 : i32
      %dma_start3A_110 = tpu.memref_slice %arg3[%mul3A_2, %dma_start3A_108, %dma_start3A_109] : memref<2560x1x128xi32, #tpu.memory_space<hbm>> -> memref<80x1x128xi32, #tpu.memory_space<hbm>>
      %dma_start3A_111 = arith.constant 0 : i32
      %dma_start3A_112 = arith.constant 0 : i32
      %dma_start3A_113 = tpu.memref_slice %arg3[%mul3A_2, %dma_start3A_111, %dma_start3A_112] : memref<2560x1x128xi32, #tpu.memory_space<hbm>> -> memref<80x1x128xi32, #tpu.memory_space<hbm>>
      tpu.enqueue_dma source(%dma_start3A_113 : memref<80x1x128xi32, #tpu.memory_space<hbm>>) target(%arg29 : memref<80x1x128xi32, #tpu.memory_space<vmem>>) target_semaphore(%run_scoped3A : memref<!tpu.dma_semaphore, #tpu.memory_space<semaphore_mem>>)
      %dma_wait3A_114 = arith.constant 0 : i32
      %dma_wait3A_115 = arith.constant 0 : i32
      %dma_wait3A_116 = tpu.memref_slice %arg3[%mul3A_2, %dma_wait3A_114, %dma_wait3A_115] : memref<2560x1x128xi32, #tpu.memory_space<hbm>> -> memref<80x1x128xi32, #tpu.memory_space<hbm>>
      %dma_wait3A_117 = arith.constant 0 : i32
      %dma_wait3A_118 = arith.constant 0 : i32
      %dma_wait3A_119 = tpu.memref_slice %arg3[%mul3A_2, %dma_wait3A_117, %dma_wait3A_118] : memref<2560x1x128xi32, #tpu.memory_space<hbm>> -> memref<80x1x128xi32, #tpu.memory_space<hbm>>
      tpu.wait_dma2 semaphore(%run_scoped3A : memref<!tpu.dma_semaphore, #tpu.memory_space<semaphore_mem>>) src(%dma_wait3A_119 : memref<80x1x128xi32, #tpu.memory_space<hbm>>) dst(%arg29 : memref<80x1x128xi32, #tpu.memory_space<vmem>>)
      tpu.yield
    }) : () -> ()
    %mul3A_3 = arith.constant 80 : i32
    %mul3A_4 = arith.muli %add3A, %mul3A_3 : i32
    "tpu.region"() ({
      %run_scoped3A = tpu.sem_alloc : memref<!tpu.dma_semaphore, #tpu.memory_space<semaphore_mem>>
      %dma_start3A_108 = arith.constant 0 : i32
      %dma_start3A_109 = arith.constant 0 : i32
      %dma_start3A_110 = tpu.memref_slice %arg4[%mul3A_4, %dma_start3A_108, %dma_start3A_109] : memref<2560x1x128xi32, #tpu.memory_space<hbm>> -> memref<80x1x128xi32, #tpu.memory_space<hbm>>
      %dma_start3A_111 = arith.constant 0 : i32
      %dma_start3A_112 = arith.constant 0 : i32
      %dma_start3A_113 = tpu.memref_slice %arg4[%mul3A_4, %dma_start3A_111, %dma_start3A_112] : memref<2560x1x128xi32, #tpu.memory_space<hbm>> -> memref<80x1x128xi32, #tpu.memory_space<hbm>>
      tpu.enqueue_dma source(%dma_start3A_113 : memref<80x1x128xi32, #tpu.memory_space<hbm>>) target(%arg30 : memref<80x1x128xi32, #tpu.memory_space<vmem>>) target_semaphore(%run_scoped3A : memref<!tpu.dma_semaphore, #tpu.memory_space<semaphore_mem>>)
      %dma_wait3A_114 = arith.constant 0 : i32
      %dma_wait3A_115 = arith.constant 0 : i32
      %dma_wait3A_116 = tpu.memref_slice %arg4[%mul3A_4, %dma_wait3A_114, %dma_wait3A_115] : memref<2560x1x128xi32, #tpu.memory_space<hbm>> -> memref<80x1x128xi32, #tpu.memory_space<hbm>>
      %dma_wait3A_117 = arith.constant 0 : i32
      %dma_wait3A_118 = arith.constant 0 : i32
      %dma_wait3A_119 = tpu.memref_slice %arg4[%mul3A_4, %dma_wait3A_117, %dma_wait3A_118] : memref<2560x1x128xi32, #tpu.memory_space<hbm>> -> memref<80x1x128xi32, #tpu.memory_space<hbm>>
      tpu.wait_dma2 semaphore(%run_scoped3A : memref<!tpu.dma_semaphore, #tpu.memory_space<semaphore_mem>>) src(%dma_wait3A_119 : memref<80x1x128xi32, #tpu.memory_space<hbm>>) dst(%arg30 : memref<80x1x128xi32, #tpu.memory_space<vmem>>)
      tpu.yield
    }) : () -> ()
    %scan3A = arith.constant 0 : i32
    %scan3A_5 = arith.constant 0 : i32
    %scan3A_6 = arith.constant 128 : i32
    %scan3A_7 = arith.addi %scan3A_5, %scan3A_6 : i32
    %scan3A_8 = arith.constant 1 : i32
    %scan3A_9 = scf.for %scan3A_108 = %scan3A_5 to %scan3A_7 step %scan3A_8 iter_args(%scan3A_109 = %scan3A) -> (i32)  : i32 {
      %broadcast_in_dim3A = arith.constant 0.000000e+00 : f32
      %broadcast_in_dim3A_110 = vector.broadcast %broadcast_in_dim3A : f32 to vector<16xf32>
      %swap3A = arith.index_cast %scan3A_108 : i32 to index
      %swap3A_111 = arith.constant 0 : index
      %swap3A_112 = tpu.vector_load %arg8[%swap3A, %swap3A_111] {strides = array<i32>} : memref<128x16xf32, #tpu.memory_space<vmem>>, vector<1x16xf32>,
      %swap3A_113 = vector.shape_cast %swap3A_112 : vector<1x16xf32> to vector<16xf32>
      %swap3A_114 = vector.shape_cast %broadcast_in_dim3A_110 : vector<16xf32> to vector<1x16xf32>
      tpu.vector_store %arg8[%swap3A, %swap3A_111], %swap3A_114 {strides = array<i32>} : memref<128x16xf32, #tpu.memory_space<vmem>>, vector<1x16xf32>,
      %scan3A_115 = arith.constant 0 : i32
      scf.yield %scan3A_115 : i32
    }
    %scan3A_10 = arith.constant 128 : i32
    %mul3A_11 = arith.constant 640 : i32
    %mul3A_12 = arith.muli %arg1, %mul3A_11 : i32
    %add3A_13 = arith.constant 0 : i32
    %add3A_14 = arith.addi %mul3A_12, %add3A_13 : i32
    "tpu.region"() ({
      %run_scoped3A = tpu.sem_alloc : memref<!tpu.dma_semaphore, #tpu.memory_space<semaphore_mem>>
      %dma_start3A_108 = arith.constant 0 : i32
      %dma_start3A_109 = tpu.memref_slice %arg31[%add3A_14, %dma_start3A_108] : memref<10240x16xf32, #tpu.memory_space<vmem_shared>> -> memref<128x16xf32, #tpu.memory_space<vmem_shared>>
      %dma_start3A_110 = arith.constant 0 : i32
      %dma_start3A_111 = tpu.memref_slice %arg31[%add3A_14, %dma_start3A_110] : memref<10240x16xf32, #tpu.memory_space<vmem_shared>> -> memref<128x16xf32, #tpu.memory_space<vmem_shared>>
      tpu.enqueue_dma source(%arg8 : memref<128x16xf32, #tpu.memory_space<vmem>>) target(%dma_start3A_111 : memref<128x16xf32, #tpu.memory_space<vmem_shared>>) target_semaphore(%run_scoped3A : memref<!tpu.dma_semaphore, #tpu.memory_space<semaphore_mem>>)
      %dma_wait3A_112 = arith.constant 0 : i32
      %dma_wait3A_113 = tpu.memref_slice %arg31[%add3A_14, %dma_wait3A_112] : memref<10240x16xf32, #tpu.memory_space<vmem_shared>> -> memref<128x16xf32, #tpu.memory_space<vmem_shared>>
      %dma_wait3A_114 = arith.constant 0 : i32
      %dma_wait3A_115 = tpu.memref_slice %arg31[%add3A_14, %dma_wait3A_114] : memref<10240x16xf32, #tpu.memory_space<vmem_shared>> -> memref<128x16xf32, #tpu.memory_space<vmem_shared>>
      tpu.wait_dma2 semaphore(%run_scoped3A : memref<!tpu.dma_semaphore, #tpu.memory_space<semaphore_mem>>) src(%arg8 : memref<128x16xf32, #tpu.memory_space<vmem>>) dst(%dma_wait3A_115 : memref<128x16xf32, #tpu.memory_space<vmem_shared>>)
      tpu.yield
    }) : () -> ()
    "tpu.region"() ({
      %run_scoped3A = tpu.sem_alloc : memref<!tpu.dma_semaphore, #tpu.memory_space<semaphore_mem>>
      %dma_start3A_108 = arith.constant 0 : i32
      %dma_start3A_109 = tpu.memref_slice %arg32[%add3A_14, %dma_start3A_108] : memref<10240x16xf32, #tpu.memory_space<vmem_shared>> -> memref<128x16xf32, #tpu.memory_space<vmem_shared>>
      %dma_start3A_110 = arith.constant 0 : i32
      %dma_start3A_111 = tpu.memref_slice %arg32[%add3A_14, %dma_start3A_110] : memref<10240x16xf32, #tpu.memory_space<vmem_shared>> -> memref<128x16xf32, #tpu.memory_space<vmem_shared>>
      tpu.enqueue_dma source(%arg8 : memref<128x16xf32, #tpu.memory_space<vmem>>) target(%dma_start3A_111 : memref<128x16xf32, #tpu.memory_space<vmem_shared>>) target_semaphore(%run_scoped3A : memref<!tpu.dma_semaphore, #tpu.memory_space<semaphore_mem>>)
      %dma_wait3A_112 = arith.constant 0 : i32
      %dma_wait3A_113 = tpu.memref_slice %arg32[%add3A_14, %dma_wait3A_112] : memref<10240x16xf32, #tpu.memory_space<vmem_shared>> -> memref<128x16xf32, #tpu.memory_space<vmem_shared>>
      %dma_wait3A_114 = arith.constant 0 : i32
      %dma_wait3A_115 = tpu.memref_slice %arg32[%add3A_14, %dma_wait3A_114] : memref<10240x16xf32, #tpu.memory_space<vmem_shared>> -> memref<128x16xf32, #tpu.memory_space<vmem_shared>>
      tpu.wait_dma2 semaphore(%run_scoped3A : memref<!tpu.dma_semaphore, #tpu.memory_space<semaphore_mem>>) src(%arg8 : memref<128x16xf32, #tpu.memory_space<vmem>>) dst(%dma_wait3A_115 : memref<128x16xf32, #tpu.memory_space<vmem_shared>>)
      tpu.yield
    }) : () -> ()
    "tpu.region"() ({
      %run_scoped3A = tpu.sem_alloc : memref<!tpu.dma_semaphore, #tpu.memory_space<semaphore_mem>>
      %dma_start3A_108 = arith.constant 0 : i32
      %dma_start3A_109 = tpu.memref_slice %arg33[%add3A_14, %dma_start3A_108] : memref<10240x16xf32, #tpu.memory_space<vmem_shared>> -> memref<128x16xf32, #tpu.memory_space<vmem_shared>>
      %dma_start3A_110 = arith.constant 0 : i32
      %dma_start3A_111 = tpu.memref_slice %arg33[%add3A_14, %dma_start3A_110] : memref<10240x16xf32, #tpu.memory_space<vmem_shared>> -> memref<128x16xf32, #tpu.memory_space<vmem_shared>>
      tpu.enqueue_dma source(%arg8 : memref<128x16xf32, #tpu.memory_space<vmem>>) target(%dma_start3A_111 : memref<128x16xf32, #tpu.memory_space<vmem_shared>>) target_semaphore(%run_scoped3A : memref<!tpu.dma_semaphore, #tpu.memory_space<semaphore_mem>>)
      %dma_wait3A_112 = arith.constant 0 : i32
      %dma_wait3A_113 = tpu.memref_slice %arg33[%add3A_14, %dma_wait3A_112] : memref<10240x16xf32, #tpu.memory_space<vmem_shared>> -> memref<128x16xf32, #tpu.memory_space<vmem_shared>>
      %dma_wait3A_114 = arith.constant 0 : i32
      %dma_wait3A_115 = tpu.memref_slice %arg33[%add3A_14, %dma_wait3A_114] : memref<10240x16xf32, #tpu.memory_space<vmem_shared>> -> memref<128x16xf32, #tpu.memory_space<vmem_shared>>
      tpu.wait_dma2 semaphore(%run_scoped3A : memref<!tpu.dma_semaphore, #tpu.memory_space<semaphore_mem>>) src(%arg8 : memref<128x16xf32, #tpu.memory_space<vmem>>) dst(%dma_wait3A_115 : memref<128x16xf32, #tpu.memory_space<vmem_shared>>)
      tpu.yield
    }) : () -> ()
    %mul3A_15 = arith.constant 640 : i32
    %mul3A_16 = arith.muli %arg1, %mul3A_15 : i32
    %add3A_17 = arith.constant 128 : i32
    %add3A_18 = arith.addi %mul3A_16, %add3A_17 : i32
    "tpu.region"() ({
      %run_scoped3A = tpu.sem_alloc : memref<!tpu.dma_semaphore, #tpu.memory_space<semaphore_mem>>
      %dma_start3A_108 = arith.constant 0 : i32
      %dma_start3A_109 = tpu.memref_slice %arg31[%add3A_18, %dma_start3A_108] : memref<10240x16xf32, #tpu.memory_space<vmem_shared>> -> memref<128x16xf32, #tpu.memory_space<vmem_shared>>
      %dma_start3A_110 = arith.constant 0 : i32
      %dma_start3A_111 = tpu.memref_slice %arg31[%add3A_18, %dma_start3A_110] : memref<10240x16xf32, #tpu.memory_space<vmem_shared>> -> memref<128x16xf32, #tpu.memory_space<vmem_shared>>
      tpu.enqueue_dma source(%arg8 : memref<128x16xf32, #tpu.memory_space<vmem>>) target(%dma_start3A_111 : memref<128x16xf32, #tpu.memory_space<vmem_shared>>) target_semaphore(%run_scoped3A : memref<!tpu.dma_semaphore, #tpu.memory_space<semaphore_mem>>)
      %dma_wait3A_112 = arith.constant 0 : i32
      %dma_wait3A_113 = tpu.memref_slice %arg31[%add3A_18, %dma_wait3A_112] : memref<10240x16xf32, #tpu.memory_space<vmem_shared>> -> memref<128x16xf32, #tpu.memory_space<vmem_shared>>
      %dma_wait3A_114 = arith.constant 0 : i32
      %dma_wait3A_115 = tpu.memref_slice %arg31[%add3A_18, %dma_wait3A_114] : memref<10240x16xf32, #tpu.memory_space<vmem_shared>> -> memref<128x16xf32, #tpu.memory_space<vmem_shared>>
      tpu.wait_dma2 semaphore(%run_scoped3A : memref<!tpu.dma_semaphore, #tpu.memory_space<semaphore_mem>>) src(%arg8 : memref<128x16xf32, #tpu.memory_space<vmem>>) dst(%dma_wait3A_115 : memref<128x16xf32, #tpu.memory_space<vmem_shared>>)
      tpu.yield
    }) : () -> ()
    "tpu.region"() ({
      %run_scoped3A = tpu.sem_alloc : memref<!tpu.dma_semaphore, #tpu.memory_space<semaphore_mem>>
      %dma_start3A_108 = arith.constant 0 : i32
      %dma_start3A_109 = tpu.memref_slice %arg32[%add3A_18, %dma_start3A_108] : memref<10240x16xf32, #tpu.memory_space<vmem_shared>> -> memref<128x16xf32, #tpu.memory_space<vmem_shared>>
      %dma_start3A_110 = arith.constant 0 : i32
      %dma_start3A_111 = tpu.memref_slice %arg32[%add3A_18, %dma_start3A_110] : memref<10240x16xf32, #tpu.memory_space<vmem_shared>> -> memref<128x16xf32, #tpu.memory_space<vmem_shared>>
      tpu.enqueue_dma source(%arg8 : memref<128x16xf32, #tpu.memory_space<vmem>>) target(%dma_start3A_111 : memref<128x16xf32, #tpu.memory_space<vmem_shared>>) target_semaphore(%run_scoped3A : memref<!tpu.dma_semaphore, #tpu.memory_space<semaphore_mem>>)
      %dma_wait3A_112 = arith.constant 0 : i32
      %dma_wait3A_113 = tpu.memref_slice %arg32[%add3A_18, %dma_wait3A_112] : memref<10240x16xf32, #tpu.memory_space<vmem_shared>> -> memref<128x16xf32, #tpu.memory_space<vmem_shared>>
      %dma_wait3A_114 = arith.constant 0 : i32
      %dma_wait3A_115 = tpu.memref_slice %arg32[%add3A_18, %dma_wait3A_114] : memref<10240x16xf32, #tpu.memory_space<vmem_shared>> -> memref<128x16xf32, #tpu.memory_space<vmem_shared>>
      tpu.wait_dma2 semaphore(%run_scoped3A : memref<!tpu.dma_semaphore, #tpu.memory_space<semaphore_mem>>) src(%arg8 : memref<128x16xf32, #tpu.memory_space<vmem>>) dst(%dma_wait3A_115 : memref<128x16xf32, #tpu.memory_space<vmem_shared>>)
      tpu.yield
    }) : () -> ()
    "tpu.region"() ({
      %run_scoped3A = tpu.sem_alloc : memref<!tpu.dma_semaphore, #tpu.memory_space<semaphore_mem>>
      %dma_start3A_108 = arith.constant 0 : i32
      %dma_start3A_109 = tpu.memref_slice %arg33[%add3A_18, %dma_start3A_108] : memref<10240x16xf32, #tpu.memory_space<vmem_shared>> -> memref<128x16xf32, #tpu.memory_space<vmem_shared>>
      %dma_start3A_110 = arith.constant 0 : i32
      %dma_start3A_111 = tpu.memref_slice %arg33[%add3A_18, %dma_start3A_110] : memref<10240x16xf32, #tpu.memory_space<vmem_shared>> -> memref<128x16xf32, #tpu.memory_space<vmem_shared>>
      tpu.enqueue_dma source(%arg8 : memref<128x16xf32, #tpu.memory_space<vmem>>) target(%dma_start3A_111 : memref<128x16xf32, #tpu.memory_space<vmem_shared>>) target_semaphore(%run_scoped3A : memref<!tpu.dma_semaphore, #tpu.memory_space<semaphore_mem>>)
      %dma_wait3A_112 = arith.constant 0 : i32
      %dma_wait3A_113 = tpu.memref_slice %arg33[%add3A_18, %dma_wait3A_112] : memref<10240x16xf32, #tpu.memory_space<vmem_shared>> -> memref<128x16xf32, #tpu.memory_space<vmem_shared>>
      %dma_wait3A_114 = arith.constant 0 : i32
      %dma_wait3A_115 = tpu.memref_slice %arg33[%add3A_18, %dma_wait3A_114] : memref<10240x16xf32, #tpu.memory_space<vmem_shared>> -> memref<128x16xf32, #tpu.memory_space<vmem_shared>>
      tpu.wait_dma2 semaphore(%run_scoped3A : memref<!tpu.dma_semaphore, #tpu.memory_space<semaphore_mem>>) src(%arg8 : memref<128x16xf32, #tpu.memory_space<vmem>>) dst(%dma_wait3A_115 : memref<128x16xf32, #tpu.memory_space<vmem_shared>>)
      tpu.yield
    }) : () -> ()
    %mul3A_19 = arith.constant 640 : i32
    %mul3A_20 = arith.muli %arg1, %mul3A_19 : i32
    %add3A_21 = arith.constant 256 : i32
    %add3A_22 = arith.addi %mul3A_20, %add3A_21 : i32
    "tpu.region"() ({
      %run_scoped3A = tpu.sem_alloc : memref<!tpu.dma_semaphore, #tpu.memory_space<semaphore_mem>>
      %dma_start3A_108 = arith.constant 0 : i32
      %dma_start3A_109 = tpu.memref_slice %arg31[%add3A_22, %dma_start3A_108] : memref<10240x16xf32, #tpu.memory_space<vmem_shared>> -> memref<128x16xf32, #tpu.memory_space<vmem_shared>>
      %dma_start3A_110 = arith.constant 0 : i32
      %dma_start3A_111 = tpu.memref_slice %arg31[%add3A_22, %dma_start3A_110] : memref<10240x16xf32, #tpu.memory_space<vmem_shared>> -> memref<128x16xf32, #tpu.memory_space<vmem_shared>>
      tpu.enqueue_dma source(%arg8 : memref<128x16xf32, #tpu.memory_space<vmem>>) target(%dma_start3A_111 : memref<128x16xf32, #tpu.memory_space<vmem_shared>>) target_semaphore(%run_scoped3A : memref<!tpu.dma_semaphore, #tpu.memory_space<semaphore_mem>>)
      %dma_wait3A_112 = arith.constant 0 : i32
      %dma_wait3A_113 = tpu.memref_slice %arg31[%add3A_22, %dma_wait3A_112] : memref<10240x16xf32, #tpu.memory_space<vmem_shared>> -> memref<128x16xf32, #tpu.memory_space<vmem_shared>>
      %dma_wait3A_114 = arith.constant 0 : i32
      %dma_wait3A_115 = tpu.memref_slice %arg31[%add3A_22, %dma_wait3A_114] : memref<10240x16xf32, #tpu.memory_space<vmem_shared>> -> memref<128x16xf32, #tpu.memory_space<vmem_shared>>
      tpu.wait_dma2 semaphore(%run_scoped3A : memref<!tpu.dma_semaphore, #tpu.memory_space<semaphore_mem>>) src(%arg8 : memref<128x16xf32, #tpu.memory_space<vmem>>) dst(%dma_wait3A_115 : memref<128x16xf32, #tpu.memory_space<vmem_shared>>)
      tpu.yield
    }) : () -> ()
    "tpu.region"() ({
      %run_scoped3A = tpu.sem_alloc : memref<!tpu.dma_semaphore, #tpu.memory_space<semaphore_mem>>
      %dma_start3A_108 = arith.constant 0 : i32
      %dma_start3A_109 = tpu.memref_slice %arg32[%add3A_22, %dma_start3A_108] : memref<10240x16xf32, #tpu.memory_space<vmem_shared>> -> memref<128x16xf32, #tpu.memory_space<vmem_shared>>
      %dma_start3A_110 = arith.constant 0 : i32
      %dma_start3A_111 = tpu.memref_slice %arg32[%add3A_22, %dma_start3A_110] : memref<10240x16xf32, #tpu.memory_space<vmem_shared>> -> memref<128x16xf32, #tpu.memory_space<vmem_shared>>
      tpu.enqueue_dma source(%arg8 : memref<128x16xf32, #tpu.memory_space<vmem>>) target(%dma_start3A_111 : memref<128x16xf32, #tpu.memory_space<vmem_shared>>) target_semaphore(%run_scoped3A : memref<!tpu.dma_semaphore, #tpu.memory_space<semaphore_mem>>)
      %dma_wait3A_112 = arith.constant 0 : i32
      %dma_wait3A_113 = tpu.memref_slice %arg32[%add3A_22, %dma_wait3A_112] : memref<10240x16xf32, #tpu.memory_space<vmem_shared>> -> memref<128x16xf32, #tpu.memory_space<vmem_shared>>
      %dma_wait3A_114 = arith.constant 0 : i32
      %dma_wait3A_115 = tpu.memref_slice %arg32[%add3A_22, %dma_wait3A_114] : memref<10240x16xf32, #tpu.memory_space<vmem_shared>> -> memref<128x16xf32, #tpu.memory_space<vmem_shared>>
      tpu.wait_dma2 semaphore(%run_scoped3A : memref<!tpu.dma_semaphore, #tpu.memory_space<semaphore_mem>>) src(%arg8 : memref<128x16xf32, #tpu.memory_space<vmem>>) dst(%dma_wait3A_115 : memref<128x16xf32, #tpu.memory_space<vmem_shared>>)
      tpu.yield
    }) : () -> ()
    "tpu.region"() ({
      %run_scoped3A = tpu.sem_alloc : memref<!tpu.dma_semaphore, #tpu.memory_space<semaphore_mem>>
      %dma_start3A_108 = arith.constant 0 : i32
      %dma_start3A_109 = tpu.memref_slice %arg33[%add3A_22, %dma_start3A_108] : memref<10240x16xf32, #tpu.memory_space<vmem_shared>> -> memref<128x16xf32, #tpu.memory_space<vmem_shared>>
      %dma_start3A_110 = arith.constant 0 : i32
      %dma_start3A_111 = tpu.memref_slice %arg33[%add3A_22, %dma_start3A_110] : memref<10240x16xf32, #tpu.memory_space<vmem_shared>> -> memref<128x16xf32, #tpu.memory_space<vmem_shared>>
      tpu.enqueue_dma source(%arg8 : memref<128x16xf32, #tpu.memory_space<vmem>>) target(%dma_start3A_111 : memref<128x16xf32, #tpu.memory_space<vmem_shared>>) target_semaphore(%run_scoped3A : memref<!tpu.dma_semaphore, #tpu.memory_space<semaphore_mem>>)
      %dma_wait3A_112 = arith.constant 0 : i32
      %dma_wait3A_113 = tpu.memref_slice %arg33[%add3A_22, %dma_wait3A_112] : memref<10240x16xf32, #tpu.memory_space<vmem_shared>> -> memref<128x16xf32, #tpu.memory_space<vmem_shared>>
      %dma_wait3A_114 = arith.constant 0 : i32
      %dma_wait3A_115 = tpu.memref_slice %arg33[%add3A_22, %dma_wait3A_114] : memref<10240x16xf32, #tpu.memory_space<vmem_shared>> -> memref<128x16xf32, #tpu.memory_space<vmem_shared>>
      tpu.wait_dma2 semaphore(%run_scoped3A : memref<!tpu.dma_semaphore, #tpu.memory_space<semaphore_mem>>) src(%arg8 : memref<128x16xf32, #tpu.memory_space<vmem>>) dst(%dma_wait3A_115 : memref<128x16xf32, #tpu.memory_space<vmem_shared>>)
      tpu.yield
    }) : () -> ()
    %mul3A_23 = arith.constant 640 : i32
    %mul3A_24 = arith.muli %arg1, %mul3A_23 : i32
    %add3A_25 = arith.constant 384 : i32
    %add3A_26 = arith.addi %mul3A_24, %add3A_25 : i32
    "tpu.region"() ({
      %run_scoped3A = tpu.sem_alloc : memref<!tpu.dma_semaphore, #tpu.memory_space<semaphore_mem>>
      %dma_start3A_108 = arith.constant 0 : i32
      %dma_start3A_109 = tpu.memref_slice %arg31[%add3A_26, %dma_start3A_108] : memref<10240x16xf32, #tpu.memory_space<vmem_shared>> -> memref<128x16xf32, #tpu.memory_space<vmem_shared>>
      %dma_start3A_110 = arith.constant 0 : i32
      %dma_start3A_111 = tpu.memref_slice %arg31[%add3A_26, %dma_start3A_110] : memref<10240x16xf32, #tpu.memory_space<vmem_shared>> -> memref<128x16xf32, #tpu.memory_space<vmem_shared>>
      tpu.enqueue_dma source(%arg8 : memref<128x16xf32, #tpu.memory_space<vmem>>) target(%dma_start3A_111 : memref<128x16xf32, #tpu.memory_space<vmem_shared>>) target_semaphore(%run_scoped3A : memref<!tpu.dma_semaphore, #tpu.memory_space<semaphore_mem>>)
      %dma_wait3A_112 = arith.constant 0 : i32
      %dma_wait3A_113 = tpu.memref_slice %arg31[%add3A_26, %dma_wait3A_112] : memref<10240x16xf32, #tpu.memory_space<vmem_shared>> -> memref<128x16xf32, #tpu.memory_space<vmem_shared>>
      %dma_wait3A_114 = arith.constant 0 : i32
      %dma_wait3A_115 = tpu.memref_slice %arg31[%add3A_26, %dma_wait3A_114] : memref<10240x16xf32, #tpu.memory_space<vmem_shared>> -> memref<128x16xf32, #tpu.memory_space<vmem_shared>>
      tpu.wait_dma2 semaphore(%run_scoped3A : memref<!tpu.dma_semaphore, #tpu.memory_space<semaphore_mem>>) src(%arg8 : memref<128x16xf32, #tpu.memory_space<vmem>>) dst(%dma_wait3A_115 : memref<128x16xf32, #tpu.memory_space<vmem_shared>>)
      tpu.yield
    }) : () -> ()
    "tpu.region"() ({
      %run_scoped3A = tpu.sem_alloc : memref<!tpu.dma_semaphore, #tpu.memory_space<semaphore_mem>>
      %dma_start3A_108 = arith.constant 0 : i32
      %dma_start3A_109 = tpu.memref_slice %arg32[%add3A_26, %dma_start3A_108] : memref<10240x16xf32, #tpu.memory_space<vmem_shared>> -> memref<128x16xf32, #tpu.memory_space<vmem_shared>>
      %dma_start3A_110 = arith.constant 0 : i32
      %dma_start3A_111 = tpu.memref_slice %arg32[%add3A_26, %dma_start3A_110] : memref<10240x16xf32, #tpu.memory_space<vmem_shared>> -> memref<128x16xf32, #tpu.memory_space<vmem_shared>>
      tpu.enqueue_dma source(%arg8 : memref<128x16xf32, #tpu.memory_space<vmem>>) target(%dma_start3A_111 : memref<128x16xf32, #tpu.memory_space<vmem_shared>>) target_semaphore(%run_scoped3A : memref<!tpu.dma_semaphore, #tpu.memory_space<semaphore_mem>>)
      %dma_wait3A_112 = arith.constant 0 : i32
      %dma_wait3A_113 = tpu.memref_slice %arg32[%add3A_26, %dma_wait3A_112] : memref<10240x16xf32, #tpu.memory_space<vmem_shared>> -> memref<128x16xf32, #tpu.memory_space<vmem_shared>>
      %dma_wait3A_114 = arith.constant 0 : i32
      %dma_wait3A_115 = tpu.memref_slice %arg32[%add3A_26, %dma_wait3A_114] : memref<10240x16xf32, #tpu.memory_space<vmem_shared>> -> memref<128x16xf32, #tpu.memory_space<vmem_shared>>
      tpu.wait_dma2 semaphore(%run_scoped3A : memref<!tpu.dma_semaphore, #tpu.memory_space<semaphore_mem>>) src(%arg8 : memref<128x16xf32, #tpu.memory_space<vmem>>) dst(%dma_wait3A_115 : memref<128x16xf32, #tpu.memory_space<vmem_shared>>)
      tpu.yield
    }) : () -> ()
    "tpu.region"() ({
      %run_scoped3A = tpu.sem_alloc : memref<!tpu.dma_semaphore, #tpu.memory_space<semaphore_mem>>
      %dma_start3A_108 = arith.constant 0 : i32
      %dma_start3A_109 = tpu.memref_slice %arg33[%add3A_26, %dma_start3A_108] : memref<10240x16xf32, #tpu.memory_space<vmem_shared>> -> memref<128x16xf32, #tpu.memory_space<vmem_shared>>
      %dma_start3A_110 = arith.constant 0 : i32
      %dma_start3A_111 = tpu.memref_slice %arg33[%add3A_26, %dma_start3A_110] : memref<10240x16xf32, #tpu.memory_space<vmem_shared>> -> memref<128x16xf32, #tpu.memory_space<vmem_shared>>
      tpu.enqueue_dma source(%arg8 : memref<128x16xf32, #tpu.memory_space<vmem>>) target(%dma_start3A_111 : memref<128x16xf32, #tpu.memory_space<vmem_shared>>) target_semaphore(%run_scoped3A : memref<!tpu.dma_semaphore, #tpu.memory_space<semaphore_mem>>)
      %dma_wait3A_112 = arith.constant 0 : i32
      %dma_wait3A_113 = tpu.memref_slice %arg33[%add3A_26, %dma_wait3A_112] : memref<10240x16xf32, #tpu.memory_space<vmem_shared>> -> memref<128x16xf32, #tpu.memory_space<vmem_shared>>
      %dma_wait3A_114 = arith.constant 0 : i32
      %dma_wait3A_115 = tpu.memref_slice %arg33[%add3A_26, %dma_wait3A_114] : memref<10240x16xf32, #tpu.memory_space<vmem_shared>> -> memref<128x16xf32, #tpu.memory_space<vmem_shared>>
      tpu.wait_dma2 semaphore(%run_scoped3A : memref<!tpu.dma_semaphore, #tpu.memory_space<semaphore_mem>>) src(%arg8 : memref<128x16xf32, #tpu.memory_space<vmem>>) dst(%dma_wait3A_115 : memref<128x16xf32, #tpu.memory_space<vmem_shared>>)
      tpu.yield
    }) : () -> ()
    %mul3A_27 = arith.constant 640 : i32
    %mul3A_28 = arith.muli %arg1, %mul3A_27 : i32
    %add3A_29 = arith.constant 512 : i32
    %add3A_30 = arith.addi %mul3A_28, %add3A_29 : i32
    "tpu.region"() ({
      %run_scoped3A = tpu.sem_alloc : memref<!tpu.dma_semaphore, #tpu.memory_space<semaphore_mem>>
      %dma_start3A_108 = arith.constant 0 : i32
      %dma_start3A_109 = tpu.memref_slice %arg31[%add3A_30, %dma_start3A_108] : memref<10240x16xf32, #tpu.memory_space<vmem_shared>> -> memref<128x16xf32, #tpu.memory_space<vmem_shared>>
      %dma_start3A_110 = arith.constant 0 : i32
      %dma_start3A_111 = tpu.memref_slice %arg31[%add3A_30, %dma_start3A_110] : memref<10240x16xf32, #tpu.memory_space<vmem_shared>> -> memref<128x16xf32, #tpu.memory_space<vmem_shared>>
      tpu.enqueue_dma source(%arg8 : memref<128x16xf32, #tpu.memory_space<vmem>>) target(%dma_start3A_111 : memref<128x16xf32, #tpu.memory_space<vmem_shared>>) target_semaphore(%run_scoped3A : memref<!tpu.dma_semaphore, #tpu.memory_space<semaphore_mem>>)
      %dma_wait3A_112 = arith.constant 0 : i32
      %dma_wait3A_113 = tpu.memref_slice %arg31[%add3A_30, %dma_wait3A_112] : memref<10240x16xf32, #tpu.memory_space<vmem_shared>> -> memref<128x16xf32, #tpu.memory_space<vmem_shared>>
      %dma_wait3A_114 = arith.constant 0 : i32
      %dma_wait3A_115 = tpu.memref_slice %arg31[%add3A_30, %dma_wait3A_114] : memref<10240x16xf32, #tpu.memory_space<vmem_shared>> -> memref<128x16xf32, #tpu.memory_space<vmem_shared>>
      tpu.wait_dma2 semaphore(%run_scoped3A : memref<!tpu.dma_semaphore, #tpu.memory_space<semaphore_mem>>) src(%arg8 : memref<128x16xf32, #tpu.memory_space<vmem>>) dst(%dma_wait3A_115 : memref<128x16xf32, #tpu.memory_space<vmem_shared>>)
      tpu.yield
    }) : () -> ()
    "tpu.region"() ({
      %run_scoped3A = tpu.sem_alloc : memref<!tpu.dma_semaphore, #tpu.memory_space<semaphore_mem>>
      %dma_start3A_108 = arith.constant 0 : i32
      %dma_start3A_109 = tpu.memref_slice %arg32[%add3A_30, %dma_start3A_108] : memref<10240x16xf32, #tpu.memory_space<vmem_shared>> -> memref<128x16xf32, #tpu.memory_space<vmem_shared>>
      %dma_start3A_110 = arith.constant 0 : i32
      %dma_start3A_111 = tpu.memref_slice %arg32[%add3A_30, %dma_start3A_110] : memref<10240x16xf32, #tpu.memory_space<vmem_shared>> -> memref<128x16xf32, #tpu.memory_space<vmem_shared>>
      tpu.enqueue_dma source(%arg8 : memref<128x16xf32, #tpu.memory_space<vmem>>) target(%dma_start3A_111 : memref<128x16xf32, #tpu.memory_space<vmem_shared>>) target_semaphore(%run_scoped3A : memref<!tpu.dma_semaphore, #tpu.memory_space<semaphore_mem>>)
      %dma_wait3A_112 = arith.constant 0 : i32
      %dma_wait3A_113 = tpu.memref_slice %arg32[%add3A_30, %dma_wait3A_112] : memref<10240x16xf32, #tpu.memory_space<vmem_shared>> -> memref<128x16xf32, #tpu.memory_space<vmem_shared>>
      %dma_wait3A_114 = arith.constant 0 : i32
      %dma_wait3A_115 = tpu.memref_slice %arg32[%add3A_30, %dma_wait3A_114] : memref<10240x16xf32, #tpu.memory_space<vmem_shared>> -> memref<128x16xf32, #tpu.memory_space<vmem_shared>>
      tpu.wait_dma2 semaphore(%run_scoped3A : memref<!tpu.dma_semaphore, #tpu.memory_space<semaphore_mem>>) src(%arg8 : memref<128x16xf32, #tpu.memory_space<vmem>>) dst(%dma_wait3A_115 : memref<128x16xf32, #tpu.memory_space<vmem_shared>>)
      tpu.yield
    }) : () -> ()
    "tpu.region"() ({
      %run_scoped3A = tpu.sem_alloc : memref<!tpu.dma_semaphore, #tpu.memory_space<semaphore_mem>>
      %dma_start3A_108 = arith.constant 0 : i32
      %dma_start3A_109 = tpu.memref_slice %arg33[%add3A_30, %dma_start3A_108] : memref<10240x16xf32, #tpu.memory_space<vmem_shared>> -> memref<128x16xf32, #tpu.memory_space<vmem_shared>>
      %dma_start3A_110 = arith.constant 0 : i32
      %dma_start3A_111 = tpu.memref_slice %arg33[%add3A_30, %dma_start3A_110] : memref<10240x16xf32, #tpu.memory_space<vmem_shared>> -> memref<128x16xf32, #tpu.memory_space<vmem_shared>>
      tpu.enqueue_dma source(%arg8 : memref<128x16xf32, #tpu.memory_space<vmem>>) target(%dma_start3A_111 : memref<128x16xf32, #tpu.memory_space<vmem_shared>>) target_semaphore(%run_scoped3A : memref<!tpu.dma_semaphore, #tpu.memory_space<semaphore_mem>>)
      %dma_wait3A_112 = arith.constant 0 : i32
      %dma_wait3A_113 = tpu.memref_slice %arg33[%add3A_30, %dma_wait3A_112] : memref<10240x16xf32, #tpu.memory_space<vmem_shared>> -> memref<128x16xf32, #tpu.memory_space<vmem_shared>>
      %dma_wait3A_114 = arith.constant 0 : i32
      %dma_wait3A_115 = tpu.memref_slice %arg33[%add3A_30, %dma_wait3A_114] : memref<10240x16xf32, #tpu.memory_space<vmem_shared>> -> memref<128x16xf32, #tpu.memory_space<vmem_shared>>
      tpu.wait_dma2 semaphore(%run_scoped3A : memref<!tpu.dma_semaphore, #tpu.memory_space<semaphore_mem>>) src(%arg8 : memref<128x16xf32, #tpu.memory_space<vmem>>) dst(%dma_wait3A_115 : memref<128x16xf32, #tpu.memory_space<vmem_shared>>)
      tpu.yield
    }) : () -> ()
    %scan3A_31 = arith.constant 0 : i32
    %scan3A_32 = arith.constant 0 : i32
    %scan3A_33 = arith.constant 128 : i32
    %scan3A_34 = arith.addi %scan3A_32, %scan3A_33 : i32
    %scan3A_35 = arith.constant 1 : i32
    %scan3A_36 = scf.for %scan3A_108 = %scan3A_32 to %scan3A_34 step %scan3A_35 iter_args(%scan3A_109 = %scan3A_31) -> (i32)  : i32 {
      %broadcast_in_dim3A = arith.constant 1.000000e+00 : f32
      %broadcast_in_dim3A_110 = vector.broadcast %broadcast_in_dim3A : f32 to vector<16xf32>
      %swap3A = arith.index_cast %scan3A_108 : i32 to index
      %swap3A_111 = arith.constant 0 : index
      %swap3A_112 = tpu.vector_load %arg28[%swap3A, %swap3A_111] {strides = array<i32>} : memref<128x16xf32, #tpu.memory_space<vmem>>, vector<1x16xf32>,
      %swap3A_113 = vector.shape_cast %swap3A_112 : vector<1x16xf32> to vector<16xf32>
      %swap3A_114 = vector.shape_cast %broadcast_in_dim3A_110 : vector<16xf32> to vector<1x16xf32>
      tpu.vector_store %arg28[%swap3A, %swap3A_111], %swap3A_114 {strides = array<i32>} : memref<128x16xf32, #tpu.memory_space<vmem>>, vector<1x16xf32>,
      %scan3A_115 = arith.constant 0 : i32
      scf.yield %scan3A_115 : i32
    }
    %scan3A_37 = arith.constant 128 : i32
    %barrier3A = arith.constant 0 : index
    tpu.barrier barrier_id(%barrier3A)
    %mul3A_38 = arith.constant 80 : i32
    %mul3A_39 = arith.muli %add3A, %mul3A_38 : i32
    %add3A_40 = arith.constant 0 : i32
    %add3A_41 = arith.addi %mul3A_39, %add3A_40 : i32
    %mul3A_42 = arith.constant 128 : i32
    %mul3A_43 = arith.muli %add3A_41, %mul3A_42 : i32
    %dma_start3A = arith.constant 0 : i32
    %dma_start3A_44 = tpu.memref_slice %arg2[%mul3A_43, %dma_start3A] : memref<327680x16xf32, #tpu.memory_space<hbm>> -> memref<128x16xf32, #tpu.memory_space<hbm>>
    %dma_start3A_45 = arith.constant 0 : i32
    %dma_start3A_46 = tpu.memref_slice %arg2[%mul3A_43, %dma_start3A_45] : memref<327680x16xf32, #tpu.memory_space<hbm>> -> memref<128x16xf32, #tpu.memory_space<hbm>>
    tpu.enqueue_dma source(%dma_start3A_46 : memref<128x16xf32, #tpu.memory_space<hbm>>) target(%arg8 : memref<128x16xf32, #tpu.memory_space<vmem>>) target_semaphore(%arg12 : memref<!tpu.dma_semaphore, #tpu.memory_space<semaphore_mem>>)
    %mul3A_47 = arith.constant 80 : i32
    %mul3A_48 = arith.muli %add3A, %mul3A_47 : i32
    %add3A_49 = arith.constant 1 : i32
    %add3A_50 = arith.addi %mul3A_48, %add3A_49 : i32
    %mul3A_51 = arith.constant 128 : i32
    %mul3A_52 = arith.muli %add3A_50, %mul3A_51 : i32
    %dma_start3A_53 = arith.constant 0 : i32
    %dma_start3A_54 = tpu.memref_slice %arg2[%mul3A_52, %dma_start3A_53] : memref<327680x16xf32, #tpu.memory_space<hbm>> -> memref<128x16xf32, #tpu.memory_space<hbm>>
    %dma_start3A_55 = arith.constant 0 : i32
    %dma_start3A_56 = tpu.memref_slice %arg2[%mul3A_52, %dma_start3A_55] : memref<327680x16xf32, #tpu.memory_space<hbm>> -> memref<128x16xf32, #tpu.memory_space<hbm>>
    tpu.enqueue_dma source(%dma_start3A_56 : memref<128x16xf32, #tpu.memory_space<hbm>>) target(%arg9 : memref<128x16xf32, #tpu.memory_space<vmem>>) target_semaphore(%arg13 : memref<!tpu.dma_semaphore, #tpu.memory_space<semaphore_mem>>)
    %scan3A_57 = arith.constant 0 : i32
    %scan3A_58 = arith.constant 0 : i32
    %scan3A_59 = arith.constant 20 : i32
    %scan3A_60 = arith.addi %scan3A_58, %scan3A_59 : i32
    %scan3A_61 = arith.constant 1 : i32
    %scan3A_62 = scf.for %scan3A_108 = %scan3A_58 to %scan3A_60 step %scan3A_61 iter_args(%scan3A_109 = %scan3A_57) -> (i32)  : i32 {
      %mul3A_110 = arith.constant 4 : i32
      %mul3A_111 = arith.muli %scan3A_108, %mul3A_110 : i32
      %add3A_112 = arith.constant 0 : i32
      %add3A_113 = arith.addi %mul3A_111, %add3A_112 : i32
      %mul3A_114 = arith.constant 10240 : i32
      %mul3A_115 = arith.muli %add3A, %mul3A_114 : i32
      %mul3A_116 = arith.constant 128 : i32
      %mul3A_117 = arith.muli %add3A_113, %mul3A_116 : i32
      %add3A_118 = arith.addi %mul3A_115, %mul3A_117 : i32
      %dma_wait3A_119 = arith.constant 0 : i32
      %dma_wait3A_120 = tpu.memref_slice %arg2[%add3A_118, %dma_wait3A_119] : memref<327680x16xf32, #tpu.memory_space<hbm>> -> memref<128x16xf32, #tpu.memory_space<hbm>>
      %dma_wait3A_121 = arith.constant 0 : i32
      %dma_wait3A_122 = tpu.memref_slice %arg2[%add3A_118, %dma_wait3A_121] : memref<327680x16xf32, #tpu.memory_space<hbm>> -> memref<128x16xf32, #tpu.memory_space<hbm>>
      tpu.wait_dma2 semaphore(%arg12 : memref<!tpu.dma_semaphore, #tpu.memory_space<semaphore_mem>>) src(%dma_wait3A_122 : memref<128x16xf32, #tpu.memory_space<hbm>>) dst(%arg8 : memref<128x16xf32, #tpu.memory_space<vmem>>)
      %dma_start3A_123 = arith.constant 0 : i32
      %dma_start3A_124 = arith.constant 0 : i32
      %dma_start3A_125 = tpu.memref_slice %arg29[%add3A_113, %dma_start3A_123, %dma_start3A_124] : memref<80x1x128xi32, #tpu.memory_space<vmem>> -> memref<1x1x128xi32, #tpu.memory_space<vmem>>
      %dma_start3A_126 = tpu.memref_squeeze %dma_start3A_125 : memref<1x1x128xi32, #tpu.memory_space<vmem>> -> memref<128xi32, #tpu.memory_space<vmem>>
      %dma_start3A_127 = arith.constant 0 : i32
      %dma_start3A_128 = arith.constant 0 : i32
      %dma_start3A_129 = tpu.memref_slice %arg31[%dma_start3A_127, %dma_start3A_128] : memref<10240x16xf32, #tpu.memory_space<vmem_shared>> -> memref<10240x16xf32, #tpu.memory_space<vmem_shared>>
      tpu.enqueue_indirect_dma source(%arg8 : memref<128x16xf32, #tpu.memory_space<vmem>>) target(%dma_start3A_129 : memref<10240x16xf32, #tpu.memory_space<vmem_shared>>) offsets(%dma_start3A_126 : memref<128xi32, #tpu.memory_space<vmem>>) semaphore(%arg16 : memref<!tpu.dma_semaphore, #tpu.memory_space<semaphore_mem>>) {add = true}
      %run_scoped3A = arith.constant 0 : i32
      "tpu.region"() ({
        %run_scoped3A_223 = tpu.sem_alloc : memref<!tpu.dma_semaphore, #tpu.memory_space<semaphore_mem>>
        %dma_start3A_224 = arith.constant 0 : i32
        %dma_start3A_225 = tpu.memref_slice %arg29[%add3A_113, %run_scoped3A, %dma_start3A_224] : memref<80x1x128xi32, #tpu.memory_space<vmem>> -> memref<1x1x128xi32, #tpu.memory_space<vmem>>
        %dma_start3A_226 = tpu.memref_squeeze %dma_start3A_225 : memref<1x1x128xi32, #tpu.memory_space<vmem>> -> memref<128xi32, #tpu.memory_space<vmem>>
        %dma_start3A_227 = arith.constant 0 : i32
        %dma_start3A_228 = arith.constant 0 : i32
        %dma_start3A_229 = tpu.memref_slice %arg32[%dma_start3A_227, %dma_start3A_228] : memref<10240x16xf32, #tpu.memory_space<vmem_shared>> -> memref<10240x16xf32, #tpu.memory_space<vmem_shared>>
        tpu.enqueue_indirect_dma source(%arg28 : memref<128x16xf32, #tpu.memory_space<vmem>>) target(%dma_start3A_229 : memref<10240x16xf32, #tpu.memory_space<vmem_shared>>) offsets(%dma_start3A_226 : memref<128xi32, #tpu.memory_space<vmem>>) semaphore(%run_scoped3A_223 : memref<!tpu.dma_semaphore, #tpu.memory_space<semaphore_mem>>) {add = true}
        %dma_wait3A_230 = arith.constant 0 : i32
        %dma_wait3A_231 = tpu.memref_slice %arg29[%add3A_113, %run_scoped3A, %dma_wait3A_230] : memref<80x1x128xi32, #tpu.memory_space<vmem>> -> memref<1x1x128xi32, #tpu.memory_space<vmem>>
        %dma_wait3A_232 = tpu.memref_squeeze %dma_wait3A_231 : memref<1x1x128xi32, #tpu.memory_space<vmem>> -> memref<128xi32, #tpu.memory_space<vmem>>
        %dma_wait3A_233 = arith.constant 0 : i32
        %dma_wait3A_234 = arith.constant 0 : i32
        %dma_wait3A_235 = tpu.memref_slice %arg32[%dma_wait3A_233, %dma_wait3A_234] : memref<10240x16xf32, #tpu.memory_space<vmem_shared>> -> memref<10240x16xf32, #tpu.memory_space<vmem_shared>>
        tpu.wait_indirect_dma semaphore(%run_scoped3A_223 : memref<!tpu.dma_semaphore, #tpu.memory_space<semaphore_mem>>) src(%arg28 : memref<128x16xf32, #tpu.memory_space<vmem>>) dst(%dma_wait3A_235 : memref<10240x16xf32, #tpu.memory_space<vmem_shared>>)
        tpu.yield
      }) : () -> ()
      %run_scoped3A_130 = arith.constant 0 : i32
      "tpu.region"() ({
        %run_scoped3A_223 = tpu.sem_alloc : memref<!tpu.dma_semaphore, #tpu.memory_space<semaphore_mem>>
        %dma_start3A_224 = arith.constant 0 : i32
        %dma_start3A_225 = tpu.memref_slice %arg30[%add3A_113, %run_scoped3A_130, %dma_start3A_224] : memref<80x1x128xi32, #tpu.memory_space<vmem>> -> memref<1x1x128xi32, #tpu.memory_space<vmem>>
        %dma_start3A_226 = tpu.memref_squeeze %dma_start3A_225 : memref<1x1x128xi32, #tpu.memory_space<vmem>> -> memref<128xi32, #tpu.memory_space<vmem>>
        %dma_start3A_227 = arith.constant 0 : i32
        %dma_start3A_228 = arith.constant 0 : i32
        %dma_start3A_229 = tpu.memref_slice %arg33[%dma_start3A_227, %dma_start3A_228] : memref<10240x16xf32, #tpu.memory_space<vmem_shared>> -> memref<10240x16xf32, #tpu.memory_space<vmem_shared>>
        tpu.enqueue_indirect_dma source(%arg28 : memref<128x16xf32, #tpu.memory_space<vmem>>) target(%dma_start3A_229 : memref<10240x16xf32, #tpu.memory_space<vmem_shared>>) offsets(%dma_start3A_226 : memref<128xi32, #tpu.memory_space<vmem>>) semaphore(%run_scoped3A_223 : memref<!tpu.dma_semaphore, #tpu.memory_space<semaphore_mem>>) {add = true}
        %dma_wait3A_230 = arith.constant 0 : i32
        %dma_wait3A_231 = tpu.memref_slice %arg30[%add3A_113, %run_scoped3A_130, %dma_wait3A_230] : memref<80x1x128xi32, #tpu.memory_space<vmem>> -> memref<1x1x128xi32, #tpu.memory_space<vmem>>
        %dma_wait3A_232 = tpu.memref_squeeze %dma_wait3A_231 : memref<1x1x128xi32, #tpu.memory_space<vmem>> -> memref<128xi32, #tpu.memory_space<vmem>>
        %dma_wait3A_233 = arith.constant 0 : i32
        %dma_wait3A_234 = arith.constant 0 : i32
        %dma_wait3A_235 = tpu.memref_slice %arg33[%dma_wait3A_233, %dma_wait3A_234] : memref<10240x16xf32, #tpu.memory_space<vmem_shared>> -> memref<10240x16xf32, #tpu.memory_space<vmem_shared>>
        tpu.wait_indirect_dma semaphore(%run_scoped3A_223 : memref<!tpu.dma_semaphore, #tpu.memory_space<semaphore_mem>>) src(%arg28 : memref<128x16xf32, #tpu.memory_space<vmem>>) dst(%dma_wait3A_235 : memref<10240x16xf32, #tpu.memory_space<vmem_shared>>)
        tpu.yield
      }) : () -> ()
      %add3A_131 = arith.constant 2 : i32
      %add3A_132 = arith.addi %add3A_113, %add3A_131 : i32
      %lt3A = arith.constant 80 : i32
      %lt3A_133 = arith.cmpi slt, %add3A_132, %lt3A : i32
      %convert_element_type3A = arith.extui %lt3A_133 : i1 to i32
      %cond3A = arith.constant 0 : i32
      %cond3A_134 = arith.cmpi ne, %convert_element_type3A, %cond3A : i32
      scf.if %cond3A_134 {
        %add3A_223 = arith.constant 2 : i32
        %add3A_224 = arith.addi %add3A_113, %add3A_223 : i32
        %ge3A = arith.constant 4 : i32
        %ge3A_225 = arith.cmpi sge, %add3A_224, %ge3A : i32
        %convert_element_type3A_226 = arith.extui %ge3A_225 : i1 to i32
        %cond3A_227 = arith.constant 0 : i32
        %cond3A_228 = arith.cmpi ne, %convert_element_type3A_226, %cond3A_227 : i32
        scf.if %cond3A_228 {
          %add3A_240 = arith.constant 2 : i32
          %add3A_241 = arith.addi %add3A_113, %add3A_240 : i32
          %sub3A = arith.constant 4 : i32
          %sub3A_242 = arith.subi %add3A_241, %sub3A : i32
          %dma_wait3A_243 = arith.constant 0 : i32
          %dma_wait3A_244 = arith.constant 0 : i32
          %dma_wait3A_245 = tpu.memref_slice %arg29[%sub3A_242, %dma_wait3A_243, %dma_wait3A_244] : memref<80x1x128xi32, #tpu.memory_space<vmem>> -> memref<1x1x128xi32, #tpu.memory_space<vmem>>
          %dma_wait3A_246 = tpu.memref_squeeze %dma_wait3A_245 : memref<1x1x128xi32, #tpu.memory_space<vmem>> -> memref<128xi32, #tpu.memory_space<vmem>>
          %dma_wait3A_247 = arith.constant 0 : i32
          %dma_wait3A_248 = arith.constant 0 : i32
          %dma_wait3A_249 = tpu.memref_slice %arg31[%dma_wait3A_247, %dma_wait3A_248] : memref<10240x16xf32, #tpu.memory_space<vmem_shared>> -> memref<10240x16xf32, #tpu.memory_space<vmem_shared>>
          tpu.wait_indirect_dma semaphore(%arg22 : memref<!tpu.dma_semaphore, #tpu.memory_space<semaphore_mem>>) src(%arg10 : memref<128x16xf32, #tpu.memory_space<vmem>>) dst(%dma_wait3A_249 : memref<10240x16xf32, #tpu.memory_space<vmem_shared>>)
        } else {
        }
        %mul3A_229 = arith.constant 10240 : i32
        %mul3A_230 = arith.muli %add3A, %mul3A_229 : i32
        %add3A_231 = arith.constant 2 : i32
        %add3A_232 = arith.addi %add3A_113, %add3A_231 : i32
        %mul3A_233 = arith.constant 128 : i32
        %mul3A_234 = arith.muli %add3A_232, %mul3A_233 : i32
        %add3A_235 = arith.addi %mul3A_230, %mul3A_234 : i32
        %dma_start3A_236 = arith.constant 0 : i32
        %dma_start3A_237 = tpu.memref_slice %arg2[%add3A_235, %dma_start3A_236] : memref<327680x16xf32, #tpu.memory_space<hbm>> -> memref<128x16xf32, #tpu.memory_space<hbm>>
        %dma_start3A_238 = arith.constant 0 : i32
        %dma_start3A_239 = tpu.memref_slice %arg2[%add3A_235, %dma_start3A_238] : memref<327680x16xf32, #tpu.memory_space<hbm>> -> memref<128x16xf32, #tpu.memory_space<hbm>>
        tpu.enqueue_dma source(%dma_start3A_239 : memref<128x16xf32, #tpu.memory_space<hbm>>) target(%arg10 : memref<128x16xf32, #tpu.memory_space<vmem>>) target_semaphore(%arg14 : memref<!tpu.dma_semaphore, #tpu.memory_space<semaphore_mem>>)
      } else {
      }
      %mul3A_135 = arith.constant 4 : i32
      %mul3A_136 = arith.muli %scan3A_108, %mul3A_135 : i32
      %add3A_137 = arith.constant 1 : i32
      %add3A_138 = arith.addi %mul3A_136, %add3A_137 : i32
      %mul3A_139 = arith.constant 10240 : i32
      %mul3A_140 = arith.muli %add3A, %mul3A_139 : i32
      %mul3A_141 = arith.constant 128 : i32
      %mul3A_142 = arith.muli %add3A_138, %mul3A_141 : i32
      %add3A_143 = arith.addi %mul3A_140, %mul3A_142 : i32
      %dma_wait3A_144 = arith.constant 0 : i32
      %dma_wait3A_145 = tpu.memref_slice %arg2[%add3A_143, %dma_wait3A_144] : memref<327680x16xf32, #tpu.memory_space<hbm>> -> memref<128x16xf32, #tpu.memory_space<hbm>>
      %dma_wait3A_146 = arith.constant 0 : i32
      %dma_wait3A_147 = tpu.memref_slice %arg2[%add3A_143, %dma_wait3A_146] : memref<327680x16xf32, #tpu.memory_space<hbm>> -> memref<128x16xf32, #tpu.memory_space<hbm>>
      tpu.wait_dma2 semaphore(%arg13 : memref<!tpu.dma_semaphore, #tpu.memory_space<semaphore_mem>>) src(%dma_wait3A_147 : memref<128x16xf32, #tpu.memory_space<hbm>>) dst(%arg9 : memref<128x16xf32, #tpu.memory_space<vmem>>)
      %dma_start3A_148 = arith.constant 0 : i32
      %dma_start3A_149 = arith.constant 0 : i32
      %dma_start3A_150 = tpu.memref_slice %arg29[%add3A_138, %dma_start3A_148, %dma_start3A_149] : memref<80x1x128xi32, #tpu.memory_space<vmem>> -> memref<1x1x128xi32, #tpu.memory_space<vmem>>
      %dma_start3A_151 = tpu.memref_squeeze %dma_start3A_150 : memref<1x1x128xi32, #tpu.memory_space<vmem>> -> memref<128xi32, #tpu.memory_space<vmem>>
      %dma_start3A_152 = arith.constant 0 : i32
      %dma_start3A_153 = arith.constant 0 : i32
      %dma_start3A_154 = tpu.memref_slice %arg31[%dma_start3A_152, %dma_start3A_153] : memref<10240x16xf32, #tpu.memory_space<vmem_shared>> -> memref<10240x16xf32, #tpu.memory_space<vmem_shared>>
      tpu.enqueue_indirect_dma source(%arg9 : memref<128x16xf32, #tpu.memory_space<vmem>>) target(%dma_start3A_154 : memref<10240x16xf32, #tpu.memory_space<vmem_shared>>) offsets(%dma_start3A_151 : memref<128xi32, #tpu.memory_space<vmem>>) semaphore(%arg19 : memref<!tpu.dma_semaphore, #tpu.memory_space<semaphore_mem>>) {add = true}
      %run_scoped3A_155 = arith.constant 0 : i32
      "tpu.region"() ({
        %run_scoped3A_223 = tpu.sem_alloc : memref<!tpu.dma_semaphore, #tpu.memory_space<semaphore_mem>>
        %dma_start3A_224 = arith.constant 0 : i32
        %dma_start3A_225 = tpu.memref_slice %arg29[%add3A_138, %run_scoped3A_155, %dma_start3A_224] : memref<80x1x128xi32, #tpu.memory_space<vmem>> -> memref<1x1x128xi32, #tpu.memory_space<vmem>>
        %dma_start3A_226 = tpu.memref_squeeze %dma_start3A_225 : memref<1x1x128xi32, #tpu.memory_space<vmem>> -> memref<128xi32, #tpu.memory_space<vmem>>
        %dma_start3A_227 = arith.constant 0 : i32
        %dma_start3A_228 = arith.constant 0 : i32
        %dma_start3A_229 = tpu.memref_slice %arg32[%dma_start3A_227, %dma_start3A_228] : memref<10240x16xf32, #tpu.memory_space<vmem_shared>> -> memref<10240x16xf32, #tpu.memory_space<vmem_shared>>
        tpu.enqueue_indirect_dma source(%arg28 : memref<128x16xf32, #tpu.memory_space<vmem>>) target(%dma_start3A_229 : memref<10240x16xf32, #tpu.memory_space<vmem_shared>>) offsets(%dma_start3A_226 : memref<128xi32, #tpu.memory_space<vmem>>) semaphore(%run_scoped3A_223 : memref<!tpu.dma_semaphore, #tpu.memory_space<semaphore_mem>>) {add = true}
        %dma_wait3A_230 = arith.constant 0 : i32
        %dma_wait3A_231 = tpu.memref_slice %arg29[%add3A_138, %run_scoped3A_155, %dma_wait3A_230] : memref<80x1x128xi32, #tpu.memory_space<vmem>> -> memref<1x1x128xi32, #tpu.memory_space<vmem>>
        %dma_wait3A_232 = tpu.memref_squeeze %dma_wait3A_231 : memref<1x1x128xi32, #tpu.memory_space<vmem>> -> memref<128xi32, #tpu.memory_space<vmem>>
        %dma_wait3A_233 = arith.constant 0 : i32
        %dma_wait3A_234 = arith.constant 0 : i32
        %dma_wait3A_235 = tpu.memref_slice %arg32[%dma_wait3A_233, %dma_wait3A_234] : memref<10240x16xf32, #tpu.memory_space<vmem_shared>> -> memref<10240x16xf32, #tpu.memory_space<vmem_shared>>
        tpu.wait_indirect_dma semaphore(%run_scoped3A_223 : memref<!tpu.dma_semaphore, #tpu.memory_space<semaphore_mem>>) src(%arg28 : memref<128x16xf32, #tpu.memory_space<vmem>>) dst(%dma_wait3A_235 : memref<10240x16xf32, #tpu.memory_space<vmem_shared>>)
        tpu.yield
      }) : () -> ()
      %run_scoped3A_156 = arith.constant 0 : i32
      "tpu.region"() ({
        %run_scoped3A_223 = tpu.sem_alloc : memref<!tpu.dma_semaphore, #tpu.memory_space<semaphore_mem>>
        %dma_start3A_224 = arith.constant 0 : i32
        %dma_start3A_225 = tpu.memref_slice %arg30[%add3A_138, %run_scoped3A_156, %dma_start3A_224] : memref<80x1x128xi32, #tpu.memory_space<vmem>> -> memref<1x1x128xi32, #tpu.memory_space<vmem>>
        %dma_start3A_226 = tpu.memref_squeeze %dma_start3A_225 : memref<1x1x128xi32, #tpu.memory_space<vmem>> -> memref<128xi32, #tpu.memory_space<vmem>>
        %dma_start3A_227 = arith.constant 0 : i32
        %dma_start3A_228 = arith.constant 0 : i32
        %dma_start3A_229 = tpu.memref_slice %arg33[%dma_start3A_227, %dma_start3A_228] : memref<10240x16xf32, #tpu.memory_space<vmem_shared>> -> memref<10240x16xf32, #tpu.memory_space<vmem_shared>>
        tpu.enqueue_indirect_dma source(%arg28 : memref<128x16xf32, #tpu.memory_space<vmem>>) target(%dma_start3A_229 : memref<10240x16xf32, #tpu.memory_space<vmem_shared>>) offsets(%dma_start3A_226 : memref<128xi32, #tpu.memory_space<vmem>>) semaphore(%run_scoped3A_223 : memref<!tpu.dma_semaphore, #tpu.memory_space<semaphore_mem>>) {add = true}
        %dma_wait3A_230 = arith.constant 0 : i32
        %dma_wait3A_231 = tpu.memref_slice %arg30[%add3A_138, %run_scoped3A_156, %dma_wait3A_230] : memref<80x1x128xi32, #tpu.memory_space<vmem>> -> memref<1x1x128xi32, #tpu.memory_space<vmem>>
        %dma_wait3A_232 = tpu.memref_squeeze %dma_wait3A_231 : memref<1x1x128xi32, #tpu.memory_space<vmem>> -> memref<128xi32, #tpu.memory_space<vmem>>
        %dma_wait3A_233 = arith.constant 0 : i32
        %dma_wait3A_234 = arith.constant 0 : i32
        %dma_wait3A_235 = tpu.memref_slice %arg33[%dma_wait3A_233, %dma_wait3A_234] : memref<10240x16xf32, #tpu.memory_space<vmem_shared>> -> memref<10240x16xf32, #tpu.memory_space<vmem_shared>>
        tpu.wait_indirect_dma semaphore(%run_scoped3A_223 : memref<!tpu.dma_semaphore, #tpu.memory_space<semaphore_mem>>) src(%arg28 : memref<128x16xf32, #tpu.memory_space<vmem>>) dst(%dma_wait3A_235 : memref<10240x16xf32, #tpu.memory_space<vmem_shared>>)
        tpu.yield
      }) : () -> ()
      %add3A_157 = arith.constant 2 : i32
      %add3A_158 = arith.addi %add3A_138, %add3A_157 : i32
      %lt3A_159 = arith.constant 80 : i32
      %lt3A_160 = arith.cmpi slt, %add3A_158, %lt3A_159 : i32
      %convert_element_type3A_161 = arith.extui %lt3A_160 : i1 to i32
      %cond3A_162 = arith.constant 0 : i32
      %cond3A_163 = arith.cmpi ne, %convert_element_type3A_161, %cond3A_162 : i32
      scf.if %cond3A_163 {
        %add3A_223 = arith.constant 2 : i32
        %add3A_224 = arith.addi %add3A_138, %add3A_223 : i32
        %ge3A = arith.constant 4 : i32
        %ge3A_225 = arith.cmpi sge, %add3A_224, %ge3A : i32
        %convert_element_type3A_226 = arith.extui %ge3A_225 : i1 to i32
        %cond3A_227 = arith.constant 0 : i32
        %cond3A_228 = arith.cmpi ne, %convert_element_type3A_226, %cond3A_227 : i32
        scf.if %cond3A_228 {
          %add3A_240 = arith.constant 2 : i32
          %add3A_241 = arith.addi %add3A_138, %add3A_240 : i32
          %sub3A = arith.constant 4 : i32
          %sub3A_242 = arith.subi %add3A_241, %sub3A : i32
          %dma_wait3A_243 = arith.constant 0 : i32
          %dma_wait3A_244 = arith.constant 0 : i32
          %dma_wait3A_245 = tpu.memref_slice %arg29[%sub3A_242, %dma_wait3A_243, %dma_wait3A_244] : memref<80x1x128xi32, #tpu.memory_space<vmem>> -> memref<1x1x128xi32, #tpu.memory_space<vmem>>
          %dma_wait3A_246 = tpu.memref_squeeze %dma_wait3A_245 : memref<1x1x128xi32, #tpu.memory_space<vmem>> -> memref<128xi32, #tpu.memory_space<vmem>>
          %dma_wait3A_247 = arith.constant 0 : i32
          %dma_wait3A_248 = arith.constant 0 : i32
          %dma_wait3A_249 = tpu.memref_slice %arg31[%dma_wait3A_247, %dma_wait3A_248] : memref<10240x16xf32, #tpu.memory_space<vmem_shared>> -> memref<10240x16xf32, #tpu.memory_space<vmem_shared>>
          tpu.wait_indirect_dma semaphore(%arg25 : memref<!tpu.dma_semaphore, #tpu.memory_space<semaphore_mem>>) src(%arg11 : memref<128x16xf32, #tpu.memory_space<vmem>>) dst(%dma_wait3A_249 : memref<10240x16xf32, #tpu.memory_space<vmem_shared>>)
        } else {
        }
        %mul3A_229 = arith.constant 10240 : i32
        %mul3A_230 = arith.muli %add3A, %mul3A_229 : i32
        %add3A_231 = arith.constant 2 : i32
        %add3A_232 = arith.addi %add3A_138, %add3A_231 : i32
        %mul3A_233 = arith.constant 128 : i32
        %mul3A_234 = arith.muli %add3A_232, %mul3A_233 : i32
        %add3A_235 = arith.addi %mul3A_230, %mul3A_234 : i32
        %dma_start3A_236 = arith.constant 0 : i32
        %dma_start3A_237 = tpu.memref_slice %arg2[%add3A_235, %dma_start3A_236] : memref<327680x16xf32, #tpu.memory_space<hbm>> -> memref<128x16xf32, #tpu.memory_space<hbm>>
        %dma_start3A_238 = arith.constant 0 : i32
        %dma_start3A_239 = tpu.memref_slice %arg2[%add3A_235, %dma_start3A_238] : memref<327680x16xf32, #tpu.memory_space<hbm>> -> memref<128x16xf32, #tpu.memory_space<hbm>>
        tpu.enqueue_dma source(%dma_start3A_239 : memref<128x16xf32, #tpu.memory_space<hbm>>) target(%arg11 : memref<128x16xf32, #tpu.memory_space<vmem>>) target_semaphore(%arg15 : memref<!tpu.dma_semaphore, #tpu.memory_space<semaphore_mem>>)
      } else {
      }
      %mul3A_164 = arith.constant 4 : i32
      %mul3A_165 = arith.muli %scan3A_108, %mul3A_164 : i32
      %add3A_166 = arith.constant 2 : i32
      %add3A_167 = arith.addi %mul3A_165, %add3A_166 : i32
      %mul3A_168 = arith.constant 10240 : i32
      %mul3A_169 = arith.muli %add3A, %mul3A_168 : i32
      %mul3A_170 = arith.constant 128 : i32
      %mul3A_171 = arith.muli %add3A_167, %mul3A_170 : i32
      %add3A_172 = arith.addi %mul3A_169, %mul3A_171 : i32
      %dma_wait3A_173 = arith.constant 0 : i32
      %dma_wait3A_174 = tpu.memref_slice %arg2[%add3A_172, %dma_wait3A_173] : memref<327680x16xf32, #tpu.memory_space<hbm>> -> memref<128x16xf32, #tpu.memory_space<hbm>>
      %dma_wait3A_175 = arith.constant 0 : i32
      %dma_wait3A_176 = tpu.memref_slice %arg2[%add3A_172, %dma_wait3A_175] : memref<327680x16xf32, #tpu.memory_space<hbm>> -> memref<128x16xf32, #tpu.memory_space<hbm>>
      tpu.wait_dma2 semaphore(%arg14 : memref<!tpu.dma_semaphore, #tpu.memory_space<semaphore_mem>>) src(%dma_wait3A_176 : memref<128x16xf32, #tpu.memory_space<hbm>>) dst(%arg10 : memref<128x16xf32, #tpu.memory_space<vmem>>)
      %dma_start3A_177 = arith.constant 0 : i32
      %dma_start3A_178 = arith.constant 0 : i32
      %dma_start3A_179 = tpu.memref_slice %arg29[%add3A_167, %dma_start3A_177, %dma_start3A_178] : memref<80x1x128xi32, #tpu.memory_space<vmem>> -> memref<1x1x128xi32, #tpu.memory_space<vmem>>
      %dma_start3A_180 = tpu.memref_squeeze %dma_start3A_179 : memref<1x1x128xi32, #tpu.memory_space<vmem>> -> memref<128xi32, #tpu.memory_space<vmem>>
      %dma_start3A_181 = arith.constant 0 : i32
      %dma_start3A_182 = arith.constant 0 : i32
      %dma_start3A_183 = tpu.memref_slice %arg31[%dma_start3A_181, %dma_start3A_182] : memref<10240x16xf32, #tpu.memory_space<vmem_shared>> -> memref<10240x16xf32, #tpu.memory_space<vmem_shared>>
      tpu.enqueue_indirect_dma source(%arg10 : memref<128x16xf32, #tpu.memory_space<vmem>>) target(%dma_start3A_183 : memref<10240x16xf32, #tpu.memory_space<vmem_shared>>) offsets(%dma_start3A_180 : memref<128xi32, #tpu.memory_space<vmem>>) semaphore(%arg22 : memref<!tpu.dma_semaphore, #tpu.memory_space<semaphore_mem>>) {add = true}
      %run_scoped3A_184 = arith.constant 0 : i32
      "tpu.region"() ({
        %run_scoped3A_223 = tpu.sem_alloc : memref<!tpu.dma_semaphore, #tpu.memory_space<semaphore_mem>>
        %dma_start3A_224 = arith.constant 0 : i32
        %dma_start3A_225 = tpu.memref_slice %arg29[%add3A_167, %run_scoped3A_184, %dma_start3A_224] : memref<80x1x128xi32, #tpu.memory_space<vmem>> -> memref<1x1x128xi32, #tpu.memory_space<vmem>>
        %dma_start3A_226 = tpu.memref_squeeze %dma_start3A_225 : memref<1x1x128xi32, #tpu.memory_space<vmem>> -> memref<128xi32, #tpu.memory_space<vmem>>
        %dma_start3A_227 = arith.constant 0 : i32
        %dma_start3A_228 = arith.constant 0 : i32
        %dma_start3A_229 = tpu.memref_slice %arg32[%dma_start3A_227, %dma_start3A_228] : memref<10240x16xf32, #tpu.memory_space<vmem_shared>> -> memref<10240x16xf32, #tpu.memory_space<vmem_shared>>
        tpu.enqueue_indirect_dma source(%arg28 : memref<128x16xf32, #tpu.memory_space<vmem>>) target(%dma_start3A_229 : memref<10240x16xf32, #tpu.memory_space<vmem_shared>>) offsets(%dma_start3A_226 : memref<128xi32, #tpu.memory_space<vmem>>) semaphore(%run_scoped3A_223 : memref<!tpu.dma_semaphore, #tpu.memory_space<semaphore_mem>>) {add = true}
        %dma_wait3A_230 = arith.constant 0 : i32
        %dma_wait3A_231 = tpu.memref_slice %arg29[%add3A_167, %run_scoped3A_184, %dma_wait3A_230] : memref<80x1x128xi32, #tpu.memory_space<vmem>> -> memref<1x1x128xi32, #tpu.memory_space<vmem>>
        %dma_wait3A_232 = tpu.memref_squeeze %dma_wait3A_231 : memref<1x1x128xi32, #tpu.memory_space<vmem>> -> memref<128xi32, #tpu.memory_space<vmem>>
        %dma_wait3A_233 = arith.constant 0 : i32
        %dma_wait3A_234 = arith.constant 0 : i32
        %dma_wait3A_235 = tpu.memref_slice %arg32[%dma_wait3A_233, %dma_wait3A_234] : memref<10240x16xf32, #tpu.memory_space<vmem_shared>> -> memref<10240x16xf32, #tpu.memory_space<vmem_shared>>
        tpu.wait_indirect_dma semaphore(%run_scoped3A_223 : memref<!tpu.dma_semaphore, #tpu.memory_space<semaphore_mem>>) src(%arg28 : memref<128x16xf32, #tpu.memory_space<vmem>>) dst(%dma_wait3A_235 : memref<10240x16xf32, #tpu.memory_space<vmem_shared>>)
        tpu.yield
      }) : () -> ()
      %run_scoped3A_185 = arith.constant 0 : i32
      "tpu.region"() ({
        %run_scoped3A_223 = tpu.sem_alloc : memref<!tpu.dma_semaphore, #tpu.memory_space<semaphore_mem>>
        %dma_start3A_224 = arith.constant 0 : i32
        %dma_start3A_225 = tpu.memref_slice %arg30[%add3A_167, %run_scoped3A_185, %dma_start3A_224] : memref<80x1x128xi32, #tpu.memory_space<vmem>> -> memref<1x1x128xi32, #tpu.memory_space<vmem>>
        %dma_start3A_226 = tpu.memref_squeeze %dma_start3A_225 : memref<1x1x128xi32, #tpu.memory_space<vmem>> -> memref<128xi32, #tpu.memory_space<vmem>>
        %dma_start3A_227 = arith.constant 0 : i32
        %dma_start3A_228 = arith.constant 0 : i32
        %dma_start3A_229 = tpu.memref_slice %arg33[%dma_start3A_227, %dma_start3A_228] : memref<10240x16xf32, #tpu.memory_space<vmem_shared>> -> memref<10240x16xf32, #tpu.memory_space<vmem_shared>>
        tpu.enqueue_indirect_dma source(%arg28 : memref<128x16xf32, #tpu.memory_space<vmem>>) target(%dma_start3A_229 : memref<10240x16xf32, #tpu.memory_space<vmem_shared>>) offsets(%dma_start3A_226 : memref<128xi32, #tpu.memory_space<vmem>>) semaphore(%run_scoped3A_223 : memref<!tpu.dma_semaphore, #tpu.memory_space<semaphore_mem>>) {add = true}
        %dma_wait3A_230 = arith.constant 0 : i32
        %dma_wait3A_231 = tpu.memref_slice %arg30[%add3A_167, %run_scoped3A_185, %dma_wait3A_230] : memref<80x1x128xi32, #tpu.memory_space<vmem>> -> memref<1x1x128xi32, #tpu.memory_space<vmem>>
        %dma_wait3A_232 = tpu.memref_squeeze %dma_wait3A_231 : memref<1x1x128xi32, #tpu.memory_space<vmem>> -> memref<128xi32, #tpu.memory_space<vmem>>
        %dma_wait3A_233 = arith.constant 0 : i32
        %dma_wait3A_234 = arith.constant 0 : i32
        %dma_wait3A_235 = tpu.memref_slice %arg33[%dma_wait3A_233, %dma_wait3A_234] : memref<10240x16xf32, #tpu.memory_space<vmem_shared>> -> memref<10240x16xf32, #tpu.memory_space<vmem_shared>>
        tpu.wait_indirect_dma semaphore(%run_scoped3A_223 : memref<!tpu.dma_semaphore, #tpu.memory_space<semaphore_mem>>) src(%arg28 : memref<128x16xf32, #tpu.memory_space<vmem>>) dst(%dma_wait3A_235 : memref<10240x16xf32, #tpu.memory_space<vmem_shared>>)
        tpu.yield
      }) : () -> ()
      %add3A_186 = arith.constant 2 : i32
      %add3A_187 = arith.addi %add3A_167, %add3A_186 : i32
      %lt3A_188 = arith.constant 80 : i32
      %lt3A_189 = arith.cmpi slt, %add3A_187, %lt3A_188 : i32
      %convert_element_type3A_190 = arith.extui %lt3A_189 : i1 to i32
      %cond3A_191 = arith.constant 0 : i32
      %cond3A_192 = arith.cmpi ne, %convert_element_type3A_190, %cond3A_191 : i32
      scf.if %cond3A_192 {
        %add3A_223 = arith.constant 2 : i32
        %add3A_224 = arith.addi %add3A_167, %add3A_223 : i32
        %ge3A = arith.constant 4 : i32
        %ge3A_225 = arith.cmpi sge, %add3A_224, %ge3A : i32
        %convert_element_type3A_226 = arith.extui %ge3A_225 : i1 to i32
        %cond3A_227 = arith.constant 0 : i32
        %cond3A_228 = arith.cmpi ne, %convert_element_type3A_226, %cond3A_227 : i32
        scf.if %cond3A_228 {
          %add3A_240 = arith.constant 2 : i32
          %add3A_241 = arith.addi %add3A_167, %add3A_240 : i32
          %sub3A = arith.constant 4 : i32
          %sub3A_242 = arith.subi %add3A_241, %sub3A : i32
          %dma_wait3A_243 = arith.constant 0 : i32
          %dma_wait3A_244 = arith.constant 0 : i32
          %dma_wait3A_245 = tpu.memref_slice %arg29[%sub3A_242, %dma_wait3A_243, %dma_wait3A_244] : memref<80x1x128xi32, #tpu.memory_space<vmem>> -> memref<1x1x128xi32, #tpu.memory_space<vmem>>
          %dma_wait3A_246 = tpu.memref_squeeze %dma_wait3A_245 : memref<1x1x128xi32, #tpu.memory_space<vmem>> -> memref<128xi32, #tpu.memory_space<vmem>>
          %dma_wait3A_247 = arith.constant 0 : i32
          %dma_wait3A_248 = arith.constant 0 : i32
          %dma_wait3A_249 = tpu.memref_slice %arg31[%dma_wait3A_247, %dma_wait3A_248] : memref<10240x16xf32, #tpu.memory_space<vmem_shared>> -> memref<10240x16xf32, #tpu.memory_space<vmem_shared>>
          tpu.wait_indirect_dma semaphore(%arg16 : memref<!tpu.dma_semaphore, #tpu.memory_space<semaphore_mem>>) src(%arg8 : memref<128x16xf32, #tpu.memory_space<vmem>>) dst(%dma_wait3A_249 : memref<10240x16xf32, #tpu.memory_space<vmem_shared>>)
        } else {
        }
        %mul3A_229 = arith.constant 10240 : i32
        %mul3A_230 = arith.muli %add3A, %mul3A_229 : i32
        %add3A_231 = arith.constant 2 : i32
        %add3A_232 = arith.addi %add3A_167, %add3A_231 : i32
        %mul3A_233 = arith.constant 128 : i32
        %mul3A_234 = arith.muli %add3A_232, %mul3A_233 : i32
        %add3A_235 = arith.addi %mul3A_230, %mul3A_234 : i32
        %dma_start3A_236 = arith.constant 0 : i32
        %dma_start3A_237 = tpu.memref_slice %arg2[%add3A_235, %dma_start3A_236] : memref<327680x16xf32, #tpu.memory_space<hbm>> -> memref<128x16xf32, #tpu.memory_space<hbm>>
        %dma_start3A_238 = arith.constant 0 : i32
        %dma_start3A_239 = tpu.memref_slice %arg2[%add3A_235, %dma_start3A_238] : memref<327680x16xf32, #tpu.memory_space<hbm>> -> memref<128x16xf32, #tpu.memory_space<hbm>>
        tpu.enqueue_dma source(%dma_start3A_239 : memref<128x16xf32, #tpu.memory_space<hbm>>) target(%arg8 : memref<128x16xf32, #tpu.memory_space<vmem>>) target_semaphore(%arg12 : memref<!tpu.dma_semaphore, #tpu.memory_space<semaphore_mem>>)
      } else {
      }
      %mul3A_193 = arith.constant 4 : i32
      %mul3A_194 = arith.muli %scan3A_108, %mul3A_193 : i32
      %add3A_195 = arith.constant 3 : i32
      %add3A_196 = arith.addi %mul3A_194, %add3A_195 : i32
      %mul3A_197 = arith.constant 10240 : i32
      %mul3A_198 = arith.muli %add3A, %mul3A_197 : i32
      %mul3A_199 = arith.constant 128 : i32
      %mul3A_200 = arith.muli %add3A_196, %mul3A_199 : i32
      %add3A_201 = arith.addi %mul3A_198, %mul3A_200 : i32
      %dma_wait3A_202 = arith.constant 0 : i32
      %dma_wait3A_203 = tpu.memref_slice %arg2[%add3A_201, %dma_wait3A_202] : memref<327680x16xf32, #tpu.memory_space<hbm>> -> memref<128x16xf32, #tpu.memory_space<hbm>>
      %dma_wait3A_204 = arith.constant 0 : i32
      %dma_wait3A_205 = tpu.memref_slice %arg2[%add3A_201, %dma_wait3A_204] : memref<327680x16xf32, #tpu.memory_space<hbm>> -> memref<128x16xf32, #tpu.memory_space<hbm>>
      tpu.wait_dma2 semaphore(%arg15 : memref<!tpu.dma_semaphore, #tpu.memory_space<semaphore_mem>>) src(%dma_wait3A_205 : memref<128x16xf32, #tpu.memory_space<hbm>>) dst(%arg11 : memref<128x16xf32, #tpu.memory_space<vmem>>)
      %dma_start3A_206 = arith.constant 0 : i32
      %dma_start3A_207 = arith.constant 0 : i32
      %dma_start3A_208 = tpu.memref_slice %arg29[%add3A_196, %dma_start3A_206, %dma_start3A_207] : memref<80x1x128xi32, #tpu.memory_space<vmem>> -> memref<1x1x128xi32, #tpu.memory_space<vmem>>
      %dma_start3A_209 = tpu.memref_squeeze %dma_start3A_208 : memref<1x1x128xi32, #tpu.memory_space<vmem>> -> memref<128xi32, #tpu.memory_space<vmem>>
      %dma_start3A_210 = arith.constant 0 : i32
      %dma_start3A_211 = arith.constant 0 : i32
      %dma_start3A_212 = tpu.memref_slice %arg31[%dma_start3A_210, %dma_start3A_211] : memref<10240x16xf32, #tpu.memory_space<vmem_shared>> -> memref<10240x16xf32, #tpu.memory_space<vmem_shared>>
      tpu.enqueue_indirect_dma source(%arg11 : memref<128x16xf32, #tpu.memory_space<vmem>>) target(%dma_start3A_212 : memref<10240x16xf32, #tpu.memory_space<vmem_shared>>) offsets(%dma_start3A_209 : memref<128xi32, #tpu.memory_space<vmem>>) semaphore(%arg25 : memref<!tpu.dma_semaphore, #tpu.memory_space<semaphore_mem>>) {add = true}
      %run_scoped3A_213 = arith.constant 0 : i32
      "tpu.region"() ({
        %run_scoped3A_223 = tpu.sem_alloc : memref<!tpu.dma_semaphore, #tpu.memory_space<semaphore_mem>>
        %dma_start3A_224 = arith.constant 0 : i32
        %dma_start3A_225 = tpu.memref_slice %arg29[%add3A_196, %run_scoped3A_213, %dma_start3A_224] : memref<80x1x128xi32, #tpu.memory_space<vmem>> -> memref<1x1x128xi32, #tpu.memory_space<vmem>>
        %dma_start3A_226 = tpu.memref_squeeze %dma_start3A_225 : memref<1x1x128xi32, #tpu.memory_space<vmem>> -> memref<128xi32, #tpu.memory_space<vmem>>
        %dma_start3A_227 = arith.constant 0 : i32
        %dma_start3A_228 = arith.constant 0 : i32
        %dma_start3A_229 = tpu.memref_slice %arg32[%dma_start3A_227, %dma_start3A_228] : memref<10240x16xf32, #tpu.memory_space<vmem_shared>> -> memref<10240x16xf32, #tpu.memory_space<vmem_shared>>
        tpu.enqueue_indirect_dma source(%arg28 : memref<128x16xf32, #tpu.memory_space<vmem>>) target(%dma_start3A_229 : memref<10240x16xf32, #tpu.memory_space<vmem_shared>>) offsets(%dma_start3A_226 : memref<128xi32, #tpu.memory_space<vmem>>) semaphore(%run_scoped3A_223 : memref<!tpu.dma_semaphore, #tpu.memory_space<semaphore_mem>>) {add = true}
        %dma_wait3A_230 = arith.constant 0 : i32
        %dma_wait3A_231 = tpu.memref_slice %arg29[%add3A_196, %run_scoped3A_213, %dma_wait3A_230] : memref<80x1x128xi32, #tpu.memory_space<vmem>> -> memref<1x1x128xi32, #tpu.memory_space<vmem>>
        %dma_wait3A_232 = tpu.memref_squeeze %dma_wait3A_231 : memref<1x1x128xi32, #tpu.memory_space<vmem>> -> memref<128xi32, #tpu.memory_space<vmem>>
        %dma_wait3A_233 = arith.constant 0 : i32
        %dma_wait3A_234 = arith.constant 0 : i32
        %dma_wait3A_235 = tpu.memref_slice %arg32[%dma_wait3A_233, %dma_wait3A_234] : memref<10240x16xf32, #tpu.memory_space<vmem_shared>> -> memref<10240x16xf32, #tpu.memory_space<vmem_shared>>
        tpu.wait_indirect_dma semaphore(%run_scoped3A_223 : memref<!tpu.dma_semaphore, #tpu.memory_space<semaphore_mem>>) src(%arg28 : memref<128x16xf32, #tpu.memory_space<vmem>>) dst(%dma_wait3A_235 : memref<10240x16xf32, #tpu.memory_space<vmem_shared>>)
        tpu.yield
      }) : () -> ()
      %run_scoped3A_214 = arith.constant 0 : i32
      "tpu.region"() ({
        %run_scoped3A_223 = tpu.sem_alloc : memref<!tpu.dma_semaphore, #tpu.memory_space<semaphore_mem>>
        %dma_start3A_224 = arith.constant 0 : i32
        %dma_start3A_225 = tpu.memref_slice %arg30[%add3A_196, %run_scoped3A_214, %dma_start3A_224] : memref<80x1x128xi32, #tpu.memory_space<vmem>> -> memref<1x1x128xi32, #tpu.memory_space<vmem>>
        %dma_start3A_226 = tpu.memref_squeeze %dma_start3A_225 : memref<1x1x128xi32, #tpu.memory_space<vmem>> -> memref<128xi32, #tpu.memory_space<vmem>>
        %dma_start3A_227 = arith.constant 0 : i32
        %dma_start3A_228 = arith.constant 0 : i32
        %dma_start3A_229 = tpu.memref_slice %arg33[%dma_start3A_227, %dma_start3A_228] : memref<10240x16xf32, #tpu.memory_space<vmem_shared>> -> memref<10240x16xf32, #tpu.memory_space<vmem_shared>>
        tpu.enqueue_indirect_dma source(%arg28 : memref<128x16xf32, #tpu.memory_space<vmem>>) target(%dma_start3A_229 : memref<10240x16xf32, #tpu.memory_space<vmem_shared>>) offsets(%dma_start3A_226 : memref<128xi32, #tpu.memory_space<vmem>>) semaphore(%run_scoped3A_223 : memref<!tpu.dma_semaphore, #tpu.memory_space<semaphore_mem>>) {add = true}
        %dma_wait3A_230 = arith.constant 0 : i32
        %dma_wait3A_231 = tpu.memref_slice %arg30[%add3A_196, %run_scoped3A_214, %dma_wait3A_230] : memref<80x1x128xi32, #tpu.memory_space<vmem>> -> memref<1x1x128xi32, #tpu.memory_space<vmem>>
        %dma_wait3A_232 = tpu.memref_squeeze %dma_wait3A_231 : memref<1x1x128xi32, #tpu.memory_space<vmem>> -> memref<128xi32, #tpu.memory_space<vmem>>
        %dma_wait3A_233 = arith.constant 0 : i32
        %dma_wait3A_234 = arith.constant 0 : i32
        %dma_wait3A_235 = tpu.memref_slice %arg33[%dma_wait3A_233, %dma_wait3A_234] : memref<10240x16xf32, #tpu.memory_space<vmem_shared>> -> memref<10240x16xf32, #tpu.memory_space<vmem_shared>>
        tpu.wait_indirect_dma semaphore(%run_scoped3A_223 : memref<!tpu.dma_semaphore, #tpu.memory_space<semaphore_mem>>) src(%arg28 : memref<128x16xf32, #tpu.memory_space<vmem>>) dst(%dma_wait3A_235 : memref<10240x16xf32, #tpu.memory_space<vmem_shared>>)
        tpu.yield
      }) : () -> ()
      %add3A_215 = arith.constant 2 : i32
      %add3A_216 = arith.addi %add3A_196, %add3A_215 : i32
      %lt3A_217 = arith.constant 80 : i32
      %lt3A_218 = arith.cmpi slt, %add3A_216, %lt3A_217 : i32
      %convert_element_type3A_219 = arith.extui %lt3A_218 : i1 to i32
      %cond3A_220 = arith.constant 0 : i32
      %cond3A_221 = arith.cmpi ne, %convert_element_type3A_219, %cond3A_220 : i32
      scf.if %cond3A_221 {
        %add3A_223 = arith.constant 2 : i32
        %add3A_224 = arith.addi %add3A_196, %add3A_223 : i32
        %ge3A = arith.constant 4 : i32
        %ge3A_225 = arith.cmpi sge, %add3A_224, %ge3A : i32
        %convert_element_type3A_226 = arith.extui %ge3A_225 : i1 to i32
        %cond3A_227 = arith.constant 0 : i32
        %cond3A_228 = arith.cmpi ne, %convert_element_type3A_226, %cond3A_227 : i32
        scf.if %cond3A_228 {
          %add3A_240 = arith.constant 2 : i32
          %add3A_241 = arith.addi %add3A_196, %add3A_240 : i32
          %sub3A = arith.constant 4 : i32
          %sub3A_242 = arith.subi %add3A_241, %sub3A : i32
          %dma_wait3A_243 = arith.constant 0 : i32
          %dma_wait3A_244 = arith.constant 0 : i32
          %dma_wait3A_245 = tpu.memref_slice %arg29[%sub3A_242, %dma_wait3A_243, %dma_wait3A_244] : memref<80x1x128xi32, #tpu.memory_space<vmem>> -> memref<1x1x128xi32, #tpu.memory_space<vmem>>
          %dma_wait3A_246 = tpu.memref_squeeze %dma_wait3A_245 : memref<1x1x128xi32, #tpu.memory_space<vmem>> -> memref<128xi32, #tpu.memory_space<vmem>>
          %dma_wait3A_247 = arith.constant 0 : i32
          %dma_wait3A_248 = arith.constant 0 : i32
          %dma_wait3A_249 = tpu.memref_slice %arg31[%dma_wait3A_247, %dma_wait3A_248] : memref<10240x16xf32, #tpu.memory_space<vmem_shared>> -> memref<10240x16xf32, #tpu.memory_space<vmem_shared>>
          tpu.wait_indirect_dma semaphore(%arg19 : memref<!tpu.dma_semaphore, #tpu.memory_space<semaphore_mem>>) src(%arg9 : memref<128x16xf32, #tpu.memory_space<vmem>>) dst(%dma_wait3A_249 : memref<10240x16xf32, #tpu.memory_space<vmem_shared>>)
        } else {
        }
        %mul3A_229 = arith.constant 10240 : i32
        %mul3A_230 = arith.muli %add3A, %mul3A_229 : i32
        %add3A_231 = arith.constant 2 : i32
        %add3A_232 = arith.addi %add3A_196, %add3A_231 : i32
        %mul3A_233 = arith.constant 128 : i32
        %mul3A_234 = arith.muli %add3A_232, %mul3A_233 : i32
        %add3A_235 = arith.addi %mul3A_230, %mul3A_234 : i32
        %dma_start3A_236 = arith.constant 0 : i32
        %dma_start3A_237 = tpu.memref_slice %arg2[%add3A_235, %dma_start3A_236] : memref<327680x16xf32, #tpu.memory_space<hbm>> -> memref<128x16xf32, #tpu.memory_space<hbm>>
        %dma_start3A_238 = arith.constant 0 : i32
        %dma_start3A_239 = tpu.memref_slice %arg2[%add3A_235, %dma_start3A_238] : memref<327680x16xf32, #tpu.memory_space<hbm>> -> memref<128x16xf32, #tpu.memory_space<hbm>>
        tpu.enqueue_dma source(%dma_start3A_239 : memref<128x16xf32, #tpu.memory_space<hbm>>) target(%arg9 : memref<128x16xf32, #tpu.memory_space<vmem>>) target_semaphore(%arg13 : memref<!tpu.dma_semaphore, #tpu.memory_space<semaphore_mem>>)
      } else {
      }
      %scan3A_222 = arith.constant 0 : i32
      scf.yield %scan3A_222 : i32
    }
    %scan3A_63 = arith.constant 20 : i32
    %dma_wait3A = arith.constant 76 : i32
    %dma_wait3A_64 = arith.constant 0 : i32
    %dma_wait3A_65 = arith.constant 0 : i32
    %dma_wait3A_66 = tpu.memref_slice %arg29[%dma_wait3A, %dma_wait3A_64, %dma_wait3A_65] : memref<80x1x128xi32, #tpu.memory_space<vmem>> -> memref<1x1x128xi32, #tpu.memory_space<vmem>>
    %dma_wait3A_67 = tpu.memref_squeeze %dma_wait3A_66 : memref<1x1x128xi32, #tpu.memory_space<vmem>> -> memref<128xi32, #tpu.memory_space<vmem>>
    %dma_wait3A_68 = arith.constant 0 : i32
    %dma_wait3A_69 = arith.constant 0 : i32
    %dma_wait3A_70 = tpu.memref_slice %arg31[%dma_wait3A_68, %dma_wait3A_69] : memref<10240x16xf32, #tpu.memory_space<vmem_shared>> -> memref<10240x16xf32, #tpu.memory_space<vmem_shared>>
    tpu.wait_indirect_dma semaphore(%arg16 : memref<!tpu.dma_semaphore, #tpu.memory_space<semaphore_mem>>) src(%arg8 : memref<128x16xf32, #tpu.memory_space<vmem>>) dst(%dma_wait3A_70 : memref<10240x16xf32, #tpu.memory_space<vmem_shared>>)
    %dma_wait3A_71 = arith.constant 77 : i32
    %dma_wait3A_72 = arith.constant 0 : i32
    %dma_wait3A_73 = arith.constant 0 : i32
    %dma_wait3A_74 = tpu.memref_slice %arg29[%dma_wait3A_71, %dma_wait3A_72, %dma_wait3A_73] : memref<80x1x128xi32, #tpu.memory_space<vmem>> -> memref<1x1x128xi32, #tpu.memory_space<vmem>>
    %dma_wait3A_75 = tpu.memref_squeeze %dma_wait3A_74 : memref<1x1x128xi32, #tpu.memory_space<vmem>> -> memref<128xi32, #tpu.memory_space<vmem>>
    %dma_wait3A_76 = arith.constant 0 : i32
    %dma_wait3A_77 = arith.constant 0 : i32
    %dma_wait3A_78 = tpu.memref_slice %arg31[%dma_wait3A_76, %dma_wait3A_77] : memref<10240x16xf32, #tpu.memory_space<vmem_shared>> -> memref<10240x16xf32, #tpu.memory_space<vmem_shared>>
    tpu.wait_indirect_dma semaphore(%arg19 : memref<!tpu.dma_semaphore, #tpu.memory_space<semaphore_mem>>) src(%arg9 : memref<128x16xf32, #tpu.memory_space<vmem>>) dst(%dma_wait3A_78 : memref<10240x16xf32, #tpu.memory_space<vmem_shared>>)
    %dma_wait3A_79 = arith.constant 78 : i32
    %dma_wait3A_80 = arith.constant 0 : i32
    %dma_wait3A_81 = arith.constant 0 : i32
    %dma_wait3A_82 = tpu.memref_slice %arg29[%dma_wait3A_79, %dma_wait3A_80, %dma_wait3A_81] : memref<80x1x128xi32, #tpu.memory_space<vmem>> -> memref<1x1x128xi32, #tpu.memory_space<vmem>>
    %dma_wait3A_83 = tpu.memref_squeeze %dma_wait3A_82 : memref<1x1x128xi32, #tpu.memory_space<vmem>> -> memref<128xi32, #tpu.memory_space<vmem>>
    %dma_wait3A_84 = arith.constant 0 : i32
    %dma_wait3A_85 = arith.constant 0 : i32
    %dma_wait3A_86 = tpu.memref_slice %arg31[%dma_wait3A_84, %dma_wait3A_85] : memref<10240x16xf32, #tpu.memory_space<vmem_shared>> -> memref<10240x16xf32, #tpu.memory_space<vmem_shared>>
    tpu.wait_indirect_dma semaphore(%arg22 : memref<!tpu.dma_semaphore, #tpu.memory_space<semaphore_mem>>) src(%arg10 : memref<128x16xf32, #tpu.memory_space<vmem>>) dst(%dma_wait3A_86 : memref<10240x16xf32, #tpu.memory_space<vmem_shared>>)
    %dma_wait3A_87 = arith.constant 79 : i32
    %dma_wait3A_88 = arith.constant 0 : i32
    %dma_wait3A_89 = arith.constant 0 : i32
    %dma_wait3A_90 = tpu.memref_slice %arg29[%dma_wait3A_87, %dma_wait3A_88, %dma_wait3A_89] : memref<80x1x128xi32, #tpu.memory_space<vmem>> -> memref<1x1x128xi32, #tpu.memory_space<vmem>>
    %dma_wait3A_91 = tpu.memref_squeeze %dma_wait3A_90 : memref<1x1x128xi32, #tpu.memory_space<vmem>> -> memref<128xi32, #tpu.memory_space<vmem>>
    %dma_wait3A_92 = arith.constant 0 : i32
    %dma_wait3A_93 = arith.constant 0 : i32
    %dma_wait3A_94 = tpu.memref_slice %arg31[%dma_wait3A_92, %dma_wait3A_93] : memref<10240x16xf32, #tpu.memory_space<vmem_shared>> -> memref<10240x16xf32, #tpu.memory_space<vmem_shared>>
    tpu.wait_indirect_dma semaphore(%arg25 : memref<!tpu.dma_semaphore, #tpu.memory_space<semaphore_mem>>) src(%arg11 : memref<128x16xf32, #tpu.memory_space<vmem>>) dst(%dma_wait3A_94 : memref<10240x16xf32, #tpu.memory_space<vmem_shared>>)
    %barrier3A_95 = arith.constant 0 : index
    tpu.barrier barrier_id(%barrier3A_95)
    %mul3A_96 = arith.constant 640 : i32
    %mul3A_97 = arith.muli %arg1, %mul3A_96 : i32
    %mul3A_98 = arith.constant 640 : i32
    %mul3A_99 = arith.muli %arg1, %mul3A_98 : i32
    "tpu.region"() ({
      %run_scoped3A = tpu.sem_alloc : memref<!tpu.dma_semaphore, #tpu.memory_space<semaphore_mem>>
      %dma_start3A_108 = arith.constant 0 : i32
      %dma_start3A_109 = tpu.memref_slice %arg5[%arg0, %mul3A_99, %dma_start3A_108] : memref<2x10240x16xf32, #tpu.memory_space<hbm>> -> memref<1x640x16xf32, #tpu.memory_space<hbm>>
      %dma_start3A_110 = tpu.memref_squeeze %dma_start3A_109 : memref<1x640x16xf32, #tpu.memory_space<hbm>> -> memref<640x16xf32, #tpu.memory_space<hbm>>
      %dma_start3A_111 = arith.constant 0 : i32
      %dma_start3A_112 = tpu.memref_slice %arg31[%mul3A_97, %dma_start3A_111] : memref<10240x16xf32, #tpu.memory_space<vmem_shared>> -> memref<640x16xf32, #tpu.memory_space<vmem_shared>>
      tpu.enqueue_dma source(%dma_start3A_112 : memref<640x16xf32, #tpu.memory_space<vmem_shared>>) target(%dma_start3A_110 : memref<640x16xf32, #tpu.memory_space<hbm>>) target_semaphore(%run_scoped3A : memref<!tpu.dma_semaphore, #tpu.memory_space<semaphore_mem>>)
      %dma_wait3A_113 = arith.constant 0 : i32
      %dma_wait3A_114 = tpu.memref_slice %arg5[%arg0, %mul3A_99, %dma_wait3A_113] : memref<2x10240x16xf32, #tpu.memory_space<hbm>> -> memref<1x640x16xf32, #tpu.memory_space<hbm>>
      %dma_wait3A_115 = tpu.memref_squeeze %dma_wait3A_114 : memref<1x640x16xf32, #tpu.memory_space<hbm>> -> memref<640x16xf32, #tpu.memory_space<hbm>>
      %dma_wait3A_116 = arith.constant 0 : i32
      %dma_wait3A_117 = tpu.memref_slice %arg31[%mul3A_97, %dma_wait3A_116] : memref<10240x16xf32, #tpu.memory_space<vmem_shared>> -> memref<640x16xf32, #tpu.memory_space<vmem_shared>>
      tpu.wait_dma2 semaphore(%run_scoped3A : memref<!tpu.dma_semaphore, #tpu.memory_space<semaphore_mem>>) src(%dma_wait3A_117 : memref<640x16xf32, #tpu.memory_space<vmem_shared>>) dst(%dma_wait3A_115 : memref<640x16xf32, #tpu.memory_space<hbm>>)
      tpu.yield
    }) : () -> ()
    %mul3A_100 = arith.constant 640 : i32
    %mul3A_101 = arith.muli %arg1, %mul3A_100 : i32
    %mul3A_102 = arith.constant 640 : i32
    %mul3A_103 = arith.muli %arg1, %mul3A_102 : i32
    "tpu.region"() ({
      %run_scoped3A = tpu.sem_alloc : memref<!tpu.dma_semaphore, #tpu.memory_space<semaphore_mem>>
      %dma_start3A_108 = arith.constant 0 : i32
      %dma_start3A_109 = tpu.memref_slice %arg6[%arg0, %mul3A_103, %dma_start3A_108] : memref<2x10240x16xf32, #tpu.memory_space<hbm>> -> memref<1x640x16xf32, #tpu.memory_space<hbm>>
      %dma_start3A_110 = tpu.memref_squeeze %dma_start3A_109 : memref<1x640x16xf32, #tpu.memory_space<hbm>> -> memref<640x16xf32, #tpu.memory_space<hbm>>
      %dma_start3A_111 = arith.constant 0 : i32
      %dma_start3A_112 = tpu.memref_slice %arg32[%mul3A_101, %dma_start3A_111] : memref<10240x16xf32, #tpu.memory_space<vmem_shared>> -> memref<640x16xf32, #tpu.memory_space<vmem_shared>>
      tpu.enqueue_dma source(%dma_start3A_112 : memref<640x16xf32, #tpu.memory_space<vmem_shared>>) target(%dma_start3A_110 : memref<640x16xf32, #tpu.memory_space<hbm>>) target_semaphore(%run_scoped3A : memref<!tpu.dma_semaphore, #tpu.memory_space<semaphore_mem>>)
      %dma_wait3A_113 = arith.constant 0 : i32
      %dma_wait3A_114 = tpu.memref_slice %arg6[%arg0, %mul3A_103, %dma_wait3A_113] : memref<2x10240x16xf32, #tpu.memory_space<hbm>> -> memref<1x640x16xf32, #tpu.memory_space<hbm>>
      %dma_wait3A_115 = tpu.memref_squeeze %dma_wait3A_114 : memref<1x640x16xf32, #tpu.memory_space<hbm>> -> memref<640x16xf32, #tpu.memory_space<hbm>>
      %dma_wait3A_116 = arith.constant 0 : i32
      %dma_wait3A_117 = tpu.memref_slice %arg32[%mul3A_101, %dma_wait3A_116] : memref<10240x16xf32, #tpu.memory_space<vmem_shared>> -> memref<640x16xf32, #tpu.memory_space<vmem_shared>>
      tpu.wait_dma2 semaphore(%run_scoped3A : memref<!tpu.dma_semaphore, #tpu.memory_space<semaphore_mem>>) src(%dma_wait3A_117 : memref<640x16xf32, #tpu.memory_space<vmem_shared>>) dst(%dma_wait3A_115 : memref<640x16xf32, #tpu.memory_space<hbm>>)
      tpu.yield
    }) : () -> ()
    %mul3A_104 = arith.constant 640 : i32
    %mul3A_105 = arith.muli %arg1, %mul3A_104 : i32
    %mul3A_106 = arith.constant 640 : i32
    %mul3A_107 = arith.muli %arg1, %mul3A_106 : i32
    "tpu.region"() ({
      %run_scoped3A = tpu.sem_alloc : memref<!tpu.dma_semaphore, #tpu.memory_space<semaphore_mem>>
      %dma_start3A_108 = arith.constant 0 : i32
      %dma_start3A_109 = tpu.memref_slice %arg7[%arg0, %mul3A_107, %dma_start3A_108] : memref<2x10240x16xf32, #tpu.memory_space<hbm>> -> memref<1x640x16xf32, #tpu.memory_space<hbm>>
      %dma_start3A_110 = tpu.memref_squeeze %dma_start3A_109 : memref<1x640x16xf32, #tpu.memory_space<hbm>> -> memref<640x16xf32, #tpu.memory_space<hbm>>
      %dma_start3A_111 = arith.constant 0 : i32
      %dma_start3A_112 = tpu.memref_slice %arg33[%mul3A_105, %dma_start3A_111] : memref<10240x16xf32, #tpu.memory_space<vmem_shared>> -> memref<640x16xf32, #tpu.memory_space<vmem_shared>>
      tpu.enqueue_dma source(%dma_start3A_112 : memref<640x16xf32, #tpu.memory_space<vmem_shared>>) target(%dma_start3A_110 : memref<640x16xf32, #tpu.memory_space<hbm>>) target_semaphore(%run_scoped3A : memref<!tpu.dma_semaphore, #tpu.memory_space<semaphore_mem>>)
      %dma_wait3A_113 = arith.constant 0 : i32
      %dma_wait3A_114 = tpu.memref_slice %arg7[%arg0, %mul3A_107, %dma_wait3A_113] : memref<2x10240x16xf32, #tpu.memory_space<hbm>> -> memref<1x640x16xf32, #tpu.memory_space<hbm>>
      %dma_wait3A_115 = tpu.memref_squeeze %dma_wait3A_114 : memref<1x640x16xf32, #tpu.memory_space<hbm>> -> memref<640x16xf32, #tpu.memory_space<hbm>>
      %dma_wait3A_116 = arith.constant 0 : i32
      %dma_wait3A_117 = tpu.memref_slice %arg33[%mul3A_105, %dma_wait3A_116] : memref<10240x16xf32, #tpu.memory_space<vmem_shared>> -> memref<640x16xf32, #tpu.memory_space<vmem_shared>>
      tpu.wait_dma2 semaphore(%run_scoped3A : memref<!tpu.dma_semaphore, #tpu.memory_space<semaphore_mem>>) src(%dma_wait3A_117 : memref<640x16xf32, #tpu.memory_space<vmem_shared>>) dst(%dma_wait3A_115 : memref<640x16xf32, #tpu.memory_space<hbm>>)
      tpu.yield
    }) : () -> ()
    return
  }
}

#map = affine_map<(d0, d1) -> (0, 0)>
#map1 = affine_map<(d0, d1) -> (0)>
#map2 = affine_map<(d0, d1) -> (0, 0, 0)>
module attributes {stable_mosaic.version = 14 : i64} {
  func.func @sc_edge_agg(%arg0: i32, %arg1: i32, %arg2: memref<10240x64xf32, #tpu.memory_space<hbm>>, %arg3: memref<327680xi32, #tpu.memory_space<hbm>>, %arg4: memref<2560x1x128xi32, #tpu.memory_space<hbm>>, %arg5: memref<2x10240x64xf32, #tpu.memory_space<hbm>>, %arg6: memref<128x64xf32, #tpu.memory_space<vmem>>, %arg7: memref<128x64xf32, #tpu.memory_space<vmem>>, %arg8: memref<128x64xf32, #tpu.memory_space<vmem>>, %arg9: memref<128x64xf32, #tpu.memory_space<vmem>>, %arg10: memref<!tpu.dma_semaphore, #tpu.memory_space<semaphore_mem>>, %arg11: memref<!tpu.dma_semaphore, #tpu.memory_space<semaphore_mem>>, %arg12: memref<!tpu.dma_semaphore, #tpu.memory_space<semaphore_mem>>, %arg13: memref<!tpu.dma_semaphore, #tpu.memory_space<semaphore_mem>>, %arg14: memref<!tpu.dma_semaphore, #tpu.memory_space<semaphore_mem>>, %arg15: memref<!tpu.dma_semaphore, #tpu.memory_space<semaphore_mem>>, %arg16: memref<!tpu.dma_semaphore, #tpu.memory_space<semaphore_mem>>, %arg17: memref<!tpu.dma_semaphore, #tpu.memory_space<semaphore_mem>>, %arg18: memref<10240xi32, #tpu.memory_space<vmem>>, %arg19: memref<80x1x128xi32, #tpu.memory_space<vmem>>, %arg20: memref<10240x64xf32, #tpu.memory_space<vmem_shared>>) attributes {dimension_semantics = [#tpu.dimension_semantics<core_parallel>, #tpu.dimension_semantics<subcore_parallel>], iteration_bounds = array<i64: 2, 16>, scalar_prefetch = 0 : i64, scratch_operands = 15 : i64, tpu.core_type = #tpu.core_type<sc_vector_subcore>, window_params = [{transform_indices = #map}, {transform_indices = #map1}, {transform_indices = #map2}, {transform_indices = #map2}]} {
    %mul3A = arith.constant 2 : i32
    %mul3A_0 = arith.muli %arg1, %mul3A : i32
    %add3A = arith.addi %mul3A_0, %arg0 : i32
    %mul3A_1 = arith.constant 10240 : i32
    %mul3A_2 = arith.muli %add3A, %mul3A_1 : i32
    "tpu.region"() ({
      %run_scoped3A = tpu.sem_alloc : memref<!tpu.dma_semaphore, #tpu.memory_space<semaphore_mem>>
      %dma_start3A_83 = tpu.memref_slice %arg3[%mul3A_2] : memref<327680xi32, #tpu.memory_space<hbm>> -> memref<10240xi32, #tpu.memory_space<hbm>>
      %dma_start3A_84 = tpu.memref_slice %arg3[%mul3A_2] : memref<327680xi32, #tpu.memory_space<hbm>> -> memref<10240xi32, #tpu.memory_space<hbm>>
      tpu.enqueue_dma source(%dma_start3A_84 : memref<10240xi32, #tpu.memory_space<hbm>>) target(%arg18 : memref<10240xi32, #tpu.memory_space<vmem>>) target_semaphore(%run_scoped3A : memref<!tpu.dma_semaphore, #tpu.memory_space<semaphore_mem>>)
      %dma_wait3A_85 = tpu.memref_slice %arg3[%mul3A_2] : memref<327680xi32, #tpu.memory_space<hbm>> -> memref<10240xi32, #tpu.memory_space<hbm>>
      %dma_wait3A_86 = tpu.memref_slice %arg3[%mul3A_2] : memref<327680xi32, #tpu.memory_space<hbm>> -> memref<10240xi32, #tpu.memory_space<hbm>>
      tpu.wait_dma2 semaphore(%run_scoped3A : memref<!tpu.dma_semaphore, #tpu.memory_space<semaphore_mem>>) src(%dma_wait3A_86 : memref<10240xi32, #tpu.memory_space<hbm>>) dst(%arg18 : memref<10240xi32, #tpu.memory_space<vmem>>)
      tpu.yield
    }) : () -> ()
    %mul3A_3 = arith.constant 80 : i32
    %mul3A_4 = arith.muli %add3A, %mul3A_3 : i32
    "tpu.region"() ({
      %run_scoped3A = tpu.sem_alloc : memref<!tpu.dma_semaphore, #tpu.memory_space<semaphore_mem>>
      %dma_start3A_83 = arith.constant 0 : i32
      %dma_start3A_84 = arith.constant 0 : i32
      %dma_start3A_85 = tpu.memref_slice %arg4[%mul3A_4, %dma_start3A_83, %dma_start3A_84] : memref<2560x1x128xi32, #tpu.memory_space<hbm>> -> memref<80x1x128xi32, #tpu.memory_space<hbm>>
      %dma_start3A_86 = arith.constant 0 : i32
      %dma_start3A_87 = arith.constant 0 : i32
      %dma_start3A_88 = tpu.memref_slice %arg4[%mul3A_4, %dma_start3A_86, %dma_start3A_87] : memref<2560x1x128xi32, #tpu.memory_space<hbm>> -> memref<80x1x128xi32, #tpu.memory_space<hbm>>
      tpu.enqueue_dma source(%dma_start3A_88 : memref<80x1x128xi32, #tpu.memory_space<hbm>>) target(%arg19 : memref<80x1x128xi32, #tpu.memory_space<vmem>>) target_semaphore(%run_scoped3A : memref<!tpu.dma_semaphore, #tpu.memory_space<semaphore_mem>>)
      %dma_wait3A_89 = arith.constant 0 : i32
      %dma_wait3A_90 = arith.constant 0 : i32
      %dma_wait3A_91 = tpu.memref_slice %arg4[%mul3A_4, %dma_wait3A_89, %dma_wait3A_90] : memref<2560x1x128xi32, #tpu.memory_space<hbm>> -> memref<80x1x128xi32, #tpu.memory_space<hbm>>
      %dma_wait3A_92 = arith.constant 0 : i32
      %dma_wait3A_93 = arith.constant 0 : i32
      %dma_wait3A_94 = tpu.memref_slice %arg4[%mul3A_4, %dma_wait3A_92, %dma_wait3A_93] : memref<2560x1x128xi32, #tpu.memory_space<hbm>> -> memref<80x1x128xi32, #tpu.memory_space<hbm>>
      tpu.wait_dma2 semaphore(%run_scoped3A : memref<!tpu.dma_semaphore, #tpu.memory_space<semaphore_mem>>) src(%dma_wait3A_94 : memref<80x1x128xi32, #tpu.memory_space<hbm>>) dst(%arg19 : memref<80x1x128xi32, #tpu.memory_space<vmem>>)
      tpu.yield
    }) : () -> ()
    %scan3A = arith.constant 0 : i32
    %scan3A_5 = arith.constant 0 : i32
    %scan3A_6 = arith.constant 128 : i32
    %scan3A_7 = arith.addi %scan3A_5, %scan3A_6 : i32
    %scan3A_8 = arith.constant 1 : i32
    %scan3A_9 = scf.for %scan3A_83 = %scan3A_5 to %scan3A_7 step %scan3A_8 iter_args(%scan3A_84 = %scan3A) -> (i32)  : i32 {
      %broadcast_in_dim3A = arith.constant 0.000000e+00 : f32
      %broadcast_in_dim3A_85 = vector.broadcast %broadcast_in_dim3A : f32 to vector<16xf32>
      %swap3A = arith.index_cast %scan3A_83 : i32 to index
      %swap3A_86 = arith.constant 0 : index
      %swap3A_87 = tpu.vector_load %arg6[%swap3A, %swap3A_86] {strides = array<i32>} : memref<128x64xf32, #tpu.memory_space<vmem>>, vector<1x16xf32>,
      %swap3A_88 = vector.shape_cast %swap3A_87 : vector<1x16xf32> to vector<16xf32>
      %swap3A_89 = vector.shape_cast %broadcast_in_dim3A_85 : vector<16xf32> to vector<1x16xf32>
      tpu.vector_store %arg6[%swap3A, %swap3A_86], %swap3A_89 {strides = array<i32>} : memref<128x64xf32, #tpu.memory_space<vmem>>, vector<1x16xf32>,
      %broadcast_in_dim3A_90 = arith.constant 0.000000e+00 : f32
      %broadcast_in_dim3A_91 = vector.broadcast %broadcast_in_dim3A_90 : f32 to vector<16xf32>
      %swap3A_92 = arith.index_cast %scan3A_83 : i32 to index
      %swap3A_93 = arith.constant 16 : index
      %swap3A_94 = tpu.vector_load %arg6[%swap3A_92, %swap3A_93] {strides = array<i32>} : memref<128x64xf32, #tpu.memory_space<vmem>>, vector<1x16xf32>,
      %swap3A_95 = vector.shape_cast %swap3A_94 : vector<1x16xf32> to vector<16xf32>
      %swap3A_96 = vector.shape_cast %broadcast_in_dim3A_91 : vector<16xf32> to vector<1x16xf32>
      tpu.vector_store %arg6[%swap3A_92, %swap3A_93], %swap3A_96 {strides = array<i32>} : memref<128x64xf32, #tpu.memory_space<vmem>>, vector<1x16xf32>,
      %broadcast_in_dim3A_97 = arith.constant 0.000000e+00 : f32
      %broadcast_in_dim3A_98 = vector.broadcast %broadcast_in_dim3A_97 : f32 to vector<16xf32>
      %swap3A_99 = arith.index_cast %scan3A_83 : i32 to index
      %swap3A_100 = arith.constant 32 : index
      %swap3A_101 = tpu.vector_load %arg6[%swap3A_99, %swap3A_100] {strides = array<i32>} : memref<128x64xf32, #tpu.memory_space<vmem>>, vector<1x16xf32>,
      %swap3A_102 = vector.shape_cast %swap3A_101 : vector<1x16xf32> to vector<16xf32>
      %swap3A_103 = vector.shape_cast %broadcast_in_dim3A_98 : vector<16xf32> to vector<1x16xf32>
      tpu.vector_store %arg6[%swap3A_99, %swap3A_100], %swap3A_103 {strides = array<i32>} : memref<128x64xf32, #tpu.memory_space<vmem>>, vector<1x16xf32>,
      %broadcast_in_dim3A_104 = arith.constant 0.000000e+00 : f32
      %broadcast_in_dim3A_105 = vector.broadcast %broadcast_in_dim3A_104 : f32 to vector<16xf32>
      %swap3A_106 = arith.index_cast %scan3A_83 : i32 to index
      %swap3A_107 = arith.constant 48 : index
      %swap3A_108 = tpu.vector_load %arg6[%swap3A_106, %swap3A_107] {strides = array<i32>} : memref<128x64xf32, #tpu.memory_space<vmem>>, vector<1x16xf32>,
      %swap3A_109 = vector.shape_cast %swap3A_108 : vector<1x16xf32> to vector<16xf32>
      %swap3A_110 = vector.shape_cast %broadcast_in_dim3A_105 : vector<16xf32> to vector<1x16xf32>
      tpu.vector_store %arg6[%swap3A_106, %swap3A_107], %swap3A_110 {strides = array<i32>} : memref<128x64xf32, #tpu.memory_space<vmem>>, vector<1x16xf32>,
      %scan3A_111 = arith.constant 0 : i32
      scf.yield %scan3A_111 : i32
    }
    %scan3A_10 = arith.constant 128 : i32
    %mul3A_11 = arith.constant 640 : i32
    %mul3A_12 = arith.muli %arg1, %mul3A_11 : i32
    %add3A_13 = arith.constant 0 : i32
    %add3A_14 = arith.addi %mul3A_12, %add3A_13 : i32
    "tpu.region"() ({
      %run_scoped3A = tpu.sem_alloc : memref<!tpu.dma_semaphore, #tpu.memory_space<semaphore_mem>>
      %dma_start3A_83 = arith.constant 0 : i32
      %dma_start3A_84 = tpu.memref_slice %arg20[%add3A_14, %dma_start3A_83] : memref<10240x64xf32, #tpu.memory_space<vmem_shared>> -> memref<128x64xf32, #tpu.memory_space<vmem_shared>>
      %dma_start3A_85 = arith.constant 0 : i32
      %dma_start3A_86 = tpu.memref_slice %arg20[%add3A_14, %dma_start3A_85] : memref<10240x64xf32, #tpu.memory_space<vmem_shared>> -> memref<128x64xf32, #tpu.memory_space<vmem_shared>>
      tpu.enqueue_dma source(%arg6 : memref<128x64xf32, #tpu.memory_space<vmem>>) target(%dma_start3A_86 : memref<128x64xf32, #tpu.memory_space<vmem_shared>>) target_semaphore(%run_scoped3A : memref<!tpu.dma_semaphore, #tpu.memory_space<semaphore_mem>>)
      %dma_wait3A_87 = arith.constant 0 : i32
      %dma_wait3A_88 = tpu.memref_slice %arg20[%add3A_14, %dma_wait3A_87] : memref<10240x64xf32, #tpu.memory_space<vmem_shared>> -> memref<128x64xf32, #tpu.memory_space<vmem_shared>>
      %dma_wait3A_89 = arith.constant 0 : i32
      %dma_wait3A_90 = tpu.memref_slice %arg20[%add3A_14, %dma_wait3A_89] : memref<10240x64xf32, #tpu.memory_space<vmem_shared>> -> memref<128x64xf32, #tpu.memory_space<vmem_shared>>
      tpu.wait_dma2 semaphore(%run_scoped3A : memref<!tpu.dma_semaphore, #tpu.memory_space<semaphore_mem>>) src(%arg6 : memref<128x64xf32, #tpu.memory_space<vmem>>) dst(%dma_wait3A_90 : memref<128x64xf32, #tpu.memory_space<vmem_shared>>)
      tpu.yield
    }) : () -> ()
    %mul3A_15 = arith.constant 640 : i32
    %mul3A_16 = arith.muli %arg1, %mul3A_15 : i32
    %add3A_17 = arith.constant 128 : i32
    %add3A_18 = arith.addi %mul3A_16, %add3A_17 : i32
    "tpu.region"() ({
      %run_scoped3A = tpu.sem_alloc : memref<!tpu.dma_semaphore, #tpu.memory_space<semaphore_mem>>
      %dma_start3A_83 = arith.constant 0 : i32
      %dma_start3A_84 = tpu.memref_slice %arg20[%add3A_18, %dma_start3A_83] : memref<10240x64xf32, #tpu.memory_space<vmem_shared>> -> memref<128x64xf32, #tpu.memory_space<vmem_shared>>
      %dma_start3A_85 = arith.constant 0 : i32
      %dma_start3A_86 = tpu.memref_slice %arg20[%add3A_18, %dma_start3A_85] : memref<10240x64xf32, #tpu.memory_space<vmem_shared>> -> memref<128x64xf32, #tpu.memory_space<vmem_shared>>
      tpu.enqueue_dma source(%arg6 : memref<128x64xf32, #tpu.memory_space<vmem>>) target(%dma_start3A_86 : memref<128x64xf32, #tpu.memory_space<vmem_shared>>) target_semaphore(%run_scoped3A : memref<!tpu.dma_semaphore, #tpu.memory_space<semaphore_mem>>)
      %dma_wait3A_87 = arith.constant 0 : i32
      %dma_wait3A_88 = tpu.memref_slice %arg20[%add3A_18, %dma_wait3A_87] : memref<10240x64xf32, #tpu.memory_space<vmem_shared>> -> memref<128x64xf32, #tpu.memory_space<vmem_shared>>
      %dma_wait3A_89 = arith.constant 0 : i32
      %dma_wait3A_90 = tpu.memref_slice %arg20[%add3A_18, %dma_wait3A_89] : memref<10240x64xf32, #tpu.memory_space<vmem_shared>> -> memref<128x64xf32, #tpu.memory_space<vmem_shared>>
      tpu.wait_dma2 semaphore(%run_scoped3A : memref<!tpu.dma_semaphore, #tpu.memory_space<semaphore_mem>>) src(%arg6 : memref<128x64xf32, #tpu.memory_space<vmem>>) dst(%dma_wait3A_90 : memref<128x64xf32, #tpu.memory_space<vmem_shared>>)
      tpu.yield
    }) : () -> ()
    %mul3A_19 = arith.constant 640 : i32
    %mul3A_20 = arith.muli %arg1, %mul3A_19 : i32
    %add3A_21 = arith.constant 256 : i32
    %add3A_22 = arith.addi %mul3A_20, %add3A_21 : i32
    "tpu.region"() ({
      %run_scoped3A = tpu.sem_alloc : memref<!tpu.dma_semaphore, #tpu.memory_space<semaphore_mem>>
      %dma_start3A_83 = arith.constant 0 : i32
      %dma_start3A_84 = tpu.memref_slice %arg20[%add3A_22, %dma_start3A_83] : memref<10240x64xf32, #tpu.memory_space<vmem_shared>> -> memref<128x64xf32, #tpu.memory_space<vmem_shared>>
      %dma_start3A_85 = arith.constant 0 : i32
      %dma_start3A_86 = tpu.memref_slice %arg20[%add3A_22, %dma_start3A_85] : memref<10240x64xf32, #tpu.memory_space<vmem_shared>> -> memref<128x64xf32, #tpu.memory_space<vmem_shared>>
      tpu.enqueue_dma source(%arg6 : memref<128x64xf32, #tpu.memory_space<vmem>>) target(%dma_start3A_86 : memref<128x64xf32, #tpu.memory_space<vmem_shared>>) target_semaphore(%run_scoped3A : memref<!tpu.dma_semaphore, #tpu.memory_space<semaphore_mem>>)
      %dma_wait3A_87 = arith.constant 0 : i32
      %dma_wait3A_88 = tpu.memref_slice %arg20[%add3A_22, %dma_wait3A_87] : memref<10240x64xf32, #tpu.memory_space<vmem_shared>> -> memref<128x64xf32, #tpu.memory_space<vmem_shared>>
      %dma_wait3A_89 = arith.constant 0 : i32
      %dma_wait3A_90 = tpu.memref_slice %arg20[%add3A_22, %dma_wait3A_89] : memref<10240x64xf32, #tpu.memory_space<vmem_shared>> -> memref<128x64xf32, #tpu.memory_space<vmem_shared>>
      tpu.wait_dma2 semaphore(%run_scoped3A : memref<!tpu.dma_semaphore, #tpu.memory_space<semaphore_mem>>) src(%arg6 : memref<128x64xf32, #tpu.memory_space<vmem>>) dst(%dma_wait3A_90 : memref<128x64xf32, #tpu.memory_space<vmem_shared>>)
      tpu.yield
    }) : () -> ()
    %mul3A_23 = arith.constant 640 : i32
    %mul3A_24 = arith.muli %arg1, %mul3A_23 : i32
    %add3A_25 = arith.constant 384 : i32
    %add3A_26 = arith.addi %mul3A_24, %add3A_25 : i32
    "tpu.region"() ({
      %run_scoped3A = tpu.sem_alloc : memref<!tpu.dma_semaphore, #tpu.memory_space<semaphore_mem>>
      %dma_start3A_83 = arith.constant 0 : i32
      %dma_start3A_84 = tpu.memref_slice %arg20[%add3A_26, %dma_start3A_83] : memref<10240x64xf32, #tpu.memory_space<vmem_shared>> -> memref<128x64xf32, #tpu.memory_space<vmem_shared>>
      %dma_start3A_85 = arith.constant 0 : i32
      %dma_start3A_86 = tpu.memref_slice %arg20[%add3A_26, %dma_start3A_85] : memref<10240x64xf32, #tpu.memory_space<vmem_shared>> -> memref<128x64xf32, #tpu.memory_space<vmem_shared>>
      tpu.enqueue_dma source(%arg6 : memref<128x64xf32, #tpu.memory_space<vmem>>) target(%dma_start3A_86 : memref<128x64xf32, #tpu.memory_space<vmem_shared>>) target_semaphore(%run_scoped3A : memref<!tpu.dma_semaphore, #tpu.memory_space<semaphore_mem>>)
      %dma_wait3A_87 = arith.constant 0 : i32
      %dma_wait3A_88 = tpu.memref_slice %arg20[%add3A_26, %dma_wait3A_87] : memref<10240x64xf32, #tpu.memory_space<vmem_shared>> -> memref<128x64xf32, #tpu.memory_space<vmem_shared>>
      %dma_wait3A_89 = arith.constant 0 : i32
      %dma_wait3A_90 = tpu.memref_slice %arg20[%add3A_26, %dma_wait3A_89] : memref<10240x64xf32, #tpu.memory_space<vmem_shared>> -> memref<128x64xf32, #tpu.memory_space<vmem_shared>>
      tpu.wait_dma2 semaphore(%run_scoped3A : memref<!tpu.dma_semaphore, #tpu.memory_space<semaphore_mem>>) src(%arg6 : memref<128x64xf32, #tpu.memory_space<vmem>>) dst(%dma_wait3A_90 : memref<128x64xf32, #tpu.memory_space<vmem_shared>>)
      tpu.yield
    }) : () -> ()
    %mul3A_27 = arith.constant 640 : i32
    %mul3A_28 = arith.muli %arg1, %mul3A_27 : i32
    %add3A_29 = arith.constant 512 : i32
    %add3A_30 = arith.addi %mul3A_28, %add3A_29 : i32
    "tpu.region"() ({
      %run_scoped3A = tpu.sem_alloc : memref<!tpu.dma_semaphore, #tpu.memory_space<semaphore_mem>>
      %dma_start3A_83 = arith.constant 0 : i32
      %dma_start3A_84 = tpu.memref_slice %arg20[%add3A_30, %dma_start3A_83] : memref<10240x64xf32, #tpu.memory_space<vmem_shared>> -> memref<128x64xf32, #tpu.memory_space<vmem_shared>>
      %dma_start3A_85 = arith.constant 0 : i32
      %dma_start3A_86 = tpu.memref_slice %arg20[%add3A_30, %dma_start3A_85] : memref<10240x64xf32, #tpu.memory_space<vmem_shared>> -> memref<128x64xf32, #tpu.memory_space<vmem_shared>>
      tpu.enqueue_dma source(%arg6 : memref<128x64xf32, #tpu.memory_space<vmem>>) target(%dma_start3A_86 : memref<128x64xf32, #tpu.memory_space<vmem_shared>>) target_semaphore(%run_scoped3A : memref<!tpu.dma_semaphore, #tpu.memory_space<semaphore_mem>>)
      %dma_wait3A_87 = arith.constant 0 : i32
      %dma_wait3A_88 = tpu.memref_slice %arg20[%add3A_30, %dma_wait3A_87] : memref<10240x64xf32, #tpu.memory_space<vmem_shared>> -> memref<128x64xf32, #tpu.memory_space<vmem_shared>>
      %dma_wait3A_89 = arith.constant 0 : i32
      %dma_wait3A_90 = tpu.memref_slice %arg20[%add3A_30, %dma_wait3A_89] : memref<10240x64xf32, #tpu.memory_space<vmem_shared>> -> memref<128x64xf32, #tpu.memory_space<vmem_shared>>
      tpu.wait_dma2 semaphore(%run_scoped3A : memref<!tpu.dma_semaphore, #tpu.memory_space<semaphore_mem>>) src(%arg6 : memref<128x64xf32, #tpu.memory_space<vmem>>) dst(%dma_wait3A_90 : memref<128x64xf32, #tpu.memory_space<vmem_shared>>)
      tpu.yield
    }) : () -> ()
    %barrier3A = arith.constant 0 : index
    tpu.barrier barrier_id(%barrier3A)
    %dma_start3A = arith.constant 0 : i32
    %dma_start3A_31 = tpu.memref_slice %arg18[%dma_start3A] : memref<10240xi32, #tpu.memory_space<vmem>> -> memref<128xi32, #tpu.memory_space<vmem>>
    %dma_start3A_32 = arith.constant 0 : i32
    %dma_start3A_33 = arith.constant 0 : i32
    %dma_start3A_34 = tpu.memref_slice %arg2[%dma_start3A_32, %dma_start3A_33] : memref<10240x64xf32, #tpu.memory_space<hbm>> -> memref<10240x64xf32, #tpu.memory_space<hbm>>
    tpu.enqueue_indirect_dma source(%dma_start3A_34 : memref<10240x64xf32, #tpu.memory_space<hbm>>) target(%arg6 : memref<128x64xf32, #tpu.memory_space<vmem>>) offsets(%dma_start3A_31 : memref<128xi32, #tpu.memory_space<vmem>>) semaphore(%arg10 : memref<!tpu.dma_semaphore, #tpu.memory_space<semaphore_mem>>)
    %dma_start3A_35 = arith.constant 128 : i32
    %dma_start3A_36 = tpu.memref_slice %arg18[%dma_start3A_35] : memref<10240xi32, #tpu.memory_space<vmem>> -> memref<128xi32, #tpu.memory_space<vmem>>
    %dma_start3A_37 = arith.constant 0 : i32
    %dma_start3A_38 = arith.constant 0 : i32
    %dma_start3A_39 = tpu.memref_slice %arg2[%dma_start3A_37, %dma_start3A_38] : memref<10240x64xf32, #tpu.memory_space<hbm>> -> memref<10240x64xf32, #tpu.memory_space<hbm>>
    tpu.enqueue_indirect_dma source(%dma_start3A_39 : memref<10240x64xf32, #tpu.memory_space<hbm>>) target(%arg7 : memref<128x64xf32, #tpu.memory_space<vmem>>) offsets(%dma_start3A_36 : memref<128xi32, #tpu.memory_space<vmem>>) semaphore(%arg11 : memref<!tpu.dma_semaphore, #tpu.memory_space<semaphore_mem>>)
    %scan3A_40 = arith.constant 0 : i32
    %scan3A_41 = arith.constant 0 : i32
    %scan3A_42 = arith.constant 20 : i32
    %scan3A_43 = arith.addi %scan3A_41, %scan3A_42 : i32
    %scan3A_44 = arith.constant 1 : i32
    %scan3A_45 = scf.for %scan3A_83 = %scan3A_41 to %scan3A_43 step %scan3A_44 iter_args(%scan3A_84 = %scan3A_40) -> (i32)  : i32 {
      %mul3A_85 = arith.constant 4 : i32
      %mul3A_86 = arith.muli %scan3A_83, %mul3A_85 : i32
      %add3A_87 = arith.constant 0 : i32
      %add3A_88 = arith.addi %mul3A_86, %add3A_87 : i32
      %mul3A_89 = arith.constant 128 : i32
      %mul3A_90 = arith.muli %add3A_88, %mul3A_89 : i32
      %dma_wait3A_91 = tpu.memref_slice %arg18[%mul3A_90] : memref<10240xi32, #tpu.memory_space<vmem>> -> memref<128xi32, #tpu.memory_space<vmem>>
      %dma_wait3A_92 = arith.constant 0 : i32
      %dma_wait3A_93 = arith.constant 0 : i32
      %dma_wait3A_94 = tpu.memref_slice %arg2[%dma_wait3A_92, %dma_wait3A_93] : memref<10240x64xf32, #tpu.memory_space<hbm>> -> memref<10240x64xf32, #tpu.memory_space<hbm>>
      tpu.wait_indirect_dma semaphore(%arg10 : memref<!tpu.dma_semaphore, #tpu.memory_space<semaphore_mem>>) src(%dma_wait3A_94 : memref<10240x64xf32, #tpu.memory_space<hbm>>) dst(%arg6 : memref<128x64xf32, #tpu.memory_space<vmem>>)
      %dma_start3A_95 = arith.constant 0 : i32
      %dma_start3A_96 = arith.constant 0 : i32
      %dma_start3A_97 = tpu.memref_slice %arg19[%add3A_88, %dma_start3A_95, %dma_start3A_96] : memref<80x1x128xi32, #tpu.memory_space<vmem>> -> memref<1x1x128xi32, #tpu.memory_space<vmem>>
      %dma_start3A_98 = tpu.memref_squeeze %dma_start3A_97 : memref<1x1x128xi32, #tpu.memory_space<vmem>> -> memref<128xi32, #tpu.memory_space<vmem>>
      %dma_start3A_99 = arith.constant 0 : i32
      %dma_start3A_100 = arith.constant 0 : i32
      %dma_start3A_101 = tpu.memref_slice %arg20[%dma_start3A_99, %dma_start3A_100] : memref<10240x64xf32, #tpu.memory_space<vmem_shared>> -> memref<10240x64xf32, #tpu.memory_space<vmem_shared>>
      tpu.enqueue_indirect_dma source(%arg6 : memref<128x64xf32, #tpu.memory_space<vmem>>) target(%dma_start3A_101 : memref<10240x64xf32, #tpu.memory_space<vmem_shared>>) offsets(%dma_start3A_98 : memref<128xi32, #tpu.memory_space<vmem>>) semaphore(%arg14 : memref<!tpu.dma_semaphore, #tpu.memory_space<semaphore_mem>>) {add = true}
      %add3A_102 = arith.constant 2 : i32
      %add3A_103 = arith.addi %add3A_88, %add3A_102 : i32
      %lt3A = arith.constant 80 : i32
      %lt3A_104 = arith.cmpi slt, %add3A_103, %lt3A : i32
      %convert_element_type3A = arith.extui %lt3A_104 : i1 to i32
      %cond3A = arith.constant 0 : i32
      %cond3A_105 = arith.cmpi ne, %convert_element_type3A, %cond3A : i32
      scf.if %cond3A_105 {
        %add3A_179 = arith.constant 2 : i32
        %add3A_180 = arith.addi %add3A_88, %add3A_179 : i32
        %ge3A = arith.constant 4 : i32
        %ge3A_181 = arith.cmpi sge, %add3A_180, %ge3A : i32
        %convert_element_type3A_182 = arith.extui %ge3A_181 : i1 to i32
        %cond3A_183 = arith.constant 0 : i32
        %cond3A_184 = arith.cmpi ne, %convert_element_type3A_182, %cond3A_183 : i32
        scf.if %cond3A_184 {
          %add3A_193 = arith.constant 2 : i32
          %add3A_194 = arith.addi %add3A_88, %add3A_193 : i32
          %sub3A = arith.constant 4 : i32
          %sub3A_195 = arith.subi %add3A_194, %sub3A : i32
          %dma_wait3A_196 = arith.constant 0 : i32
          %dma_wait3A_197 = arith.constant 0 : i32
          %dma_wait3A_198 = tpu.memref_slice %arg19[%sub3A_195, %dma_wait3A_196, %dma_wait3A_197] : memref<80x1x128xi32, #tpu.memory_space<vmem>> -> memref<1x1x128xi32, #tpu.memory_space<vmem>>
          %dma_wait3A_199 = tpu.memref_squeeze %dma_wait3A_198 : memref<1x1x128xi32, #tpu.memory_space<vmem>> -> memref<128xi32, #tpu.memory_space<vmem>>
          %dma_wait3A_200 = arith.constant 0 : i32
          %dma_wait3A_201 = arith.constant 0 : i32
          %dma_wait3A_202 = tpu.memref_slice %arg20[%dma_wait3A_200, %dma_wait3A_201] : memref<10240x64xf32, #tpu.memory_space<vmem_shared>> -> memref<10240x64xf32, #tpu.memory_space<vmem_shared>>
          tpu.wait_indirect_dma semaphore(%arg16 : memref<!tpu.dma_semaphore, #tpu.memory_space<semaphore_mem>>) src(%arg8 : memref<128x64xf32, #tpu.memory_space<vmem>>) dst(%dma_wait3A_202 : memref<10240x64xf32, #tpu.memory_space<vmem_shared>>)
        } else {
        }
        %add3A_185 = arith.constant 2 : i32
        %add3A_186 = arith.addi %add3A_88, %add3A_185 : i32
        %mul3A_187 = arith.constant 128 : i32
        %mul3A_188 = arith.muli %add3A_186, %mul3A_187 : i32
        %dma_start3A_189 = tpu.memref_slice %arg18[%mul3A_188] : memref<10240xi32, #tpu.memory_space<vmem>> -> memref<128xi32, #tpu.memory_space<vmem>>
        %dma_start3A_190 = arith.constant 0 : i32
        %dma_start3A_191 = arith.constant 0 : i32
        %dma_start3A_192 = tpu.memref_slice %arg2[%dma_start3A_190, %dma_start3A_191] : memref<10240x64xf32, #tpu.memory_space<hbm>> -> memref<10240x64xf32, #tpu.memory_space<hbm>>
        tpu.enqueue_indirect_dma source(%dma_start3A_192 : memref<10240x64xf32, #tpu.memory_space<hbm>>) target(%arg8 : memref<128x64xf32, #tpu.memory_space<vmem>>) offsets(%dma_start3A_189 : memref<128xi32, #tpu.memory_space<vmem>>) semaphore(%arg12 : memref<!tpu.dma_semaphore, #tpu.memory_space<semaphore_mem>>)
      } else {
      }
      %mul3A_106 = arith.constant 4 : i32
      %mul3A_107 = arith.muli %scan3A_83, %mul3A_106 : i32
      %add3A_108 = arith.constant 1 : i32
      %add3A_109 = arith.addi %mul3A_107, %add3A_108 : i32
      %mul3A_110 = arith.constant 128 : i32
      %mul3A_111 = arith.muli %add3A_109, %mul3A_110 : i32
      %dma_wait3A_112 = tpu.memref_slice %arg18[%mul3A_111] : memref<10240xi32, #tpu.memory_space<vmem>> -> memref<128xi32, #tpu.memory_space<vmem>>
      %dma_wait3A_113 = arith.constant 0 : i32
      %dma_wait3A_114 = arith.constant 0 : i32
      %dma_wait3A_115 = tpu.memref_slice %arg2[%dma_wait3A_113, %dma_wait3A_114] : memref<10240x64xf32, #tpu.memory_space<hbm>> -> memref<10240x64xf32, #tpu.memory_space<hbm>>
      tpu.wait_indirect_dma semaphore(%arg11 : memref<!tpu.dma_semaphore, #tpu.memory_space<semaphore_mem>>) src(%dma_wait3A_115 : memref<10240x64xf32, #tpu.memory_space<hbm>>) dst(%arg7 : memref<128x64xf32, #tpu.memory_space<vmem>>)
      %dma_start3A_116 = arith.constant 0 : i32
      %dma_start3A_117 = arith.constant 0 : i32
      %dma_start3A_118 = tpu.memref_slice %arg19[%add3A_109, %dma_start3A_116, %dma_start3A_117] : memref<80x1x128xi32, #tpu.memory_space<vmem>> -> memref<1x1x128xi32, #tpu.memory_space<vmem>>
      %dma_start3A_119 = tpu.memref_squeeze %dma_start3A_118 : memref<1x1x128xi32, #tpu.memory_space<vmem>> -> memref<128xi32, #tpu.memory_space<vmem>>
      %dma_start3A_120 = arith.constant 0 : i32
      %dma_start3A_121 = arith.constant 0 : i32
      %dma_start3A_122 = tpu.memref_slice %arg20[%dma_start3A_120, %dma_start3A_121] : memref<10240x64xf32, #tpu.memory_space<vmem_shared>> -> memref<10240x64xf32, #tpu.memory_space<vmem_shared>>
      tpu.enqueue_indirect_dma source(%arg7 : memref<128x64xf32, #tpu.memory_space<vmem>>) target(%dma_start3A_122 : memref<10240x64xf32, #tpu.memory_space<vmem_shared>>) offsets(%dma_start3A_119 : memref<128xi32, #tpu.memory_space<vmem>>) semaphore(%arg15 : memref<!tpu.dma_semaphore, #tpu.memory_space<semaphore_mem>>) {add = true}
      %add3A_123 = arith.constant 2 : i32
      %add3A_124 = arith.addi %add3A_109, %add3A_123 : i32
      %lt3A_125 = arith.constant 80 : i32
      %lt3A_126 = arith.cmpi slt, %add3A_124, %lt3A_125 : i32
      %convert_element_type3A_127 = arith.extui %lt3A_126 : i1 to i32
      %cond3A_128 = arith.constant 0 : i32
      %cond3A_129 = arith.cmpi ne, %convert_element_type3A_127, %cond3A_128 : i32
      scf.if %cond3A_129 {
        %add3A_179 = arith.constant 2 : i32
        %add3A_180 = arith.addi %add3A_109, %add3A_179 : i32
        %ge3A = arith.constant 4 : i32
        %ge3A_181 = arith.cmpi sge, %add3A_180, %ge3A : i32
        %convert_element_type3A_182 = arith.extui %ge3A_181 : i1 to i32
        %cond3A_183 = arith.constant 0 : i32
        %cond3A_184 = arith.cmpi ne, %convert_element_type3A_182, %cond3A_183 : i32
        scf.if %cond3A_184 {
          %add3A_193 = arith.constant 2 : i32
          %add3A_194 = arith.addi %add3A_109, %add3A_193 : i32
          %sub3A = arith.constant 4 : i32
          %sub3A_195 = arith.subi %add3A_194, %sub3A : i32
          %dma_wait3A_196 = arith.constant 0 : i32
          %dma_wait3A_197 = arith.constant 0 : i32
          %dma_wait3A_198 = tpu.memref_slice %arg19[%sub3A_195, %dma_wait3A_196, %dma_wait3A_197] : memref<80x1x128xi32, #tpu.memory_space<vmem>> -> memref<1x1x128xi32, #tpu.memory_space<vmem>>
          %dma_wait3A_199 = tpu.memref_squeeze %dma_wait3A_198 : memref<1x1x128xi32, #tpu.memory_space<vmem>> -> memref<128xi32, #tpu.memory_space<vmem>>
          %dma_wait3A_200 = arith.constant 0 : i32
          %dma_wait3A_201 = arith.constant 0 : i32
          %dma_wait3A_202 = tpu.memref_slice %arg20[%dma_wait3A_200, %dma_wait3A_201] : memref<10240x64xf32, #tpu.memory_space<vmem_shared>> -> memref<10240x64xf32, #tpu.memory_space<vmem_shared>>
          tpu.wait_indirect_dma semaphore(%arg17 : memref<!tpu.dma_semaphore, #tpu.memory_space<semaphore_mem>>) src(%arg9 : memref<128x64xf32, #tpu.memory_space<vmem>>) dst(%dma_wait3A_202 : memref<10240x64xf32, #tpu.memory_space<vmem_shared>>)
        } else {
        }
        %add3A_185 = arith.constant 2 : i32
        %add3A_186 = arith.addi %add3A_109, %add3A_185 : i32
        %mul3A_187 = arith.constant 128 : i32
        %mul3A_188 = arith.muli %add3A_186, %mul3A_187 : i32
        %dma_start3A_189 = tpu.memref_slice %arg18[%mul3A_188] : memref<10240xi32, #tpu.memory_space<vmem>> -> memref<128xi32, #tpu.memory_space<vmem>>
        %dma_start3A_190 = arith.constant 0 : i32
        %dma_start3A_191 = arith.constant 0 : i32
        %dma_start3A_192 = tpu.memref_slice %arg2[%dma_start3A_190, %dma_start3A_191] : memref<10240x64xf32, #tpu.memory_space<hbm>> -> memref<10240x64xf32, #tpu.memory_space<hbm>>
        tpu.enqueue_indirect_dma source(%dma_start3A_192 : memref<10240x64xf32, #tpu.memory_space<hbm>>) target(%arg9 : memref<128x64xf32, #tpu.memory_space<vmem>>) offsets(%dma_start3A_189 : memref<128xi32, #tpu.memory_space<vmem>>) semaphore(%arg13 : memref<!tpu.dma_semaphore, #tpu.memory_space<semaphore_mem>>)
      } else {
      }
      %mul3A_130 = arith.constant 4 : i32
      %mul3A_131 = arith.muli %scan3A_83, %mul3A_130 : i32
      %add3A_132 = arith.constant 2 : i32
      %add3A_133 = arith.addi %mul3A_131, %add3A_132 : i32
      %mul3A_134 = arith.constant 128 : i32
      %mul3A_135 = arith.muli %add3A_133, %mul3A_134 : i32
      %dma_wait3A_136 = tpu.memref_slice %arg18[%mul3A_135] : memref<10240xi32, #tpu.memory_space<vmem>> -> memref<128xi32, #tpu.memory_space<vmem>>
      %dma_wait3A_137 = arith.constant 0 : i32
      %dma_wait3A_138 = arith.constant 0 : i32
      %dma_wait3A_139 = tpu.memref_slice %arg2[%dma_wait3A_137, %dma_wait3A_138] : memref<10240x64xf32, #tpu.memory_space<hbm>> -> memref<10240x64xf32, #tpu.memory_space<hbm>>
      tpu.wait_indirect_dma semaphore(%arg12 : memref<!tpu.dma_semaphore, #tpu.memory_space<semaphore_mem>>) src(%dma_wait3A_139 : memref<10240x64xf32, #tpu.memory_space<hbm>>) dst(%arg8 : memref<128x64xf32, #tpu.memory_space<vmem>>)
      %dma_start3A_140 = arith.constant 0 : i32
      %dma_start3A_141 = arith.constant 0 : i32
      %dma_start3A_142 = tpu.memref_slice %arg19[%add3A_133, %dma_start3A_140, %dma_start3A_141] : memref<80x1x128xi32, #tpu.memory_space<vmem>> -> memref<1x1x128xi32, #tpu.memory_space<vmem>>
      %dma_start3A_143 = tpu.memref_squeeze %dma_start3A_142 : memref<1x1x128xi32, #tpu.memory_space<vmem>> -> memref<128xi32, #tpu.memory_space<vmem>>
      %dma_start3A_144 = arith.constant 0 : i32
      %dma_start3A_145 = arith.constant 0 : i32
      %dma_start3A_146 = tpu.memref_slice %arg20[%dma_start3A_144, %dma_start3A_145] : memref<10240x64xf32, #tpu.memory_space<vmem_shared>> -> memref<10240x64xf32, #tpu.memory_space<vmem_shared>>
      tpu.enqueue_indirect_dma source(%arg8 : memref<128x64xf32, #tpu.memory_space<vmem>>) target(%dma_start3A_146 : memref<10240x64xf32, #tpu.memory_space<vmem_shared>>) offsets(%dma_start3A_143 : memref<128xi32, #tpu.memory_space<vmem>>) semaphore(%arg16 : memref<!tpu.dma_semaphore, #tpu.memory_space<semaphore_mem>>) {add = true}
      %add3A_147 = arith.constant 2 : i32
      %add3A_148 = arith.addi %add3A_133, %add3A_147 : i32
      %lt3A_149 = arith.constant 80 : i32
      %lt3A_150 = arith.cmpi slt, %add3A_148, %lt3A_149 : i32
      %convert_element_type3A_151 = arith.extui %lt3A_150 : i1 to i32
      %cond3A_152 = arith.constant 0 : i32
      %cond3A_153 = arith.cmpi ne, %convert_element_type3A_151, %cond3A_152 : i32
      scf.if %cond3A_153 {
        %add3A_179 = arith.constant 2 : i32
        %add3A_180 = arith.addi %add3A_133, %add3A_179 : i32
        %ge3A = arith.constant 4 : i32
        %ge3A_181 = arith.cmpi sge, %add3A_180, %ge3A : i32
        %convert_element_type3A_182 = arith.extui %ge3A_181 : i1 to i32
        %cond3A_183 = arith.constant 0 : i32
        %cond3A_184 = arith.cmpi ne, %convert_element_type3A_182, %cond3A_183 : i32
        scf.if %cond3A_184 {
          %add3A_193 = arith.constant 2 : i32
          %add3A_194 = arith.addi %add3A_133, %add3A_193 : i32
          %sub3A = arith.constant 4 : i32
          %sub3A_195 = arith.subi %add3A_194, %sub3A : i32
          %dma_wait3A_196 = arith.constant 0 : i32
          %dma_wait3A_197 = arith.constant 0 : i32
          %dma_wait3A_198 = tpu.memref_slice %arg19[%sub3A_195, %dma_wait3A_196, %dma_wait3A_197] : memref<80x1x128xi32, #tpu.memory_space<vmem>> -> memref<1x1x128xi32, #tpu.memory_space<vmem>>
          %dma_wait3A_199 = tpu.memref_squeeze %dma_wait3A_198 : memref<1x1x128xi32, #tpu.memory_space<vmem>> -> memref<128xi32, #tpu.memory_space<vmem>>
          %dma_wait3A_200 = arith.constant 0 : i32
          %dma_wait3A_201 = arith.constant 0 : i32
          %dma_wait3A_202 = tpu.memref_slice %arg20[%dma_wait3A_200, %dma_wait3A_201] : memref<10240x64xf32, #tpu.memory_space<vmem_shared>> -> memref<10240x64xf32, #tpu.memory_space<vmem_shared>>
          tpu.wait_indirect_dma semaphore(%arg14 : memref<!tpu.dma_semaphore, #tpu.memory_space<semaphore_mem>>) src(%arg6 : memref<128x64xf32, #tpu.memory_space<vmem>>) dst(%dma_wait3A_202 : memref<10240x64xf32, #tpu.memory_space<vmem_shared>>)
        } else {
        }
        %add3A_185 = arith.constant 2 : i32
        %add3A_186 = arith.addi %add3A_133, %add3A_185 : i32
        %mul3A_187 = arith.constant 128 : i32
        %mul3A_188 = arith.muli %add3A_186, %mul3A_187 : i32
        %dma_start3A_189 = tpu.memref_slice %arg18[%mul3A_188] : memref<10240xi32, #tpu.memory_space<vmem>> -> memref<128xi32, #tpu.memory_space<vmem>>
        %dma_start3A_190 = arith.constant 0 : i32
        %dma_start3A_191 = arith.constant 0 : i32
        %dma_start3A_192 = tpu.memref_slice %arg2[%dma_start3A_190, %dma_start3A_191] : memref<10240x64xf32, #tpu.memory_space<hbm>> -> memref<10240x64xf32, #tpu.memory_space<hbm>>
        tpu.enqueue_indirect_dma source(%dma_start3A_192 : memref<10240x64xf32, #tpu.memory_space<hbm>>) target(%arg6 : memref<128x64xf32, #tpu.memory_space<vmem>>) offsets(%dma_start3A_189 : memref<128xi32, #tpu.memory_space<vmem>>) semaphore(%arg10 : memref<!tpu.dma_semaphore, #tpu.memory_space<semaphore_mem>>)
      } else {
      }
      %mul3A_154 = arith.constant 4 : i32
      %mul3A_155 = arith.muli %scan3A_83, %mul3A_154 : i32
      %add3A_156 = arith.constant 3 : i32
      %add3A_157 = arith.addi %mul3A_155, %add3A_156 : i32
      %mul3A_158 = arith.constant 128 : i32
      %mul3A_159 = arith.muli %add3A_157, %mul3A_158 : i32
      %dma_wait3A_160 = tpu.memref_slice %arg18[%mul3A_159] : memref<10240xi32, #tpu.memory_space<vmem>> -> memref<128xi32, #tpu.memory_space<vmem>>
      %dma_wait3A_161 = arith.constant 0 : i32
      %dma_wait3A_162 = arith.constant 0 : i32
      %dma_wait3A_163 = tpu.memref_slice %arg2[%dma_wait3A_161, %dma_wait3A_162] : memref<10240x64xf32, #tpu.memory_space<hbm>> -> memref<10240x64xf32, #tpu.memory_space<hbm>>
      tpu.wait_indirect_dma semaphore(%arg13 : memref<!tpu.dma_semaphore, #tpu.memory_space<semaphore_mem>>) src(%dma_wait3A_163 : memref<10240x64xf32, #tpu.memory_space<hbm>>) dst(%arg9 : memref<128x64xf32, #tpu.memory_space<vmem>>)
      %dma_start3A_164 = arith.constant 0 : i32
      %dma_start3A_165 = arith.constant 0 : i32
      %dma_start3A_166 = tpu.memref_slice %arg19[%add3A_157, %dma_start3A_164, %dma_start3A_165] : memref<80x1x128xi32, #tpu.memory_space<vmem>> -> memref<1x1x128xi32, #tpu.memory_space<vmem>>
      %dma_start3A_167 = tpu.memref_squeeze %dma_start3A_166 : memref<1x1x128xi32, #tpu.memory_space<vmem>> -> memref<128xi32, #tpu.memory_space<vmem>>
      %dma_start3A_168 = arith.constant 0 : i32
      %dma_start3A_169 = arith.constant 0 : i32
      %dma_start3A_170 = tpu.memref_slice %arg20[%dma_start3A_168, %dma_start3A_169] : memref<10240x64xf32, #tpu.memory_space<vmem_shared>> -> memref<10240x64xf32, #tpu.memory_space<vmem_shared>>
      tpu.enqueue_indirect_dma source(%arg9 : memref<128x64xf32, #tpu.memory_space<vmem>>) target(%dma_start3A_170 : memref<10240x64xf32, #tpu.memory_space<vmem_shared>>) offsets(%dma_start3A_167 : memref<128xi32, #tpu.memory_space<vmem>>) semaphore(%arg17 : memref<!tpu.dma_semaphore, #tpu.memory_space<semaphore_mem>>) {add = true}
      %add3A_171 = arith.constant 2 : i32
      %add3A_172 = arith.addi %add3A_157, %add3A_171 : i32
      %lt3A_173 = arith.constant 80 : i32
      %lt3A_174 = arith.cmpi slt, %add3A_172, %lt3A_173 : i32
      %convert_element_type3A_175 = arith.extui %lt3A_174 : i1 to i32
      %cond3A_176 = arith.constant 0 : i32
      %cond3A_177 = arith.cmpi ne, %convert_element_type3A_175, %cond3A_176 : i32
      scf.if %cond3A_177 {
        %add3A_179 = arith.constant 2 : i32
        %add3A_180 = arith.addi %add3A_157, %add3A_179 : i32
        %ge3A = arith.constant 4 : i32
        %ge3A_181 = arith.cmpi sge, %add3A_180, %ge3A : i32
        %convert_element_type3A_182 = arith.extui %ge3A_181 : i1 to i32
        %cond3A_183 = arith.constant 0 : i32
        %cond3A_184 = arith.cmpi ne, %convert_element_type3A_182, %cond3A_183 : i32
        scf.if %cond3A_184 {
          %add3A_193 = arith.constant 2 : i32
          %add3A_194 = arith.addi %add3A_157, %add3A_193 : i32
          %sub3A = arith.constant 4 : i32
          %sub3A_195 = arith.subi %add3A_194, %sub3A : i32
          %dma_wait3A_196 = arith.constant 0 : i32
          %dma_wait3A_197 = arith.constant 0 : i32
          %dma_wait3A_198 = tpu.memref_slice %arg19[%sub3A_195, %dma_wait3A_196, %dma_wait3A_197] : memref<80x1x128xi32, #tpu.memory_space<vmem>> -> memref<1x1x128xi32, #tpu.memory_space<vmem>>
          %dma_wait3A_199 = tpu.memref_squeeze %dma_wait3A_198 : memref<1x1x128xi32, #tpu.memory_space<vmem>> -> memref<128xi32, #tpu.memory_space<vmem>>
          %dma_wait3A_200 = arith.constant 0 : i32
          %dma_wait3A_201 = arith.constant 0 : i32
          %dma_wait3A_202 = tpu.memref_slice %arg20[%dma_wait3A_200, %dma_wait3A_201] : memref<10240x64xf32, #tpu.memory_space<vmem_shared>> -> memref<10240x64xf32, #tpu.memory_space<vmem_shared>>
          tpu.wait_indirect_dma semaphore(%arg15 : memref<!tpu.dma_semaphore, #tpu.memory_space<semaphore_mem>>) src(%arg7 : memref<128x64xf32, #tpu.memory_space<vmem>>) dst(%dma_wait3A_202 : memref<10240x64xf32, #tpu.memory_space<vmem_shared>>)
        } else {
        }
        %add3A_185 = arith.constant 2 : i32
        %add3A_186 = arith.addi %add3A_157, %add3A_185 : i32
        %mul3A_187 = arith.constant 128 : i32
        %mul3A_188 = arith.muli %add3A_186, %mul3A_187 : i32
        %dma_start3A_189 = tpu.memref_slice %arg18[%mul3A_188] : memref<10240xi32, #tpu.memory_space<vmem>> -> memref<128xi32, #tpu.memory_space<vmem>>
        %dma_start3A_190 = arith.constant 0 : i32
        %dma_start3A_191 = arith.constant 0 : i32
        %dma_start3A_192 = tpu.memref_slice %arg2[%dma_start3A_190, %dma_start3A_191] : memref<10240x64xf32, #tpu.memory_space<hbm>> -> memref<10240x64xf32, #tpu.memory_space<hbm>>
        tpu.enqueue_indirect_dma source(%dma_start3A_192 : memref<10240x64xf32, #tpu.memory_space<hbm>>) target(%arg7 : memref<128x64xf32, #tpu.memory_space<vmem>>) offsets(%dma_start3A_189 : memref<128xi32, #tpu.memory_space<vmem>>) semaphore(%arg11 : memref<!tpu.dma_semaphore, #tpu.memory_space<semaphore_mem>>)
      } else {
      }
      %scan3A_178 = arith.constant 0 : i32
      scf.yield %scan3A_178 : i32
    }
    %scan3A_46 = arith.constant 20 : i32
    %dma_wait3A = arith.constant 76 : i32
    %dma_wait3A_47 = arith.constant 0 : i32
    %dma_wait3A_48 = arith.constant 0 : i32
    %dma_wait3A_49 = tpu.memref_slice %arg19[%dma_wait3A, %dma_wait3A_47, %dma_wait3A_48] : memref<80x1x128xi32, #tpu.memory_space<vmem>> -> memref<1x1x128xi32, #tpu.memory_space<vmem>>
    %dma_wait3A_50 = tpu.memref_squeeze %dma_wait3A_49 : memref<1x1x128xi32, #tpu.memory_space<vmem>> -> memref<128xi32, #tpu.memory_space<vmem>>
    %dma_wait3A_51 = arith.constant 0 : i32
    %dma_wait3A_52 = arith.constant 0 : i32
    %dma_wait3A_53 = tpu.memref_slice %arg20[%dma_wait3A_51, %dma_wait3A_52] : memref<10240x64xf32, #tpu.memory_space<vmem_shared>> -> memref<10240x64xf32, #tpu.memory_space<vmem_shared>>
    tpu.wait_indirect_dma semaphore(%arg14 : memref<!tpu.dma_semaphore, #tpu.memory_space<semaphore_mem>>) src(%arg6 : memref<128x64xf32, #tpu.memory_space<vmem>>) dst(%dma_wait3A_53 : memref<10240x64xf32, #tpu.memory_space<vmem_shared>>)
    %dma_wait3A_54 = arith.constant 77 : i32
    %dma_wait3A_55 = arith.constant 0 : i32
    %dma_wait3A_56 = arith.constant 0 : i32
    %dma_wait3A_57 = tpu.memref_slice %arg19[%dma_wait3A_54, %dma_wait3A_55, %dma_wait3A_56] : memref<80x1x128xi32, #tpu.memory_space<vmem>> -> memref<1x1x128xi32, #tpu.memory_space<vmem>>
    %dma_wait3A_58 = tpu.memref_squeeze %dma_wait3A_57 : memref<1x1x128xi32, #tpu.memory_space<vmem>> -> memref<128xi32, #tpu.memory_space<vmem>>
    %dma_wait3A_59 = arith.constant 0 : i32
    %dma_wait3A_60 = arith.constant 0 : i32
    %dma_wait3A_61 = tpu.memref_slice %arg20[%dma_wait3A_59, %dma_wait3A_60] : memref<10240x64xf32, #tpu.memory_space<vmem_shared>> -> memref<10240x64xf32, #tpu.memory_space<vmem_shared>>
    tpu.wait_indirect_dma semaphore(%arg15 : memref<!tpu.dma_semaphore, #tpu.memory_space<semaphore_mem>>) src(%arg7 : memref<128x64xf32, #tpu.memory_space<vmem>>) dst(%dma_wait3A_61 : memref<10240x64xf32, #tpu.memory_space<vmem_shared>>)
    %dma_wait3A_62 = arith.constant 78 : i32
    %dma_wait3A_63 = arith.constant 0 : i32
    %dma_wait3A_64 = arith.constant 0 : i32
    %dma_wait3A_65 = tpu.memref_slice %arg19[%dma_wait3A_62, %dma_wait3A_63, %dma_wait3A_64] : memref<80x1x128xi32, #tpu.memory_space<vmem>> -> memref<1x1x128xi32, #tpu.memory_space<vmem>>
    %dma_wait3A_66 = tpu.memref_squeeze %dma_wait3A_65 : memref<1x1x128xi32, #tpu.memory_space<vmem>> -> memref<128xi32, #tpu.memory_space<vmem>>
    %dma_wait3A_67 = arith.constant 0 : i32
    %dma_wait3A_68 = arith.constant 0 : i32
    %dma_wait3A_69 = tpu.memref_slice %arg20[%dma_wait3A_67, %dma_wait3A_68] : memref<10240x64xf32, #tpu.memory_space<vmem_shared>> -> memref<10240x64xf32, #tpu.memory_space<vmem_shared>>
    tpu.wait_indirect_dma semaphore(%arg16 : memref<!tpu.dma_semaphore, #tpu.memory_space<semaphore_mem>>) src(%arg8 : memref<128x64xf32, #tpu.memory_space<vmem>>) dst(%dma_wait3A_69 : memref<10240x64xf32, #tpu.memory_space<vmem_shared>>)
    %dma_wait3A_70 = arith.constant 79 : i32
    %dma_wait3A_71 = arith.constant 0 : i32
    %dma_wait3A_72 = arith.constant 0 : i32
    %dma_wait3A_73 = tpu.memref_slice %arg19[%dma_wait3A_70, %dma_wait3A_71, %dma_wait3A_72] : memref<80x1x128xi32, #tpu.memory_space<vmem>> -> memref<1x1x128xi32, #tpu.memory_space<vmem>>
    %dma_wait3A_74 = tpu.memref_squeeze %dma_wait3A_73 : memref<1x1x128xi32, #tpu.memory_space<vmem>> -> memref<128xi32, #tpu.memory_space<vmem>>
    %dma_wait3A_75 = arith.constant 0 : i32
    %dma_wait3A_76 = arith.constant 0 : i32
    %dma_wait3A_77 = tpu.memref_slice %arg20[%dma_wait3A_75, %dma_wait3A_76] : memref<10240x64xf32, #tpu.memory_space<vmem_shared>> -> memref<10240x64xf32, #tpu.memory_space<vmem_shared>>
    tpu.wait_indirect_dma semaphore(%arg17 : memref<!tpu.dma_semaphore, #tpu.memory_space<semaphore_mem>>) src(%arg9 : memref<128x64xf32, #tpu.memory_space<vmem>>) dst(%dma_wait3A_77 : memref<10240x64xf32, #tpu.memory_space<vmem_shared>>)
    %barrier3A_78 = arith.constant 0 : index
    tpu.barrier barrier_id(%barrier3A_78)
    %mul3A_79 = arith.constant 640 : i32
    %mul3A_80 = arith.muli %arg1, %mul3A_79 : i32
    %mul3A_81 = arith.constant 640 : i32
    %mul3A_82 = arith.muli %arg1, %mul3A_81 : i32
    "tpu.region"() ({
      %run_scoped3A = tpu.sem_alloc : memref<!tpu.dma_semaphore, #tpu.memory_space<semaphore_mem>>
      %dma_start3A_83 = arith.constant 0 : i32
      %dma_start3A_84 = tpu.memref_slice %arg5[%arg0, %mul3A_82, %dma_start3A_83] : memref<2x10240x64xf32, #tpu.memory_space<hbm>> -> memref<1x640x64xf32, #tpu.memory_space<hbm>>
      %dma_start3A_85 = tpu.memref_squeeze %dma_start3A_84 : memref<1x640x64xf32, #tpu.memory_space<hbm>> -> memref<640x64xf32, #tpu.memory_space<hbm>>
      %dma_start3A_86 = arith.constant 0 : i32
      %dma_start3A_87 = tpu.memref_slice %arg20[%mul3A_80, %dma_start3A_86] : memref<10240x64xf32, #tpu.memory_space<vmem_shared>> -> memref<640x64xf32, #tpu.memory_space<vmem_shared>>
      tpu.enqueue_dma source(%dma_start3A_87 : memref<640x64xf32, #tpu.memory_space<vmem_shared>>) target(%dma_start3A_85 : memref<640x64xf32, #tpu.memory_space<hbm>>) target_semaphore(%run_scoped3A : memref<!tpu.dma_semaphore, #tpu.memory_space<semaphore_mem>>)
      %dma_wait3A_88 = arith.constant 0 : i32
      %dma_wait3A_89 = tpu.memref_slice %arg5[%arg0, %mul3A_82, %dma_wait3A_88] : memref<2x10240x64xf32, #tpu.memory_space<hbm>> -> memref<1x640x64xf32, #tpu.memory_space<hbm>>
      %dma_wait3A_90 = tpu.memref_squeeze %dma_wait3A_89 : memref<1x640x64xf32, #tpu.memory_space<hbm>> -> memref<640x64xf32, #tpu.memory_space<hbm>>
      %dma_wait3A_91 = arith.constant 0 : i32
      %dma_wait3A_92 = tpu.memref_slice %arg20[%mul3A_80, %dma_wait3A_91] : memref<10240x64xf32, #tpu.memory_space<vmem_shared>> -> memref<640x64xf32, #tpu.memory_space<vmem_shared>>
      tpu.wait_dma2 semaphore(%run_scoped3A : memref<!tpu.dma_semaphore, #tpu.memory_space<semaphore_mem>>) src(%dma_wait3A_92 : memref<640x64xf32, #tpu.memory_space<vmem_shared>>) dst(%dma_wait3A_90 : memref<640x64xf32, #tpu.memory_space<hbm>>)
      tpu.yield
    }) : () -> ()
    return
  }
}

#map = affine_map<(d0, d1) -> (0, 0)>
#map1 = affine_map<(d0, d1) -> (0)>
#map2 = affine_map<(d0, d1) -> (0, 0, 0)>
module attributes {stable_mosaic.version = 14 : i64} {
  func.func @sc_edge_agg(%arg0: i32, %arg1: i32, %arg2: memref<10240x64xf32, #tpu.memory_space<hbm>>, %arg3: memref<327680xi32, #tpu.memory_space<hbm>>, %arg4: memref<2560x1x128xi32, #tpu.memory_space<hbm>>, %arg5: memref<2x10240x64xf32, #tpu.memory_space<hbm>>, %arg6: memref<128x64xf32, #tpu.memory_space<vmem>>, %arg7: memref<128x64xf32, #tpu.memory_space<vmem>>, %arg8: memref<128x64xf32, #tpu.memory_space<vmem>>, %arg9: memref<128x64xf32, #tpu.memory_space<vmem>>, %arg10: memref<!tpu.dma_semaphore, #tpu.memory_space<semaphore_mem>>, %arg11: memref<!tpu.dma_semaphore, #tpu.memory_space<semaphore_mem>>, %arg12: memref<!tpu.dma_semaphore, #tpu.memory_space<semaphore_mem>>, %arg13: memref<!tpu.dma_semaphore, #tpu.memory_space<semaphore_mem>>, %arg14: memref<!tpu.dma_semaphore, #tpu.memory_space<semaphore_mem>>, %arg15: memref<!tpu.dma_semaphore, #tpu.memory_space<semaphore_mem>>, %arg16: memref<!tpu.dma_semaphore, #tpu.memory_space<semaphore_mem>>, %arg17: memref<!tpu.dma_semaphore, #tpu.memory_space<semaphore_mem>>, %arg18: memref<10240xi32, #tpu.memory_space<vmem>>, %arg19: memref<80x1x128xi32, #tpu.memory_space<vmem>>, %arg20: memref<10240x64xf32, #tpu.memory_space<vmem_shared>>) attributes {dimension_semantics = [#tpu.dimension_semantics<core_parallel>, #tpu.dimension_semantics<subcore_parallel>], iteration_bounds = array<i64: 2, 16>, scalar_prefetch = 0 : i64, scratch_operands = 15 : i64, tpu.core_type = #tpu.core_type<sc_vector_subcore>, window_params = [{transform_indices = #map}, {transform_indices = #map1}, {transform_indices = #map2}, {transform_indices = #map2}]} {
    %mul3A = arith.constant 2 : i32
    %mul3A_0 = arith.muli %arg1, %mul3A : i32
    %add3A = arith.addi %mul3A_0, %arg0 : i32
    %mul3A_1 = arith.constant 10240 : i32
    %mul3A_2 = arith.muli %add3A, %mul3A_1 : i32
    "tpu.region"() ({
      %run_scoped3A = tpu.sem_alloc : memref<!tpu.dma_semaphore, #tpu.memory_space<semaphore_mem>>
      %dma_start3A_83 = tpu.memref_slice %arg3[%mul3A_2] : memref<327680xi32, #tpu.memory_space<hbm>> -> memref<10240xi32, #tpu.memory_space<hbm>>
      %dma_start3A_84 = tpu.memref_slice %arg3[%mul3A_2] : memref<327680xi32, #tpu.memory_space<hbm>> -> memref<10240xi32, #tpu.memory_space<hbm>>
      tpu.enqueue_dma source(%dma_start3A_84 : memref<10240xi32, #tpu.memory_space<hbm>>) target(%arg18 : memref<10240xi32, #tpu.memory_space<vmem>>) target_semaphore(%run_scoped3A : memref<!tpu.dma_semaphore, #tpu.memory_space<semaphore_mem>>)
      %dma_wait3A_85 = tpu.memref_slice %arg3[%mul3A_2] : memref<327680xi32, #tpu.memory_space<hbm>> -> memref<10240xi32, #tpu.memory_space<hbm>>
      %dma_wait3A_86 = tpu.memref_slice %arg3[%mul3A_2] : memref<327680xi32, #tpu.memory_space<hbm>> -> memref<10240xi32, #tpu.memory_space<hbm>>
      tpu.wait_dma2 semaphore(%run_scoped3A : memref<!tpu.dma_semaphore, #tpu.memory_space<semaphore_mem>>) src(%dma_wait3A_86 : memref<10240xi32, #tpu.memory_space<hbm>>) dst(%arg18 : memref<10240xi32, #tpu.memory_space<vmem>>)
      tpu.yield
    }) : () -> ()
    %mul3A_3 = arith.constant 80 : i32
    %mul3A_4 = arith.muli %add3A, %mul3A_3 : i32
    "tpu.region"() ({
      %run_scoped3A = tpu.sem_alloc : memref<!tpu.dma_semaphore, #tpu.memory_space<semaphore_mem>>
      %dma_start3A_83 = arith.constant 0 : i32
      %dma_start3A_84 = arith.constant 0 : i32
      %dma_start3A_85 = tpu.memref_slice %arg4[%mul3A_4, %dma_start3A_83, %dma_start3A_84] : memref<2560x1x128xi32, #tpu.memory_space<hbm>> -> memref<80x1x128xi32, #tpu.memory_space<hbm>>
      %dma_start3A_86 = arith.constant 0 : i32
      %dma_start3A_87 = arith.constant 0 : i32
      %dma_start3A_88 = tpu.memref_slice %arg4[%mul3A_4, %dma_start3A_86, %dma_start3A_87] : memref<2560x1x128xi32, #tpu.memory_space<hbm>> -> memref<80x1x128xi32, #tpu.memory_space<hbm>>
      tpu.enqueue_dma source(%dma_start3A_88 : memref<80x1x128xi32, #tpu.memory_space<hbm>>) target(%arg19 : memref<80x1x128xi32, #tpu.memory_space<vmem>>) target_semaphore(%run_scoped3A : memref<!tpu.dma_semaphore, #tpu.memory_space<semaphore_mem>>)
      %dma_wait3A_89 = arith.constant 0 : i32
      %dma_wait3A_90 = arith.constant 0 : i32
      %dma_wait3A_91 = tpu.memref_slice %arg4[%mul3A_4, %dma_wait3A_89, %dma_wait3A_90] : memref<2560x1x128xi32, #tpu.memory_space<hbm>> -> memref<80x1x128xi32, #tpu.memory_space<hbm>>
      %dma_wait3A_92 = arith.constant 0 : i32
      %dma_wait3A_93 = arith.constant 0 : i32
      %dma_wait3A_94 = tpu.memref_slice %arg4[%mul3A_4, %dma_wait3A_92, %dma_wait3A_93] : memref<2560x1x128xi32, #tpu.memory_space<hbm>> -> memref<80x1x128xi32, #tpu.memory_space<hbm>>
      tpu.wait_dma2 semaphore(%run_scoped3A : memref<!tpu.dma_semaphore, #tpu.memory_space<semaphore_mem>>) src(%dma_wait3A_94 : memref<80x1x128xi32, #tpu.memory_space<hbm>>) dst(%arg19 : memref<80x1x128xi32, #tpu.memory_space<vmem>>)
      tpu.yield
    }) : () -> ()
    %scan3A = arith.constant 0 : i32
    %scan3A_5 = arith.constant 0 : i32
    %scan3A_6 = arith.constant 128 : i32
    %scan3A_7 = arith.addi %scan3A_5, %scan3A_6 : i32
    %scan3A_8 = arith.constant 1 : i32
    %scan3A_9 = scf.for %scan3A_83 = %scan3A_5 to %scan3A_7 step %scan3A_8 iter_args(%scan3A_84 = %scan3A) -> (i32)  : i32 {
      %broadcast_in_dim3A = arith.constant 0.000000e+00 : f32
      %broadcast_in_dim3A_85 = vector.broadcast %broadcast_in_dim3A : f32 to vector<16xf32>
      %swap3A = arith.index_cast %scan3A_83 : i32 to index
      %swap3A_86 = arith.constant 0 : index
      %swap3A_87 = tpu.vector_load %arg6[%swap3A, %swap3A_86] {strides = array<i32>} : memref<128x64xf32, #tpu.memory_space<vmem>>, vector<1x16xf32>,
      %swap3A_88 = vector.shape_cast %swap3A_87 : vector<1x16xf32> to vector<16xf32>
      %swap3A_89 = vector.shape_cast %broadcast_in_dim3A_85 : vector<16xf32> to vector<1x16xf32>
      tpu.vector_store %arg6[%swap3A, %swap3A_86], %swap3A_89 {strides = array<i32>} : memref<128x64xf32, #tpu.memory_space<vmem>>, vector<1x16xf32>,
      %broadcast_in_dim3A_90 = arith.constant 0.000000e+00 : f32
      %broadcast_in_dim3A_91 = vector.broadcast %broadcast_in_dim3A_90 : f32 to vector<16xf32>
      %swap3A_92 = arith.index_cast %scan3A_83 : i32 to index
      %swap3A_93 = arith.constant 16 : index
      %swap3A_94 = tpu.vector_load %arg6[%swap3A_92, %swap3A_93] {strides = array<i32>} : memref<128x64xf32, #tpu.memory_space<vmem>>, vector<1x16xf32>,
      %swap3A_95 = vector.shape_cast %swap3A_94 : vector<1x16xf32> to vector<16xf32>
      %swap3A_96 = vector.shape_cast %broadcast_in_dim3A_91 : vector<16xf32> to vector<1x16xf32>
      tpu.vector_store %arg6[%swap3A_92, %swap3A_93], %swap3A_96 {strides = array<i32>} : memref<128x64xf32, #tpu.memory_space<vmem>>, vector<1x16xf32>,
      %broadcast_in_dim3A_97 = arith.constant 0.000000e+00 : f32
      %broadcast_in_dim3A_98 = vector.broadcast %broadcast_in_dim3A_97 : f32 to vector<16xf32>
      %swap3A_99 = arith.index_cast %scan3A_83 : i32 to index
      %swap3A_100 = arith.constant 32 : index
      %swap3A_101 = tpu.vector_load %arg6[%swap3A_99, %swap3A_100] {strides = array<i32>} : memref<128x64xf32, #tpu.memory_space<vmem>>, vector<1x16xf32>,
      %swap3A_102 = vector.shape_cast %swap3A_101 : vector<1x16xf32> to vector<16xf32>
      %swap3A_103 = vector.shape_cast %broadcast_in_dim3A_98 : vector<16xf32> to vector<1x16xf32>
      tpu.vector_store %arg6[%swap3A_99, %swap3A_100], %swap3A_103 {strides = array<i32>} : memref<128x64xf32, #tpu.memory_space<vmem>>, vector<1x16xf32>,
      %broadcast_in_dim3A_104 = arith.constant 0.000000e+00 : f32
      %broadcast_in_dim3A_105 = vector.broadcast %broadcast_in_dim3A_104 : f32 to vector<16xf32>
      %swap3A_106 = arith.index_cast %scan3A_83 : i32 to index
      %swap3A_107 = arith.constant 48 : index
      %swap3A_108 = tpu.vector_load %arg6[%swap3A_106, %swap3A_107] {strides = array<i32>} : memref<128x64xf32, #tpu.memory_space<vmem>>, vector<1x16xf32>,
      %swap3A_109 = vector.shape_cast %swap3A_108 : vector<1x16xf32> to vector<16xf32>
      %swap3A_110 = vector.shape_cast %broadcast_in_dim3A_105 : vector<16xf32> to vector<1x16xf32>
      tpu.vector_store %arg6[%swap3A_106, %swap3A_107], %swap3A_110 {strides = array<i32>} : memref<128x64xf32, #tpu.memory_space<vmem>>, vector<1x16xf32>,
      %scan3A_111 = arith.constant 0 : i32
      scf.yield %scan3A_111 : i32
    }
    %scan3A_10 = arith.constant 128 : i32
    %mul3A_11 = arith.constant 640 : i32
    %mul3A_12 = arith.muli %arg1, %mul3A_11 : i32
    %add3A_13 = arith.constant 0 : i32
    %add3A_14 = arith.addi %mul3A_12, %add3A_13 : i32
    "tpu.region"() ({
      %run_scoped3A = tpu.sem_alloc : memref<!tpu.dma_semaphore, #tpu.memory_space<semaphore_mem>>
      %dma_start3A_83 = arith.constant 0 : i32
      %dma_start3A_84 = tpu.memref_slice %arg20[%add3A_14, %dma_start3A_83] : memref<10240x64xf32, #tpu.memory_space<vmem_shared>> -> memref<128x64xf32, #tpu.memory_space<vmem_shared>>
      %dma_start3A_85 = arith.constant 0 : i32
      %dma_start3A_86 = tpu.memref_slice %arg20[%add3A_14, %dma_start3A_85] : memref<10240x64xf32, #tpu.memory_space<vmem_shared>> -> memref<128x64xf32, #tpu.memory_space<vmem_shared>>
      tpu.enqueue_dma source(%arg6 : memref<128x64xf32, #tpu.memory_space<vmem>>) target(%dma_start3A_86 : memref<128x64xf32, #tpu.memory_space<vmem_shared>>) target_semaphore(%run_scoped3A : memref<!tpu.dma_semaphore, #tpu.memory_space<semaphore_mem>>)
      %dma_wait3A_87 = arith.constant 0 : i32
      %dma_wait3A_88 = tpu.memref_slice %arg20[%add3A_14, %dma_wait3A_87] : memref<10240x64xf32, #tpu.memory_space<vmem_shared>> -> memref<128x64xf32, #tpu.memory_space<vmem_shared>>
      %dma_wait3A_89 = arith.constant 0 : i32
      %dma_wait3A_90 = tpu.memref_slice %arg20[%add3A_14, %dma_wait3A_89] : memref<10240x64xf32, #tpu.memory_space<vmem_shared>> -> memref<128x64xf32, #tpu.memory_space<vmem_shared>>
      tpu.wait_dma2 semaphore(%run_scoped3A : memref<!tpu.dma_semaphore, #tpu.memory_space<semaphore_mem>>) src(%arg6 : memref<128x64xf32, #tpu.memory_space<vmem>>) dst(%dma_wait3A_90 : memref<128x64xf32, #tpu.memory_space<vmem_shared>>)
      tpu.yield
    }) : () -> ()
    %mul3A_15 = arith.constant 640 : i32
    %mul3A_16 = arith.muli %arg1, %mul3A_15 : i32
    %add3A_17 = arith.constant 128 : i32
    %add3A_18 = arith.addi %mul3A_16, %add3A_17 : i32
    "tpu.region"() ({
      %run_scoped3A = tpu.sem_alloc : memref<!tpu.dma_semaphore, #tpu.memory_space<semaphore_mem>>
      %dma_start3A_83 = arith.constant 0 : i32
      %dma_start3A_84 = tpu.memref_slice %arg20[%add3A_18, %dma_start3A_83] : memref<10240x64xf32, #tpu.memory_space<vmem_shared>> -> memref<128x64xf32, #tpu.memory_space<vmem_shared>>
      %dma_start3A_85 = arith.constant 0 : i32
      %dma_start3A_86 = tpu.memref_slice %arg20[%add3A_18, %dma_start3A_85] : memref<10240x64xf32, #tpu.memory_space<vmem_shared>> -> memref<128x64xf32, #tpu.memory_space<vmem_shared>>
      tpu.enqueue_dma source(%arg6 : memref<128x64xf32, #tpu.memory_space<vmem>>) target(%dma_start3A_86 : memref<128x64xf32, #tpu.memory_space<vmem_shared>>) target_semaphore(%run_scoped3A : memref<!tpu.dma_semaphore, #tpu.memory_space<semaphore_mem>>)
      %dma_wait3A_87 = arith.constant 0 : i32
      %dma_wait3A_88 = tpu.memref_slice %arg20[%add3A_18, %dma_wait3A_87] : memref<10240x64xf32, #tpu.memory_space<vmem_shared>> -> memref<128x64xf32, #tpu.memory_space<vmem_shared>>
      %dma_wait3A_89 = arith.constant 0 : i32
      %dma_wait3A_90 = tpu.memref_slice %arg20[%add3A_18, %dma_wait3A_89] : memref<10240x64xf32, #tpu.memory_space<vmem_shared>> -> memref<128x64xf32, #tpu.memory_space<vmem_shared>>
      tpu.wait_dma2 semaphore(%run_scoped3A : memref<!tpu.dma_semaphore, #tpu.memory_space<semaphore_mem>>) src(%arg6 : memref<128x64xf32, #tpu.memory_space<vmem>>) dst(%dma_wait3A_90 : memref<128x64xf32, #tpu.memory_space<vmem_shared>>)
      tpu.yield
    }) : () -> ()
    %mul3A_19 = arith.constant 640 : i32
    %mul3A_20 = arith.muli %arg1, %mul3A_19 : i32
    %add3A_21 = arith.constant 256 : i32
    %add3A_22 = arith.addi %mul3A_20, %add3A_21 : i32
    "tpu.region"() ({
      %run_scoped3A = tpu.sem_alloc : memref<!tpu.dma_semaphore, #tpu.memory_space<semaphore_mem>>
      %dma_start3A_83 = arith.constant 0 : i32
      %dma_start3A_84 = tpu.memref_slice %arg20[%add3A_22, %dma_start3A_83] : memref<10240x64xf32, #tpu.memory_space<vmem_shared>> -> memref<128x64xf32, #tpu.memory_space<vmem_shared>>
      %dma_start3A_85 = arith.constant 0 : i32
      %dma_start3A_86 = tpu.memref_slice %arg20[%add3A_22, %dma_start3A_85] : memref<10240x64xf32, #tpu.memory_space<vmem_shared>> -> memref<128x64xf32, #tpu.memory_space<vmem_shared>>
      tpu.enqueue_dma source(%arg6 : memref<128x64xf32, #tpu.memory_space<vmem>>) target(%dma_start3A_86 : memref<128x64xf32, #tpu.memory_space<vmem_shared>>) target_semaphore(%run_scoped3A : memref<!tpu.dma_semaphore, #tpu.memory_space<semaphore_mem>>)
      %dma_wait3A_87 = arith.constant 0 : i32
      %dma_wait3A_88 = tpu.memref_slice %arg20[%add3A_22, %dma_wait3A_87] : memref<10240x64xf32, #tpu.memory_space<vmem_shared>> -> memref<128x64xf32, #tpu.memory_space<vmem_shared>>
      %dma_wait3A_89 = arith.constant 0 : i32
      %dma_wait3A_90 = tpu.memref_slice %arg20[%add3A_22, %dma_wait3A_89] : memref<10240x64xf32, #tpu.memory_space<vmem_shared>> -> memref<128x64xf32, #tpu.memory_space<vmem_shared>>
      tpu.wait_dma2 semaphore(%run_scoped3A : memref<!tpu.dma_semaphore, #tpu.memory_space<semaphore_mem>>) src(%arg6 : memref<128x64xf32, #tpu.memory_space<vmem>>) dst(%dma_wait3A_90 : memref<128x64xf32, #tpu.memory_space<vmem_shared>>)
      tpu.yield
    }) : () -> ()
    %mul3A_23 = arith.constant 640 : i32
    %mul3A_24 = arith.muli %arg1, %mul3A_23 : i32
    %add3A_25 = arith.constant 384 : i32
    %add3A_26 = arith.addi %mul3A_24, %add3A_25 : i32
    "tpu.region"() ({
      %run_scoped3A = tpu.sem_alloc : memref<!tpu.dma_semaphore, #tpu.memory_space<semaphore_mem>>
      %dma_start3A_83 = arith.constant 0 : i32
      %dma_start3A_84 = tpu.memref_slice %arg20[%add3A_26, %dma_start3A_83] : memref<10240x64xf32, #tpu.memory_space<vmem_shared>> -> memref<128x64xf32, #tpu.memory_space<vmem_shared>>
      %dma_start3A_85 = arith.constant 0 : i32
      %dma_start3A_86 = tpu.memref_slice %arg20[%add3A_26, %dma_start3A_85] : memref<10240x64xf32, #tpu.memory_space<vmem_shared>> -> memref<128x64xf32, #tpu.memory_space<vmem_shared>>
      tpu.enqueue_dma source(%arg6 : memref<128x64xf32, #tpu.memory_space<vmem>>) target(%dma_start3A_86 : memref<128x64xf32, #tpu.memory_space<vmem_shared>>) target_semaphore(%run_scoped3A : memref<!tpu.dma_semaphore, #tpu.memory_space<semaphore_mem>>)
      %dma_wait3A_87 = arith.constant 0 : i32
      %dma_wait3A_88 = tpu.memref_slice %arg20[%add3A_26, %dma_wait3A_87] : memref<10240x64xf32, #tpu.memory_space<vmem_shared>> -> memref<128x64xf32, #tpu.memory_space<vmem_shared>>
      %dma_wait3A_89 = arith.constant 0 : i32
      %dma_wait3A_90 = tpu.memref_slice %arg20[%add3A_26, %dma_wait3A_89] : memref<10240x64xf32, #tpu.memory_space<vmem_shared>> -> memref<128x64xf32, #tpu.memory_space<vmem_shared>>
      tpu.wait_dma2 semaphore(%run_scoped3A : memref<!tpu.dma_semaphore, #tpu.memory_space<semaphore_mem>>) src(%arg6 : memref<128x64xf32, #tpu.memory_space<vmem>>) dst(%dma_wait3A_90 : memref<128x64xf32, #tpu.memory_space<vmem_shared>>)
      tpu.yield
    }) : () -> ()
    %mul3A_27 = arith.constant 640 : i32
    %mul3A_28 = arith.muli %arg1, %mul3A_27 : i32
    %add3A_29 = arith.constant 512 : i32
    %add3A_30 = arith.addi %mul3A_28, %add3A_29 : i32
    "tpu.region"() ({
      %run_scoped3A = tpu.sem_alloc : memref<!tpu.dma_semaphore, #tpu.memory_space<semaphore_mem>>
      %dma_start3A_83 = arith.constant 0 : i32
      %dma_start3A_84 = tpu.memref_slice %arg20[%add3A_30, %dma_start3A_83] : memref<10240x64xf32, #tpu.memory_space<vmem_shared>> -> memref<128x64xf32, #tpu.memory_space<vmem_shared>>
      %dma_start3A_85 = arith.constant 0 : i32
      %dma_start3A_86 = tpu.memref_slice %arg20[%add3A_30, %dma_start3A_85] : memref<10240x64xf32, #tpu.memory_space<vmem_shared>> -> memref<128x64xf32, #tpu.memory_space<vmem_shared>>
      tpu.enqueue_dma source(%arg6 : memref<128x64xf32, #tpu.memory_space<vmem>>) target(%dma_start3A_86 : memref<128x64xf32, #tpu.memory_space<vmem_shared>>) target_semaphore(%run_scoped3A : memref<!tpu.dma_semaphore, #tpu.memory_space<semaphore_mem>>)
      %dma_wait3A_87 = arith.constant 0 : i32
      %dma_wait3A_88 = tpu.memref_slice %arg20[%add3A_30, %dma_wait3A_87] : memref<10240x64xf32, #tpu.memory_space<vmem_shared>> -> memref<128x64xf32, #tpu.memory_space<vmem_shared>>
      %dma_wait3A_89 = arith.constant 0 : i32
      %dma_wait3A_90 = tpu.memref_slice %arg20[%add3A_30, %dma_wait3A_89] : memref<10240x64xf32, #tpu.memory_space<vmem_shared>> -> memref<128x64xf32, #tpu.memory_space<vmem_shared>>
      tpu.wait_dma2 semaphore(%run_scoped3A : memref<!tpu.dma_semaphore, #tpu.memory_space<semaphore_mem>>) src(%arg6 : memref<128x64xf32, #tpu.memory_space<vmem>>) dst(%dma_wait3A_90 : memref<128x64xf32, #tpu.memory_space<vmem_shared>>)
      tpu.yield
    }) : () -> ()
    %barrier3A = arith.constant 0 : index
    tpu.barrier barrier_id(%barrier3A)
    %dma_start3A = arith.constant 0 : i32
    %dma_start3A_31 = tpu.memref_slice %arg18[%dma_start3A] : memref<10240xi32, #tpu.memory_space<vmem>> -> memref<128xi32, #tpu.memory_space<vmem>>
    %dma_start3A_32 = arith.constant 0 : i32
    %dma_start3A_33 = arith.constant 0 : i32
    %dma_start3A_34 = tpu.memref_slice %arg2[%dma_start3A_32, %dma_start3A_33] : memref<10240x64xf32, #tpu.memory_space<hbm>> -> memref<10240x64xf32, #tpu.memory_space<hbm>>
    tpu.enqueue_indirect_dma source(%dma_start3A_34 : memref<10240x64xf32, #tpu.memory_space<hbm>>) target(%arg6 : memref<128x64xf32, #tpu.memory_space<vmem>>) offsets(%dma_start3A_31 : memref<128xi32, #tpu.memory_space<vmem>>) semaphore(%arg10 : memref<!tpu.dma_semaphore, #tpu.memory_space<semaphore_mem>>)
    %dma_start3A_35 = arith.constant 128 : i32
    %dma_start3A_36 = tpu.memref_slice %arg18[%dma_start3A_35] : memref<10240xi32, #tpu.memory_space<vmem>> -> memref<128xi32, #tpu.memory_space<vmem>>
    %dma_start3A_37 = arith.constant 0 : i32
    %dma_start3A_38 = arith.constant 0 : i32
    %dma_start3A_39 = tpu.memref_slice %arg2[%dma_start3A_37, %dma_start3A_38] : memref<10240x64xf32, #tpu.memory_space<hbm>> -> memref<10240x64xf32, #tpu.memory_space<hbm>>
    tpu.enqueue_indirect_dma source(%dma_start3A_39 : memref<10240x64xf32, #tpu.memory_space<hbm>>) target(%arg7 : memref<128x64xf32, #tpu.memory_space<vmem>>) offsets(%dma_start3A_36 : memref<128xi32, #tpu.memory_space<vmem>>) semaphore(%arg11 : memref<!tpu.dma_semaphore, #tpu.memory_space<semaphore_mem>>)
    %scan3A_40 = arith.constant 0 : i32
    %scan3A_41 = arith.constant 0 : i32
    %scan3A_42 = arith.constant 20 : i32
    %scan3A_43 = arith.addi %scan3A_41, %scan3A_42 : i32
    %scan3A_44 = arith.constant 1 : i32
    %scan3A_45 = scf.for %scan3A_83 = %scan3A_41 to %scan3A_43 step %scan3A_44 iter_args(%scan3A_84 = %scan3A_40) -> (i32)  : i32 {
      %mul3A_85 = arith.constant 4 : i32
      %mul3A_86 = arith.muli %scan3A_83, %mul3A_85 : i32
      %add3A_87 = arith.constant 0 : i32
      %add3A_88 = arith.addi %mul3A_86, %add3A_87 : i32
      %mul3A_89 = arith.constant 128 : i32
      %mul3A_90 = arith.muli %add3A_88, %mul3A_89 : i32
      %dma_wait3A_91 = tpu.memref_slice %arg18[%mul3A_90] : memref<10240xi32, #tpu.memory_space<vmem>> -> memref<128xi32, #tpu.memory_space<vmem>>
      %dma_wait3A_92 = arith.constant 0 : i32
      %dma_wait3A_93 = arith.constant 0 : i32
      %dma_wait3A_94 = tpu.memref_slice %arg2[%dma_wait3A_92, %dma_wait3A_93] : memref<10240x64xf32, #tpu.memory_space<hbm>> -> memref<10240x64xf32, #tpu.memory_space<hbm>>
      tpu.wait_indirect_dma semaphore(%arg10 : memref<!tpu.dma_semaphore, #tpu.memory_space<semaphore_mem>>) src(%dma_wait3A_94 : memref<10240x64xf32, #tpu.memory_space<hbm>>) dst(%arg6 : memref<128x64xf32, #tpu.memory_space<vmem>>)
      %dma_start3A_95 = arith.constant 0 : i32
      %dma_start3A_96 = arith.constant 0 : i32
      %dma_start3A_97 = tpu.memref_slice %arg19[%add3A_88, %dma_start3A_95, %dma_start3A_96] : memref<80x1x128xi32, #tpu.memory_space<vmem>> -> memref<1x1x128xi32, #tpu.memory_space<vmem>>
      %dma_start3A_98 = tpu.memref_squeeze %dma_start3A_97 : memref<1x1x128xi32, #tpu.memory_space<vmem>> -> memref<128xi32, #tpu.memory_space<vmem>>
      %dma_start3A_99 = arith.constant 0 : i32
      %dma_start3A_100 = arith.constant 0 : i32
      %dma_start3A_101 = tpu.memref_slice %arg20[%dma_start3A_99, %dma_start3A_100] : memref<10240x64xf32, #tpu.memory_space<vmem_shared>> -> memref<10240x64xf32, #tpu.memory_space<vmem_shared>>
      tpu.enqueue_indirect_dma source(%arg6 : memref<128x64xf32, #tpu.memory_space<vmem>>) target(%dma_start3A_101 : memref<10240x64xf32, #tpu.memory_space<vmem_shared>>) offsets(%dma_start3A_98 : memref<128xi32, #tpu.memory_space<vmem>>) semaphore(%arg14 : memref<!tpu.dma_semaphore, #tpu.memory_space<semaphore_mem>>) {add = true}
      %add3A_102 = arith.constant 2 : i32
      %add3A_103 = arith.addi %add3A_88, %add3A_102 : i32
      %lt3A = arith.constant 80 : i32
      %lt3A_104 = arith.cmpi slt, %add3A_103, %lt3A : i32
      %convert_element_type3A = arith.extui %lt3A_104 : i1 to i32
      %cond3A = arith.constant 0 : i32
      %cond3A_105 = arith.cmpi ne, %convert_element_type3A, %cond3A : i32
      scf.if %cond3A_105 {
        %add3A_179 = arith.constant 2 : i32
        %add3A_180 = arith.addi %add3A_88, %add3A_179 : i32
        %ge3A = arith.constant 4 : i32
        %ge3A_181 = arith.cmpi sge, %add3A_180, %ge3A : i32
        %convert_element_type3A_182 = arith.extui %ge3A_181 : i1 to i32
        %cond3A_183 = arith.constant 0 : i32
        %cond3A_184 = arith.cmpi ne, %convert_element_type3A_182, %cond3A_183 : i32
        scf.if %cond3A_184 {
          %add3A_193 = arith.constant 2 : i32
          %add3A_194 = arith.addi %add3A_88, %add3A_193 : i32
          %sub3A = arith.constant 4 : i32
          %sub3A_195 = arith.subi %add3A_194, %sub3A : i32
          %dma_wait3A_196 = arith.constant 0 : i32
          %dma_wait3A_197 = arith.constant 0 : i32
          %dma_wait3A_198 = tpu.memref_slice %arg19[%sub3A_195, %dma_wait3A_196, %dma_wait3A_197] : memref<80x1x128xi32, #tpu.memory_space<vmem>> -> memref<1x1x128xi32, #tpu.memory_space<vmem>>
          %dma_wait3A_199 = tpu.memref_squeeze %dma_wait3A_198 : memref<1x1x128xi32, #tpu.memory_space<vmem>> -> memref<128xi32, #tpu.memory_space<vmem>>
          %dma_wait3A_200 = arith.constant 0 : i32
          %dma_wait3A_201 = arith.constant 0 : i32
          %dma_wait3A_202 = tpu.memref_slice %arg20[%dma_wait3A_200, %dma_wait3A_201] : memref<10240x64xf32, #tpu.memory_space<vmem_shared>> -> memref<10240x64xf32, #tpu.memory_space<vmem_shared>>
          tpu.wait_indirect_dma semaphore(%arg16 : memref<!tpu.dma_semaphore, #tpu.memory_space<semaphore_mem>>) src(%arg8 : memref<128x64xf32, #tpu.memory_space<vmem>>) dst(%dma_wait3A_202 : memref<10240x64xf32, #tpu.memory_space<vmem_shared>>)
        } else {
        }
        %add3A_185 = arith.constant 2 : i32
        %add3A_186 = arith.addi %add3A_88, %add3A_185 : i32
        %mul3A_187 = arith.constant 128 : i32
        %mul3A_188 = arith.muli %add3A_186, %mul3A_187 : i32
        %dma_start3A_189 = tpu.memref_slice %arg18[%mul3A_188] : memref<10240xi32, #tpu.memory_space<vmem>> -> memref<128xi32, #tpu.memory_space<vmem>>
        %dma_start3A_190 = arith.constant 0 : i32
        %dma_start3A_191 = arith.constant 0 : i32
        %dma_start3A_192 = tpu.memref_slice %arg2[%dma_start3A_190, %dma_start3A_191] : memref<10240x64xf32, #tpu.memory_space<hbm>> -> memref<10240x64xf32, #tpu.memory_space<hbm>>
        tpu.enqueue_indirect_dma source(%dma_start3A_192 : memref<10240x64xf32, #tpu.memory_space<hbm>>) target(%arg8 : memref<128x64xf32, #tpu.memory_space<vmem>>) offsets(%dma_start3A_189 : memref<128xi32, #tpu.memory_space<vmem>>) semaphore(%arg12 : memref<!tpu.dma_semaphore, #tpu.memory_space<semaphore_mem>>)
      } else {
      }
      %mul3A_106 = arith.constant 4 : i32
      %mul3A_107 = arith.muli %scan3A_83, %mul3A_106 : i32
      %add3A_108 = arith.constant 1 : i32
      %add3A_109 = arith.addi %mul3A_107, %add3A_108 : i32
      %mul3A_110 = arith.constant 128 : i32
      %mul3A_111 = arith.muli %add3A_109, %mul3A_110 : i32
      %dma_wait3A_112 = tpu.memref_slice %arg18[%mul3A_111] : memref<10240xi32, #tpu.memory_space<vmem>> -> memref<128xi32, #tpu.memory_space<vmem>>
      %dma_wait3A_113 = arith.constant 0 : i32
      %dma_wait3A_114 = arith.constant 0 : i32
      %dma_wait3A_115 = tpu.memref_slice %arg2[%dma_wait3A_113, %dma_wait3A_114] : memref<10240x64xf32, #tpu.memory_space<hbm>> -> memref<10240x64xf32, #tpu.memory_space<hbm>>
      tpu.wait_indirect_dma semaphore(%arg11 : memref<!tpu.dma_semaphore, #tpu.memory_space<semaphore_mem>>) src(%dma_wait3A_115 : memref<10240x64xf32, #tpu.memory_space<hbm>>) dst(%arg7 : memref<128x64xf32, #tpu.memory_space<vmem>>)
      %dma_start3A_116 = arith.constant 0 : i32
      %dma_start3A_117 = arith.constant 0 : i32
      %dma_start3A_118 = tpu.memref_slice %arg19[%add3A_109, %dma_start3A_116, %dma_start3A_117] : memref<80x1x128xi32, #tpu.memory_space<vmem>> -> memref<1x1x128xi32, #tpu.memory_space<vmem>>
      %dma_start3A_119 = tpu.memref_squeeze %dma_start3A_118 : memref<1x1x128xi32, #tpu.memory_space<vmem>> -> memref<128xi32, #tpu.memory_space<vmem>>
      %dma_start3A_120 = arith.constant 0 : i32
      %dma_start3A_121 = arith.constant 0 : i32
      %dma_start3A_122 = tpu.memref_slice %arg20[%dma_start3A_120, %dma_start3A_121] : memref<10240x64xf32, #tpu.memory_space<vmem_shared>> -> memref<10240x64xf32, #tpu.memory_space<vmem_shared>>
      tpu.enqueue_indirect_dma source(%arg7 : memref<128x64xf32, #tpu.memory_space<vmem>>) target(%dma_start3A_122 : memref<10240x64xf32, #tpu.memory_space<vmem_shared>>) offsets(%dma_start3A_119 : memref<128xi32, #tpu.memory_space<vmem>>) semaphore(%arg15 : memref<!tpu.dma_semaphore, #tpu.memory_space<semaphore_mem>>) {add = true}
      %add3A_123 = arith.constant 2 : i32
      %add3A_124 = arith.addi %add3A_109, %add3A_123 : i32
      %lt3A_125 = arith.constant 80 : i32
      %lt3A_126 = arith.cmpi slt, %add3A_124, %lt3A_125 : i32
      %convert_element_type3A_127 = arith.extui %lt3A_126 : i1 to i32
      %cond3A_128 = arith.constant 0 : i32
      %cond3A_129 = arith.cmpi ne, %convert_element_type3A_127, %cond3A_128 : i32
      scf.if %cond3A_129 {
        %add3A_179 = arith.constant 2 : i32
        %add3A_180 = arith.addi %add3A_109, %add3A_179 : i32
        %ge3A = arith.constant 4 : i32
        %ge3A_181 = arith.cmpi sge, %add3A_180, %ge3A : i32
        %convert_element_type3A_182 = arith.extui %ge3A_181 : i1 to i32
        %cond3A_183 = arith.constant 0 : i32
        %cond3A_184 = arith.cmpi ne, %convert_element_type3A_182, %cond3A_183 : i32
        scf.if %cond3A_184 {
          %add3A_193 = arith.constant 2 : i32
          %add3A_194 = arith.addi %add3A_109, %add3A_193 : i32
          %sub3A = arith.constant 4 : i32
          %sub3A_195 = arith.subi %add3A_194, %sub3A : i32
          %dma_wait3A_196 = arith.constant 0 : i32
          %dma_wait3A_197 = arith.constant 0 : i32
          %dma_wait3A_198 = tpu.memref_slice %arg19[%sub3A_195, %dma_wait3A_196, %dma_wait3A_197] : memref<80x1x128xi32, #tpu.memory_space<vmem>> -> memref<1x1x128xi32, #tpu.memory_space<vmem>>
          %dma_wait3A_199 = tpu.memref_squeeze %dma_wait3A_198 : memref<1x1x128xi32, #tpu.memory_space<vmem>> -> memref<128xi32, #tpu.memory_space<vmem>>
          %dma_wait3A_200 = arith.constant 0 : i32
          %dma_wait3A_201 = arith.constant 0 : i32
          %dma_wait3A_202 = tpu.memref_slice %arg20[%dma_wait3A_200, %dma_wait3A_201] : memref<10240x64xf32, #tpu.memory_space<vmem_shared>> -> memref<10240x64xf32, #tpu.memory_space<vmem_shared>>
          tpu.wait_indirect_dma semaphore(%arg17 : memref<!tpu.dma_semaphore, #tpu.memory_space<semaphore_mem>>) src(%arg9 : memref<128x64xf32, #tpu.memory_space<vmem>>) dst(%dma_wait3A_202 : memref<10240x64xf32, #tpu.memory_space<vmem_shared>>)
        } else {
        }
        %add3A_185 = arith.constant 2 : i32
        %add3A_186 = arith.addi %add3A_109, %add3A_185 : i32
        %mul3A_187 = arith.constant 128 : i32
        %mul3A_188 = arith.muli %add3A_186, %mul3A_187 : i32
        %dma_start3A_189 = tpu.memref_slice %arg18[%mul3A_188] : memref<10240xi32, #tpu.memory_space<vmem>> -> memref<128xi32, #tpu.memory_space<vmem>>
        %dma_start3A_190 = arith.constant 0 : i32
        %dma_start3A_191 = arith.constant 0 : i32
        %dma_start3A_192 = tpu.memref_slice %arg2[%dma_start3A_190, %dma_start3A_191] : memref<10240x64xf32, #tpu.memory_space<hbm>> -> memref<10240x64xf32, #tpu.memory_space<hbm>>
        tpu.enqueue_indirect_dma source(%dma_start3A_192 : memref<10240x64xf32, #tpu.memory_space<hbm>>) target(%arg9 : memref<128x64xf32, #tpu.memory_space<vmem>>) offsets(%dma_start3A_189 : memref<128xi32, #tpu.memory_space<vmem>>) semaphore(%arg13 : memref<!tpu.dma_semaphore, #tpu.memory_space<semaphore_mem>>)
      } else {
      }
      %mul3A_130 = arith.constant 4 : i32
      %mul3A_131 = arith.muli %scan3A_83, %mul3A_130 : i32
      %add3A_132 = arith.constant 2 : i32
      %add3A_133 = arith.addi %mul3A_131, %add3A_132 : i32
      %mul3A_134 = arith.constant 128 : i32
      %mul3A_135 = arith.muli %add3A_133, %mul3A_134 : i32
      %dma_wait3A_136 = tpu.memref_slice %arg18[%mul3A_135] : memref<10240xi32, #tpu.memory_space<vmem>> -> memref<128xi32, #tpu.memory_space<vmem>>
      %dma_wait3A_137 = arith.constant 0 : i32
      %dma_wait3A_138 = arith.constant 0 : i32
      %dma_wait3A_139 = tpu.memref_slice %arg2[%dma_wait3A_137, %dma_wait3A_138] : memref<10240x64xf32, #tpu.memory_space<hbm>> -> memref<10240x64xf32, #tpu.memory_space<hbm>>
      tpu.wait_indirect_dma semaphore(%arg12 : memref<!tpu.dma_semaphore, #tpu.memory_space<semaphore_mem>>) src(%dma_wait3A_139 : memref<10240x64xf32, #tpu.memory_space<hbm>>) dst(%arg8 : memref<128x64xf32, #tpu.memory_space<vmem>>)
      %dma_start3A_140 = arith.constant 0 : i32
      %dma_start3A_141 = arith.constant 0 : i32
      %dma_start3A_142 = tpu.memref_slice %arg19[%add3A_133, %dma_start3A_140, %dma_start3A_141] : memref<80x1x128xi32, #tpu.memory_space<vmem>> -> memref<1x1x128xi32, #tpu.memory_space<vmem>>
      %dma_start3A_143 = tpu.memref_squeeze %dma_start3A_142 : memref<1x1x128xi32, #tpu.memory_space<vmem>> -> memref<128xi32, #tpu.memory_space<vmem>>
      %dma_start3A_144 = arith.constant 0 : i32
      %dma_start3A_145 = arith.constant 0 : i32
      %dma_start3A_146 = tpu.memref_slice %arg20[%dma_start3A_144, %dma_start3A_145] : memref<10240x64xf32, #tpu.memory_space<vmem_shared>> -> memref<10240x64xf32, #tpu.memory_space<vmem_shared>>
      tpu.enqueue_indirect_dma source(%arg8 : memref<128x64xf32, #tpu.memory_space<vmem>>) target(%dma_start3A_146 : memref<10240x64xf32, #tpu.memory_space<vmem_shared>>) offsets(%dma_start3A_143 : memref<128xi32, #tpu.memory_space<vmem>>) semaphore(%arg16 : memref<!tpu.dma_semaphore, #tpu.memory_space<semaphore_mem>>) {add = true}
      %add3A_147 = arith.constant 2 : i32
      %add3A_148 = arith.addi %add3A_133, %add3A_147 : i32
      %lt3A_149 = arith.constant 80 : i32
      %lt3A_150 = arith.cmpi slt, %add3A_148, %lt3A_149 : i32
      %convert_element_type3A_151 = arith.extui %lt3A_150 : i1 to i32
      %cond3A_152 = arith.constant 0 : i32
      %cond3A_153 = arith.cmpi ne, %convert_element_type3A_151, %cond3A_152 : i32
      scf.if %cond3A_153 {
        %add3A_179 = arith.constant 2 : i32
        %add3A_180 = arith.addi %add3A_133, %add3A_179 : i32
        %ge3A = arith.constant 4 : i32
        %ge3A_181 = arith.cmpi sge, %add3A_180, %ge3A : i32
        %convert_element_type3A_182 = arith.extui %ge3A_181 : i1 to i32
        %cond3A_183 = arith.constant 0 : i32
        %cond3A_184 = arith.cmpi ne, %convert_element_type3A_182, %cond3A_183 : i32
        scf.if %cond3A_184 {
          %add3A_193 = arith.constant 2 : i32
          %add3A_194 = arith.addi %add3A_133, %add3A_193 : i32
          %sub3A = arith.constant 4 : i32
          %sub3A_195 = arith.subi %add3A_194, %sub3A : i32
          %dma_wait3A_196 = arith.constant 0 : i32
          %dma_wait3A_197 = arith.constant 0 : i32
          %dma_wait3A_198 = tpu.memref_slice %arg19[%sub3A_195, %dma_wait3A_196, %dma_wait3A_197] : memref<80x1x128xi32, #tpu.memory_space<vmem>> -> memref<1x1x128xi32, #tpu.memory_space<vmem>>
          %dma_wait3A_199 = tpu.memref_squeeze %dma_wait3A_198 : memref<1x1x128xi32, #tpu.memory_space<vmem>> -> memref<128xi32, #tpu.memory_space<vmem>>
          %dma_wait3A_200 = arith.constant 0 : i32
          %dma_wait3A_201 = arith.constant 0 : i32
          %dma_wait3A_202 = tpu.memref_slice %arg20[%dma_wait3A_200, %dma_wait3A_201] : memref<10240x64xf32, #tpu.memory_space<vmem_shared>> -> memref<10240x64xf32, #tpu.memory_space<vmem_shared>>
          tpu.wait_indirect_dma semaphore(%arg14 : memref<!tpu.dma_semaphore, #tpu.memory_space<semaphore_mem>>) src(%arg6 : memref<128x64xf32, #tpu.memory_space<vmem>>) dst(%dma_wait3A_202 : memref<10240x64xf32, #tpu.memory_space<vmem_shared>>)
        } else {
        }
        %add3A_185 = arith.constant 2 : i32
        %add3A_186 = arith.addi %add3A_133, %add3A_185 : i32
        %mul3A_187 = arith.constant 128 : i32
        %mul3A_188 = arith.muli %add3A_186, %mul3A_187 : i32
        %dma_start3A_189 = tpu.memref_slice %arg18[%mul3A_188] : memref<10240xi32, #tpu.memory_space<vmem>> -> memref<128xi32, #tpu.memory_space<vmem>>
        %dma_start3A_190 = arith.constant 0 : i32
        %dma_start3A_191 = arith.constant 0 : i32
        %dma_start3A_192 = tpu.memref_slice %arg2[%dma_start3A_190, %dma_start3A_191] : memref<10240x64xf32, #tpu.memory_space<hbm>> -> memref<10240x64xf32, #tpu.memory_space<hbm>>
        tpu.enqueue_indirect_dma source(%dma_start3A_192 : memref<10240x64xf32, #tpu.memory_space<hbm>>) target(%arg6 : memref<128x64xf32, #tpu.memory_space<vmem>>) offsets(%dma_start3A_189 : memref<128xi32, #tpu.memory_space<vmem>>) semaphore(%arg10 : memref<!tpu.dma_semaphore, #tpu.memory_space<semaphore_mem>>)
      } else {
      }
      %mul3A_154 = arith.constant 4 : i32
      %mul3A_155 = arith.muli %scan3A_83, %mul3A_154 : i32
      %add3A_156 = arith.constant 3 : i32
      %add3A_157 = arith.addi %mul3A_155, %add3A_156 : i32
      %mul3A_158 = arith.constant 128 : i32
      %mul3A_159 = arith.muli %add3A_157, %mul3A_158 : i32
      %dma_wait3A_160 = tpu.memref_slice %arg18[%mul3A_159] : memref<10240xi32, #tpu.memory_space<vmem>> -> memref<128xi32, #tpu.memory_space<vmem>>
      %dma_wait3A_161 = arith.constant 0 : i32
      %dma_wait3A_162 = arith.constant 0 : i32
      %dma_wait3A_163 = tpu.memref_slice %arg2[%dma_wait3A_161, %dma_wait3A_162] : memref<10240x64xf32, #tpu.memory_space<hbm>> -> memref<10240x64xf32, #tpu.memory_space<hbm>>
      tpu.wait_indirect_dma semaphore(%arg13 : memref<!tpu.dma_semaphore, #tpu.memory_space<semaphore_mem>>) src(%dma_wait3A_163 : memref<10240x64xf32, #tpu.memory_space<hbm>>) dst(%arg9 : memref<128x64xf32, #tpu.memory_space<vmem>>)
      %dma_start3A_164 = arith.constant 0 : i32
      %dma_start3A_165 = arith.constant 0 : i32
      %dma_start3A_166 = tpu.memref_slice %arg19[%add3A_157, %dma_start3A_164, %dma_start3A_165] : memref<80x1x128xi32, #tpu.memory_space<vmem>> -> memref<1x1x128xi32, #tpu.memory_space<vmem>>
      %dma_start3A_167 = tpu.memref_squeeze %dma_start3A_166 : memref<1x1x128xi32, #tpu.memory_space<vmem>> -> memref<128xi32, #tpu.memory_space<vmem>>
      %dma_start3A_168 = arith.constant 0 : i32
      %dma_start3A_169 = arith.constant 0 : i32
      %dma_start3A_170 = tpu.memref_slice %arg20[%dma_start3A_168, %dma_start3A_169] : memref<10240x64xf32, #tpu.memory_space<vmem_shared>> -> memref<10240x64xf32, #tpu.memory_space<vmem_shared>>
      tpu.enqueue_indirect_dma source(%arg9 : memref<128x64xf32, #tpu.memory_space<vmem>>) target(%dma_start3A_170 : memref<10240x64xf32, #tpu.memory_space<vmem_shared>>) offsets(%dma_start3A_167 : memref<128xi32, #tpu.memory_space<vmem>>) semaphore(%arg17 : memref<!tpu.dma_semaphore, #tpu.memory_space<semaphore_mem>>) {add = true}
      %add3A_171 = arith.constant 2 : i32
      %add3A_172 = arith.addi %add3A_157, %add3A_171 : i32
      %lt3A_173 = arith.constant 80 : i32
      %lt3A_174 = arith.cmpi slt, %add3A_172, %lt3A_173 : i32
      %convert_element_type3A_175 = arith.extui %lt3A_174 : i1 to i32
      %cond3A_176 = arith.constant 0 : i32
      %cond3A_177 = arith.cmpi ne, %convert_element_type3A_175, %cond3A_176 : i32
      scf.if %cond3A_177 {
        %add3A_179 = arith.constant 2 : i32
        %add3A_180 = arith.addi %add3A_157, %add3A_179 : i32
        %ge3A = arith.constant 4 : i32
        %ge3A_181 = arith.cmpi sge, %add3A_180, %ge3A : i32
        %convert_element_type3A_182 = arith.extui %ge3A_181 : i1 to i32
        %cond3A_183 = arith.constant 0 : i32
        %cond3A_184 = arith.cmpi ne, %convert_element_type3A_182, %cond3A_183 : i32
        scf.if %cond3A_184 {
          %add3A_193 = arith.constant 2 : i32
          %add3A_194 = arith.addi %add3A_157, %add3A_193 : i32
          %sub3A = arith.constant 4 : i32
          %sub3A_195 = arith.subi %add3A_194, %sub3A : i32
          %dma_wait3A_196 = arith.constant 0 : i32
          %dma_wait3A_197 = arith.constant 0 : i32
          %dma_wait3A_198 = tpu.memref_slice %arg19[%sub3A_195, %dma_wait3A_196, %dma_wait3A_197] : memref<80x1x128xi32, #tpu.memory_space<vmem>> -> memref<1x1x128xi32, #tpu.memory_space<vmem>>
          %dma_wait3A_199 = tpu.memref_squeeze %dma_wait3A_198 : memref<1x1x128xi32, #tpu.memory_space<vmem>> -> memref<128xi32, #tpu.memory_space<vmem>>
          %dma_wait3A_200 = arith.constant 0 : i32
          %dma_wait3A_201 = arith.constant 0 : i32
          %dma_wait3A_202 = tpu.memref_slice %arg20[%dma_wait3A_200, %dma_wait3A_201] : memref<10240x64xf32, #tpu.memory_space<vmem_shared>> -> memref<10240x64xf32, #tpu.memory_space<vmem_shared>>
          tpu.wait_indirect_dma semaphore(%arg15 : memref<!tpu.dma_semaphore, #tpu.memory_space<semaphore_mem>>) src(%arg7 : memref<128x64xf32, #tpu.memory_space<vmem>>) dst(%dma_wait3A_202 : memref<10240x64xf32, #tpu.memory_space<vmem_shared>>)
        } else {
        }
        %add3A_185 = arith.constant 2 : i32
        %add3A_186 = arith.addi %add3A_157, %add3A_185 : i32
        %mul3A_187 = arith.constant 128 : i32
        %mul3A_188 = arith.muli %add3A_186, %mul3A_187 : i32
        %dma_start3A_189 = tpu.memref_slice %arg18[%mul3A_188] : memref<10240xi32, #tpu.memory_space<vmem>> -> memref<128xi32, #tpu.memory_space<vmem>>
        %dma_start3A_190 = arith.constant 0 : i32
        %dma_start3A_191 = arith.constant 0 : i32
        %dma_start3A_192 = tpu.memref_slice %arg2[%dma_start3A_190, %dma_start3A_191] : memref<10240x64xf32, #tpu.memory_space<hbm>> -> memref<10240x64xf32, #tpu.memory_space<hbm>>
        tpu.enqueue_indirect_dma source(%dma_start3A_192 : memref<10240x64xf32, #tpu.memory_space<hbm>>) target(%arg7 : memref<128x64xf32, #tpu.memory_space<vmem>>) offsets(%dma_start3A_189 : memref<128xi32, #tpu.memory_space<vmem>>) semaphore(%arg11 : memref<!tpu.dma_semaphore, #tpu.memory_space<semaphore_mem>>)
      } else {
      }
      %scan3A_178 = arith.constant 0 : i32
      scf.yield %scan3A_178 : i32
    }
    %scan3A_46 = arith.constant 20 : i32
    %dma_wait3A = arith.constant 76 : i32
    %dma_wait3A_47 = arith.constant 0 : i32
    %dma_wait3A_48 = arith.constant 0 : i32
    %dma_wait3A_49 = tpu.memref_slice %arg19[%dma_wait3A, %dma_wait3A_47, %dma_wait3A_48] : memref<80x1x128xi32, #tpu.memory_space<vmem>> -> memref<1x1x128xi32, #tpu.memory_space<vmem>>
    %dma_wait3A_50 = tpu.memref_squeeze %dma_wait3A_49 : memref<1x1x128xi32, #tpu.memory_space<vmem>> -> memref<128xi32, #tpu.memory_space<vmem>>
    %dma_wait3A_51 = arith.constant 0 : i32
    %dma_wait3A_52 = arith.constant 0 : i32
    %dma_wait3A_53 = tpu.memref_slice %arg20[%dma_wait3A_51, %dma_wait3A_52] : memref<10240x64xf32, #tpu.memory_space<vmem_shared>> -> memref<10240x64xf32, #tpu.memory_space<vmem_shared>>
    tpu.wait_indirect_dma semaphore(%arg14 : memref<!tpu.dma_semaphore, #tpu.memory_space<semaphore_mem>>) src(%arg6 : memref<128x64xf32, #tpu.memory_space<vmem>>) dst(%dma_wait3A_53 : memref<10240x64xf32, #tpu.memory_space<vmem_shared>>)
    %dma_wait3A_54 = arith.constant 77 : i32
    %dma_wait3A_55 = arith.constant 0 : i32
    %dma_wait3A_56 = arith.constant 0 : i32
    %dma_wait3A_57 = tpu.memref_slice %arg19[%dma_wait3A_54, %dma_wait3A_55, %dma_wait3A_56] : memref<80x1x128xi32, #tpu.memory_space<vmem>> -> memref<1x1x128xi32, #tpu.memory_space<vmem>>
    %dma_wait3A_58 = tpu.memref_squeeze %dma_wait3A_57 : memref<1x1x128xi32, #tpu.memory_space<vmem>> -> memref<128xi32, #tpu.memory_space<vmem>>
    %dma_wait3A_59 = arith.constant 0 : i32
    %dma_wait3A_60 = arith.constant 0 : i32
    %dma_wait3A_61 = tpu.memref_slice %arg20[%dma_wait3A_59, %dma_wait3A_60] : memref<10240x64xf32, #tpu.memory_space<vmem_shared>> -> memref<10240x64xf32, #tpu.memory_space<vmem_shared>>
    tpu.wait_indirect_dma semaphore(%arg15 : memref<!tpu.dma_semaphore, #tpu.memory_space<semaphore_mem>>) src(%arg7 : memref<128x64xf32, #tpu.memory_space<vmem>>) dst(%dma_wait3A_61 : memref<10240x64xf32, #tpu.memory_space<vmem_shared>>)
    %dma_wait3A_62 = arith.constant 78 : i32
    %dma_wait3A_63 = arith.constant 0 : i32
    %dma_wait3A_64 = arith.constant 0 : i32
    %dma_wait3A_65 = tpu.memref_slice %arg19[%dma_wait3A_62, %dma_wait3A_63, %dma_wait3A_64] : memref<80x1x128xi32, #tpu.memory_space<vmem>> -> memref<1x1x128xi32, #tpu.memory_space<vmem>>
    %dma_wait3A_66 = tpu.memref_squeeze %dma_wait3A_65 : memref<1x1x128xi32, #tpu.memory_space<vmem>> -> memref<128xi32, #tpu.memory_space<vmem>>
    %dma_wait3A_67 = arith.constant 0 : i32
    %dma_wait3A_68 = arith.constant 0 : i32
    %dma_wait3A_69 = tpu.memref_slice %arg20[%dma_wait3A_67, %dma_wait3A_68] : memref<10240x64xf32, #tpu.memory_space<vmem_shared>> -> memref<10240x64xf32, #tpu.memory_space<vmem_shared>>
    tpu.wait_indirect_dma semaphore(%arg16 : memref<!tpu.dma_semaphore, #tpu.memory_space<semaphore_mem>>) src(%arg8 : memref<128x64xf32, #tpu.memory_space<vmem>>) dst(%dma_wait3A_69 : memref<10240x64xf32, #tpu.memory_space<vmem_shared>>)
    %dma_wait3A_70 = arith.constant 79 : i32
    %dma_wait3A_71 = arith.constant 0 : i32
    %dma_wait3A_72 = arith.constant 0 : i32
    %dma_wait3A_73 = tpu.memref_slice %arg19[%dma_wait3A_70, %dma_wait3A_71, %dma_wait3A_72] : memref<80x1x128xi32, #tpu.memory_space<vmem>> -> memref<1x1x128xi32, #tpu.memory_space<vmem>>
    %dma_wait3A_74 = tpu.memref_squeeze %dma_wait3A_73 : memref<1x1x128xi32, #tpu.memory_space<vmem>> -> memref<128xi32, #tpu.memory_space<vmem>>
    %dma_wait3A_75 = arith.constant 0 : i32
    %dma_wait3A_76 = arith.constant 0 : i32
    %dma_wait3A_77 = tpu.memref_slice %arg20[%dma_wait3A_75, %dma_wait3A_76] : memref<10240x64xf32, #tpu.memory_space<vmem_shared>> -> memref<10240x64xf32, #tpu.memory_space<vmem_shared>>
    tpu.wait_indirect_dma semaphore(%arg17 : memref<!tpu.dma_semaphore, #tpu.memory_space<semaphore_mem>>) src(%arg9 : memref<128x64xf32, #tpu.memory_space<vmem>>) dst(%dma_wait3A_77 : memref<10240x64xf32, #tpu.memory_space<vmem_shared>>)
    %barrier3A_78 = arith.constant 0 : index
    tpu.barrier barrier_id(%barrier3A_78)
    %mul3A_79 = arith.constant 640 : i32
    %mul3A_80 = arith.muli %arg1, %mul3A_79 : i32
    %mul3A_81 = arith.constant 640 : i32
    %mul3A_82 = arith.muli %arg1, %mul3A_81 : i32
    "tpu.region"() ({
      %run_scoped3A = tpu.sem_alloc : memref<!tpu.dma_semaphore, #tpu.memory_space<semaphore_mem>>
      %dma_start3A_83 = arith.constant 0 : i32
      %dma_start3A_84 = tpu.memref_slice %arg5[%arg0, %mul3A_82, %dma_start3A_83] : memref<2x10240x64xf32, #tpu.memory_space<hbm>> -> memref<1x640x64xf32, #tpu.memory_space<hbm>>
      %dma_start3A_85 = tpu.memref_squeeze %dma_start3A_84 : memref<1x640x64xf32, #tpu.memory_space<hbm>> -> memref<640x64xf32, #tpu.memory_space<hbm>>
      %dma_start3A_86 = arith.constant 0 : i32
      %dma_start3A_87 = tpu.memref_slice %arg20[%mul3A_80, %dma_start3A_86] : memref<10240x64xf32, #tpu.memory_space<vmem_shared>> -> memref<640x64xf32, #tpu.memory_space<vmem_shared>>
      tpu.enqueue_dma source(%dma_start3A_87 : memref<640x64xf32, #tpu.memory_space<vmem_shared>>) target(%dma_start3A_85 : memref<640x64xf32, #tpu.memory_space<hbm>>) target_semaphore(%run_scoped3A : memref<!tpu.dma_semaphore, #tpu.memory_space<semaphore_mem>>)
      %dma_wait3A_88 = arith.constant 0 : i32
      %dma_wait3A_89 = tpu.memref_slice %arg5[%arg0, %mul3A_82, %dma_wait3A_88] : memref<2x10240x64xf32, #tpu.memory_space<hbm>> -> memref<1x640x64xf32, #tpu.memory_space<hbm>>
      %dma_wait3A_90 = tpu.memref_squeeze %dma_wait3A_89 : memref<1x640x64xf32, #tpu.memory_space<hbm>> -> memref<640x64xf32, #tpu.memory_space<hbm>>
      %dma_wait3A_91 = arith.constant 0 : i32
      %dma_wait3A_92 = tpu.memref_slice %arg20[%mul3A_80, %dma_wait3A_91] : memref<10240x64xf32, #tpu.memory_space<vmem_shared>> -> memref<640x64xf32, #tpu.memory_space<vmem_shared>>
      tpu.wait_dma2 semaphore(%run_scoped3A : memref<!tpu.dma_semaphore, #tpu.memory_space<semaphore_mem>>) src(%dma_wait3A_92 : memref<640x64xf32, #tpu.memory_space<vmem_shared>>) dst(%dma_wait3A_90 : memref<640x64xf32, #tpu.memory_space<hbm>>)
      tpu.yield
    }) : () -> ()
    return
  }
}

module attributes {stable_mosaic.version = 14 : i64} {
  func.func @_t1_body(%arg0: i32, %arg1: memref<128x128xf32, #tpu.memory_space<vmem>>, %arg2: memref<128x16xf32, #tpu.memory_space<vmem>>, %arg3: memref<128x16xf32, #tpu.memory_space<vmem>>, %arg4: memref<128x16xf32, #tpu.memory_space<vmem>>, %arg5: memref<128x16xf32, #tpu.memory_space<vmem>>, %arg6: memref<128x16xf32, #tpu.memory_space<vmem>>, %arg7: memref<128x16xf32, #tpu.memory_space<vmem>>, %arg8: memref<16x128xf32, #tpu.memory_space<vmem>>, %arg9: memref<1x128xf32, #tpu.memory_space<vmem>>, %arg10: memref<128x64xf32, #tpu.memory_space<vmem>>, %arg11: memref<128x64xf32, #tpu.memory_space<vmem>>, %arg12: memref<128x64xf32, #tpu.memory_space<vmem>>, %arg13: memref<128x64xf32, #tpu.memory_space<vmem>>, %arg14: memref<128x64xf32, #tpu.memory_space<vmem>>) attributes {dimension_semantics = [#tpu.dimension_semantics<arbitrary>], iteration_bounds = array<i64: 80>, scalar_prefetch = 0 : i64, scratch_operands = 0 : i64, tpu.core_type = #tpu.core_type<tc>, window_params = [{transform_indices = @transform_0, window_bounds = array<i64: 128, 128>}, {transform_indices = @transform_1, window_bounds = array<i64: 128, 16>}, {transform_indices = @transform_2, window_bounds = array<i64: 128, 16>}, {transform_indices = @transform_3, window_bounds = array<i64: 128, 16>}, {transform_indices = @transform_4, window_bounds = array<i64: 128, 16>}, {transform_indices = @transform_5, window_bounds = array<i64: 128, 16>}, {transform_indices = @transform_6, window_bounds = array<i64: 128, 16>}, {pipeline_mode = #tpu.pipeline_mode<synchronous>, transform_indices = @transform_7, window_bounds = array<i64: 16, 128>}, {pipeline_mode = #tpu.pipeline_mode<synchronous>, transform_indices = @transform_8, window_bounds = array<i64: 1, 128>}, {pipeline_mode = #tpu.pipeline_mode<synchronous>, transform_indices = @transform_9, window_bounds = array<i64: 128, 64>}, {pipeline_mode = #tpu.pipeline_mode<synchronous>, transform_indices = @transform_10, window_bounds = array<i64: 128, 64>}, {transform_indices = @transform_11, window_bounds = array<i64: 128, 64>}, {transform_indices = @transform_12, window_bounds = array<i64: 128, 64>}, {transform_indices = @transform_13, window_bounds = array<i64: 128, 64>}]} {
    %get3A = arith.constant 0 : index
    %get3A_0 = arith.constant 0 : index
    %get3A_1 = vector.load %arg2[%get3A, %get3A_0] : memref<128x16xf32, #tpu.memory_space<vmem>>, vector<128x16xf32>
    %get3A_2 = arith.constant 0 : index
    %get3A_3 = arith.constant 0 : index
    %get3A_4 = vector.load %arg3[%get3A_2, %get3A_3] : memref<128x16xf32, #tpu.memory_space<vmem>>, vector<128x16xf32>
    %add3A = arith.addf %get3A_1, %get3A_4 : vector<128x16xf32>
    %get3A_5 = arith.constant 0 : index
    %get3A_6 = arith.constant 0 : index
    %get3A_7 = vector.load %arg4[%get3A_5, %get3A_6] : memref<128x16xf32, #tpu.memory_space<vmem>>, vector<128x16xf32>
    %get3A_8 = arith.constant 0 : index
    %get3A_9 = arith.constant 0 : index
    %get3A_10 = vector.load %arg5[%get3A_8, %get3A_9] : memref<128x16xf32, #tpu.memory_space<vmem>>, vector<128x16xf32>
    %add3A_11 = arith.addf %get3A_7, %get3A_10 : vector<128x16xf32>
    %slice3A = vector.extract_strided_slice %add3A_11 {offsets = [0, 0], sizes = [128, 1], strides = [1, 1]} : vector<128x16xf32> to vector<128x1xf32>
    %get3A_12 = arith.constant 0 : index
    %get3A_13 = arith.constant 0 : index
    %get3A_14 = vector.load %arg6[%get3A_12, %get3A_13] : memref<128x16xf32, #tpu.memory_space<vmem>>, vector<128x16xf32>
    %get3A_15 = arith.constant 0 : index
    %get3A_16 = arith.constant 0 : index
    %get3A_17 = vector.load %arg7[%get3A_15, %get3A_16] : memref<128x16xf32, #tpu.memory_space<vmem>>, vector<128x16xf32>
    %add3A_18 = arith.addf %get3A_14, %get3A_17 : vector<128x16xf32>
    %slice3A_19 = vector.extract_strided_slice %add3A_18 {offsets = [0, 0], sizes = [128, 1], strides = [1, 1]} : vector<128x16xf32> to vector<128x1xf32>
    %max3A = arith.constant 1.000000e+00 : f32
    %max3A_20 = vector.broadcast %max3A : f32 to vector<128x1xf32>
    %max3A_21 = arith.maximumf %slice3A_19, %max3A_20 : vector<128x1xf32>
    %div3A = arith.constant 1.000000e+00 : f32
    %div3A_22 = vector.broadcast %div3A : f32 to vector<128x1xf32>
    %div3A_23 = arith.divf %div3A_22, %max3A_21 : vector<128x1xf32>
    %broadcast_in_dim3A = vector.shape_cast %div3A_23 : vector<128x1xf32> to vector<128x1xf32>
    %broadcast_in_dim3A_24 = vector.broadcast %broadcast_in_dim3A : vector<128x1xf32> to vector<128x64xf32>
    %swap3A = arith.constant 0 : index
    %swap3A_25 = arith.constant 0 : index
    %swap3A_26 = vector.load %arg14[%swap3A, %swap3A_25] : memref<128x64xf32, #tpu.memory_space<vmem>>, vector<128x64xf32>
    tpu.vector_store %arg14[%swap3A, %swap3A_25], %broadcast_in_dim3A_24 {strides = array<i32>} : memref<128x64xf32, #tpu.memory_space<vmem>>, vector<128x64xf32>,
    %get3A_27 = arith.constant 0 : index
    %get3A_28 = arith.constant 0 : index
    %get3A_29 = vector.load %arg1[%get3A_27, %get3A_28] : memref<128x128xf32, #tpu.memory_space<vmem>>, vector<128x128xf32>
    %get3A_30 = arith.constant 0 : index
    %get3A_31 = arith.constant 0 : index
    %get3A_32 = vector.load %arg8[%get3A_30, %get3A_31] : memref<16x128xf32, #tpu.memory_space<vmem>>, vector<16x128xf32>
    %dot_general3A = arith.constant dense<0.000000e+00> : vector<128x128xf32>
    %dot_general3A_33 = tpu.matmul %add3A, %get3A_32, %dot_general3A {dimension_numbers = #tpu.dot_dimension_numbers<[1], [0], [0], [1], [0, 0, 1, 1], [], []>, precision = #tpu.contract_precision<fp32>, transpose_lhs_hint = false} : vector<128x16xf32>, vector<16x128xf32>, vector<128x128xf32> -> vector<128x128xf32>
    %add3A_34 = arith.addf %get3A_29, %dot_general3A_33 : vector<128x128xf32>
    %get3A_35 = arith.constant 0 : index
    %get3A_36 = arith.constant 0 : index
    %get3A_37 = vector.load %arg9[%get3A_35, %get3A_36] : memref<1x128xf32, #tpu.memory_space<vmem>>, vector<1x128xf32>
    %mul3A = vector.broadcast %slice3A : vector<128x1xf32> to vector<128x128xf32>
    %mul3A_38 = vector.broadcast %get3A_37 : vector<1x128xf32> to vector<128x128xf32>
    %mul3A_39 = arith.mulf %mul3A, %mul3A_38 : vector<128x128xf32>
    %add3A_40 = arith.addf %add3A_34, %mul3A_39 : vector<128x128xf32>
    %get3A_41 = arith.constant 0 : index
    %get3A_42 = arith.constant 0 : index
    %get3A_43 = vector.load %arg10[%get3A_41, %get3A_42] : memref<128x64xf32, #tpu.memory_space<vmem>>, vector<128x64xf32>
    %dot_general3A_44 = arith.constant dense<0.000000e+00> : vector<128x64xf32>
    %dot_general3A_45 = tpu.matmul %add3A_40, %get3A_43, %dot_general3A_44 {dimension_numbers = #tpu.dot_dimension_numbers<[1], [0], [0], [1], [0, 0, 1, 1], [], []>, precision = #tpu.contract_precision<fp32>, transpose_lhs_hint = false} : vector<128x128xf32>, vector<128x64xf32>, vector<128x64xf32> -> vector<128x64xf32>
    %swap3A_46 = arith.constant 0 : index
    %swap3A_47 = arith.constant 0 : index
    %swap3A_48 = vector.load %arg12[%swap3A_46, %swap3A_47] : memref<128x64xf32, #tpu.memory_space<vmem>>, vector<128x64xf32>
    tpu.vector_store %arg12[%swap3A_46, %swap3A_47], %dot_general3A_45 {strides = array<i32>} : memref<128x64xf32, #tpu.memory_space<vmem>>, vector<128x64xf32>,
    %get3A_49 = arith.constant 0 : index
    %get3A_50 = arith.constant 0 : index
    %get3A_51 = vector.load %arg11[%get3A_49, %get3A_50] : memref<128x64xf32, #tpu.memory_space<vmem>>, vector<128x64xf32>
    %dot_general3A_52 = arith.constant dense<0.000000e+00> : vector<128x64xf32>
    %dot_general3A_53 = tpu.matmul %add3A_40, %get3A_51, %dot_general3A_52 {dimension_numbers = #tpu.dot_dimension_numbers<[1], [0], [0], [1], [0, 0, 1, 1], [], []>, precision = #tpu.contract_precision<fp32>, transpose_lhs_hint = false} : vector<128x128xf32>, vector<128x64xf32>, vector<128x64xf32> -> vector<128x64xf32>
    %swap3A_54 = arith.constant 0 : index
    %swap3A_55 = arith.constant 0 : index
    %swap3A_56 = vector.load %arg13[%swap3A_54, %swap3A_55] : memref<128x64xf32, #tpu.memory_space<vmem>>, vector<128x64xf32>
    tpu.vector_store %arg13[%swap3A_54, %swap3A_55], %dot_general3A_53 {strides = array<i32>} : memref<128x64xf32, #tpu.memory_space<vmem>>, vector<128x64xf32>,
    return
  }
  func.func @transform_0(%arg0: i32) -> (i32, i32) {
    %c0_i32 = arith.constant 0 : i32
    %c0_i32_0 = arith.constant 0 : i32
    return %arg0, %c0_i32 : i32, i32
  }
  func.func @transform_1(%arg0: i32) -> (i32, i32) {
    %c0_i32 = arith.constant 0 : i32
    %c0_i32_0 = arith.constant 0 : i32
    return %arg0, %c0_i32 : i32, i32
  }
  func.func @transform_2(%arg0: i32) -> (i32, i32) {
    %c0_i32 = arith.constant 0 : i32
    %c0_i32_0 = arith.constant 0 : i32
    return %arg0, %c0_i32 : i32, i32
  }
  func.func @transform_3(%arg0: i32) -> (i32, i32) {
    %c0_i32 = arith.constant 0 : i32
    %c0_i32_0 = arith.constant 0 : i32
    return %arg0, %c0_i32 : i32, i32
  }
  func.func @transform_4(%arg0: i32) -> (i32, i32) {
    %c0_i32 = arith.constant 0 : i32
    %c0_i32_0 = arith.constant 0 : i32
    return %arg0, %c0_i32 : i32, i32
  }
  func.func @transform_5(%arg0: i32) -> (i32, i32) {
    %c0_i32 = arith.constant 0 : i32
    %c0_i32_0 = arith.constant 0 : i32
    return %arg0, %c0_i32 : i32, i32
  }
  func.func @transform_6(%arg0: i32) -> (i32, i32) {
    %c0_i32 = arith.constant 0 : i32
    %c0_i32_0 = arith.constant 0 : i32
    return %arg0, %c0_i32 : i32, i32
  }
  func.func @transform_7(%arg0: i32) -> (i32, i32) {
    %c0_i32 = arith.constant 0 : i32
    %c0_i32_0 = arith.constant 0 : i32
    %c0_i32_1 = arith.constant 0 : i32
    return %c0_i32, %c0_i32_0 : i32, i32
  }
  func.func @transform_8(%arg0: i32) -> (i32, i32) {
    %c0_i32 = arith.constant 0 : i32
    %c0_i32_0 = arith.constant 0 : i32
    %c0_i32_1 = arith.constant 0 : i32
    return %c0_i32, %c0_i32_0 : i32, i32
  }
  func.func @transform_9(%arg0: i32) -> (i32, i32) {
    %c0_i32 = arith.constant 0 : i32
    %c0_i32_0 = arith.constant 0 : i32
    %c0_i32_1 = arith.constant 0 : i32
    return %c0_i32, %c0_i32_0 : i32, i32
  }
  func.func @transform_10(%arg0: i32) -> (i32, i32) {
    %c0_i32 = arith.constant 0 : i32
    %c0_i32_0 = arith.constant 0 : i32
    %c0_i32_1 = arith.constant 0 : i32
    return %c0_i32, %c0_i32_0 : i32, i32
  }
  func.func @transform_11(%arg0: i32) -> (i32, i32) {
    %c0_i32 = arith.constant 0 : i32
    %c0_i32_0 = arith.constant 0 : i32
    return %arg0, %c0_i32 : i32, i32
  }
  func.func @transform_12(%arg0: i32) -> (i32, i32) {
    %c0_i32 = arith.constant 0 : i32
    %c0_i32_0 = arith.constant 0 : i32
    return %arg0, %c0_i32 : i32, i32
  }
  func.func @transform_13(%arg0: i32) -> (i32, i32) {
    %c0_i32 = arith.constant 0 : i32
    %c0_i32_0 = arith.constant 0 : i32
    return %arg0, %c0_i32 : i32, i32
  }
}

module attributes {stable_mosaic.version = 14 : i64} {
  func.func @_combine_body(%arg0: i32, %arg1: memref<128x64xf32, #tpu.memory_space<vmem>>, %arg2: memref<128x64xf32, #tpu.memory_space<vmem>>, %arg3: memref<128x64xf32, #tpu.memory_space<vmem>>, %arg4: memref<128x64xf32, #tpu.memory_space<vmem>>, %arg5: memref<1x64xf32, #tpu.memory_space<vmem>>, %arg6: memref<64x64xf32, #tpu.memory_space<vmem>>, %arg7: memref<64x64xf32, #tpu.memory_space<vmem>>, %arg8: memref<128x64xf32, #tpu.memory_space<vmem>>, %arg9: memref<128x64xf32, #tpu.memory_space<vmem>>) attributes {dimension_semantics = [#tpu.dimension_semantics<arbitrary>], iteration_bounds = array<i64: 80>, scalar_prefetch = 0 : i64, scratch_operands = 0 : i64, tpu.core_type = #tpu.core_type<tc>, window_params = [{transform_indices = @transform_0, window_bounds = array<i64: 128, 64>}, {transform_indices = @transform_1, window_bounds = array<i64: 128, 64>}, {transform_indices = @transform_2, window_bounds = array<i64: 128, 64>}, {transform_indices = @transform_3, window_bounds = array<i64: 128, 64>}, {pipeline_mode = #tpu.pipeline_mode<synchronous>, transform_indices = @transform_4, window_bounds = array<i64: 1, 64>}, {pipeline_mode = #tpu.pipeline_mode<synchronous>, transform_indices = @transform_5, window_bounds = array<i64: 64, 64>}, {pipeline_mode = #tpu.pipeline_mode<synchronous>, transform_indices = @transform_6, window_bounds = array<i64: 64, 64>}, {transform_indices = @transform_7, window_bounds = array<i64: 128, 64>}, {transform_indices = @transform_8, window_bounds = array<i64: 128, 64>}]} {
    %get3A = arith.constant 0 : index
    %get3A_0 = arith.constant 0 : index
    %get3A_1 = vector.load %arg1[%get3A, %get3A_0] : memref<128x64xf32, #tpu.memory_space<vmem>>, vector<128x64xf32>
    %get3A_2 = arith.constant 0 : index
    %get3A_3 = arith.constant 0 : index
    %get3A_4 = vector.load %arg2[%get3A_2, %get3A_3] : memref<128x64xf32, #tpu.memory_space<vmem>>, vector<128x64xf32>
    %add3A = arith.addf %get3A_1, %get3A_4 : vector<128x64xf32>
    %get3A_5 = arith.constant 0 : index
    %get3A_6 = arith.constant 0 : index
    %get3A_7 = vector.load %arg3[%get3A_5, %get3A_6] : memref<128x64xf32, #tpu.memory_space<vmem>>, vector<128x64xf32>
    %mul3A = arith.mulf %add3A, %get3A_7 : vector<128x64xf32>
    %get3A_8 = arith.constant 0 : index
    %get3A_9 = arith.constant 0 : index
    %get3A_10 = vector.load %arg5[%get3A_8, %get3A_9] : memref<1x64xf32, #tpu.memory_space<vmem>>, vector<1x64xf32>
    %add3A_11 = vector.broadcast %get3A_10 : vector<1x64xf32> to vector<128x64xf32>
    %add3A_12 = arith.addf %mul3A, %add3A_11 : vector<128x64xf32>
    %get3A_13 = arith.constant 0 : index
    %get3A_14 = arith.constant 0 : index
    %get3A_15 = vector.load %arg4[%get3A_13, %get3A_14] : memref<128x64xf32, #tpu.memory_space<vmem>>, vector<128x64xf32>
    %add3A_16 = arith.addf %add3A_12, %get3A_15 : vector<128x64xf32>
    %max3A = arith.constant 0.000000e+00 : f32
    %max3A_17 = vector.broadcast %max3A : f32 to vector<128x64xf32>
    %max3A_18 = arith.maximumf %add3A_16, %max3A_17 : vector<128x64xf32>
    %get3A_19 = arith.constant 0 : index
    %get3A_20 = arith.constant 0 : index
    %get3A_21 = vector.load %arg6[%get3A_19, %get3A_20] : memref<64x64xf32, #tpu.memory_space<vmem>>, vector<64x64xf32>
    %dot_general3A = arith.constant dense<0.000000e+00> : vector<128x64xf32>
    %dot_general3A_22 = tpu.matmul %max3A_18, %get3A_21, %dot_general3A {dimension_numbers = #tpu.dot_dimension_numbers<[1], [0], [0], [1], [0, 0, 1, 1], [], []>, precision = #tpu.contract_precision<fp32>, transpose_lhs_hint = false} : vector<128x64xf32>, vector<64x64xf32>, vector<128x64xf32> -> vector<128x64xf32>
    %swap3A = arith.constant 0 : index
    %swap3A_23 = arith.constant 0 : index
    %swap3A_24 = vector.load %arg8[%swap3A, %swap3A_23] : memref<128x64xf32, #tpu.memory_space<vmem>>, vector<128x64xf32>
    tpu.vector_store %arg8[%swap3A, %swap3A_23], %dot_general3A_22 {strides = array<i32>} : memref<128x64xf32, #tpu.memory_space<vmem>>, vector<128x64xf32>,
    %get3A_25 = arith.constant 0 : index
    %get3A_26 = arith.constant 0 : index
    %get3A_27 = vector.load %arg7[%get3A_25, %get3A_26] : memref<64x64xf32, #tpu.memory_space<vmem>>, vector<64x64xf32>
    %dot_general3A_28 = arith.constant dense<0.000000e+00> : vector<128x64xf32>
    %dot_general3A_29 = tpu.matmul %max3A_18, %get3A_27, %dot_general3A_28 {dimension_numbers = #tpu.dot_dimension_numbers<[1], [0], [0], [1], [0, 0, 1, 1], [], []>, precision = #tpu.contract_precision<fp32>, transpose_lhs_hint = false} : vector<128x64xf32>, vector<64x64xf32>, vector<128x64xf32> -> vector<128x64xf32>
    %swap3A_30 = arith.constant 0 : index
    %swap3A_31 = arith.constant 0 : index
    %swap3A_32 = vector.load %arg9[%swap3A_30, %swap3A_31] : memref<128x64xf32, #tpu.memory_space<vmem>>, vector<128x64xf32>
    tpu.vector_store %arg9[%swap3A_30, %swap3A_31], %dot_general3A_29 {strides = array<i32>} : memref<128x64xf32, #tpu.memory_space<vmem>>, vector<128x64xf32>,
    return
  }
  func.func @transform_0(%arg0: i32) -> (i32, i32) {
    %c0_i32 = arith.constant 0 : i32
    %c0_i32_0 = arith.constant 0 : i32
    return %arg0, %c0_i32 : i32, i32
  }
  func.func @transform_1(%arg0: i32) -> (i32, i32) {
    %c0_i32 = arith.constant 0 : i32
    %c0_i32_0 = arith.constant 0 : i32
    return %arg0, %c0_i32 : i32, i32
  }
  func.func @transform_2(%arg0: i32) -> (i32, i32) {
    %c0_i32 = arith.constant 0 : i32
    %c0_i32_0 = arith.constant 0 : i32
    return %arg0, %c0_i32 : i32, i32
  }
  func.func @transform_3(%arg0: i32) -> (i32, i32) {
    %c0_i32 = arith.constant 0 : i32
    %c0_i32_0 = arith.constant 0 : i32
    return %arg0, %c0_i32 : i32, i32
  }
  func.func @transform_4(%arg0: i32) -> (i32, i32) {
    %c0_i32 = arith.constant 0 : i32
    %c0_i32_0 = arith.constant 0 : i32
    %c0_i32_1 = arith.constant 0 : i32
    return %c0_i32, %c0_i32_0 : i32, i32
  }
  func.func @transform_5(%arg0: i32) -> (i32, i32) {
    %c0_i32 = arith.constant 0 : i32
    %c0_i32_0 = arith.constant 0 : i32
    %c0_i32_1 = arith.constant 0 : i32
    return %c0_i32, %c0_i32_0 : i32, i32
  }
  func.func @transform_6(%arg0: i32) -> (i32, i32) {
    %c0_i32 = arith.constant 0 : i32
    %c0_i32_0 = arith.constant 0 : i32
    %c0_i32_1 = arith.constant 0 : i32
    return %c0_i32, %c0_i32_0 : i32, i32
  }
  func.func @transform_7(%arg0: i32) -> (i32, i32) {
    %c0_i32 = arith.constant 0 : i32
    %c0_i32_0 = arith.constant 0 : i32
    return %arg0, %c0_i32 : i32, i32
  }
  func.func @transform_8(%arg0: i32) -> (i32, i32) {
    %c0_i32 = arith.constant 0 : i32
    %c0_i32_0 = arith.constant 0 : i32
    return %arg0, %c0_i32 : i32, i32
  }
}

module attributes {stable_mosaic.version = 14 : i64} {
  func.func @_final_body(%arg0: i32, %arg1: memref<128x64xf32, #tpu.memory_space<vmem>>, %arg2: memref<128x64xf32, #tpu.memory_space<vmem>>, %arg3: memref<128x64xf32, #tpu.memory_space<vmem>>, %arg4: memref<128x64xf32, #tpu.memory_space<vmem>>, %arg5: memref<1x64xf32, #tpu.memory_space<vmem>>, %arg6: memref<1x1x128xi32, #tpu.memory_space<vmem>>, %arg7: memref<64x128xf32, #tpu.memory_space<vmem>>, %arg8: memref<1x128xf32, #tpu.memory_space<vmem>>, %arg9: memref<64x128xf32, #tpu.memory_space<vmem>>, %arg10: memref<64x64xf32, #tpu.memory_space<vmem>>, %arg11: memref<64x64xf32, #tpu.memory_space<vmem>>) attributes {dimension_semantics = [#tpu.dimension_semantics<arbitrary>], iteration_bounds = array<i64: 80>, scalar_prefetch = 0 : i64, scratch_operands = 2 : i64, tpu.core_type = #tpu.core_type<tc>, window_params = [{transform_indices = @transform_0, window_bounds = array<i64: 128, 64>}, {transform_indices = @transform_1, window_bounds = array<i64: 128, 64>}, {transform_indices = @transform_2, window_bounds = array<i64: 128, 64>}, {transform_indices = @transform_3, window_bounds = array<i64: 128, 64>}, {pipeline_mode = #tpu.pipeline_mode<synchronous>, transform_indices = @transform_4, window_bounds = array<i64: 1, 64>}, {transform_indices = @transform_5, window_bounds = array<i64: 1, 1, 128>}, {pipeline_mode = #tpu.pipeline_mode<synchronous>, transform_indices = @transform_6, window_bounds = array<i64: 64, 128>}, {pipeline_mode = #tpu.pipeline_mode<synchronous>, transform_indices = @transform_7, window_bounds = array<i64: 1, 128>}, {pipeline_mode = #tpu.pipeline_mode<synchronous>, transform_indices = @transform_8, window_bounds = array<i64: 64, 128>}]} {
    %get3A = arith.constant 0 : index
    %get3A_0 = arith.constant 0 : index
    %get3A_1 = vector.load %arg1[%get3A, %get3A_0] : memref<128x64xf32, #tpu.memory_space<vmem>>, vector<128x64xf32>
    %get3A_2 = arith.constant 0 : index
    %get3A_3 = arith.constant 0 : index
    %get3A_4 = vector.load %arg2[%get3A_2, %get3A_3] : memref<128x64xf32, #tpu.memory_space<vmem>>, vector<128x64xf32>
    %add3A = arith.addf %get3A_1, %get3A_4 : vector<128x64xf32>
    %get3A_5 = arith.constant 0 : index
    %get3A_6 = arith.constant 0 : index
    %get3A_7 = vector.load %arg3[%get3A_5, %get3A_6] : memref<128x64xf32, #tpu.memory_space<vmem>>, vector<128x64xf32>
    %mul3A = arith.mulf %add3A, %get3A_7 : vector<128x64xf32>
    %get3A_8 = arith.constant 0 : index
    %get3A_9 = arith.constant 0 : index
    %get3A_10 = vector.load %arg5[%get3A_8, %get3A_9] : memref<1x64xf32, #tpu.memory_space<vmem>>, vector<1x64xf32>
    %add3A_11 = vector.broadcast %get3A_10 : vector<1x64xf32> to vector<128x64xf32>
    %add3A_12 = arith.addf %mul3A, %add3A_11 : vector<128x64xf32>
    %get3A_13 = arith.constant 0 : index
    %get3A_14 = arith.constant 0 : index
    %get3A_15 = vector.load %arg4[%get3A_13, %get3A_14] : memref<128x64xf32, #tpu.memory_space<vmem>>, vector<128x64xf32>
    %add3A_16 = arith.addf %add3A_12, %get3A_15 : vector<128x64xf32>
    %max3A = arith.constant 0.000000e+00 : f32
    %max3A_17 = vector.broadcast %max3A : f32 to vector<128x64xf32>
    %max3A_18 = arith.maximumf %add3A_16, %max3A_17 : vector<128x64xf32>
    %get3A_19 = arith.constant 0 : index
    %get3A_20 = arith.constant 0 : index
    %get3A_21 = arith.constant 0 : index
    %get3A_22 = vector.load %arg6[%get3A_19, %get3A_20, %get3A_21] : memref<1x1x128xi32, #tpu.memory_space<vmem>>, vector<1x1x128xi32>
    %get3A_23 = vector.shape_cast %get3A_22 : vector<1x1x128xi32> to vector<1x128xi32>
    %broadcast_in_dim3A = vector.shape_cast %get3A_23 : vector<1x128xi32> to vector<1x128xi32>
    %broadcast_in_dim3A_24 = vector.broadcast %broadcast_in_dim3A : vector<1x128xi32> to vector<64x128xi32>
    %iota3A = tpu.iota {dimensions = array<i32: 0>} : vector<64x128xi32>
    %eq3A = arith.cmpi eq, %broadcast_in_dim3A_24, %iota3A : vector<64x128xi32>
    %jit3A = arith.constant 1.000000e+00 : f32
    %jit3A_25 = arith.constant 0.000000e+00 : f32
    %broadcast_in_dim3A_26 = vector.broadcast %jit3A : f32 to vector<64x128xf32>
    %broadcast_in_dim3A_27 = vector.broadcast %jit3A_25 : f32 to vector<64x128xf32>
    %select_n3A = arith.select %eq3A, %broadcast_in_dim3A_26, %broadcast_in_dim3A_27 : vector<64x128xi1>, vector<64x128xf32>
    %eq3A_28 = arith.constant 0 : i32
    %eq3A_29 = arith.cmpi eq, %arg0, %eq3A_28 : i32
    %convert_element_type3A = arith.extui %eq3A_29 : i1 to i32
    %cond3A = arith.constant 0 : i32
    %cond3A_30 = arith.cmpi ne, %convert_element_type3A, %cond3A : i32
    scf.if %cond3A_30 {
      %broadcast_in_dim3A_54 = arith.constant 0.000000e+00 : f32
      %broadcast_in_dim3A_55 = vector.broadcast %broadcast_in_dim3A_54 : f32 to vector<64x64xf32>
      %swap3A_56 = arith.constant 0 : index
      %swap3A_57 = arith.constant 0 : index
      %swap3A_58 = vector.load %arg10[%swap3A_56, %swap3A_57] : memref<64x64xf32, #tpu.memory_space<vmem>>, vector<64x64xf32>
      tpu.vector_store %arg10[%swap3A_56, %swap3A_57], %broadcast_in_dim3A_55 {strides = array<i32>} : memref<64x64xf32, #tpu.memory_space<vmem>>, vector<64x64xf32>,
      %broadcast_in_dim3A_59 = arith.constant 0.000000e+00 : f32
      %broadcast_in_dim3A_60 = vector.broadcast %broadcast_in_dim3A_59 : f32 to vector<64x64xf32>
      %swap3A_61 = arith.constant 0 : index
      %swap3A_62 = arith.constant 0 : index
      %swap3A_63 = vector.load %arg11[%swap3A_61, %swap3A_62] : memref<64x64xf32, #tpu.memory_space<vmem>>, vector<64x64xf32>
      tpu.vector_store %arg11[%swap3A_61, %swap3A_62], %broadcast_in_dim3A_60 {strides = array<i32>} : memref<64x64xf32, #tpu.memory_space<vmem>>, vector<64x64xf32>,
    } else {
    }
    %get3A_31 = arith.constant 0 : index
    %get3A_32 = arith.constant 0 : index
    %get3A_33 = vector.load %arg10[%get3A_31, %get3A_32] : memref<64x64xf32, #tpu.memory_space<vmem>>, vector<64x64xf32>
    %dot_general3A = arith.constant dense<0.000000e+00> : vector<64x64xf32>
    %dot_general3A_34 = tpu.matmul %select_n3A, %max3A_18, %dot_general3A {dimension_numbers = #tpu.dot_dimension_numbers<[1], [0], [0], [1], [0, 0, 1, 1], [], []>, precision = #tpu.contract_precision<fp32>, transpose_lhs_hint = false} : vector<64x128xf32>, vector<128x64xf32>, vector<64x64xf32> -> vector<64x64xf32>
    %add3A_35 = arith.addf %get3A_33, %dot_general3A_34 : vector<64x64xf32>
    %swap3A = arith.constant 0 : index
    %swap3A_36 = arith.constant 0 : index
    %swap3A_37 = vector.load %arg10[%swap3A, %swap3A_36] : memref<64x64xf32, #tpu.memory_space<vmem>>, vector<64x64xf32>
    tpu.vector_store %arg10[%swap3A, %swap3A_36], %add3A_35 {strides = array<i32>} : memref<64x64xf32, #tpu.memory_space<vmem>>, vector<64x64xf32>,
    %get3A_38 = arith.constant 0 : index
    %get3A_39 = arith.constant 0 : index
    %get3A_40 = vector.load %arg11[%get3A_38, %get3A_39] : memref<64x64xf32, #tpu.memory_space<vmem>>, vector<64x64xf32>
    %broadcast_in_dim3A_41 = arith.constant 1.000000e+00 : f32
    %broadcast_in_dim3A_42 = vector.broadcast %broadcast_in_dim3A_41 : f32 to vector<128x64xf32>
    %dot_general3A_43 = arith.constant dense<0.000000e+00> : vector<64x64xf32>
    %dot_general3A_44 = tpu.matmul %select_n3A, %broadcast_in_dim3A_42, %dot_general3A_43 {dimension_numbers = #tpu.dot_dimension_numbers<[1], [0], [0], [1], [0, 0, 1, 1], [], []>, precision = #tpu.contract_precision<fp32>, transpose_lhs_hint = false} : vector<64x128xf32>, vector<128x64xf32>, vector<64x64xf32> -> vector<64x64xf32>
    %add3A_45 = arith.addf %get3A_40, %dot_general3A_44 : vector<64x64xf32>
    %swap3A_46 = arith.constant 0 : index
    %swap3A_47 = arith.constant 0 : index
    %swap3A_48 = vector.load %arg11[%swap3A_46, %swap3A_47] : memref<64x64xf32, #tpu.memory_space<vmem>>, vector<64x64xf32>
    tpu.vector_store %arg11[%swap3A_46, %swap3A_47], %add3A_45 {strides = array<i32>} : memref<64x64xf32, #tpu.memory_space<vmem>>, vector<64x64xf32>,
    %eq3A_49 = arith.constant 79 : i32
    %eq3A_50 = arith.cmpi eq, %arg0, %eq3A_49 : i32
    %convert_element_type3A_51 = arith.extui %eq3A_50 : i1 to i32
    %cond3A_52 = arith.constant 0 : i32
    %cond3A_53 = arith.cmpi ne, %convert_element_type3A_51, %cond3A_52 : i32
    scf.if %cond3A_53 {
      %get3A_54 = arith.constant 0 : index
      %get3A_55 = arith.constant 0 : index
      %get3A_56 = vector.load %arg10[%get3A_54, %get3A_55] : memref<64x64xf32, #tpu.memory_space<vmem>>, vector<64x64xf32>
      %get3A_57 = arith.constant 0 : index
      %get3A_58 = arith.constant 0 : index
      %get3A_59 = vector.load %arg11[%get3A_57, %get3A_58] : memref<64x64xf32, #tpu.memory_space<vmem>>, vector<64x64xf32>
      %max3A_60 = arith.constant 1.000000e+00 : f32
      %max3A_61 = vector.broadcast %max3A_60 : f32 to vector<64x64xf32>
      %max3A_62 = arith.maximumf %get3A_59, %max3A_61 : vector<64x64xf32>
      %div3A = arith.divf %get3A_56, %max3A_62 : vector<64x64xf32>
      %get3A_63 = arith.constant 0 : index
      %get3A_64 = arith.constant 0 : index
      %get3A_65 = vector.load %arg7[%get3A_63, %get3A_64] : memref<64x128xf32, #tpu.memory_space<vmem>>, vector<64x128xf32>
      %dot_general3A_66 = arith.constant dense<0.000000e+00> : vector<64x128xf32>
      %dot_general3A_67 = tpu.matmul %div3A, %get3A_65, %dot_general3A_66 {dimension_numbers = #tpu.dot_dimension_numbers<[1], [0], [0], [1], [0, 0, 1, 1], [], []>, precision = #tpu.contract_precision<fp32>, transpose_lhs_hint = false} : vector<64x64xf32>, vector<64x128xf32>, vector<64x128xf32> -> vector<64x128xf32>
      %get3A_68 = arith.constant 0 : index
      %get3A_69 = arith.constant 0 : index
      %get3A_70 = vector.load %arg8[%get3A_68, %get3A_69] : memref<1x128xf32, #tpu.memory_space<vmem>>, vector<1x128xf32>
      %add3A_71 = vector.broadcast %get3A_70 : vector<1x128xf32> to vector<64x128xf32>
      %add3A_72 = arith.addf %dot_general3A_67, %add3A_71 : vector<64x128xf32>
      %swap3A_73 = arith.constant 0 : index
      %swap3A_74 = arith.constant 0 : index
      %swap3A_75 = vector.load %arg9[%swap3A_73, %swap3A_74] : memref<64x128xf32, #tpu.memory_space<vmem>>, vector<64x128xf32>
      tpu.vector_store %arg9[%swap3A_73, %swap3A_74], %add3A_72 {strides = array<i32>} : memref<64x128xf32, #tpu.memory_space<vmem>>, vector<64x128xf32>,
    } else {
    }
    return
  }
  func.func @transform_0(%arg0: i32) -> (i32, i32) {
    %c0_i32 = arith.constant 0 : i32
    %c0_i32_0 = arith.constant 0 : i32
    return %arg0, %c0_i32 : i32, i32
  }
  func.func @transform_1(%arg0: i32) -> (i32, i32) {
    %c0_i32 = arith.constant 0 : i32
    %c0_i32_0 = arith.constant 0 : i32
    return %arg0, %c0_i32 : i32, i32
  }
  func.func @transform_2(%arg0: i32) -> (i32, i32) {
    %c0_i32 = arith.constant 0 : i32
    %c0_i32_0 = arith.constant 0 : i32
    return %arg0, %c0_i32 : i32, i32
  }
  func.func @transform_3(%arg0: i32) -> (i32, i32) {
    %c0_i32 = arith.constant 0 : i32
    %c0_i32_0 = arith.constant 0 : i32
    return %arg0, %c0_i32 : i32, i32
  }
  func.func @transform_4(%arg0: i32) -> (i32, i32) {
    %c0_i32 = arith.constant 0 : i32
    %c0_i32_0 = arith.constant 0 : i32
    %c0_i32_1 = arith.constant 0 : i32
    return %c0_i32, %c0_i32_0 : i32, i32
  }
  func.func @transform_5(%arg0: i32) -> (i32, i32, i32) {
    %c0_i32 = arith.constant 0 : i32
    %c0_i32_0 = arith.constant 0 : i32
    %c0_i32_1 = arith.constant 0 : i32
    return %arg0, %c0_i32, %c0_i32_0 : i32, i32, i32
  }
  func.func @transform_6(%arg0: i32) -> (i32, i32) {
    %c0_i32 = arith.constant 0 : i32
    %c0_i32_0 = arith.constant 0 : i32
    %c0_i32_1 = arith.constant 0 : i32
    return %c0_i32, %c0_i32_0 : i32, i32
  }
  func.func @transform_7(%arg0: i32) -> (i32, i32) {
    %c0_i32 = arith.constant 0 : i32
    %c0_i32_0 = arith.constant 0 : i32
    %c0_i32_1 = arith.constant 0 : i32
    return %c0_i32, %c0_i32_0 : i32, i32
  }
  func.func @transform_8(%arg0: i32) -> (i32, i32) {
    %c0_i32 = arith.constant 0 : i32
    %c0_i32_0 = arith.constant 0 : i32
    %c0_i32_1 = arith.constant 0 : i32
    return %c0_i32, %c0_i32_0 : i32, i32
  }
}

</mosaic_0001>

<sc_bundles>
// kernel: sc_edge_agg.11.cloned.1.call-start
scs
__scs_entry_jumppad:
0x0: {  	(pc) =	sbr.rel $0x88, $3  }
0x1: {  	(tag) =	ssettag $0x0;
	lr =	simm.s32 $0x1  }
0x2: {  	[smem:$0x3F90] =	sst lr;
	_ =	strace $0xD0000000  }
0x3: {  	_ = 	snop  }
0x4: {  	_ = 	snop  }
0x5: {  	_ = 	snop  }
0x6: {  	_ = 	snop  }
0x7: {  	_ = 	snop  }
__scs_overlays_trampoline_lowered:
0x8: {  	[smem:$0x3F9F] =	sst s0  }
0x9: {  	[smem:$0x3FA0] =	sst s1  }
0xa: {  	[smem:$0x3FA1] =	sst s2  }
0xb: {  	[smem:$0x3FA2] =	sst s3  }
0xc: {  	[smem:$0x3FA3] =	sst s4  }
0xd: {  	[smem:$0x3FA4] =	sst s5  }
0xe: {  	[smem:$0x3FA5] =	sst s6  }
0xf: {  	[smem:$0x3FA6] =	sst s7  }
0x10: {  	[smem:$0x3FA7] =	sst s8  }
0x11: {  	[smem:$0x3FA8] =	sst s9;
	s0 =	simm.s32 @!p0 $0x0  }
0x12: {  	s1 =	sld [smem:$0x3F8E];
	s0 =	simm.s32 @p0 $0x1  }
0x13: {  	[smem:$0x3FA9] =	sst s0;
	s0 =	simm.s32 @!p1 $0x0  }
0x14: {  	s2 =	sld [smem:$0x3F8D];
	s0 =	simm.s32 @p1 $0x1  }
0x15: {  	[smem:$0x3FAA] =	sst s0;
	s0 =	simm.s32 @!p2 $0x0  }
0x16: {  	s3 =	sld [smem:$0x3FDB];
	s0 =	simm.s32 @p2 $0x1  }
0x17: {  	s4 =	simm.s32 $0x1BF5;
	[smem:$0x3FAC] =	sst s0  }
0x18: {  	s0 =	sld [smem:$0x3F8F];
	_ =	swait.ge [sflag:s4], $0x0  }
0x19: {  	s7 =	sld [smem:$0x3F90]  }
0x1a: {  	s8 =	sadd.s32 $0xFFFFE003, lr  }
0x1b: {  	s9 =	sadd.s32 $0xFFFFFEF7, lr;
	s5 =	simm.s32 $0xFFFFFFFF;
	p2 =	slt.u32 s8, $0xFFFFF086  }
0x1c: {  	p1 =	slt.u32 s9, $0xF7A;
	s5 =	simm.s32 @!p2 $0x0  }
0x1d: {  	s5 =	simm.s32 @p1 $0x1;
	p0 =	seq.s32 s7, s2  }
0x1e: {  	s7 =	smul.u32 @!p0 $0xF7A, s2;
	p2 =	seq.s32 @!p0 s5, $0x0  }
0x1f: {  	s9 =	smul.u32 $0xF7A, s1;
	s8 =	simm.s32 @!p0 $0x1BF5;
	p2 =	por !p2, p0  }
0x20: {  	[sflag:s8] =	ssyncset.s32 @!p0 $0xFFFFF086;
	s6 =	sadd.s32 @!p0 s3, s7;
	s7 =	simm.s32 @!p0 $0x108  }
0x21: {  	s3 =	sadd.s32 s3, s9;
	s6 =	sadd.s32 @!p0 $0x88, s6;
	s7 =	simm.s32 @p2 $0x1082  }
0x22: {  	[simem:s7], [sflag:s8] =	dma.local @!p0 [hbm:s6], $0xF7A  }
0x23: {  	s9 =	sor.u32 $0xD0000000, s2;
	s6 =	simm.s32 $0x108;
	_ =	swait.ge @!p0 [sflag:s8], $0x0  }
0x24: {  	s3 =	sadd.s32 $0x88, s3;
	s6 =	simm.s32 @!p1 $0x1082;
	[sflag:s4] =	ssyncset.s32 $0xFFFFF086  }
0x25: {  	[simem:s6], [sflag:s4] =	dma.local [hbm:s3], $0xF7A  }
0x26: {  	[smem:$0x3F90] =	sst s1;
	(tag) =	ssettag s2;
	_ =	strace s9  }
0x27: {  	s1 =	sld [smem:$0x3FA0]  }
0x28: {  	s2 =	sld [smem:$0x3FA1]  }
0x29: {  	s4 =	sld [smem:$0x3FA3]  }
0x2a: {  	p0 =	seq.s32 s5, $0x0;
	s5 =	sld [smem:$0x3FA4]  }
0x2b: {  	s6 =	sld [smem:$0x3FA5]  }
0x2c: {  	s7 =	sld [smem:$0x3FA6]  }
0x2d: {  	s3 =	simm.s32 $0x108;
	s8 =	sld [smem:$0x3FA7]  }
0x2e: {  	s3 =	simm.s32 @!p0 $0x1082;
	s9 =	sld [smem:$0x3FA8]  }
0x2f: {  	lr =	sadd.s32 s0, s3;
	s0 =	sld [smem:$0x3F9F]  }
0x30: {  	s3 =	sld [smem:$0x3FA2]  }
0x31: {  	[smem:$0x3FAB] =	sst s10  }
0x32: {  	s10 =	sld [smem:$0x3FA9];
	_ =	sdelay $0x3  }
0x33: {  	p0 =	seq.s32 s10, $0x1;
	s10 =	sld [smem:$0x3FAB];
	_ =	sdelay $0x3  }
0x34: {  	[smem:$0x3FAB] =	sst s10  }
0x35: {  	s10 =	sld [smem:$0x3FAA];
	_ =	sdelay $0x3  }
0x36: {  	p1 =	seq.s32 s10, $0x1;
	s10 =	sld [smem:$0x3FAB];
	_ =	sdelay $0x3  }
0x37: {  	[smem:$0x3FAB] =	sst s10  }
0x38: {  	s10 =	sld [smem:$0x3FAC]  }
0x39: {  	_ = 	snop;
	(pc) =	sbr.ind lr, $3  }
0x3a: {  	_ = 	snop  }
0x3b: {  	_ = 	snop  }
0x3c: {  	p2 =	seq.s32 s10, $0x1;
	s10 =	sld [smem:$0x3FAB]  }
0x3d: {  	_ =	shalt  }
0x3e: {  	_ =	shalt  }
0x3f: {  	_ =	shalt  }
0x40: {  	_ =	shalt  }
0x41: {  	_ =	shalt  }
0x42: {  	_ =	shalt  }
0x43: {  	_ =	shalt  }
0x44: {  	_ =	shalt  }
0x45: {  	_ =	shalt  }
0x46: {  	_ =	shalt  }
0x47: {  	_ =	shalt  }
0x48: {  	_ =	shalt  }
0x49: {  	_ =	shalt  }
0x4a: {  	_ =	shalt  }
0x4b: {  	_ =	shalt  }
0x4c: {  	_ =	shalt  }
0x4d: {  	_ =	shalt  }
0x4e: {  	_ =	shalt  }
0x4f: {  	_ =	shalt  }
0x50: {  	_ =	shalt  }
0x51: {  	_ =	shalt  }
0x52: {  	_ =	shalt  }
0x53: {  	_ =	shalt  }
0x54: {  	_ =	shalt  }
0x55: {  	_ =	shalt  }
0x56: {  	_ =	shalt  }
0x57: {  	_ =	shalt  }
0x58: {  	_ =	shalt  }
0x59: {  	_ =	shalt  }
0x5a: {  	_ =	shalt  }
0x5b: {  	_ =	shalt  }
0x5c: {  	_ =	shalt  }
0x5d: {  	_ =	shalt  }
0x5e: {  	_ =	shalt  }
0x5f: {  	_ =	shalt  }
0x60: {  	_ =	shalt  }
0x61: {  	_ =	shalt  }
0x62: {  	_ =	shalt  }
0x63: {  	_ =	shalt  }
0x64: {  	_ =	shalt  }
0x65: {  	_ =	shalt  }
0x66: {  	_ =	shalt  }
0x67: {  	_ =	shalt  }
0x68: {  	_ =	shalt  }
0x69: {  	_ =	shalt  }
0x6a: {  	_ =	shalt  }
0x6b: {  	_ =	shalt  }
0x6c: {  	_ =	shalt  }
0x6d: {  	_ =	shalt  }
0x6e: {  	_ =	shalt  }
0x6f: {  	_ =	shalt  }
0x70: {  	_ =	shalt  }
0x71: {  	_ =	shalt  }
0x72: {  	_ =	shalt  }
0x73: {  	_ =	shalt  }
0x74: {  	_ =	shalt  }
0x75: {  	_ =	shalt  }
0x76: {  	_ =	shalt  }
0x77: {  	_ =	shalt  }
0x78: {  	_ =	shalt  }
0x79: {  	_ =	shalt  }
0x7a: {  	_ =	shalt  }
0x7b: {  	_ =	shalt  }
0x7c: {  	_ =	shalt  }
0x7d: {  	_ =	shalt  }
0x7e: {  	_ =	shalt  }
0x7f: {  	_ =	shalt  }
0x80: {  	_ =	shalt  }
0x81: {  	_ =	shalt  }
0x82: {  	_ =	shalt  }
0x83: {  	_ =	shalt  }
0x84: {  	_ =	shalt  }
0x85: {  	_ =	shalt  }
0x86: {  	_ =	shalt  }
0x87: {  	_ =	shalt  }
.Lfunc_end0:
.L_simem_size_0:
called_computation.3_lowered:
.L_overlay_start_0:
0x88: {  	s2 =	sld [smem:$0x3FD9]  }
0x89: {  	s3 =	sld [smem:$0x3FFE];
	_ =	sdelay $0x1  }
0x8a: {  	s1 =	srdreg.scid  }
0x8b: {  	s0 =	sand.u32 $0x1, s1  }
0x8c: {  	s16 =	sshll.u32 s0, $0xA;
	s2 =	sadd.s32 s3, s2  }
0x8d: {  	s2 =	sadd.s32 s2, s16  }
0x8e: {  	[smem:$0x3FB7] =	sst s2  }
0x8f: {  	_ = 	snop  }
0x90: {  	(tm) =	ssettm $0x1  }
0x91: {  	s17 =	sld [smem:$0x3FFB];
	_ =	sdelay $0x3  }
0x92: {  	_ =	strace s17  }
0x93: {  	s2 =	sld [smem:$0x3FFC];
	_ =	sdelay $0x3  }
0x94: {  	_ =	strace s2  }
0x95: {  	s2 =	sld [smem:$0x3FFD];
	_ =	sdelay $0x3  }
0x96: {  	_ =	strace s2  }
0x97: {  	_ =	strace $0x8FFFFFFF  }
0x98: {  	s18 =	sld [smem:$0x3FDB];
	_ =	sdelay $0x1  }
0x99: {  	s19 =	simm.s32 $_scs_section_size  }
0x9a: {  	s4 =	simm.s32 $_size__tile_overlayer_lowered;
	s5 =	simm.s32 $_tile_overlayer_lowered  }
0x9b: {  	s22 =	simm.s32 $0x1BFF;
	s21 =	sshll.u32 s5, $0x1;
	s2 =	sadd.s32 s19, s18  }
0x9c: {  	s6 =	simm.s32 $0x0;
	s20 =	sshll.u32 s4, $0x1;
	s4 =	sadd.s32 s21, s2  }
0x9d: {  	[timem:s6], [sflag:s22] =	dma.local [hbm:s4], s20  }
0x9e: {  	_ =	swait.ge [sflag:s22], s20  }
0x9f: {  	s3 =	ssub.s32 $0x0, s20;
	[sflag:s22] =	ssyncset.done $0x0  }
0xa0: {  	[sflag:s22] =	ssyncadd.s32 s3;
	_ =	sdelay $0x1  }
0xa1: {  	s23 =	simm.s32 $0x1B8B  }
0xa2: {  	_ =	swait.ge [sflag:s23], $0x1  }
0xa3: {  	[sflag:s23] =	ssyncset.done $0x0  }
0xa4: {  	s25 =	simm.s32 $0x1B8E;
	s24 =	sld [smem:$0x3FFE];
	[sflag:s23] =	ssyncadd.s32 $0xFFFFFFFF  }
0xa5: {  	s26 =	simm.s32 $execute0_lowered;
	[smem:$0x3FD2] =	sst s25  }
0xa6: {  	s4 =	sshll.u32 s26, $0x1;
	_ =	strace $0x8000004F;
	[dreg:$0x1] =	wrdreg $0xFFFFFFFF  }
0xa7: {  	s28 =	simm.s32 $_size_execute0_lowered;
	s2 =	sadd.s32 s2, s4;
	[dreg:$0x0] =	wrdreg $0x0  }
0xa8: {  	s4 =	sshll.u32 s28, $0x1;
	[dreg:$0x2] =	wrdreg s2  }
0xa9: {  	[dreg:$0x3] =	wrdreg s4  }
0xaa: {  	[dreg:$0x4] =	wrdreg $0xC0  }
0xab: {  	_ =	task [dreg:s6], $0x5FFFF  }
0xac: {  	[dreg:$0x1] =	wrdreg $0xFFFFFFFF  }
0xad: {  	[dreg:$0x0] =	wrdreg $0x60  }
0xae: {  	[dreg:$0x2] =	wrdreg s24  }
0xaf: {  	[dreg:$0x3] =	wrdreg $0xD0000  }
0xb0: {  	[dreg:$0x4] =	wrdreg $0x9  }
0xb1: {  	_ =	task.clear_ibuf [dreg:s6], $0x5FFFF;
	_ =	strace $0x9000004F  }
0xb2: {  	s29 =	simm.s32 $0x9;
	_ =	strace $0x80000051  }
0xb3: {  	_ =	swait.ge [sflag:s29], $0x1  }
0xb4: {  	[sflag:s29] =	ssyncadd.s32 $0xFFFFFFFF  }
0xb5: {  	_ =	strace $0x90000051  }
0xb6: {  	_ =	sfence  }
0xb7: {  	s30 =	sld [smem:$0x0];
	_ =	sdelay $0x2  }
0xb8: {  	s31 =	sshll.u32 s1, $0xD;
	s1 =	sshrl.u32 s1, $0x2  }
0xb9: {  	s3 =	sand.u32 $0x4000, s31;
	s1 =	sadd.s32 s1, s30  }
0xba: {  	s0 =	sor.u32 s3, s0;
	s1 =	sshll.u32 s1, $0x11  }
0xbb: {  	s0 =	sor.u32 s1, s0  }
0xbc: {  	s0 =	sadd.s32 $0x8F2B, s0  }
0xbd: {  	[sflag:s0] =	ssyncadd.remote.s32 $0x1  }
0xbe: {  	_ =	sfence.sel $0xFFFF  }
0xbf: {  	[dreg:$0x0] =	wrdreg $0xFFFFFFFF;
	(pc) =	sbr.abs _section_cstart, $3  }
0xc0: {  	[dreg:$0x1] =	wrdreg $0xFFFFFFFF  }
0xc1: {  	_ =	task.clear_ibuf [dreg:s6], $0x2FFFF;
	_ =	strace $0x9FFFFFFF  }
0xc2: {  	(tm) =	ssettm $0x7FFFFFFF  }
0xc3: {  	_ =	shalt  }
tec
execute0_lowered:
.L_overlay_start_1:
0x0: {  	(tag) =	ssettag $0x1  }
0x1: {  	s0 =	rddreg [dreg:$0x0]  }
0x2: {  	s2 =	rddreg [dreg:$0x1];
	s1 =	srdreg.scid  }
0x3: {  	s8 =	stileid.u32;
	s3 =	simm.s32 $0x0;
	s14 =	simm.s32 $0x8000  }
0x4: {  	s15 =	simm.s32 $0x9;
	s16 =	simm.s32 $0xA800;
	s17 =	simm.s32 $0x80  }
0x5: {  	s19 =	simm.s32 $0x2000;
	s20 =	simm.s32 $0x1;
	s22 =	simm.s32 $0x4000  }
0x6: {  	s23 =	simm.s32 $0x2;
	s28 =	simm.s32 $0x3;
	s30 =	simm.s32 $0x5  }
0x7: {  	s18 =	simm.s32 $0x6;
	s24 =	simm.s32 $0x7;
	s25 =	simm.s32 $0x8  }
0x8: {  	s29 =	simm.s32 $0x0;
	s1 =	sand.u32 $0x1, s1;
	s7 =	smul.u32 $0xA000, s8  }
0x9: {  	[smem:$0x7FF] =	sst s3;
	s4 =	sshll.u32 s8, $0x1;
	s8 =	smul.u32 $0x28000, s8  }
0xa: {  	s5 =	smul.u32 $0xA0000, s1;
	_ =	strace $0x80000050;
	s6 =	sor.u32 s1, s4  }
0xb: {  	s4 =	sadd.s32 $0x40C00, s0;
	s1 =	ssub.s32 $0x2, s1;
	s6 =	smul.u32 $0x500, s6  }
0xc: {  	s26 =	sshrl.u32 s1, $0x1;
	s8 =	sshrl.u32 s8, $0x2;
	s5 =	sadd.s32 s7, s5  }
0xd: {  	s1 =	ssub.s32 s1, s26;
	s7 =	sadd.s32 s7, s2;
	s11 =	sadd.s32 s8, s2  }
.Ltmp0:
0xe: {  	s26 =	simm.s32 $0x6000;
	s5 =	sshrl.u32 s5, $0x3;
	(pc) =	sbr.rel .LBB2_1-.Ltmp0, $4  }
0xf: {  	s6 =	sadd.s32 s6, s0;
	s8 =	sadd.s32 $0x2000, s11;
	s9 =	sadd.s32 $0x4000, s11  }
0x10: {  	s10 =	sadd.s32 $0x6000, s11;
	s11 =	sadd.s32 $0x8000, s11;
	s13 =	smax.u32 s1, $0x1  }
0x11: {  	s0 =	sadd.s32 s5, s0;
	s31 =	sadd.s32 $0xEC00, s6;
	s6 =	sadd.s32 $0x4C00, s6  }
0x12: {  	v0 =	vimm.f32 $0.0e+00;
	[dreg:$0x3] =	wrdreg s31;
	s12 =	sadd.s32 $0x54C00, s0;
	s0 =	simm.s32 $0x4  }
.LBB2_6:
0x13: {  	_ =	swait.ge [sflag:s0], $0x2000  }
0x14: {  	[sflag:s0] =	ssyncset.done $0x0  }
0x15: {  	[sflag:s0] =	ssyncadd.s32 $0xFFFFE000  }
0x16: {  	[spmem:s2] =	stream.indirect.scatter.add.f32 [tilespmem:s26], [sflag:$0x8], $0x40, s21, s17, $0xb8;
	[tilespmem:$0x17000] =	vst v63  }
0x17: {  	_ =	swait.ge [sflag:s30], $0x2000  }
0x18: {  	[sflag:s30] =	ssyncset.done $0x0  }
0x19: {  	[sflag:s30] =	ssyncadd.s32 $0xFFFFE000  }
0x1a: {  	_ =	swait.ge [sflag:s18], $0x2000  }
0x1b: {  	[sflag:s18] =	ssyncset.done $0x0  }
0x1c: {  	[sflag:s18] =	ssyncadd.s32 $0xFFFFE000  }
0x1d: {  	_ =	swait.ge [sflag:s24], $0x2000  }
0x1e: {  	[sflag:s24] =	ssyncset.done $0x0  }
0x1f: {  	[sflag:s24] =	ssyncadd.s32 $0xFFFFE000  }
0x20: {  	s1 =	stileid.u32;
	_ =	swait.ge [sflag:s25], $0x2000  }
0x21: {  	s5 =	sshrl.u32 s7, $0x3;
	s29 =	sadd.s32 $0x1, s29;
	[sflag:s25] =	ssyncset.done $0x0  }
0x22: {  	s1 =	sshll.u32 s1, $0x6;
	p0 =	sne.s32 s29, s13;
	[sflag:s25] =	ssyncadd.s32 $0xFFFFE000  }
.Ltmp1:
0x23: {  	s1 =	sor.u32 $0x1C09, s1;
	[bflag:$0x0] =	sbarrier.arrive $0xFFFF;
	(pc) =	sbr.rel @!p0 .LBB2_7-.Ltmp1, $4  }
0x24: {  	[hbm:s12], [sflag:s1] =	dma.local [spmem:s5], $0x1400  }
0x25: {  	_ =	swait.ge [sflag:s15], $0x1400  }
0x26: {  	[sflag:s15] =	ssyncset.done $0x0  }
0x27: {  	[sflag:s15] =	ssyncadd.s32 $0xFFFFEC00  }
.LBB2_1:
0x28: {  	s1 =	rddreg [dreg:$0x3]  }
0x29: {  	[tilespmem:s14], [sflag:$0x9] =	stream.linear.gather [hbm4b:s1+s3], $0x2800, $0x38;
	[tilespmem:$0x17000] =	vst v63  }
0x2a: {  	_ =	swait.ge [sflag:s15], $0x2800  }
0x2b: {  	[sflag:s15] =	ssyncset.done $0x0  }
0x2c: {  	[sflag:s15] =	ssyncadd.s32 $0xFFFFD800  }
0x2d: {  	[tilespmem:s16], [sflag:$0x9] =	stream.linear.gather [hbm4b:s6+s3], $0x2800, $0x38;
	[tilespmem:$0x17000] =	vst v63  }
0x2e: {  	_ =	swait.ge [sflag:s15], $0x2800  }
0x2f: {  	[sflag:s15] =	ssyncset.done $0x0  }
0x30: {  	s31 =	simm.s32 $0x100;
	s1 =	simm.s32 $0x0;
	[sflag:s15] =	ssyncadd.s32 $0xFFFFD800  }
.LBB2_2:
0x31: {  	p0 =	sne.s32 s31, $0x7F00;
	[tilespmem:s1+$0x30] =	vst v0;
	s21 =	smov.u32 s31;
	s31 =	sadd.s32 $0x100, s31  }
.Ltmp2:
0x32: {  	[tilespmem:s1+$0x20] =	vst v0;
	(pc) =	sbr.rel @p0 .LBB2_2-.Ltmp2, $3  }
0x33: {  	[tilespmem:s1+$0x0] =	vst v0  }
0x34: {  	[tilespmem:s1+$0x10] =	vst v0;
	_ =	sdelay $0x1  }
0x35: {  	s1 =	sshra.s32 s21, $0x2  }
0x36: {  	[tilespmem:s1+$0x30] =	vst v0  }
0x37: {  	[tilespmem:s1+$0x20] =	vst v0  }
0x38: {  	[tilespmem:s1+$0x0] =	vst v0  }
0x39: {  	[tilespmem:s1+$0x10] =	vst v0;
	s31 =	simm.s32 $0x0  }
0x3a: {  	[spmem:s7] =	stream.linear.scatter [tilespmem:s31], [sflag:$0x9], $0x2000, $0x38;
	[tilespmem:$0x17000] =	vst v63  }
0x3b: {  	_ =	swait.ge [sflag:s15], $0x2000  }
0x3c: {  	[sflag:s15] =	ssyncset.done $0x0  }
0x3d: {  	[sflag:s15] =	ssyncadd.s32 $0xFFFFE000  }
0x3e: {  	[spmem:s8] =	stream.linear.scatter [tilespmem:s31], [sflag:$0x9], $0x2000, $0x38;
	[tilespmem:$0x17000] =	vst v63  }
0x3f: {  	_ =	swait.ge [sflag:s15], $0x2000  }
0x40: {  	[sflag:s15] =	ssyncset.done $0x0  }
0x41: {  	[sflag:s15] =	ssyncadd.s32 $0xFFFFE000  }
0x42: {  	[spmem:s9] =	stream.linear.scatter [tilespmem:s31], [sflag:$0x9], $0x2000, $0x38;
	[tilespmem:$0x17000] =	vst v63  }
0x43: {  	_ =	swait.ge [sflag:s15], $0x2000  }
0x44: {  	[sflag:s15] =	ssyncset.done $0x0  }
0x45: {  	[sflag:s15] =	ssyncadd.s32 $0xFFFFE000  }
0x46: {  	[spmem:s10] =	stream.linear.scatter [tilespmem:s31], [sflag:$0x9], $0x2000, $0x38;
	[tilespmem:$0x17000] =	vst v63  }
0x47: {  	_ =	swait.ge [sflag:s15], $0x2000  }
0x48: {  	[sflag:s15] =	ssyncset.done $0x0  }
0x49: {  	[sflag:s15] =	ssyncadd.s32 $0xFFFFE000  }
0x4a: {  	[spmem:s11] =	stream.linear.scatter [tilespmem:s31], [sflag:$0x9], $0x2000, $0x38;
	[tilespmem:$0x17000] =	vst v63  }
0x4b: {  	_ =	swait.ge [sflag:s15], $0x2000  }
0x4c: {  	[sflag:s15] =	ssyncset.done $0x0  }
0x4d: {  	[sflag:s15] =	ssyncadd.s32 $0xFFFFE000  }
0x4e: {  	[bflag:$0x0] =	sbarrier.arrive $0xFFFF  }
0x4f: {  	[tilespmem:s31], [sflag:$0x1] =	stream.indirect.gather [hbm4b:s4+s17], $0x40, s14, s17, $0xb8;
	[tilespmem:$0x17000] =	vst v63  }
0x50: {  	s5 =	simm.s32 $0x8080  }
0x51: {  	[tilespmem:s19], [sflag:$0x2] =	stream.indirect.gather [hbm4b:s4+s17], $0x40, s5, s17, $0xb8;
	[tilespmem:$0x17000] =	vst v63  }
0x52: {  	_ =	swait.ge [sflag:s20], $0x2000  }
0x53: {  	[sflag:s20] =	ssyncset.done $0x0  }
0x54: {  	[sflag:s20] =	ssyncadd.s32 $0xFFFFE000  }
0x55: {  	[spmem:s2] =	stream.indirect.scatter.add.f32 [tilespmem:s31], [sflag:$0x5], $0x40, s16, s17, $0xb8;
	[tilespmem:$0x17000] =	vst v63  }
0x56: {  	s21 =	simm.s32 $0x8100  }
0x57: {  	[tilespmem:s22], [sflag:$0x3] =	stream.indirect.gather [hbm4b:s4+s17], $0x40, s21, s17, $0xb8;
	[tilespmem:$0x17000] =	vst v63  }
0x58: {  	_ =	swait.ge [sflag:s23], $0x2000  }
0x59: {  	[sflag:s23] =	ssyncset.done $0x0  }
0x5a: {  	s5 =	simm.s32 $0xA880;
	[sflag:s23] =	ssyncadd.s32 $0xFFFFE000  }
0x5b: {  	[spmem:s2] =	stream.indirect.scatter.add.f32 [tilespmem:s19], [sflag:$0x6], $0x40, s5, s17, $0xb8;
	[tilespmem:$0x17000] =	vst v63  }
0x5c: {  	s21 =	simm.s32 $0x8180  }
0x5d: {  	[tilespmem:s26], [sflag:$0x4] =	stream.indirect.gather [hbm4b:s4+s17], $0x40, s21, s17, $0xb8;
	[tilespmem:$0x17000] =	vst v63  }
0x5e: {  	_ =	swait.ge [sflag:s28], $0x2000  }
0x5f: {  	[sflag:s28] =	ssyncset.done $0x0  }
0x60: {  	s5 =	simm.s32 $0xA900;
	[sflag:s28] =	ssyncadd.s32 $0xFFFFE000  }
0x61: {  	[spmem:s2] =	stream.indirect.scatter.add.f32 [tilespmem:s22], [sflag:$0x7], $0x40, s5, s17, $0xb8;
	[tilespmem:$0x17000] =	vst v63  }
0x62: {  	_ =	swait.ge [sflag:s30], $0x2000  }
0x63: {  	[sflag:s30] =	ssyncset.done $0x0  }
0x64: {  	s21 =	simm.s32 $0x8200;
	[sflag:s30] =	ssyncadd.s32 $0xFFFFE000  }
0x65: {  	[tilespmem:s31], [sflag:$0x1] =	stream.indirect.gather [hbm4b:s4+s17], $0x40, s21, s17, $0xb8;
	[tilespmem:$0x17000] =	vst v63  }
0x66: {  	_ =	swait.ge [sflag:s0], $0x2000  }
0x67: {  	[sflag:s0] =	ssyncset.done $0x0  }
0x68: {  	s5 =	simm.s32 $0xA980;
	[sflag:s0] =	ssyncadd.s32 $0xFFFFE000  }
0x69: {  	[spmem:s2] =	stream.indirect.scatter.add.f32 [tilespmem:s26], [sflag:$0x8], $0x40, s5, s17, $0xb8;
	[tilespmem:$0x17000] =	vst v63  }
0x6a: {  	_ =	swait.ge [sflag:s18], $0x2000  }
0x6b: {  	[sflag:s18] =	ssyncset.done $0x0  }
0x6c: {  	s21 =	simm.s32 $0x8280;
	[sflag:s18] =	ssyncadd.s32 $0xFFFFE000  }
0x6d: {  	[tilespmem:s19], [sflag:$0x2] =	stream.indirect.gather [hbm4b:s4+s17], $0x40, s21, s17, $0xb8;
	[tilespmem:$0x17000] =	vst v63  }
.LBB2_4:
0x6e: {  	_ =	swait.ge [sflag:s20], $0x2000  }
0x6f: {  	s1 =	sshra.s32 s31, $0x2;
	[sflag:s20] =	ssyncset.done $0x0  }
0x70: {  	s21 =	sadd.s32 $0xAA00, s1;
	[sflag:s20] =	ssyncadd.s32 $0xFFFFE000  }
0x71: {  	[spmem:s2] =	stream.indirect.scatter.add.f32 [tilespmem:s3], [sflag:$0x5], $0x40, s21, s17, $0xb8;
	[tilespmem:$0x17000] =	vst v63  }
0x72: {  	_ =	swait.ge [sflag:s24], $0x2000  }
0x73: {  	[sflag:s24] =	ssyncset.done $0x0  }
0x74: {  	s5 =	sadd.s32 $0x8300, s1;
	[sflag:s24] =	ssyncadd.s32 $0xFFFFE000  }
0x75: {  	[tilespmem:s22], [sflag:$0x3] =	stream.indirect.gather [hbm4b:s4+s17], $0x40, s5, s17, $0xb8;
	[tilespmem:$0x17000] =	vst v63  }
0x76: {  	_ =	swait.ge [sflag:s23], $0x2000  }
0x77: {  	[sflag:s23] =	ssyncset.done $0x0  }
0x78: {  	s5 =	sadd.s32 $0xAA80, s1;
	[sflag:s23] =	ssyncadd.s32 $0xFFFFE000  }
0x79: {  	[spmem:s2] =	stream.indirect.scatter.add.f32 [tilespmem:s19], [sflag:$0x6], $0x40, s5, s17, $0xb8;
	[tilespmem:$0x17000] =	vst v63  }
0x7a: {  	_ =	swait.ge [sflag:s25], $0x2000  }
0x7b: {  	[sflag:s25] =	ssyncset.done $0x0  }
0x7c: {  	p0 =	seq.s32 s31, $0x9000;
	s5 =	sadd.s32 $0x8380, s1;
	[sflag:s25] =	ssyncadd.s32 $0xFFFFE000  }
0x7d: {  	[tilespmem:s26], [sflag:$0x4] =	stream.indirect.gather [hbm4b:s4+s17], $0x40, s5, s17, $0xb8;
	[tilespmem:$0x17000] =	vst v63  }
.Ltmp3:
0x7e: {  	_ = 	snop;
	(pc) =	sbr.rel @p0 .LBB2_6-.Ltmp3, $4  }
0x7f: {  	_ =	swait.ge [sflag:s28], $0x2000  }
0x80: {  	[sflag:s28] =	ssyncset.done $0x0  }
0x81: {  	s21 =	sadd.s32 $0xAB80, s1;
	s5 =	sadd.s32 $0xAB00, s1;
	[sflag:s28] =	ssyncadd.s32 $0xFFFFE000  }
0x82: {  	[spmem:s2] =	stream.indirect.scatter.add.f32 [tilespmem:s22], [sflag:$0x7], $0x40, s5, s17, $0xb8;
	[tilespmem:$0x17000] =	vst v63  }
0x83: {  	_ =	swait.ge [sflag:s30], $0x2000  }
0x84: {  	[sflag:s30] =	ssyncset.done $0x0  }
0x85: {  	s5 =	sadd.s32 $0x8400, s1;
	[sflag:s30] =	ssyncadd.s32 $0xFFFFE000  }
0x86: {  	[tilespmem:s3], [sflag:$0x1] =	stream.indirect.gather [hbm4b:s4+s17], $0x40, s5, s17, $0xb8;
	[tilespmem:$0x17000] =	vst v63  }
0x87: {  	_ =	swait.ge [sflag:s0], $0x2000  }
0x88: {  	[sflag:s0] =	ssyncset.done $0x0  }
0x89: {  	[sflag:s0] =	ssyncadd.s32 $0xFFFFE000  }
0x8a: {  	[spmem:s2] =	stream.indirect.scatter.add.f32 [tilespmem:s26], [sflag:$0x8], $0x40, s21, s17, $0xb8;
	[tilespmem:$0x17000] =	vst v63  }
.Ltmp4:
0x8b: {  	_ = 	snop;
	(pc) =	sbr.rel .LBB2_4-.Ltmp4, $4  }
0x8c: {  	_ =	swait.ge [sflag:s18], $0x2000  }
0x8d: {  	[sflag:s18] =	ssyncset.done $0x0  }
0x8e: {  	s31 =	sadd.s32 $0x800, s31;
	s21 =	sadd.s32 $0x8480, s1;
	[sflag:s18] =	ssyncadd.s32 $0xFFFFE000  }
0x8f: {  	[tilespmem:s19], [sflag:$0x2] =	stream.indirect.gather [hbm4b:s4+s17], $0x40, s21, s17, $0xb8;
	[tilespmem:$0x17000] =	vst v63  }
.LBB2_7:
0x90: {  	_ =	sfence.sel $0x180000  }
0x91: {  	[bflag:$0x0] =	sbarrier.arrive $0xFFFF  }
0x92: {  	_ =	strace $0x90000050  }
0x93: {  	s0 =	stileid.u32;
	[bflag:$0x2] =	sbarrier.arrive $0xFFFF  }
0x94: {  	p0 =	sne.s32 s0, $0x0;
	s0 =	rddreg [dreg:$0x2]  }
0x95: {  	s0 =	sadd.s32 @!p0 $0x100000, s0  }
0x96: {  	[sflag:s0] =	ssyncadd.tile.s32 @!p0 $0x1;
	_ =	shalt  }
.Lfunc_end2:
_tile_overlayer_lowered:
.L_overlay_start_2:
0x97: {  	(tag) =	ssettag $0x2  }
0x98: {  	s0 =	rddreg [dreg:$0x0];
	s2 =	stileid.u32  }
0x99: {  	s1 =	rddreg [dreg:$0x1];
	p0 =	sne.s32 s2, $0x0  }
0x9a: {  	s3 =	rddreg [dreg:$0x2];
	[bflag:$0x3] =	sbarrier.arrive $0xFFFF;
	s2 =	simm.s32 @!p0 $0x1C09  }
0x9b: {  	[timem:s3], [sflag:s2] =	dma.local @!p0 [hbm:s0], s1  }
0x9c: {  	s0 =	simm.s32 @!p0 $0x9  }
0x9d: {  	_ =	swait.ge @!p0 [sflag:s0], s1  }
0x9e: {  	s1 =	ssub.s32 @!p0 $0x0, s1;
	[sflag:s0] =	ssyncset.done @!p0 $0x0  }
0x9f: {  	[sflag:s0] =	ssyncadd.s32 @!p0 s1  }
0xa0: {  	[bflag:$0x3] =	sbarrier.arrive $0xFFFF  }
0xa1: {  	_ =	shalt  }

// kernel: sc_edge_agg.5.cloned.1.call-start
scs
__scs_entry_jumppad:
0x0: {  	(pc) =	sbr.rel $0x88, $3  }
0x1: {  	(tag) =	ssettag $0x0;
	lr =	simm.s32 $0x1  }
0x2: {  	[smem:$0x3F90] =	sst lr;
	_ =	strace $0xD0000000  }
0x3: {  	_ = 	snop  }
0x4: {  	_ = 	snop  }
0x5: {  	_ = 	snop  }
0x6: {  	_ = 	snop  }
0x7: {  	_ = 	snop  }
__scs_overlays_trampoline_lowered:
0x8: {  	[smem:$0x3F9F] =	sst s0  }
0x9: {  	[smem:$0x3FA0] =	sst s1  }
0xa: {  	[smem:$0x3FA1] =	sst s2  }
0xb: {  	[smem:$0x3FA2] =	sst s3  }
0xc: {  	[smem:$0x3FA3] =	sst s4  }
0xd: {  	[smem:$0x3FA4] =	sst s5  }
0xe: {  	[smem:$0x3FA5] =	sst s6  }
0xf: {  	[smem:$0x3FA6] =	sst s7  }
0x10: {  	[smem:$0x3FA7] =	sst s8  }
0x11: {  	[smem:$0x3FA8] =	sst s9;
	s0 =	simm.s32 @!p0 $0x0  }
0x12: {  	s1 =	sld [smem:$0x3F8E];
	s0 =	simm.s32 @p0 $0x1  }
0x13: {  	[smem:$0x3FA9] =	sst s0;
	s0 =	simm.s32 @!p1 $0x0  }
0x14: {  	s2 =	sld [smem:$0x3F8D];
	s0 =	simm.s32 @p1 $0x1  }
0x15: {  	[smem:$0x3FAA] =	sst s0;
	s0 =	simm.s32 @!p2 $0x0  }
0x16: {  	s3 =	sld [smem:$0x3FDB];
	s0 =	simm.s32 @p2 $0x1  }
0x17: {  	s4 =	simm.s32 $0x1BF5;
	[smem:$0x3FAC] =	sst s0  }
0x18: {  	s0 =	sld [smem:$0x3F8F];
	_ =	swait.ge [sflag:s4], $0x0  }
0x19: {  	s7 =	sld [smem:$0x3F90]  }
0x1a: {  	s8 =	sadd.s32 $0xFFFFE003, lr  }
0x1b: {  	s9 =	sadd.s32 $0xFFFFFEF7, lr;
	s5 =	simm.s32 $0xFFFFFFFF;
	p2 =	slt.u32 s8, $0xFFFFF086  }
0x1c: {  	p1 =	slt.u32 s9, $0xF7A;
	s5 =	simm.s32 @!p2 $0x0  }
0x1d: {  	s5 =	simm.s32 @p1 $0x1;
	p0 =	seq.s32 s7, s2  }
0x1e: {  	s7 =	smul.u32 @!p0 $0xF7A, s2;
	p2 =	seq.s32 @!p0 s5, $0x0  }
0x1f: {  	s9 =	smul.u32 $0xF7A, s1;
	s8 =	simm.s32 @!p0 $0x1BF5;
	p2 =	por !p2, p0  }
0x20: {  	[sflag:s8] =	ssyncset.s32 @!p0 $0xFFFFF086;
	s6 =	sadd.s32 @!p0 s3, s7;
	s7 =	simm.s32 @!p0 $0x108  }
0x21: {  	s3 =	sadd.s32 s3, s9;
	s6 =	sadd.s32 @!p0 $0x88, s6;
	s7 =	simm.s32 @p2 $0x1082  }
0x22: {  	[simem:s7], [sflag:s8] =	dma.local @!p0 [hbm:s6], $0xF7A  }
0x23: {  	s9 =	sor.u32 $0xD0000000, s2;
	s6 =	simm.s32 $0x108;
	_ =	swait.ge @!p0 [sflag:s8], $0x0  }
0x24: {  	s3 =	sadd.s32 $0x88, s3;
	s6 =	simm.s32 @!p1 $0x1082;
	[sflag:s4] =	ssyncset.s32 $0xFFFFF086  }
0x25: {  	[simem:s6], [sflag:s4] =	dma.local [hbm:s3], $0xF7A  }
0x26: {  	[smem:$0x3F90] =	sst s1;
	(tag) =	ssettag s2;
	_ =	strace s9  }
0x27: {  	s1 =	sld [smem:$0x3FA0]  }
0x28: {  	s2 =	sld [smem:$0x3FA1]  }
0x29: {  	s4 =	sld [smem:$0x3FA3]  }
0x2a: {  	p0 =	seq.s32 s5, $0x0;
	s5 =	sld [smem:$0x3FA4]  }
0x2b: {  	s6 =	sld [smem:$0x3FA5]  }
0x2c: {  	s7 =	sld [smem:$0x3FA6]  }
0x2d: {  	s3 =	simm.s32 $0x108;
	s8 =	sld [smem:$0x3FA7]  }
0x2e: {  	s3 =	simm.s32 @!p0 $0x1082;
	s9 =	sld [smem:$0x3FA8]  }
0x2f: {  	lr =	sadd.s32 s0, s3;
	s0 =	sld [smem:$0x3F9F]  }
0x30: {  	s3 =	sld [smem:$0x3FA2]  }
0x31: {  	[smem:$0x3FAB] =	sst s10  }
0x32: {  	s10 =	sld [smem:$0x3FA9];
	_ =	sdelay $0x3  }
0x33: {  	p0 =	seq.s32 s10, $0x1;
	s10 =	sld [smem:$0x3FAB];
	_ =	sdelay $0x3  }
0x34: {  	[smem:$0x3FAB] =	sst s10  }
0x35: {  	s10 =	sld [smem:$0x3FAA];
	_ =	sdelay $0x3  }
0x36: {  	p1 =	seq.s32 s10, $0x1;
	s10 =	sld [smem:$0x3FAB];
	_ =	sdelay $0x3  }
0x37: {  	[smem:$0x3FAB] =	sst s10  }
0x38: {  	s10 =	sld [smem:$0x3FAC]  }
0x39: {  	_ = 	snop;
	(pc) =	sbr.ind lr, $3  }
0x3a: {  	_ = 	snop  }
0x3b: {  	_ = 	snop  }
0x3c: {  	p2 =	seq.s32 s10, $0x1;
	s10 =	sld [smem:$0x3FAB]  }
0x3d: {  	_ =	shalt  }
0x3e: {  	_ =	shalt  }
0x3f: {  	_ =	shalt  }
0x40: {  	_ =	shalt  }
0x41: {  	_ =	shalt  }
0x42: {  	_ =	shalt  }
0x43: {  	_ =	shalt  }
0x44: {  	_ =	shalt  }
0x45: {  	_ =	shalt  }
0x46: {  	_ =	shalt  }
0x47: {  	_ =	shalt  }
0x48: {  	_ =	shalt  }
0x49: {  	_ =	shalt  }
0x4a: {  	_ =	shalt  }
0x4b: {  	_ =	shalt  }
0x4c: {  	_ =	shalt  }
0x4d: {  	_ =	shalt  }
0x4e: {  	_ =	shalt  }
0x4f: {  	_ =	shalt  }
0x50: {  	_ =	shalt  }
0x51: {  	_ =	shalt  }
0x52: {  	_ =	shalt  }
0x53: {  	_ =	shalt  }
0x54: {  	_ =	shalt  }
0x55: {  	_ =	shalt  }
0x56: {  	_ =	shalt  }
0x57: {  	_ =	shalt  }
0x58: {  	_ =	shalt  }
0x59: {  	_ =	shalt  }
0x5a: {  	_ =	shalt  }
0x5b: {  	_ =	shalt  }
0x5c: {  	_ =	shalt  }
0x5d: {  	_ =	shalt  }
0x5e: {  	_ =	shalt  }
0x5f: {  	_ =	shalt  }
0x60: {  	_ =	shalt  }
0x61: {  	_ =	shalt  }
0x62: {  	_ =	shalt  }
0x63: {  	_ =	shalt  }
0x64: {  	_ =	shalt  }
0x65: {  	_ =	shalt  }
0x66: {  	_ =	shalt  }
0x67: {  	_ =	shalt  }
0x68: {  	_ =	shalt  }
0x69: {  	_ =	shalt  }
0x6a: {  	_ =	shalt  }
0x6b: {  	_ =	shalt  }
0x6c: {  	_ =	shalt  }
0x6d: {  	_ =	shalt  }
0x6e: {  	_ =	shalt  }
0x6f: {  	_ =	shalt  }
0x70: {  	_ =	shalt  }
0x71: {  	_ =	shalt  }
0x72: {  	_ =	shalt  }
0x73: {  	_ =	shalt  }
0x74: {  	_ =	shalt  }
0x75: {  	_ =	shalt  }
0x76: {  	_ =	shalt  }
0x77: {  	_ =	shalt  }
0x78: {  	_ =	shalt  }
0x79: {  	_ =	shalt  }
0x7a: {  	_ =	shalt  }
0x7b: {  	_ =	shalt  }
0x7c: {  	_ =	shalt  }
0x7d: {  	_ =	shalt  }
0x7e: {  	_ =	shalt  }
0x7f: {  	_ =	shalt  }
0x80: {  	_ =	shalt  }
0x81: {  	_ =	shalt  }
0x82: {  	_ =	shalt  }
0x83: {  	_ =	shalt  }
0x84: {  	_ =	shalt  }
0x85: {  	_ =	shalt  }
0x86: {  	_ =	shalt  }
0x87: {  	_ =	shalt  }
.Lfunc_end0:
.L_simem_size_0:
called_computation.1_lowered:
.L_overlay_start_0:
0x88: {  	s2 =	sld [smem:$0x3FD9]  }
0x89: {  	s3 =	sld [smem:$0x3FFE];
	_ =	sdelay $0x1  }
0x8a: {  	s1 =	srdreg.scid  }
0x8b: {  	s0 =	sand.u32 $0x1, s1  }
0x8c: {  	s16 =	sshll.u32 s0, $0xA;
	s2 =	sadd.s32 s3, s2  }
0x8d: {  	s2 =	sadd.s32 s2, s16  }
0x8e: {  	[smem:$0x3FB7] =	sst s2  }
0x8f: {  	_ = 	snop  }
0x90: {  	(tm) =	ssettm $0x1  }
0x91: {  	s17 =	sld [smem:$0x3FFB];
	_ =	sdelay $0x3  }
0x92: {  	_ =	strace s17  }
0x93: {  	s2 =	sld [smem:$0x3FFC];
	_ =	sdelay $0x3  }
0x94: {  	_ =	strace s2  }
0x95: {  	s2 =	sld [smem:$0x3FFD];
	_ =	sdelay $0x3  }
0x96: {  	_ =	strace s2  }
0x97: {  	_ =	strace $0x8FFFFFFF  }
0x98: {  	s18 =	sld [smem:$0x3FDB];
	_ =	sdelay $0x1  }
0x99: {  	s19 =	simm.s32 $_scs_section_size  }
0x9a: {  	s4 =	simm.s32 $_size__tile_overlayer_lowered;
	s5 =	simm.s32 $_tile_overlayer_lowered  }
0x9b: {  	s22 =	simm.s32 $0x1BFF;
	s21 =	sshll.u32 s5, $0x1;
	s2 =	sadd.s32 s19, s18  }
0x9c: {  	s6 =	simm.s32 $0x0;
	s20 =	sshll.u32 s4, $0x1;
	s4 =	sadd.s32 s21, s2  }
0x9d: {  	[timem:s6], [sflag:s22] =	dma.local [hbm:s4], s20  }
0x9e: {  	_ =	swait.ge [sflag:s22], s20  }
0x9f: {  	s3 =	ssub.s32 $0x0, s20;
	[sflag:s22] =	ssyncset.done $0x0  }
0xa0: {  	[sflag:s22] =	ssyncadd.s32 s3;
	_ =	sdelay $0x1  }
0xa1: {  	s23 =	simm.s32 $0x1B8B  }
0xa2: {  	_ =	swait.ge [sflag:s23], $0x1  }
0xa3: {  	[sflag:s23] =	ssyncset.done $0x0  }
0xa4: {  	s25 =	simm.s32 $0x1B8E;
	s24 =	sld [smem:$0x3FFE];
	[sflag:s23] =	ssyncadd.s32 $0xFFFFFFFF  }
0xa5: {  	s26 =	simm.s32 $execute0_lowered;
	[smem:$0x3FD2] =	sst s25  }
0xa6: {  	s4 =	sshll.u32 s26, $0x1;
	_ =	strace $0x80000049;
	[dreg:$0x1] =	wrdreg $0xFFFFFFFF  }
0xa7: {  	s28 =	simm.s32 $_size_execute0_lowered;
	s2 =	sadd.s32 s2, s4;
	[dreg:$0x0] =	wrdreg $0x0  }
0xa8: {  	s4 =	sshll.u32 s28, $0x1;
	[dreg:$0x2] =	wrdreg s2  }
0xa9: {  	[dreg:$0x3] =	wrdreg s4  }
0xaa: {  	[dreg:$0x4] =	wrdreg $0xC0  }
0xab: {  	_ =	task [dreg:s6], $0x5FFFF  }
0xac: {  	[dreg:$0x1] =	wrdreg $0xFFFFFFFF  }
0xad: {  	[dreg:$0x0] =	wrdreg $0x60  }
0xae: {  	[dreg:$0x2] =	wrdreg s24  }
0xaf: {  	[dreg:$0x3] =	wrdreg $0xD0000  }
0xb0: {  	[dreg:$0x4] =	wrdreg $0x9  }
0xb1: {  	_ =	task.clear_ibuf [dreg:s6], $0x5FFFF;
	_ =	strace $0x90000049  }
0xb2: {  	s29 =	simm.s32 $0x9;
	_ =	strace $0x8000004B  }
0xb3: {  	_ =	swait.ge [sflag:s29], $0x1  }
0xb4: {  	[sflag:s29] =	ssyncadd.s32 $0xFFFFFFFF  }
0xb5: {  	_ =	strace $0x9000004B  }
0xb6: {  	_ =	sfence  }
0xb7: {  	s30 =	sld [smem:$0x0];
	_ =	sdelay $0x2  }
0xb8: {  	s31 =	sshll.u32 s1, $0xD;
	s1 =	sshrl.u32 s1, $0x2  }
0xb9: {  	s3 =	sand.u32 $0x4000, s31;
	s1 =	sadd.s32 s1, s30  }
0xba: {  	s0 =	sor.u32 s3, s0;
	s1 =	sshll.u32 s1, $0x11  }
0xbb: {  	s0 =	sor.u32 s1, s0  }
0xbc: {  	s0 =	sadd.s32 $0x8F2B, s0  }
0xbd: {  	[sflag:s0] =	ssyncadd.remote.s32 $0x1  }
0xbe: {  	_ =	sfence.sel $0xFFFF  }
0xbf: {  	[dreg:$0x0] =	wrdreg $0xFFFFFFFF;
	(pc) =	sbr.abs _section_cstart, $3  }
0xc0: {  	[dreg:$0x1] =	wrdreg $0xFFFFFFFF  }
0xc1: {  	_ =	task.clear_ibuf [dreg:s6], $0x2FFFF;
	_ =	strace $0x9FFFFFFF  }
0xc2: {  	(tm) =	ssettm $0x7FFFFFFF  }
0xc3: {  	_ =	shalt  }
tec
execute0_lowered:
.L_overlay_start_1:
0x0: {  	(tag) =	ssettag $0x1  }
0x1: {  	s0 =	rddreg [dreg:$0x0]  }
0x2: {  	s2 =	rddreg [dreg:$0x1];
	s1 =	srdreg.scid  }
0x3: {  	s8 =	stileid.u32;
	s3 =	simm.s32 $0x0;
	s14 =	simm.s32 $0x8000  }
0x4: {  	s15 =	simm.s32 $0x9;
	s16 =	simm.s32 $0xA800;
	s17 =	simm.s32 $0x80  }
0x5: {  	s19 =	simm.s32 $0x2000;
	s20 =	simm.s32 $0x1;
	s22 =	simm.s32 $0x4000  }
0x6: {  	s23 =	simm.s32 $0x2;
	s28 =	simm.s32 $0x3;
	s30 =	simm.s32 $0x5  }
0x7: {  	s18 =	simm.s32 $0x6;
	s24 =	simm.s32 $0x7;
	s25 =	simm.s32 $0x8  }
0x8: {  	s29 =	simm.s32 $0x0;
	s1 =	sand.u32 $0x1, s1;
	s7 =	smul.u32 $0xA000, s8  }
0x9: {  	[smem:$0x7FF] =	sst s3;
	s4 =	sshll.u32 s8, $0x1;
	s8 =	smul.u32 $0x28000, s8  }
0xa: {  	s5 =	smul.u32 $0xA0000, s1;
	_ =	strace $0x8000004A;
	s6 =	sor.u32 s1, s4  }
0xb: {  	s4 =	sadd.s32 $0x68C00, s0;
	s1 =	ssub.s32 $0x2, s1;
	s6 =	smul.u32 $0x500, s6  }
0xc: {  	s26 =	sshrl.u32 s1, $0x1;
	s8 =	sshrl.u32 s8, $0x2;
	s5 =	sadd.s32 s7, s5  }
0xd: {  	s1 =	ssub.s32 s1, s26;
	s7 =	sadd.s32 s7, s2;
	s11 =	sadd.s32 s8, s2  }
.Ltmp0:
0xe: {  	s26 =	simm.s32 $0x6000;
	s5 =	sshrl.u32 s5, $0x3;
	(pc) =	sbr.rel .LBB2_1-.Ltmp0, $4  }
0xf: {  	s6 =	sadd.s32 s6, s0;
	s8 =	sadd.s32 $0x2000, s11;
	s9 =	sadd.s32 $0x4000, s11  }
0x10: {  	s10 =	sadd.s32 $0x6000, s11;
	s11 =	sadd.s32 $0x8000, s11;
	s13 =	smax.u32 s1, $0x1  }
0x11: {  	s0 =	sadd.s32 s5, s0;
	s31 =	sadd.s32 $0xEC00, s6;
	s6 =	sadd.s32 $0x4C00, s6  }
0x12: {  	v0 =	vimm.f32 $0.0e+00;
	[dreg:$0x3] =	wrdreg s31;
	s12 =	sadd.s32 $0x7CC00, s0;
	s0 =	simm.s32 $0x4  }
.LBB2_6:
0x13: {  	_ =	swait.ge [sflag:s0], $0x2000  }
0x14: {  	[sflag:s0] =	ssyncset.done $0x0  }
0x15: {  	[sflag:s0] =	ssyncadd.s32 $0xFFFFE000  }
0x16: {  	[spmem:s2] =	stream.indirect.scatter.add.f32 [tilespmem:s26], [sflag:$0x8], $0x40, s21, s17, $0xb8;
	[tilespmem:$0x17000] =	vst v63  }
0x17: {  	_ =	swait.ge [sflag:s30], $0x2000  }
0x18: {  	[sflag:s30] =	ssyncset.done $0x0  }
0x19: {  	[sflag:s30] =	ssyncadd.s32 $0xFFFFE000  }
0x1a: {  	_ =	swait.ge [sflag:s18], $0x2000  }
0x1b: {  	[sflag:s18] =	ssyncset.done $0x0  }
0x1c: {  	[sflag:s18] =	ssyncadd.s32 $0xFFFFE000  }
0x1d: {  	_ =	swait.ge [sflag:s24], $0x2000  }
0x1e: {  	[sflag:s24] =	ssyncset.done $0x0  }
0x1f: {  	[sflag:s24] =	ssyncadd.s32 $0xFFFFE000  }
0x20: {  	s1 =	stileid.u32;
	_ =	swait.ge [sflag:s25], $0x2000  }
0x21: {  	s5 =	sshrl.u32 s7, $0x3;
	s29 =	sadd.s32 $0x1, s29;
	[sflag:s25] =	ssyncset.done $0x0  }
0x22: {  	s1 =	sshll.u32 s1, $0x6;
	p0 =	sne.s32 s29, s13;
	[sflag:s25] =	ssyncadd.s32 $0xFFFFE000  }
.Ltmp1:
0x23: {  	s1 =	sor.u32 $0x1C09, s1;
	[bflag:$0x0] =	sbarrier.arrive $0xFFFF;
	(pc) =	sbr.rel @!p0 .LBB2_7-.Ltmp1, $4  }
0x24: {  	[hbm:s12], [sflag:s1] =	dma.local [spmem:s5], $0x1400  }
0x25: {  	_ =	swait.ge [sflag:s15], $0x1400  }
0x26: {  	[sflag:s15] =	ssyncset.done $0x0  }
0x27: {  	[sflag:s15] =	ssyncadd.s32 $0xFFFFEC00  }
.LBB2_1:
0x28: {  	s1 =	rddreg [dreg:$0x3]  }
0x29: {  	[tilespmem:s14], [sflag:$0x9] =	stream.linear.gather [hbm4b:s1+s3], $0x2800, $0x38;
	[tilespmem:$0x17000] =	vst v63  }
0x2a: {  	_ =	swait.ge [sflag:s15], $0x2800  }
0x2b: {  	[sflag:s15] =	ssyncset.done $0x0  }
0x2c: {  	[sflag:s15] =	ssyncadd.s32 $0xFFFFD800  }
0x2d: {  	[tilespmem:s16], [sflag:$0x9] =	stream.linear.gather [hbm4b:s6+s3], $0x2800, $0x38;
	[tilespmem:$0x17000] =	vst v63  }
0x2e: {  	_ =	swait.ge [sflag:s15], $0x2800  }
0x2f: {  	[sflag:s15] =	ssyncset.done $0x0  }
0x30: {  	s31 =	simm.s32 $0x100;
	s1 =	simm.s32 $0x0;
	[sflag:s15] =	ssyncadd.s32 $0xFFFFD800  }
.LBB2_2:
0x31: {  	p0 =	sne.s32 s31, $0x7F00;
	[tilespmem:s1+$0x30] =	vst v0;
	s21 =	smov.u32 s31;
	s31 =	sadd.s32 $0x100, s31  }
.Ltmp2:
0x32: {  	[tilespmem:s1+$0x20] =	vst v0;
	(pc) =	sbr.rel @p0 .LBB2_2-.Ltmp2, $3  }
0x33: {  	[tilespmem:s1+$0x0] =	vst v0  }
0x34: {  	[tilespmem:s1+$0x10] =	vst v0;
	_ =	sdelay $0x1  }
0x35: {  	s1 =	sshra.s32 s21, $0x2  }
0x36: {  	[tilespmem:s1+$0x30] =	vst v0  }
0x37: {  	[tilespmem:s1+$0x20] =	vst v0  }
0x38: {  	[tilespmem:s1+$0x0] =	vst v0  }
0x39: {  	[tilespmem:s1+$0x10] =	vst v0;
	s31 =	simm.s32 $0x0  }
0x3a: {  	[spmem:s7] =	stream.linear.scatter [tilespmem:s31], [sflag:$0x9], $0x2000, $0x38;
	[tilespmem:$0x17000] =	vst v63  }
0x3b: {  	_ =	swait.ge [sflag:s15], $0x2000  }
0x3c: {  	[sflag:s15] =	ssyncset.done $0x0  }
0x3d: {  	[sflag:s15] =	ssyncadd.s32 $0xFFFFE000  }
0x3e: {  	[spmem:s8] =	stream.linear.scatter [tilespmem:s31], [sflag:$0x9], $0x2000, $0x38;
	[tilespmem:$0x17000] =	vst v63  }
0x3f: {  	_ =	swait.ge [sflag:s15], $0x2000  }
0x40: {  	[sflag:s15] =	ssyncset.done $0x0  }
0x41: {  	[sflag:s15] =	ssyncadd.s32 $0xFFFFE000  }
0x42: {  	[spmem:s9] =	stream.linear.scatter [tilespmem:s31], [sflag:$0x9], $0x2000, $0x38;
	[tilespmem:$0x17000] =	vst v63  }
0x43: {  	_ =	swait.ge [sflag:s15], $0x2000  }
0x44: {  	[sflag:s15] =	ssyncset.done $0x0  }
0x45: {  	[sflag:s15] =	ssyncadd.s32 $0xFFFFE000  }
0x46: {  	[spmem:s10] =	stream.linear.scatter [tilespmem:s31], [sflag:$0x9], $0x2000, $0x38;
	[tilespmem:$0x17000] =	vst v63  }
0x47: {  	_ =	swait.ge [sflag:s15], $0x2000  }
0x48: {  	[sflag:s15] =	ssyncset.done $0x0  }
0x49: {  	[sflag:s15] =	ssyncadd.s32 $0xFFFFE000  }
0x4a: {  	[spmem:s11] =	stream.linear.scatter [tilespmem:s31], [sflag:$0x9], $0x2000, $0x38;
	[tilespmem:$0x17000] =	vst v63  }
0x4b: {  	_ =	swait.ge [sflag:s15], $0x2000  }
0x4c: {  	[sflag:s15] =	ssyncset.done $0x0  }
0x4d: {  	[sflag:s15] =	ssyncadd.s32 $0xFFFFE000  }
0x4e: {  	[bflag:$0x0] =	sbarrier.arrive $0xFFFF  }
0x4f: {  	[tilespmem:s31], [sflag:$0x1] =	stream.indirect.gather [hbm4b:s4+s17], $0x40, s14, s17, $0xb8;
	[tilespmem:$0x17000] =	vst v63  }
0x50: {  	s5 =	simm.s32 $0x8080  }
0x51: {  	[tilespmem:s19], [sflag:$0x2] =	stream.indirect.gather [hbm4b:s4+s17], $0x40, s5, s17, $0xb8;
	[tilespmem:$0x17000] =	vst v63  }
0x52: {  	_ =	swait.ge [sflag:s20], $0x2000  }
0x53: {  	[sflag:s20] =	ssyncset.done $0x0  }
0x54: {  	[sflag:s20] =	ssyncadd.s32 $0xFFFFE000  }
0x55: {  	[spmem:s2] =	stream.indirect.scatter.add.f32 [tilespmem:s31], [sflag:$0x5], $0x40, s16, s17, $0xb8;
	[tilespmem:$0x17000] =	vst v63  }
0x56: {  	s21 =	simm.s32 $0x8100  }
0x57: {  	[tilespmem:s22], [sflag:$0x3] =	stream.indirect.gather [hbm4b:s4+s17], $0x40, s21, s17, $0xb8;
	[tilespmem:$0x17000] =	vst v63  }
0x58: {  	_ =	swait.ge [sflag:s23], $0x2000  }
0x59: {  	[sflag:s23] =	ssyncset.done $0x0  }
0x5a: {  	s5 =	simm.s32 $0xA880;
	[sflag:s23] =	ssyncadd.s32 $0xFFFFE000  }
0x5b: {  	[spmem:s2] =	stream.indirect.scatter.add.f32 [tilespmem:s19], [sflag:$0x6], $0x40, s5, s17, $0xb8;
	[tilespmem:$0x17000] =	vst v63  }
0x5c: {  	s21 =	simm.s32 $0x8180  }
0x5d: {  	[tilespmem:s26], [sflag:$0x4] =	stream.indirect.gather [hbm4b:s4+s17], $0x40, s21, s17, $0xb8;
	[tilespmem:$0x17000] =	vst v63  }
0x5e: {  	_ =	swait.ge [sflag:s28], $0x2000  }
0x5f: {  	[sflag:s28] =	ssyncset.done $0x0  }
0x60: {  	s5 =	simm.s32 $0xA900;
	[sflag:s28] =	ssyncadd.s32 $0xFFFFE000  }
0x61: {  	[spmem:s2] =	stream.indirect.scatter.add.f32 [tilespmem:s22], [sflag:$0x7], $0x40, s5, s17, $0xb8;
	[tilespmem:$0x17000] =	vst v63  }
0x62: {  	_ =	swait.ge [sflag:s30], $0x2000  }
0x63: {  	[sflag:s30] =	ssyncset.done $0x0  }
0x64: {  	s21 =	simm.s32 $0x8200;
	[sflag:s30] =	ssyncadd.s32 $0xFFFFE000  }
0x65: {  	[tilespmem:s31], [sflag:$0x1] =	stream.indirect.gather [hbm4b:s4+s17], $0x40, s21, s17, $0xb8;
	[tilespmem:$0x17000] =	vst v63  }
0x66: {  	_ =	swait.ge [sflag:s0], $0x2000  }
0x67: {  	[sflag:s0] =	ssyncset.done $0x0  }
0x68: {  	s5 =	simm.s32 $0xA980;
	[sflag:s0] =	ssyncadd.s32 $0xFFFFE000  }
0x69: {  	[spmem:s2] =	stream.indirect.scatter.add.f32 [tilespmem:s26], [sflag:$0x8], $0x40, s5, s17, $0xb8;
	[tilespmem:$0x17000] =	vst v63  }
0x6a: {  	_ =	swait.ge [sflag:s18], $0x2000  }
0x6b: {  	[sflag:s18] =	ssyncset.done $0x0  }
0x6c: {  	s21 =	simm.s32 $0x8280;
	[sflag:s18] =	ssyncadd.s32 $0xFFFFE000  }
0x6d: {  	[tilespmem:s19], [sflag:$0x2] =	stream.indirect.gather [hbm4b:s4+s17], $0x40, s21, s17, $0xb8;
	[tilespmem:$0x17000] =	vst v63  }
.LBB2_4:
0x6e: {  	_ =	swait.ge [sflag:s20], $0x2000  }
0x6f: {  	s1 =	sshra.s32 s31, $0x2;
	[sflag:s20] =	ssyncset.done $0x0  }
0x70: {  	s21 =	sadd.s32 $0xAA00, s1;
	[sflag:s20] =	ssyncadd.s32 $0xFFFFE000  }
0x71: {  	[spmem:s2] =	stream.indirect.scatter.add.f32 [tilespmem:s3], [sflag:$0x5], $0x40, s21, s17, $0xb8;
	[tilespmem:$0x17000] =	vst v63  }
0x72: {  	_ =	swait.ge [sflag:s24], $0x2000  }
0x73: {  	[sflag:s24] =	ssyncset.done $0x0  }
0x74: {  	s5 =	sadd.s32 $0x8300, s1;
	[sflag:s24] =	ssyncadd.s32 $0xFFFFE000  }
0x75: {  	[tilespmem:s22], [sflag:$0x3] =	stream.indirect.gather [hbm4b:s4+s17], $0x40, s5, s17, $0xb8;
	[tilespmem:$0x17000] =	vst v63  }
0x76: {  	_ =	swait.ge [sflag:s23], $0x2000  }
0x77: {  	[sflag:s23] =	ssyncset.done $0x0  }
0x78: {  	s5 =	sadd.s32 $0xAA80, s1;
	[sflag:s23] =	ssyncadd.s32 $0xFFFFE000  }
0x79: {  	[spmem:s2] =	stream.indirect.scatter.add.f32 [tilespmem:s19], [sflag:$0x6], $0x40, s5, s17, $0xb8;
	[tilespmem:$0x17000] =	vst v63  }
0x7a: {  	_ =	swait.ge [sflag:s25], $0x2000  }
0x7b: {  	[sflag:s25] =	ssyncset.done $0x0  }
0x7c: {  	p0 =	seq.s32 s31, $0x9000;
	s5 =	sadd.s32 $0x8380, s1;
	[sflag:s25] =	ssyncadd.s32 $0xFFFFE000  }
0x7d: {  	[tilespmem:s26], [sflag:$0x4] =	stream.indirect.gather [hbm4b:s4+s17], $0x40, s5, s17, $0xb8;
	[tilespmem:$0x17000] =	vst v63  }
.Ltmp3:
0x7e: {  	_ = 	snop;
	(pc) =	sbr.rel @p0 .LBB2_6-.Ltmp3, $4  }
0x7f: {  	_ =	swait.ge [sflag:s28], $0x2000  }
0x80: {  	[sflag:s28] =	ssyncset.done $0x0  }
0x81: {  	s21 =	sadd.s32 $0xAB80, s1;
	s5 =	sadd.s32 $0xAB00, s1;
	[sflag:s28] =	ssyncadd.s32 $0xFFFFE000  }
0x82: {  	[spmem:s2] =	stream.indirect.scatter.add.f32 [tilespmem:s22], [sflag:$0x7], $0x40, s5, s17, $0xb8;
	[tilespmem:$0x17000] =	vst v63  }
0x83: {  	_ =	swait.ge [sflag:s30], $0x2000  }
0x84: {  	[sflag:s30] =	ssyncset.done $0x0  }
0x85: {  	s5 =	sadd.s32 $0x8400, s1;
	[sflag:s30] =	ssyncadd.s32 $0xFFFFE000  }
0x86: {  	[tilespmem:s3], [sflag:$0x1] =	stream.indirect.gather [hbm4b:s4+s17], $0x40, s5, s17, $0xb8;
	[tilespmem:$0x17000] =	vst v63  }
0x87: {  	_ =	swait.ge [sflag:s0], $0x2000  }
0x88: {  	[sflag:s0] =	ssyncset.done $0x0  }
0x89: {  	[sflag:s0] =	ssyncadd.s32 $0xFFFFE000  }
0x8a: {  	[spmem:s2] =	stream.indirect.scatter.add.f32 [tilespmem:s26], [sflag:$0x8], $0x40, s21, s17, $0xb8;
	[tilespmem:$0x17000] =	vst v63  }
.Ltmp4:
0x8b: {  	_ = 	snop;
	(pc) =	sbr.rel .LBB2_4-.Ltmp4, $4  }
0x8c: {  	_ =	swait.ge [sflag:s18], $0x2000  }
0x8d: {  	[sflag:s18] =	ssyncset.done $0x0  }
0x8e: {  	s31 =	sadd.s32 $0x800, s31;
	s21 =	sadd.s32 $0x8480, s1;
	[sflag:s18] =	ssyncadd.s32 $0xFFFFE000  }
0x8f: {  	[tilespmem:s19], [sflag:$0x2] =	stream.indirect.gather [hbm4b:s4+s17], $0x40, s21, s17, $0xb8;
	[tilespmem:$0x17000] =	vst v63  }
.LBB2_7:
0x90: {  	_ =	sfence.sel $0x180000  }
0x91: {  	[bflag:$0x0] =	sbarrier.arrive $0xFFFF  }
0x92: {  	_ =	strace $0x9000004A  }
0x93: {  	s0 =	stileid.u32;
	[bflag:$0x2] =	sbarrier.arrive $0xFFFF  }
0x94: {  	p0 =	sne.s32 s0, $0x0;
	s0 =	rddreg [dreg:$0x2]  }
0x95: {  	s0 =	sadd.s32 @!p0 $0x100000, s0  }
0x96: {  	[sflag:s0] =	ssyncadd.tile.s32 @!p0 $0x1;
	_ =	shalt  }
.Lfunc_end2:
_tile_overlayer_lowered:
.L_overlay_start_2:
0x97: {  	(tag) =	ssettag $0x2  }
0x98: {  	s0 =	rddreg [dreg:$0x0];
	s2 =	stileid.u32  }
0x99: {  	s1 =	rddreg [dreg:$0x1];
	p0 =	sne.s32 s2, $0x0  }
0x9a: {  	s3 =	rddreg [dreg:$0x2];
	[bflag:$0x3] =	sbarrier.arrive $0xFFFF;
	s2 =	simm.s32 @!p0 $0x1C09  }
0x9b: {  	[timem:s3], [sflag:s2] =	dma.local @!p0 [hbm:s0], s1  }
0x9c: {  	s0 =	simm.s32 @!p0 $0x9  }
0x9d: {  	_ =	swait.ge @!p0 [sflag:s0], s1  }
0x9e: {  	s1 =	ssub.s32 @!p0 $0x0, s1;
	[sflag:s0] =	ssyncset.done @!p0 $0x0  }
0x9f: {  	[sflag:s0] =	ssyncadd.s32 @!p0 s1  }
0xa0: {  	[bflag:$0x3] =	sbarrier.arrive $0xFFFF  }
0xa1: {  	_ =	shalt  }

// kernel: sc_edge_agg.8.cloned.1.call-start
scs
__scs_entry_jumppad:
0x0: {  	(pc) =	sbr.rel $0x88, $3  }
0x1: {  	(tag) =	ssettag $0x0;
	lr =	simm.s32 $0x1  }
0x2: {  	[smem:$0x3F90] =	sst lr;
	_ =	strace $0xD0000000  }
0x3: {  	_ = 	snop  }
0x4: {  	_ = 	snop  }
0x5: {  	_ = 	snop  }
0x6: {  	_ = 	snop  }
0x7: {  	_ = 	snop  }
__scs_overlays_trampoline_lowered:
0x8: {  	[smem:$0x3F9F] =	sst s0  }
0x9: {  	[smem:$0x3FA0] =	sst s1  }
0xa: {  	[smem:$0x3FA1] =	sst s2  }
0xb: {  	[smem:$0x3FA2] =	sst s3  }
0xc: {  	[smem:$0x3FA3] =	sst s4  }
0xd: {  	[smem:$0x3FA4] =	sst s5  }
0xe: {  	[smem:$0x3FA5] =	sst s6  }
0xf: {  	[smem:$0x3FA6] =	sst s7  }
0x10: {  	[smem:$0x3FA7] =	sst s8  }
0x11: {  	[smem:$0x3FA8] =	sst s9;
	s0 =	simm.s32 @!p0 $0x0  }
0x12: {  	s1 =	sld [smem:$0x3F8E];
	s0 =	simm.s32 @p0 $0x1  }
0x13: {  	[smem:$0x3FA9] =	sst s0;
	s0 =	simm.s32 @!p1 $0x0  }
0x14: {  	s2 =	sld [smem:$0x3F8D];
	s0 =	simm.s32 @p1 $0x1  }
0x15: {  	[smem:$0x3FAA] =	sst s0;
	s0 =	simm.s32 @!p2 $0x0  }
0x16: {  	s3 =	sld [smem:$0x3FDB];
	s0 =	simm.s32 @p2 $0x1  }
0x17: {  	s4 =	simm.s32 $0x1BF5;
	[smem:$0x3FAC] =	sst s0  }
0x18: {  	s0 =	sld [smem:$0x3F8F];
	_ =	swait.ge [sflag:s4], $0x0  }
0x19: {  	s7 =	sld [smem:$0x3F90]  }
0x1a: {  	s8 =	sadd.s32 $0xFFFFE003, lr  }
0x1b: {  	s9 =	sadd.s32 $0xFFFFFEF7, lr;
	s5 =	simm.s32 $0xFFFFFFFF;
	p2 =	slt.u32 s8, $0xFFFFF086  }
0x1c: {  	p1 =	slt.u32 s9, $0xF7A;
	s5 =	simm.s32 @!p2 $0x0  }
0x1d: {  	s5 =	simm.s32 @p1 $0x1;
	p0 =	seq.s32 s7, s2  }
0x1e: {  	s7 =	smul.u32 @!p0 $0xF7A, s2;
	p2 =	seq.s32 @!p0 s5, $0x0  }
0x1f: {  	s9 =	smul.u32 $0xF7A, s1;
	s8 =	simm.s32 @!p0 $0x1BF5;
	p2 =	por !p2, p0  }
0x20: {  	[sflag:s8] =	ssyncset.s32 @!p0 $0xFFFFF086;
	s6 =	sadd.s32 @!p0 s3, s7;
	s7 =	simm.s32 @!p0 $0x108  }
0x21: {  	s3 =	sadd.s32 s3, s9;
	s6 =	sadd.s32 @!p0 $0x88, s6;
	s7 =	simm.s32 @p2 $0x1082  }
0x22: {  	[simem:s7], [sflag:s8] =	dma.local @!p0 [hbm:s6], $0xF7A  }
0x23: {  	s9 =	sor.u32 $0xD0000000, s2;
	s6 =	simm.s32 $0x108;
	_ =	swait.ge @!p0 [sflag:s8], $0x0  }
0x24: {  	s3 =	sadd.s32 $0x88, s3;
	s6 =	simm.s32 @!p1 $0x1082;
	[sflag:s4] =	ssyncset.s32 $0xFFFFF086  }
0x25: {  	[simem:s6], [sflag:s4] =	dma.local [hbm:s3], $0xF7A  }
0x26: {  	[smem:$0x3F90] =	sst s1;
	(tag) =	ssettag s2;
	_ =	strace s9  }
0x27: {  	s1 =	sld [smem:$0x3FA0]  }
0x28: {  	s2 =	sld [smem:$0x3FA1]  }
0x29: {  	s4 =	sld [smem:$0x3FA3]  }
0x2a: {  	p0 =	seq.s32 s5, $0x0;
	s5 =	sld [smem:$0x3FA4]  }
0x2b: {  	s6 =	sld [smem:$0x3FA5]  }
0x2c: {  	s7 =	sld [smem:$0x3FA6]  }
0x2d: {  	s3 =	simm.s32 $0x108;
	s8 =	sld [smem:$0x3FA7]  }
0x2e: {  	s3 =	simm.s32 @!p0 $0x1082;
	s9 =	sld [smem:$0x3FA8]  }
0x2f: {  	lr =	sadd.s32 s0, s3;
	s0 =	sld [smem:$0x3F9F]  }
0x30: {  	s3 =	sld [smem:$0x3FA2]  }
0x31: {  	[smem:$0x3FAB] =	sst s10  }
0x32: {  	s10 =	sld [smem:$0x3FA9];
	_ =	sdelay $0x3  }
0x33: {  	p0 =	seq.s32 s10, $0x1;
	s10 =	sld [smem:$0x3FAB];
	_ =	sdelay $0x3  }
0x34: {  	[smem:$0x3FAB] =	sst s10  }
0x35: {  	s10 =	sld [smem:$0x3FAA];
	_ =	sdelay $0x3  }
0x36: {  	p1 =	seq.s32 s10, $0x1;
	s10 =	sld [smem:$0x3FAB];
	_ =	sdelay $0x3  }
0x37: {  	[smem:$0x3FAB] =	sst s10  }
0x38: {  	s10 =	sld [smem:$0x3FAC]  }
0x39: {  	_ = 	snop;
	(pc) =	sbr.ind lr, $3  }
0x3a: {  	_ = 	snop  }
0x3b: {  	_ = 	snop  }
0x3c: {  	p2 =	seq.s32 s10, $0x1;
	s10 =	sld [smem:$0x3FAB]  }
0x3d: {  	_ =	shalt  }
0x3e: {  	_ =	shalt  }
0x3f: {  	_ =	shalt  }
0x40: {  	_ =	shalt  }
0x41: {  	_ =	shalt  }
0x42: {  	_ =	shalt  }
0x43: {  	_ =	shalt  }
0x44: {  	_ =	shalt  }
0x45: {  	_ =	shalt  }
0x46: {  	_ =	shalt  }
0x47: {  	_ =	shalt  }
0x48: {  	_ =	shalt  }
0x49: {  	_ =	shalt  }
0x4a: {  	_ =	shalt  }
0x4b: {  	_ =	shalt  }
0x4c: {  	_ =	shalt  }
0x4d: {  	_ =	shalt  }
0x4e: {  	_ =	shalt  }
0x4f: {  	_ =	shalt  }
0x50: {  	_ =	shalt  }
0x51: {  	_ =	shalt  }
0x52: {  	_ =	shalt  }
0x53: {  	_ =	shalt  }
0x54: {  	_ =	shalt  }
0x55: {  	_ =	shalt  }
0x56: {  	_ =	shalt  }
0x57: {  	_ =	shalt  }
0x58: {  	_ =	shalt  }
0x59: {  	_ =	shalt  }
0x5a: {  	_ =	shalt  }
0x5b: {  	_ =	shalt  }
0x5c: {  	_ =	shalt  }
0x5d: {  	_ =	shalt  }
0x5e: {  	_ =	shalt  }
0x5f: {  	_ =	shalt  }
0x60: {  	_ =	shalt  }
0x61: {  	_ =	shalt  }
0x62: {  	_ =	shalt  }
0x63: {  	_ =	shalt  }
0x64: {  	_ =	shalt  }
0x65: {  	_ =	shalt  }
0x66: {  	_ =	shalt  }
0x67: {  	_ =	shalt  }
0x68: {  	_ =	shalt  }
0x69: {  	_ =	shalt  }
0x6a: {  	_ =	shalt  }
0x6b: {  	_ =	shalt  }
0x6c: {  	_ =	shalt  }
0x6d: {  	_ =	shalt  }
0x6e: {  	_ =	shalt  }
0x6f: {  	_ =	shalt  }
0x70: {  	_ =	shalt  }
0x71: {  	_ =	shalt  }
0x72: {  	_ =	shalt  }
0x73: {  	_ =	shalt  }
0x74: {  	_ =	shalt  }
0x75: {  	_ =	shalt  }
0x76: {  	_ =	shalt  }
0x77: {  	_ =	shalt  }
0x78: {  	_ =	shalt  }
0x79: {  	_ =	shalt  }
0x7a: {  	_ =	shalt  }
0x7b: {  	_ =	shalt  }
0x7c: {  	_ =	shalt  }
0x7d: {  	_ =	shalt  }
0x7e: {  	_ =	shalt  }
0x7f: {  	_ =	shalt  }
0x80: {  	_ =	shalt  }
0x81: {  	_ =	shalt  }
0x82: {  	_ =	shalt  }
0x83: {  	_ =	shalt  }
0x84: {  	_ =	shalt  }
0x85: {  	_ =	shalt  }
0x86: {  	_ =	shalt  }
0x87: {  	_ =	shalt  }
.Lfunc_end0:
.L_simem_size_0:
called_computation.2_lowered:
.L_overlay_start_0:
0x88: {  	s2 =	sld [smem:$0x3FD9]  }
0x89: {  	s3 =	sld [smem:$0x3FFE];
	_ =	sdelay $0x1  }
0x8a: {  	s1 =	srdreg.scid  }
0x8b: {  	s0 =	sand.u32 $0x1, s1  }
0x8c: {  	s16 =	sshll.u32 s0, $0xA;
	s2 =	sadd.s32 s3, s2  }
0x8d: {  	s2 =	sadd.s32 s2, s16  }
0x8e: {  	[smem:$0x3FB7] =	sst s2  }
0x8f: {  	_ = 	snop  }
0x90: {  	(tm) =	ssettm $0x1  }
0x91: {  	s17 =	sld [smem:$0x3FFB];
	_ =	sdelay $0x3  }
0x92: {  	_ =	strace s17  }
0x93: {  	s2 =	sld [smem:$0x3FFC];
	_ =	sdelay $0x3  }
0x94: {  	_ =	strace s2  }
0x95: {  	s2 =	sld [smem:$0x3FFD];
	_ =	sdelay $0x3  }
0x96: {  	_ =	strace s2  }
0x97: {  	_ =	strace $0x8FFFFFFF  }
0x98: {  	s18 =	sld [smem:$0x3FDB];
	_ =	sdelay $0x1  }
0x99: {  	s19 =	simm.s32 $_scs_section_size  }
0x9a: {  	s4 =	simm.s32 $_size__tile_overlayer_lowered;
	s5 =	simm.s32 $_tile_overlayer_lowered  }
0x9b: {  	s22 =	simm.s32 $0x1BFF;
	s21 =	sshll.u32 s5, $0x1;
	s2 =	sadd.s32 s19, s18  }
0x9c: {  	s6 =	simm.s32 $0x0;
	s20 =	sshll.u32 s4, $0x1;
	s4 =	sadd.s32 s21, s2  }
0x9d: {  	[timem:s6], [sflag:s22] =	dma.local [hbm:s4], s20  }
0x9e: {  	_ =	swait.ge [sflag:s22], s20  }
0x9f: {  	s3 =	ssub.s32 $0x0, s20;
	[sflag:s22] =	ssyncset.done $0x0  }
0xa0: {  	[sflag:s22] =	ssyncadd.s32 s3;
	_ =	sdelay $0x1  }
0xa1: {  	s23 =	simm.s32 $0x1B8B  }
0xa2: {  	_ =	swait.ge [sflag:s23], $0x1  }
0xa3: {  	[sflag:s23] =	ssyncset.done $0x0  }
0xa4: {  	s25 =	simm.s32 $0x1B8E;
	s24 =	sld [smem:$0x3FFE];
	[sflag:s23] =	ssyncadd.s32 $0xFFFFFFFF  }
0xa5: {  	s26 =	simm.s32 $execute0_lowered;
	[smem:$0x3FD2] =	sst s25  }
0xa6: {  	s4 =	sshll.u32 s26, $0x1;
	_ =	strace $0x8000004C;
	[dreg:$0x1] =	wrdreg $0xFFFFFFFF  }
0xa7: {  	s28 =	simm.s32 $_size_execute0_lowered;
	s2 =	sadd.s32 s2, s4;
	[dreg:$0x0] =	wrdreg $0x0  }
0xa8: {  	s4 =	sshll.u32 s28, $0x1;
	[dreg:$0x2] =	wrdreg s2  }
0xa9: {  	[dreg:$0x3] =	wrdreg s4  }
0xaa: {  	[dreg:$0x4] =	wrdreg $0xC0  }
0xab: {  	_ =	task [dreg:s6], $0x5FFFF  }
0xac: {  	[dreg:$0x1] =	wrdreg $0xFFFFFFFF  }
0xad: {  	[dreg:$0x0] =	wrdreg $0x60  }
0xae: {  	[dreg:$0x2] =	wrdreg s24  }
0xaf: {  	[dreg:$0x3] =	wrdreg $0xD0000  }
0xb0: {  	[dreg:$0x4] =	wrdreg $0x9  }
0xb1: {  	_ =	task.clear_ibuf [dreg:s6], $0x5FFFF;
	_ =	strace $0x9000004C  }
0xb2: {  	s29 =	simm.s32 $0x9;
	_ =	strace $0x8000004E  }
0xb3: {  	_ =	swait.ge [sflag:s29], $0x1  }
0xb4: {  	[sflag:s29] =	ssyncadd.s32 $0xFFFFFFFF  }
0xb5: {  	_ =	strace $0x9000004E  }
0xb6: {  	_ =	sfence  }
0xb7: {  	s30 =	sld [smem:$0x0];
	_ =	sdelay $0x2  }
0xb8: {  	s31 =	sshll.u32 s1, $0xD;
	s1 =	sshrl.u32 s1, $0x2  }
0xb9: {  	s3 =	sand.u32 $0x4000, s31;
	s1 =	sadd.s32 s1, s30  }
0xba: {  	s0 =	sor.u32 s3, s0;
	s1 =	sshll.u32 s1, $0x11  }
0xbb: {  	s0 =	sor.u32 s1, s0  }
0xbc: {  	s0 =	sadd.s32 $0x8F2B, s0  }
0xbd: {  	[sflag:s0] =	ssyncadd.remote.s32 $0x1  }
0xbe: {  	_ =	sfence.sel $0xFFFF  }
0xbf: {  	[dreg:$0x0] =	wrdreg $0xFFFFFFFF;
	(pc) =	sbr.abs _section_cstart, $3  }
0xc0: {  	[dreg:$0x1] =	wrdreg $0xFFFFFFFF  }
0xc1: {  	_ =	task.clear_ibuf [dreg:s6], $0x2FFFF;
	_ =	strace $0x9FFFFFFF  }
0xc2: {  	(tm) =	ssettm $0x7FFFFFFF  }
0xc3: {  	_ =	shalt  }
tec
execute0_lowered:
.L_overlay_start_1:
0x0: {  	(tag) =	ssettag $0x1  }
0x1: {  	s0 =	rddreg [dreg:$0x0]  }
0x2: {  	s2 =	rddreg [dreg:$0x1];
	s1 =	srdreg.scid  }
0x3: {  	s8 =	stileid.u32;
	s3 =	simm.s32 $0x0;
	s14 =	simm.s32 $0x8000  }
0x4: {  	s15 =	simm.s32 $0x9;
	s16 =	simm.s32 $0xA800;
	s17 =	simm.s32 $0x80  }
0x5: {  	s19 =	simm.s32 $0x2000;
	s20 =	simm.s32 $0x1;
	s22 =	simm.s32 $0x4000  }
0x6: {  	s23 =	simm.s32 $0x2;
	s28 =	simm.s32 $0x3;
	s30 =	simm.s32 $0x5  }
0x7: {  	s18 =	simm.s32 $0x6;
	s24 =	simm.s32 $0x7;
	s25 =	simm.s32 $0x8  }
0x8: {  	s29 =	simm.s32 $0x0;
	s1 =	sand.u32 $0x1, s1;
	s7 =	smul.u32 $0xA000, s8  }
0x9: {  	[smem:$0x7FF] =	sst s3;
	s4 =	sshll.u32 s8, $0x1;
	s8 =	smul.u32 $0x28000, s8  }
0xa: {  	s5 =	smul.u32 $0xA0000, s1;
	_ =	strace $0x8000004D;
	s6 =	sor.u32 s1, s4  }
0xb: {  	s4 =	sadd.s32 $0x68C00, s0;
	s1 =	ssub.s32 $0x2, s1;
	s6 =	smul.u32 $0x500, s6  }
0xc: {  	s26 =	sshrl.u32 s1, $0x1;
	s8 =	sshrl.u32 s8, $0x2;
	s5 =	sadd.s32 s7, s5  }
0xd: {  	s1 =	ssub.s32 s1, s26;
	s7 =	sadd.s32 s7, s2;
	s11 =	sadd.s32 s8, s2  }
.Ltmp0:
0xe: {  	s26 =	simm.s32 $0x6000;
	s5 =	sshrl.u32 s5, $0x3;
	(pc) =	sbr.rel .LBB2_1-.Ltmp0, $4  }
0xf: {  	s6 =	sadd.s32 s6, s0;
	s8 =	sadd.s32 $0x2000, s11;
	s9 =	sadd.s32 $0x4000, s11  }
0x10: {  	s10 =	sadd.s32 $0x6000, s11;
	s11 =	sadd.s32 $0x8000, s11;
	s13 =	smax.u32 s1, $0x1  }
0x11: {  	s0 =	sadd.s32 s5, s0;
	s31 =	sadd.s32 $0xEC00, s6;
	s6 =	sadd.s32 $0x4C00, s6  }
0x12: {  	v0 =	vimm.f32 $0.0e+00;
	[dreg:$0x3] =	wrdreg s31;
	s12 =	sadd.s32 $0x7CC00, s0;
	s0 =	simm.s32 $0x4  }
.LBB2_6:
0x13: {  	_ =	swait.ge [sflag:s0], $0x2000  }
0x14: {  	[sflag:s0] =	ssyncset.done $0x0  }
0x15: {  	[sflag:s0] =	ssyncadd.s32 $0xFFFFE000  }
0x16: {  	[spmem:s2] =	stream.indirect.scatter.add.f32 [tilespmem:s26], [sflag:$0x8], $0x40, s21, s17, $0xb8;
	[tilespmem:$0x17000] =	vst v63  }
0x17: {  	_ =	swait.ge [sflag:s30], $0x2000  }
0x18: {  	[sflag:s30] =	ssyncset.done $0x0  }
0x19: {  	[sflag:s30] =	ssyncadd.s32 $0xFFFFE000  }
0x1a: {  	_ =	swait.ge [sflag:s18], $0x2000  }
0x1b: {  	[sflag:s18] =	ssyncset.done $0x0  }
0x1c: {  	[sflag:s18] =	ssyncadd.s32 $0xFFFFE000  }
0x1d: {  	_ =	swait.ge [sflag:s24], $0x2000  }
0x1e: {  	[sflag:s24] =	ssyncset.done $0x0  }
0x1f: {  	[sflag:s24] =	ssyncadd.s32 $0xFFFFE000  }
0x20: {  	s1 =	stileid.u32;
	_ =	swait.ge [sflag:s25], $0x2000  }
0x21: {  	s5 =	sshrl.u32 s7, $0x3;
	s29 =	sadd.s32 $0x1, s29;
	[sflag:s25] =	ssyncset.done $0x0  }
0x22: {  	s1 =	sshll.u32 s1, $0x6;
	p0 =	sne.s32 s29, s13;
	[sflag:s25] =	ssyncadd.s32 $0xFFFFE000  }
.Ltmp1:
0x23: {  	s1 =	sor.u32 $0x1C09, s1;
	[bflag:$0x0] =	sbarrier.arrive $0xFFFF;
	(pc) =	sbr.rel @!p0 .LBB2_7-.Ltmp1, $4  }
0x24: {  	[hbm:s12], [sflag:s1] =	dma.local [spmem:s5], $0x1400  }
0x25: {  	_ =	swait.ge [sflag:s15], $0x1400  }
0x26: {  	[sflag:s15] =	ssyncset.done $0x0  }
0x27: {  	[sflag:s15] =	ssyncadd.s32 $0xFFFFEC00  }
.LBB2_1:
0x28: {  	s1 =	rddreg [dreg:$0x3]  }
0x29: {  	[tilespmem:s14], [sflag:$0x9] =	stream.linear.gather [hbm4b:s1+s3], $0x2800, $0x38;
	[tilespmem:$0x17000] =	vst v63  }
0x2a: {  	_ =	swait.ge [sflag:s15], $0x2800  }
0x2b: {  	[sflag:s15] =	ssyncset.done $0x0  }
0x2c: {  	[sflag:s15] =	ssyncadd.s32 $0xFFFFD800  }
0x2d: {  	[tilespmem:s16], [sflag:$0x9] =	stream.linear.gather [hbm4b:s6+s3], $0x2800, $0x38;
	[tilespmem:$0x17000] =	vst v63  }
0x2e: {  	_ =	swait.ge [sflag:s15], $0x2800  }
0x2f: {  	[sflag:s15] =	ssyncset.done $0x0  }
0x30: {  	s31 =	simm.s32 $0x100;
	s1 =	simm.s32 $0x0;
	[sflag:s15] =	ssyncadd.s32 $0xFFFFD800  }
.LBB2_2:
0x31: {  	p0 =	sne.s32 s31, $0x7F00;
	[tilespmem:s1+$0x30] =	vst v0;
	s21 =	smov.u32 s31;
	s31 =	sadd.s32 $0x100, s31  }
.Ltmp2:
0x32: {  	[tilespmem:s1+$0x20] =	vst v0;
	(pc) =	sbr.rel @p0 .LBB2_2-.Ltmp2, $3  }
0x33: {  	[tilespmem:s1+$0x0] =	vst v0  }
0x34: {  	[tilespmem:s1+$0x10] =	vst v0;
	_ =	sdelay $0x1  }
0x35: {  	s1 =	sshra.s32 s21, $0x2  }
0x36: {  	[tilespmem:s1+$0x30] =	vst v0  }
0x37: {  	[tilespmem:s1+$0x20] =	vst v0  }
0x38: {  	[tilespmem:s1+$0x0] =	vst v0  }
0x39: {  	[tilespmem:s1+$0x10] =	vst v0;
	s31 =	simm.s32 $0x0  }
0x3a: {  	[spmem:s7] =	stream.linear.scatter [tilespmem:s31], [sflag:$0x9], $0x2000, $0x38;
	[tilespmem:$0x17000] =	vst v63  }
0x3b: {  	_ =	swait.ge [sflag:s15], $0x2000  }
0x3c: {  	[sflag:s15] =	ssyncset.done $0x0  }
0x3d: {  	[sflag:s15] =	ssyncadd.s32 $0xFFFFE000  }
0x3e: {  	[spmem:s8] =	stream.linear.scatter [tilespmem:s31], [sflag:$0x9], $0x2000, $0x38;
	[tilespmem:$0x17000] =	vst v63  }
0x3f: {  	_ =	swait.ge [sflag:s15], $0x2000  }
0x40: {  	[sflag:s15] =	ssyncset.done $0x0  }
0x41: {  	[sflag:s15] =	ssyncadd.s32 $0xFFFFE000  }
0x42: {  	[spmem:s9] =	stream.linear.scatter [tilespmem:s31], [sflag:$0x9], $0x2000, $0x38;
	[tilespmem:$0x17000] =	vst v63  }
0x43: {  	_ =	swait.ge [sflag:s15], $0x2000  }
0x44: {  	[sflag:s15] =	ssyncset.done $0x0  }
0x45: {  	[sflag:s15] =	ssyncadd.s32 $0xFFFFE000  }
0x46: {  	[spmem:s10] =	stream.linear.scatter [tilespmem:s31], [sflag:$0x9], $0x2000, $0x38;
	[tilespmem:$0x17000] =	vst v63  }
0x47: {  	_ =	swait.ge [sflag:s15], $0x2000  }
0x48: {  	[sflag:s15] =	ssyncset.done $0x0  }
0x49: {  	[sflag:s15] =	ssyncadd.s32 $0xFFFFE000  }
0x4a: {  	[spmem:s11] =	stream.linear.scatter [tilespmem:s31], [sflag:$0x9], $0x2000, $0x38;
	[tilespmem:$0x17000] =	vst v63  }
0x4b: {  	_ =	swait.ge [sflag:s15], $0x2000  }
0x4c: {  	[sflag:s15] =	ssyncset.done $0x0  }
0x4d: {  	[sflag:s15] =	ssyncadd.s32 $0xFFFFE000  }
0x4e: {  	[bflag:$0x0] =	sbarrier.arrive $0xFFFF  }
0x4f: {  	[tilespmem:s31], [sflag:$0x1] =	stream.indirect.gather [hbm4b:s4+s17], $0x40, s14, s17, $0xb8;
	[tilespmem:$0x17000] =	vst v63  }
0x50: {  	s5 =	simm.s32 $0x8080  }
0x51: {  	[tilespmem:s19], [sflag:$0x2] =	stream.indirect.gather [hbm4b:s4+s17], $0x40, s5, s17, $0xb8;
	[tilespmem:$0x17000] =	vst v63  }
0x52: {  	_ =	swait.ge [sflag:s20], $0x2000  }
0x53: {  	[sflag:s20] =	ssyncset.done $0x0  }
0x54: {  	[sflag:s20] =	ssyncadd.s32 $0xFFFFE000  }
0x55: {  	[spmem:s2] =	stream.indirect.scatter.add.f32 [tilespmem:s31], [sflag:$0x5], $0x40, s16, s17, $0xb8;
	[tilespmem:$0x17000] =	vst v63  }
0x56: {  	s21 =	simm.s32 $0x8100  }
0x57: {  	[tilespmem:s22], [sflag:$0x3] =	stream.indirect.gather [hbm4b:s4+s17], $0x40, s21, s17, $0xb8;
	[tilespmem:$0x17000] =	vst v63  }
0x58: {  	_ =	swait.ge [sflag:s23], $0x2000  }
0x59: {  	[sflag:s23] =	ssyncset.done $0x0  }
0x5a: {  	s5 =	simm.s32 $0xA880;
	[sflag:s23] =	ssyncadd.s32 $0xFFFFE000  }
0x5b: {  	[spmem:s2] =	stream.indirect.scatter.add.f32 [tilespmem:s19], [sflag:$0x6], $0x40, s5, s17, $0xb8;
	[tilespmem:$0x17000] =	vst v63  }
0x5c: {  	s21 =	simm.s32 $0x8180  }
0x5d: {  	[tilespmem:s26], [sflag:$0x4] =	stream.indirect.gather [hbm4b:s4+s17], $0x40, s21, s17, $0xb8;
	[tilespmem:$0x17000] =	vst v63  }
0x5e: {  	_ =	swait.ge [sflag:s28], $0x2000  }
0x5f: {  	[sflag:s28] =	ssyncset.done $0x0  }
0x60: {  	s5 =	simm.s32 $0xA900;
	[sflag:s28] =	ssyncadd.s32 $0xFFFFE000  }
0x61: {  	[spmem:s2] =	stream.indirect.scatter.add.f32 [tilespmem:s22], [sflag:$0x7], $0x40, s5, s17, $0xb8;
	[tilespmem:$0x17000] =	vst v63  }
0x62: {  	_ =	swait.ge [sflag:s30], $0x2000  }
0x63: {  	[sflag:s30] =	ssyncset.done $0x0  }
0x64: {  	s21 =	simm.s32 $0x8200;
	[sflag:s30] =	ssyncadd.s32 $0xFFFFE000  }
0x65: {  	[tilespmem:s31], [sflag:$0x1] =	stream.indirect.gather [hbm4b:s4+s17], $0x40, s21, s17, $0xb8;
	[tilespmem:$0x17000] =	vst v63  }
0x66: {  	_ =	swait.ge [sflag:s0], $0x2000  }
0x67: {  	[sflag:s0] =	ssyncset.done $0x0  }
0x68: {  	s5 =	simm.s32 $0xA980;
	[sflag:s0] =	ssyncadd.s32 $0xFFFFE000  }
0x69: {  	[spmem:s2] =	stream.indirect.scatter.add.f32 [tilespmem:s26], [sflag:$0x8], $0x40, s5, s17, $0xb8;
	[tilespmem:$0x17000] =	vst v63  }
0x6a: {  	_ =	swait.ge [sflag:s18], $0x2000  }
0x6b: {  	[sflag:s18] =	ssyncset.done $0x0  }
0x6c: {  	s21 =	simm.s32 $0x8280;
	[sflag:s18] =	ssyncadd.s32 $0xFFFFE000  }
0x6d: {  	[tilespmem:s19], [sflag:$0x2] =	stream.indirect.gather [hbm4b:s4+s17], $0x40, s21, s17, $0xb8;
	[tilespmem:$0x17000] =	vst v63  }
.LBB2_4:
0x6e: {  	_ =	swait.ge [sflag:s20], $0x2000  }
0x6f: {  	s1 =	sshra.s32 s31, $0x2;
	[sflag:s20] =	ssyncset.done $0x0  }
0x70: {  	s21 =	sadd.s32 $0xAA00, s1;
	[sflag:s20] =	ssyncadd.s32 $0xFFFFE000  }
0x71: {  	[spmem:s2] =	stream.indirect.scatter.add.f32 [tilespmem:s3], [sflag:$0x5], $0x40, s21, s17, $0xb8;
	[tilespmem:$0x17000] =	vst v63  }
0x72: {  	_ =	swait.ge [sflag:s24], $0x2000  }
0x73: {  	[sflag:s24] =	ssyncset.done $0x0  }
0x74: {  	s5 =	sadd.s32 $0x8300, s1;
	[sflag:s24] =	ssyncadd.s32 $0xFFFFE000  }
0x75: {  	[tilespmem:s22], [sflag:$0x3] =	stream.indirect.gather [hbm4b:s4+s17], $0x40, s5, s17, $0xb8;
	[tilespmem:$0x17000] =	vst v63  }
0x76: {  	_ =	swait.ge [sflag:s23], $0x2000  }
0x77: {  	[sflag:s23] =	ssyncset.done $0x0  }
0x78: {  	s5 =	sadd.s32 $0xAA80, s1;
	[sflag:s23] =	ssyncadd.s32 $0xFFFFE000  }
0x79: {  	[spmem:s2] =	stream.indirect.scatter.add.f32 [tilespmem:s19], [sflag:$0x6], $0x40, s5, s17, $0xb8;
	[tilespmem:$0x17000] =	vst v63  }
0x7a: {  	_ =	swait.ge [sflag:s25], $0x2000  }
0x7b: {  	[sflag:s25] =	ssyncset.done $0x0  }
0x7c: {  	p0 =	seq.s32 s31, $0x9000;
	s5 =	sadd.s32 $0x8380, s1;
	[sflag:s25] =	ssyncadd.s32 $0xFFFFE000  }
0x7d: {  	[tilespmem:s26], [sflag:$0x4] =	stream.indirect.gather [hbm4b:s4+s17], $0x40, s5, s17, $0xb8;
	[tilespmem:$0x17000] =	vst v63  }
.Ltmp3:
0x7e: {  	_ = 	snop;
	(pc) =	sbr.rel @p0 .LBB2_6-.Ltmp3, $4  }
0x7f: {  	_ =	swait.ge [sflag:s28], $0x2000  }
0x80: {  	[sflag:s28] =	ssyncset.done $0x0  }
0x81: {  	s21 =	sadd.s32 $0xAB80, s1;
	s5 =	sadd.s32 $0xAB00, s1;
	[sflag:s28] =	ssyncadd.s32 $0xFFFFE000  }
0x82: {  	[spmem:s2] =	stream.indirect.scatter.add.f32 [tilespmem:s22], [sflag:$0x7], $0x40, s5, s17, $0xb8;
	[tilespmem:$0x17000] =	vst v63  }
0x83: {  	_ =	swait.ge [sflag:s30], $0x2000  }
0x84: {  	[sflag:s30] =	ssyncset.done $0x0  }
0x85: {  	s5 =	sadd.s32 $0x8400, s1;
	[sflag:s30] =	ssyncadd.s32 $0xFFFFE000  }
0x86: {  	[tilespmem:s3], [sflag:$0x1] =	stream.indirect.gather [hbm4b:s4+s17], $0x40, s5, s17, $0xb8;
	[tilespmem:$0x17000] =	vst v63  }
0x87: {  	_ =	swait.ge [sflag:s0], $0x2000  }
0x88: {  	[sflag:s0] =	ssyncset.done $0x0  }
0x89: {  	[sflag:s0] =	ssyncadd.s32 $0xFFFFE000  }
0x8a: {  	[spmem:s2] =	stream.indirect.scatter.add.f32 [tilespmem:s26], [sflag:$0x8], $0x40, s21, s17, $0xb8;
	[tilespmem:$0x17000] =	vst v63  }
.Ltmp4:
0x8b: {  	_ = 	snop;
	(pc) =	sbr.rel .LBB2_4-.Ltmp4, $4  }
0x8c: {  	_ =	swait.ge [sflag:s18], $0x2000  }
0x8d: {  	[sflag:s18] =	ssyncset.done $0x0  }
0x8e: {  	s31 =	sadd.s32 $0x800, s31;
	s21 =	sadd.s32 $0x8480, s1;
	[sflag:s18] =	ssyncadd.s32 $0xFFFFE000  }
0x8f: {  	[tilespmem:s19], [sflag:$0x2] =	stream.indirect.gather [hbm4b:s4+s17], $0x40, s21, s17, $0xb8;
	[tilespmem:$0x17000] =	vst v63  }
.LBB2_7:
0x90: {  	_ =	sfence.sel $0x180000  }
0x91: {  	[bflag:$0x0] =	sbarrier.arrive $0xFFFF  }
0x92: {  	_ =	strace $0x9000004D  }
0x93: {  	s0 =	stileid.u32;
	[bflag:$0x2] =	sbarrier.arrive $0xFFFF  }
0x94: {  	p0 =	sne.s32 s0, $0x0;
	s0 =	rddreg [dreg:$0x2]  }
0x95: {  	s0 =	sadd.s32 @!p0 $0x100000, s0  }
0x96: {  	[sflag:s0] =	ssyncadd.tile.s32 @!p0 $0x1;
	_ =	shalt  }
.Lfunc_end2:
_tile_overlayer_lowered:
.L_overlay_start_2:
0x97: {  	(tag) =	ssettag $0x2  }
0x98: {  	s0 =	rddreg [dreg:$0x0];
	s2 =	stileid.u32  }
0x99: {  	s1 =	rddreg [dreg:$0x1];
	p0 =	sne.s32 s2, $0x0  }
0x9a: {  	s3 =	rddreg [dreg:$0x2];
	[bflag:$0x3] =	sbarrier.arrive $0xFFFF;
	s2 =	simm.s32 @!p0 $0x1C09  }
0x9b: {  	[timem:s3], [sflag:s2] =	dma.local @!p0 [hbm:s0], s1  }
0x9c: {  	s0 =	simm.s32 @!p0 $0x9  }
0x9d: {  	_ =	swait.ge @!p0 [sflag:s0], s1  }
0x9e: {  	s1 =	ssub.s32 @!p0 $0x0, s1;
	[sflag:s0] =	ssyncset.done @!p0 $0x0  }
0x9f: {  	[sflag:s0] =	ssyncadd.s32 @!p0 s1  }
0xa0: {  	[bflag:$0x3] =	sbarrier.arrive $0xFFFF  }
0xa1: {  	_ =	shalt  }

// kernel: sc_prep.3.cloned.1.call-start
scs
__scs_entry_jumppad:
0x0: {  	(pc) =	sbr.rel $0x88, $3  }
0x1: {  	(tag) =	ssettag $0x0;
	lr =	simm.s32 $0x1  }
0x2: {  	[smem:$0x3F90] =	sst lr;
	_ =	strace $0xD0000000  }
0x3: {  	_ = 	snop  }
0x4: {  	_ = 	snop  }
0x5: {  	_ = 	snop  }
0x6: {  	_ = 	snop  }
0x7: {  	_ = 	snop  }
__scs_overlays_trampoline_lowered:
0x8: {  	[smem:$0x3F9F] =	sst s0  }
0x9: {  	[smem:$0x3FA0] =	sst s1  }
0xa: {  	[smem:$0x3FA1] =	sst s2  }
0xb: {  	[smem:$0x3FA2] =	sst s3  }
0xc: {  	[smem:$0x3FA3] =	sst s4  }
0xd: {  	[smem:$0x3FA4] =	sst s5  }
0xe: {  	[smem:$0x3FA5] =	sst s6  }
0xf: {  	[smem:$0x3FA6] =	sst s7  }
0x10: {  	[smem:$0x3FA7] =	sst s8  }
0x11: {  	[smem:$0x3FA8] =	sst s9;
	s0 =	simm.s32 @!p0 $0x0  }
0x12: {  	s1 =	sld [smem:$0x3F8E];
	s0 =	simm.s32 @p0 $0x1  }
0x13: {  	[smem:$0x3FA9] =	sst s0;
	s0 =	simm.s32 @!p1 $0x0  }
0x14: {  	s2 =	sld [smem:$0x3F8D];
	s0 =	simm.s32 @p1 $0x1  }
0x15: {  	[smem:$0x3FAA] =	sst s0;
	s0 =	simm.s32 @!p2 $0x0  }
0x16: {  	s3 =	sld [smem:$0x3FDB];
	s0 =	simm.s32 @p2 $0x1  }
0x17: {  	s4 =	simm.s32 $0x1BF5;
	[smem:$0x3FAC] =	sst s0  }
0x18: {  	s0 =	sld [smem:$0x3F8F];
	_ =	swait.ge [sflag:s4], $0x0  }
0x19: {  	s7 =	sld [smem:$0x3F90]  }
0x1a: {  	s8 =	sadd.s32 $0xFFFFE003, lr  }
0x1b: {  	s9 =	sadd.s32 $0xFFFFFEF7, lr;
	s5 =	simm.s32 $0xFFFFFFFF;
	p2 =	slt.u32 s8, $0xFFFFF086  }
0x1c: {  	p1 =	slt.u32 s9, $0xF7A;
	s5 =	simm.s32 @!p2 $0x0  }
0x1d: {  	s5 =	simm.s32 @p1 $0x1;
	p0 =	seq.s32 s7, s2  }
0x1e: {  	s7 =	smul.u32 @!p0 $0xF7A, s2;
	p2 =	seq.s32 @!p0 s5, $0x0  }
0x1f: {  	s9 =	smul.u32 $0xF7A, s1;
	s8 =	simm.s32 @!p0 $0x1BF5;
	p2 =	por !p2, p0  }
0x20: {  	[sflag:s8] =	ssyncset.s32 @!p0 $0xFFFFF086;
	s6 =	sadd.s32 @!p0 s3, s7;
	s7 =	simm.s32 @!p0 $0x108  }
0x21: {  	s3 =	sadd.s32 s3, s9;
	s6 =	sadd.s32 @!p0 $0x88, s6;
	s7 =	simm.s32 @p2 $0x1082  }
0x22: {  	[simem:s7], [sflag:s8] =	dma.local @!p0 [hbm:s6], $0xF7A  }
0x23: {  	s9 =	sor.u32 $0xD0000000, s2;
	s6 =	simm.s32 $0x108;
	_ =	swait.ge @!p0 [sflag:s8], $0x0  }
0x24: {  	s3 =	sadd.s32 $0x88, s3;
	s6 =	simm.s32 @!p1 $0x1082;
	[sflag:s4] =	ssyncset.s32 $0xFFFFF086  }
0x25: {  	[simem:s6], [sflag:s4] =	dma.local [hbm:s3], $0xF7A  }
0x26: {  	[smem:$0x3F90] =	sst s1;
	(tag) =	ssettag s2;
	_ =	strace s9  }
0x27: {  	s1 =	sld [smem:$0x3FA0]  }
0x28: {  	s2 =	sld [smem:$0x3FA1]  }
0x29: {  	s4 =	sld [smem:$0x3FA3]  }
0x2a: {  	p0 =	seq.s32 s5, $0x0;
	s5 =	sld [smem:$0x3FA4]  }
0x2b: {  	s6 =	sld [smem:$0x3FA5]  }
0x2c: {  	s7 =	sld [smem:$0x3FA6]  }
0x2d: {  	s3 =	simm.s32 $0x108;
	s8 =	sld [smem:$0x3FA7]  }
0x2e: {  	s3 =	simm.s32 @!p0 $0x1082;
	s9 =	sld [smem:$0x3FA8]  }
0x2f: {  	lr =	sadd.s32 s0, s3;
	s0 =	sld [smem:$0x3F9F]  }
0x30: {  	s3 =	sld [smem:$0x3FA2]  }
0x31: {  	[smem:$0x3FAB] =	sst s10  }
0x32: {  	s10 =	sld [smem:$0x3FA9];
	_ =	sdelay $0x3  }
0x33: {  	p0 =	seq.s32 s10, $0x1;
	s10 =	sld [smem:$0x3FAB];
	_ =	sdelay $0x3  }
0x34: {  	[smem:$0x3FAB] =	sst s10  }
0x35: {  	s10 =	sld [smem:$0x3FAA];
	_ =	sdelay $0x3  }
0x36: {  	p1 =	seq.s32 s10, $0x1;
	s10 =	sld [smem:$0x3FAB];
	_ =	sdelay $0x3  }
0x37: {  	[smem:$0x3FAB] =	sst s10  }
0x38: {  	s10 =	sld [smem:$0x3FAC]  }
0x39: {  	_ = 	snop;
	(pc) =	sbr.ind lr, $3  }
0x3a: {  	_ = 	snop  }
0x3b: {  	_ = 	snop  }
0x3c: {  	p2 =	seq.s32 s10, $0x1;
	s10 =	sld [smem:$0x3FAB]  }
0x3d: {  	_ =	shalt  }
0x3e: {  	_ =	shalt  }
0x3f: {  	_ =	shalt  }
0x40: {  	_ =	shalt  }
0x41: {  	_ =	shalt  }
0x42: {  	_ =	shalt  }
0x43: {  	_ =	shalt  }
0x44: {  	_ =	shalt  }
0x45: {  	_ =	shalt  }
0x46: {  	_ =	shalt  }
0x47: {  	_ =	shalt  }
0x48: {  	_ =	shalt  }
0x49: {  	_ =	shalt  }
0x4a: {  	_ =	shalt  }
0x4b: {  	_ =	shalt  }
0x4c: {  	_ =	shalt  }
0x4d: {  	_ =	shalt  }
0x4e: {  	_ =	shalt  }
0x4f: {  	_ =	shalt  }
0x50: {  	_ =	shalt  }
0x51: {  	_ =	shalt  }
0x52: {  	_ =	shalt  }
0x53: {  	_ =	shalt  }
0x54: {  	_ =	shalt  }
0x55: {  	_ =	shalt  }
0x56: {  	_ =	shalt  }
0x57: {  	_ =	shalt  }
0x58: {  	_ =	shalt  }
0x59: {  	_ =	shalt  }
0x5a: {  	_ =	shalt  }
0x5b: {  	_ =	shalt  }
0x5c: {  	_ =	shalt  }
0x5d: {  	_ =	shalt  }
0x5e: {  	_ =	shalt  }
0x5f: {  	_ =	shalt  }
0x60: {  	_ =	shalt  }
0x61: {  	_ =	shalt  }
0x62: {  	_ =	shalt  }
0x63: {  	_ =	shalt  }
0x64: {  	_ =	shalt  }
0x65: {  	_ =	shalt  }
0x66: {  	_ =	shalt  }
0x67: {  	_ =	shalt  }
0x68: {  	_ =	shalt  }
0x69: {  	_ =	shalt  }
0x6a: {  	_ =	shalt  }
0x6b: {  	_ =	shalt  }
0x6c: {  	_ =	shalt  }
0x6d: {  	_ =	shalt  }
0x6e: {  	_ =	shalt  }
0x6f: {  	_ =	shalt  }
0x70: {  	_ =	shalt  }
0x71: {  	_ =	shalt  }
0x72: {  	_ =	shalt  }
0x73: {  	_ =	shalt  }
0x74: {  	_ =	shalt  }
0x75: {  	_ =	shalt  }
0x76: {  	_ =	shalt  }
0x77: {  	_ =	shalt  }
0x78: {  	_ =	shalt  }
0x79: {  	_ =	shalt  }
0x7a: {  	_ =	shalt  }
0x7b: {  	_ =	shalt  }
0x7c: {  	_ =	shalt  }
0x7d: {  	_ =	shalt  }
0x7e: {  	_ =	shalt  }
0x7f: {  	_ =	shalt  }
0x80: {  	_ =	shalt  }
0x81: {  	_ =	shalt  }
0x82: {  	_ =	shalt  }
0x83: {  	_ =	shalt  }
0x84: {  	_ =	shalt  }
0x85: {  	_ =	shalt  }
0x86: {  	_ =	shalt  }
0x87: {  	_ =	shalt  }
.Lfunc_end0:
.L_simem_size_0:
called_computation_lowered:
.L_overlay_start_0:
0x88: {  	s2 =	sld [smem:$0x3FD9]  }
0x89: {  	s3 =	sld [smem:$0x3FFE];
	_ =	sdelay $0x1  }
0x8a: {  	s1 =	srdreg.scid  }
0x8b: {  	s0 =	sand.u32 $0x1, s1  }
0x8c: {  	s16 =	sshll.u32 s0, $0xA;
	s2 =	sadd.s32 s3, s2  }
0x8d: {  	s2 =	sadd.s32 s2, s16  }
0x8e: {  	[smem:$0x3FB7] =	sst s2  }
0x8f: {  	_ = 	snop  }
0x90: {  	(tm) =	ssettm $0x1  }
0x91: {  	s17 =	sld [smem:$0x3FFB];
	_ =	sdelay $0x3  }
0x92: {  	_ =	strace s17  }
0x93: {  	s2 =	sld [smem:$0x3FFC];
	_ =	sdelay $0x3  }
0x94: {  	_ =	strace s2  }
0x95: {  	s2 =	sld [smem:$0x3FFD];
	_ =	sdelay $0x3  }
0x96: {  	_ =	strace s2  }
0x97: {  	_ =	strace $0x8FFFFFFF  }
0x98: {  	s18 =	sld [smem:$0x3FDB];
	_ =	sdelay $0x1  }
0x99: {  	s19 =	simm.s32 $_scs_section_size  }
0x9a: {  	s4 =	simm.s32 $_size__tile_overlayer_lowered;
	s5 =	simm.s32 $_tile_overlayer_lowered  }
0x9b: {  	s22 =	simm.s32 $0x1BFF;
	s21 =	sshll.u32 s5, $0x1;
	s2 =	sadd.s32 s19, s18  }
0x9c: {  	s6 =	simm.s32 $0x0;
	s20 =	sshll.u32 s4, $0x1;
	s4 =	sadd.s32 s21, s2  }
0x9d: {  	[timem:s6], [sflag:s22] =	dma.local [hbm:s4], s20  }
0x9e: {  	_ =	swait.ge [sflag:s22], s20  }
0x9f: {  	s3 =	ssub.s32 $0x0, s20;
	[sflag:s22] =	ssyncset.done $0x0  }
0xa0: {  	[sflag:s22] =	ssyncadd.s32 s3;
	_ =	sdelay $0x1  }
0xa1: {  	s23 =	simm.s32 $0x1B8B  }
0xa2: {  	_ =	swait.ge [sflag:s23], $0x1  }
0xa3: {  	[sflag:s23] =	ssyncset.done $0x0  }
0xa4: {  	s25 =	simm.s32 $0x1B8E;
	s24 =	sld [smem:$0x3FFE];
	[sflag:s23] =	ssyncadd.s32 $0xFFFFFFFF  }
0xa5: {  	s26 =	simm.s32 $execute0_lowered;
	[smem:$0x3FD2] =	sst s25  }
0xa6: {  	s4 =	sshll.u32 s26, $0x1;
	_ =	strace $0x80000046;
	[dreg:$0x1] =	wrdreg $0xFFFFFFFF  }
0xa7: {  	s28 =	simm.s32 $_size_execute0_lowered;
	s2 =	sadd.s32 s2, s4;
	[dreg:$0x0] =	wrdreg $0x0  }
0xa8: {  	s4 =	sshll.u32 s28, $0x1;
	[dreg:$0x2] =	wrdreg s2  }
0xa9: {  	[dreg:$0x3] =	wrdreg s4  }
0xaa: {  	[dreg:$0x4] =	wrdreg $0xC0  }
0xab: {  	_ =	task [dreg:s6], $0x5FFFF  }
0xac: {  	[dreg:$0x1] =	wrdreg $0xFFFFFFFF  }
0xad: {  	[dreg:$0x0] =	wrdreg $0x60  }
0xae: {  	[dreg:$0x2] =	wrdreg s24  }
0xaf: {  	[dreg:$0x3] =	wrdreg $0x78000  }
0xb0: {  	[dreg:$0x4] =	wrdreg $0xA0000  }
0xb1: {  	[dreg:$0x5] =	wrdreg $0xC8000  }
0xb2: {  	[dreg:$0x6] =	wrdreg $0x9  }
0xb3: {  	_ =	task.clear_ibuf [dreg:s6], $0x7FFFF;
	_ =	strace $0x90000046  }
0xb4: {  	s29 =	simm.s32 $0x9;
	_ =	strace $0x80000048  }
0xb5: {  	_ =	swait.ge [sflag:s29], $0x1  }
0xb6: {  	[sflag:s29] =	ssyncadd.s32 $0xFFFFFFFF  }
0xb7: {  	_ =	strace $0x90000048  }
0xb8: {  	_ =	sfence  }
0xb9: {  	s30 =	sld [smem:$0x0];
	_ =	sdelay $0x2  }
0xba: {  	s31 =	sshll.u32 s1, $0xD;
	s1 =	sshrl.u32 s1, $0x2  }
0xbb: {  	s3 =	sand.u32 $0x4000, s31;
	s1 =	sadd.s32 s1, s30  }
0xbc: {  	s0 =	sor.u32 s3, s0;
	s1 =	sshll.u32 s1, $0x11  }
0xbd: {  	s0 =	sor.u32 s1, s0  }
0xbe: {  	s0 =	sadd.s32 $0x8F2B, s0  }
0xbf: {  	[sflag:s0] =	ssyncadd.remote.s32 $0x1  }
0xc0: {  	_ =	sfence.sel $0xFFFF  }
0xc1: {  	[dreg:$0x0] =	wrdreg $0xFFFFFFFF;
	(pc) =	sbr.abs _section_cstart, $3  }
0xc2: {  	[dreg:$0x1] =	wrdreg $0xFFFFFFFF  }
0xc3: {  	_ =	task.clear_ibuf [dreg:s6], $0x2FFFF;
	_ =	strace $0x9FFFFFFF  }
0xc4: {  	(tm) =	ssettm $0x7FFFFFFF  }
0xc5: {  	_ =	shalt  }
tec
execute0_lowered:
.L_overlay_start_1:
0x0: {  	(tag) =	ssettag $0x1  }
0x1: {  	s0 =	rddreg [dreg:$0x0]  }
0x2: {  	s2 =	rddreg [dreg:$0x1]  }
0x3: {  	s3 =	rddreg [dreg:$0x2]  }
0x4: {  	s4 =	rddreg [dreg:$0x3];
	s10 =	stileid.u32  }
0x5: {  	s1 =	srdreg.scid;
	s5 =	simm.s32 $0x0;
	s6 =	smul.u32 $0x2800, s10  }
0x6: {  	s1 =	sand.u32 $0x1, s1;
	s7 =	sshll.u32 s10, $0x1;
	s14 =	smul.u32 $0x50000, s10  }
0x7: {  	[smem:$0x7FF] =	sst s5;
	s12 =	sadd.s32 $0x18C00, s0;
	s11 =	smul.u32 $0x28000, s1  }
0x8: {  	s7 =	sor.u32 s1, s7;
	_ =	strace $0x80000047;
	s1 =	ssub.s32 $0x2, s1  }
0x9: {  	s8 =	smul.u32 $0x500, s7;
	s25 =	sshrl.u32 s1, $0x1;
	s13 =	sadd.s32 $0x800, s6  }
0xa: {  	s10 =	sadd.s32 s6, s4;
	s29 =	sadd.s32 $0x1000, s6;
	s7 =	smul.u32 $0x5000, s7  }
0xb: {  	s22 =	sadd.s32 $0x1800, s6;
	s9 =	sadd.s32 s6, s11;
	s15 =	sadd.s32 s13, s2  }
0xc: {  	s1 =	ssub.s32 s1, s25;
	s28 =	sadd.s32 s13, s3;
	[dreg:$0x7] =	wrdreg s15  }
0xd: {  	s13 =	sadd.s32 s13, s4;
	s11 =	sadd.s32 s11, s14;
	[dreg:$0x8] =	wrdreg s28  }
0xe: {  	s30 =	sadd.s32 s29, s2;
	s31 =	sadd.s32 s29, s3;
	[dreg:$0x9] =	wrdreg s13  }
0xf: {  	s23 =	sadd.s32 s29, s4;
	s24 =	sadd.s32 s22, s2;
	[dreg:$0xa] =	wrdreg s30  }
0x10: {  	s25 =	sadd.s32 s22, s3;
	s9 =	sshrl.u32 s9, $0x3;
	[dreg:$0xb] =	wrdreg s31  }
0x11: {  	s8 =	sadd.s32 s8, s0;
	s14 =	sor.u32 $0x2800, s11;
	[dreg:$0x10] =	wrdreg s23  }
0x12: {  	s16 =	sadd.s32 s12, s7;
	s18 =	sor.u32 $0x2000, s11;
	[dreg:$0x11] =	wrdreg s24  }
0x13: {  	s19 =	sor.u32 $0x1800, s11;
	s11 =	sor.u32 $0x1000, s11;
	[dreg:$0x12] =	wrdreg s25  }
0x14: {  	s31 =	smax.u32 s1, $0x1;
	s13 =	simm.s32 $0x2000;
	s15 =	simm.s32 $0x2  }
0x15: {  	s23 =	simm.s32 $0x0;
	s0 =	sadd.s32 s9, s0;
	s26 =	sadd.s32 $0xEC00, s8  }
0x16: {  	s8 =	sadd.s32 $0x4C00, s8;
	s9 =	sadd.s32 s6, s3;
	s14 =	sshrl.u32 s14, $0x3  }
0x17: {  	s7 =	sshrl.u32 s18, $0x3;
	s20 =	sshrl.u32 s19, $0x3;
	[dreg:$0x1a] =	wrdreg s31  }
0x18: {  	s11 =	sshrl.u32 s11, $0x3;
	s1 =	sadd.s32 $0x100, s16;
	[dreg:$0x5] =	wrdreg s26  }
0x19: {  	s18 =	simm.s32 $0x3;
	s19 =	simm.s32 $0x5;
	[dreg:$0x6] =	wrdreg s8  }
0x1a: {  	s8 =	sadd.s32 s6, s2;
	s17 =	sadd.s32 s14, s12;
	s7 =	sadd.s32 s7, s12  }
0x1b: {  	s21 =	sadd.s32 s11, s12;
	s6 =	sadd.s32 $0x2000, s6;
	[dreg:$0xc] =	wrdreg s17  }
0x1c: {  	s29 =	sadd.s32 $0xCCC00, s0;
	s30 =	sadd.s32 $0xC2C00, s0;
	[dreg:$0xd] =	wrdreg s7  }
0x1d: {  	s0 =	sadd.s32 $0xB8C00, s0;
	s11 =	simm.s32 $0x1;
	[dreg:$0xf] =	wrdreg s21  }
0x1e: {  	s14 =	simm.s32 $0x1000;
	s7 =	sadd.s32 s20, s12;
	[dreg:$0x17] =	wrdreg s29  }
0x1f: {  	s26 =	sadd.s32 s6, s2;
	s28 =	sadd.s32 s6, s3;
	[dreg:$0x18] =	wrdreg s30  }
0x20: {  	s6 =	sadd.s32 s6, s4;
	[dreg:$0x19] =	wrdreg s0;
	s0 =	smov.u32 s16  }
.Ltmp0:
0x21: {  	s12 =	simm.s32 $0x80;
	[dreg:$0xe] =	wrdreg s7;
	(pc) =	sbr.rel .LBB2_1-.Ltmp0, $4  }
0x22: {  	s17 =	simm.s32 $0x1800;
	s16 =	simm.s32 $0x4;
	[dreg:$0x14] =	wrdreg s26  }
0x23: {  	s21 =	simm.s32 $0x6;
	s20 =	simm.s32 $0x7;
	[dreg:$0x15] =	wrdreg s28  }
0x24: {  	s7 =	sadd.s32 s22, s4;
	[dreg:$0x16] =	wrdreg s6;
	s6 =	simm.s32 $0x9  }
0x25: {  	v0 =	vimm.f32 $0.0e+00;
	v1 =	vimm.f32 $1.000000000e+00;
	s22 =	simm.s32 $0x8;
	[dreg:$0x13] =	wrdreg s7;
	s7 =	simm.s32 $0x800  }
.LBB2_8:
0x26: {  	_ =	swait.ge [sflag:s19], $0x800  }
0x27: {  	[sflag:s19] =	ssyncset.done $0x0  }
0x28: {  	[sflag:s19] =	ssyncadd.s32 $0xFFFFF800  }
0x29: {  	_ =	swait.ge [sflag:s21], $0x800  }
0x2a: {  	[sflag:s21] =	ssyncset.done $0x0  }
0x2b: {  	[sflag:s21] =	ssyncadd.s32 $0xFFFFF800  }
0x2c: {  	_ =	swait.ge [sflag:s20], $0x800  }
0x2d: {  	[sflag:s20] =	ssyncset.done $0x0  }
0x2e: {  	[sflag:s20] =	ssyncadd.s32 $0xFFFFF800  }
0x2f: {  	_ =	swait.ge [sflag:s22], $0x800  }
0x30: {  	[sflag:s22] =	ssyncset.done $0x0  }
0x31: {  	s24 =	stileid.u32;
	[sflag:s22] =	ssyncadd.s32 $0xFFFFF800  }
0x32: {  	s24 =	sshll.u32 s24, $0x6;
	[bflag:$0x0] =	sbarrier.arrive $0xFFFF  }
0x33: {  	s25 =	sshrl.u32 s8, $0x3;
	s24 =	sor.u32 $0x1C09, s24;
	s26 =	rddreg [dreg:$0x17]  }
0x34: {  	[hbm:s26], [sflag:s24] =	dma.local [spmem:s25], $0x500  }
0x35: {  	_ =	swait.ge [sflag:s6], $0x500  }
0x36: {  	[sflag:s6] =	ssyncset.done $0x0  }
0x37: {  	s26 =	sshrl.u32 s9, $0x3;
	s28 =	rddreg [dreg:$0x18];
	[sflag:s6] =	ssyncadd.s32 $0xFFFFFB00  }
0x38: {  	[hbm:s28], [sflag:s24] =	dma.local [spmem:s26], $0x500  }
0x39: {  	_ =	swait.ge [sflag:s6], $0x500  }
0x3a: {  	[sflag:s6] =	ssyncset.done $0x0  }
0x3b: {  	s29 =	sshrl.u32 s10, $0x3;
	s30 =	rddreg [dreg:$0x19];
	[sflag:s6] =	ssyncadd.s32 $0xFFFFFB00  }
0x3c: {  	[hbm:s30], [sflag:s24] =	dma.local [spmem:s29], $0x500  }
0x3d: {  	_ =	swait.ge [sflag:s6], $0x500  }
0x3e: {  	s23 =	sadd.s32 $0x1, s23;
	s31 =	rddreg [dreg:$0x1a]  }
0x3f: {  	p0 =	sne.s32 s23, s31  }
.Ltmp1:
0x40: {  	_ = 	snop;
	(pc) =	sbr.rel @!p0 .LBB2_9-.Ltmp1, $3  }
0x41: {  	_ =	sdelay $0x1  }
0x42: {  	[sflag:s6] =	ssyncset.done $0x0  }
0x43: {  	[sflag:s6] =	ssyncadd.s32 $0xFFFFFB00  }
.LBB2_1:
0x44: {  	s24 =	rddreg [dreg:$0x5];
	s25 =	simm.s32 $0x2800  }
0x45: {  	[tilespmem:s25], [sflag:$0x9] =	stream.linear.gather [hbm4b:s24+s5], $0x2800, $0x38;
	[tilespmem:$0xF000] =	vst v63  }
0x46: {  	_ =	swait.ge [sflag:s6], $0x2800  }
0x47: {  	[sflag:s6] =	ssyncset.done $0x0  }
0x48: {  	s31 =	simm.s32 $0x5000;
	s30 =	rddreg [dreg:$0x6];
	[sflag:s6] =	ssyncadd.s32 $0xFFFFD800  }
0x49: {  	[tilespmem:s31], [sflag:$0x9] =	stream.linear.gather [hbm4b:s30+s5], $0x2800, $0x38;
	[tilespmem:$0xF000] =	vst v63  }
0x4a: {  	_ =	swait.ge [sflag:s6], $0x2800  }
0x4b: {  	[sflag:s6] =	ssyncset.done $0x0  }
0x4c: {  	s24 =	simm.s32 $0x40;
	s25 =	simm.s32 $0x0;
	[sflag:s6] =	ssyncadd.s32 $0xFFFFD800  }
.LBB2_2:
0x4d: {  	p0 =	sne.s32 s24, $0x1FC0;
	[tilespmem:s25+$0x0] =	vst v0;
	s25 =	smov.u32 s24;
	s24 =	sadd.s32 $0x40, s24  }
.Ltmp2:
0x4e: {  	(pc) =	sbr.rel @p0 .LBB2_2-.Ltmp2, $2  }
0x4f: {  	_ =	sdelay $0x2  }
0x50: {  	s25 =	sshra.s32 s25, $0x2  }
0x51: {  	[tilespmem:s25+$0x0] =	vst v0;
	s24 =	simm.s32 $0x0  }
0x52: {  	[spmem:s8] =	stream.linear.scatter [tilespmem:s24], [sflag:$0x9], $0x800, $0x38;
	[tilespmem:$0xF000] =	vst v63  }
0x53: {  	_ =	swait.ge [sflag:s6], $0x800  }
0x54: {  	[sflag:s6] =	ssyncset.done $0x0  }
0x55: {  	[sflag:s6] =	ssyncadd.s32 $0xFFFFF800  }
0x56: {  	[spmem:s9] =	stream.linear.scatter [tilespmem:s24], [sflag:$0x9], $0x800, $0x38;
	[tilespmem:$0xF000] =	vst v63  }
0x57: {  	_ =	swait.ge [sflag:s6], $0x800  }
0x58: {  	[sflag:s6] =	ssyncset.done $0x0  }
0x59: {  	[sflag:s6] =	ssyncadd.s32 $0xFFFFF800  }
0x5a: {  	[spmem:s10] =	stream.linear.scatter [tilespmem:s24], [sflag:$0x9], $0x800, $0x38;
	[tilespmem:$0xF000] =	vst v63  }
0x5b: {  	_ =	swait.ge [sflag:s6], $0x800  }
0x5c: {  	[sflag:s6] =	ssyncset.done $0x0  }
0x5d: {  	s30 =	rddreg [dreg:$0x7];
	[sflag:s6] =	ssyncadd.s32 $0xFFFFF800  }
0x5e: {  	[spmem:s30] =	stream.linear.scatter [tilespmem:s24], [sflag:$0x9], $0x800, $0x38;
	[tilespmem:$0xF000] =	vst v63  }
0x5f: {  	_ =	swait.ge [sflag:s6], $0x800  }
0x60: {  	[sflag:s6] =	ssyncset.done $0x0  }
0x61: {  	s31 =	rddreg [dreg:$0x8];
	[sflag:s6] =	ssyncadd.s32 $0xFFFFF800  }
0x62: {  	[spmem:s31] =	stream.linear.scatter [tilespmem:s24], [sflag:$0x9], $0x800, $0x38;
	[tilespmem:$0xF000] =	vst v63  }
0x63: {  	_ =	swait.ge [sflag:s6], $0x800  }
0x64: {  	[sflag:s6] =	ssyncset.done $0x0  }
0x65: {  	s26 =	rddreg [dreg:$0x9];
	[sflag:s6] =	ssyncadd.s32 $0xFFFFF800  }
0x66: {  	[spmem:s26] =	stream.linear.scatter [tilespmem:s24], [sflag:$0x9], $0x800, $0x38;
	[tilespmem:$0xF000] =	vst v63  }
0x67: {  	_ =	swait.ge [sflag:s6], $0x800  }
0x68: {  	[sflag:s6] =	ssyncset.done $0x0  }
0x69: {  	s28 =	rddreg [dreg:$0xa];
	[sflag:s6] =	ssyncadd.s32 $0xFFFFF800  }
0x6a: {  	[spmem:s28] =	stream.linear.scatter [tilespmem:s24], [sflag:$0x9], $0x800, $0x38;
	[tilespmem:$0xF000] =	vst v63  }
0x6b: {  	_ =	swait.ge [sflag:s6], $0x800  }
0x6c: {  	[sflag:s6] =	ssyncset.done $0x0  }
0x6d: {  	s29 =	rddreg [dreg:$0xb];
	[sflag:s6] =	ssyncadd.s32 $0xFFFFF800  }
0x6e: {  	[spmem:s29] =	stream.linear.scatter [tilespmem:s24], [sflag:$0x9], $0x800, $0x38;
	[tilespmem:$0xF000] =	vst v63  }
0x6f: {  	_ =	swait.ge [sflag:s6], $0x800  }
0x70: {  	[sflag:s6] =	ssyncset.done $0x0  }
0x71: {  	s30 =	rddreg [dreg:$0x10];
	[sflag:s6] =	ssyncadd.s32 $0xFFFFF800  }
0x72: {  	[spmem:s30] =	stream.linear.scatter [tilespmem:s24], [sflag:$0x9], $0x800, $0x38;
	[tilespmem:$0xF000] =	vst v63  }
0x73: {  	_ =	swait.ge [sflag:s6], $0x800  }
0x74: {  	[sflag:s6] =	ssyncset.done $0x0  }
0x75: {  	s31 =	rddreg [dreg:$0x11];
	[sflag:s6] =	ssyncadd.s32 $0xFFFFF800  }
0x76: {  	[spmem:s31] =	stream.linear.scatter [tilespmem:s24], [sflag:$0x9], $0x800, $0x38;
	[tilespmem:$0xF000] =	vst v63  }
0x77: {  	_ =	swait.ge [sflag:s6], $0x800  }
0x78: {  	[sflag:s6] =	ssyncset.done $0x0  }
0x79: {  	s26 =	rddreg [dreg:$0x12];
	[sflag:s6] =	ssyncadd.s32 $0xFFFFF800  }
0x7a: {  	[spmem:s26] =	stream.linear.scatter [tilespmem:s24], [sflag:$0x9], $0x800, $0x38;
	[tilespmem:$0xF000] =	vst v63  }
0x7b: {  	_ =	swait.ge [sflag:s6], $0x800  }
0x7c: {  	[sflag:s6] =	ssyncset.done $0x0  }
0x7d: {  	s28 =	rddreg [dreg:$0x13];
	[sflag:s6] =	ssyncadd.s32 $0xFFFFF800  }
0x7e: {  	[spmem:s28] =	stream.linear.scatter [tilespmem:s24], [sflag:$0x9], $0x800, $0x38;
	[tilespmem:$0xF000] =	vst v63  }
0x7f: {  	_ =	swait.ge [sflag:s6], $0x800  }
0x80: {  	[sflag:s6] =	ssyncset.done $0x0  }
0x81: {  	s29 =	rddreg [dreg:$0x14];
	[sflag:s6] =	ssyncadd.s32 $0xFFFFF800  }
0x82: {  	[spmem:s29] =	stream.linear.scatter [tilespmem:s24], [sflag:$0x9], $0x800, $0x38;
	[tilespmem:$0xF000] =	vst v63  }
0x83: {  	_ =	swait.ge [sflag:s6], $0x800  }
0x84: {  	[sflag:s6] =	ssyncset.done $0x0  }
0x85: {  	s30 =	rddreg [dreg:$0x15];
	[sflag:s6] =	ssyncadd.s32 $0xFFFFF800  }
0x86: {  	[spmem:s30] =	stream.linear.scatter [tilespmem:s24], [sflag:$0x9], $0x800, $0x38;
	[tilespmem:$0xF000] =	vst v63  }
0x87: {  	_ =	swait.ge [sflag:s6], $0x800  }
0x88: {  	[sflag:s6] =	ssyncset.done $0x0  }
0x89: {  	s31 =	rddreg [dreg:$0x16];
	[sflag:s6] =	ssyncadd.s32 $0xFFFFF800  }
0x8a: {  	[spmem:s31] =	stream.linear.scatter [tilespmem:s24], [sflag:$0x9], $0x800, $0x38;
	[tilespmem:$0xF000] =	vst v63  }
0x8b: {  	_ =	swait.ge [sflag:s6], $0x800  }
0x8c: {  	[sflag:s6] =	ssyncset.done $0x0  }
0x8d: {  	s25 =	simm.s32 $0x0;
	s24 =	simm.s32 $0x40;
	[sflag:s6] =	ssyncadd.s32 $0xFFFFF800  }
.LBB2_4:
0x8e: {  	p0 =	sne.s32 s24, $0x1FC0;
	[tilespmem:s25+$0x2000] =	vst v1;
	s25 =	smov.u32 s24;
	s24 =	sadd.s32 $0x40, s24  }
.Ltmp3:
0x8f: {  	(pc) =	sbr.rel @p0 .LBB2_4-.Ltmp3, $2  }
0x90: {  	_ =	sdelay $0x2  }
0x91: {  	s25 =	sshra.s32 s25, $0x2  }
0x92: {  	[tilespmem:s25+$0x2000] =	vst v1  }
0x93: {  	s24 =	simm.s32 $0x0;
	[bflag:$0x0] =	sbarrier.arrive $0xFFFF  }
0x94: {  	[tilespmem:s24], [sflag:$0x1] =	stream.linear.gather [hbm4b:s0+s24], $0x800, $0x38;
	[tilespmem:$0xF000] =	vst v63  }
0x95: {  	s25 =	rddreg [dreg:$0xf]  }
0x96: {  	s26 =	rddreg [dreg:$0xe]  }
0x97: {  	s28 =	rddreg [dreg:$0xd]  }
0x98: {  	s29 =	rddreg [dreg:$0xc]  }
0x99: {  	[tilespmem:s7], [sflag:$0x2] =	stream.linear.gather [hbm4b:s1+s24], $0x800, $0x38;
	[tilespmem:$0xF000] =	vst v63  }
.LBB2_6:
0x9a: {  	_ =	swait.ge [sflag:s11], $0x800  }
0x9b: {  	s30 =	sshra.s32 s24, $0x2;
	[sflag:s11] =	ssyncset.done $0x0  }
0x9c: {  	s31 =	sadd.s32 $0x2800, s30;
	[sflag:s11] =	ssyncadd.s32 $0xFFFFF800  }
0x9d: {  	[spmem:s2] =	stream.indirect.scatter.add.f32 [tilespmem:s5], [sflag:$0x5], $0x10, s31, s12, $0xb8;
	[tilespmem:$0xF000] =	vst v63  }
0x9e: {  	_ = 	snop  }
0x9f: {  	[spmem:s3] =	stream.indirect.scatter.add.f32 [tilespmem:s13], [sflag:$0x9], $0x10, s31, s12, $0xb8;
	[tilespmem:$0xF000] =	vst v63  }
0xa0: {  	_ =	swait.ge [sflag:s6], $0x800  }
0xa1: {  	[sflag:s6] =	ssyncset.done $0x0  }
0xa2: {  	s31 =	sadd.s32 $0x5000, s30;
	[sflag:s6] =	ssyncadd.s32 $0xFFFFF800  }
0xa3: {  	[spmem:s4] =	stream.indirect.scatter.add.f32 [tilespmem:s13], [sflag:$0x9], $0x10, s31, s12, $0xb8;
	[tilespmem:$0xF000] =	vst v63  }
0xa4: {  	_ =	swait.ge [sflag:s6], $0x800  }
0xa5: {  	p0 =	seq.s32 s24, $0x0;
	[sflag:s6] =	ssyncset.done $0x0  }
0xa6: {  	s31 =	simm.s32 @!p0 $0x7;
	[sflag:s6] =	ssyncadd.s32 $0xFFFFF800  }
0xa7: {  	_ =	swait.ge @!p0 [sflag:s31], $0x800  }
0xa8: {  	[sflag:s31] =	ssyncset.done @!p0 $0x0  }
0xa9: {  	[sflag:s31] =	ssyncadd.s32 @!p0 $0xFFFFF800  }
0xaa: {  	[tilespmem:s14], [sflag:$0x3] =	stream.linear.gather [hbm4b:s25+s5], $0x800, $0x38;
	[tilespmem:$0xF000] =	vst v63  }
0xab: {  	_ =	swait.ge [sflag:s15], $0x800  }
0xac: {  	[sflag:s15] =	ssyncset.done $0x0  }
0xad: {  	s31 =	sadd.s32 $0x2880, s30;
	[sflag:s15] =	ssyncadd.s32 $0xFFFFF800  }
0xae: {  	[spmem:s2] =	stream.indirect.scatter.add.f32 [tilespmem:s7], [sflag:$0x6], $0x10, s31, s12, $0xb8;
	[tilespmem:$0xF000] =	vst v63  }
0xaf: {  	_ = 	snop  }
0xb0: {  	[spmem:s3] =	stream.indirect.scatter.add.f32 [tilespmem:s13], [sflag:$0x9], $0x10, s31, s12, $0xb8;
	[tilespmem:$0xF000] =	vst v63  }
0xb1: {  	_ =	swait.ge [sflag:s6], $0x800  }
0xb2: {  	[sflag:s6] =	ssyncset.done $0x0  }
0xb3: {  	s31 =	sadd.s32 $0x5080, s30;
	[sflag:s6] =	ssyncadd.s32 $0xFFFFF800  }
0xb4: {  	[spmem:s4] =	stream.indirect.scatter.add.f32 [tilespmem:s13], [sflag:$0x9], $0x10, s31, s12, $0xb8;
	[tilespmem:$0xF000] =	vst v63  }
0xb5: {  	_ =	swait.ge [sflag:s6], $0x800  }
0xb6: {  	[sflag:s6] =	ssyncset.done $0x0  }
0xb7: {  	s31 =	simm.s32 @!p0 $0x8;
	[sflag:s6] =	ssyncadd.s32 $0xFFFFF800  }
0xb8: {  	_ =	swait.ge @!p0 [sflag:s31], $0x800  }
0xb9: {  	[sflag:s31] =	ssyncset.done @!p0 $0x0  }
0xba: {  	[sflag:s31] =	ssyncadd.s32 @!p0 $0xFFFFF800  }
0xbb: {  	[tilespmem:s17], [sflag:$0x4] =	stream.linear.gather [hbm4b:s26+s5], $0x800, $0x38;
	[tilespmem:$0xF000] =	vst v63  }
0xbc: {  	_ =	swait.ge [sflag:s18], $0x800  }
0xbd: {  	[sflag:s18] =	ssyncset.done $0x0  }
0xbe: {  	s31 =	sadd.s32 $0x2900, s30;
	[sflag:s18] =	ssyncadd.s32 $0xFFFFF800  }
0xbf: {  	[spmem:s2] =	stream.indirect.scatter.add.f32 [tilespmem:s14], [sflag:$0x7], $0x10, s31, s12, $0xb8;
	[tilespmem:$0xF000] =	vst v63  }
0xc0: {  	_ = 	snop  }
0xc1: {  	[spmem:s3] =	stream.indirect.scatter.add.f32 [tilespmem:s13], [sflag:$0x9], $0x10, s31, s12, $0xb8;
	[tilespmem:$0xF000] =	vst v63  }
0xc2: {  	_ =	swait.ge [sflag:s6], $0x800  }
0xc3: {  	[sflag:s6] =	ssyncset.done $0x0  }
0xc4: {  	s31 =	sadd.s32 $0x5100, s30;
	[sflag:s6] =	ssyncadd.s32 $0xFFFFF800  }
0xc5: {  	[spmem:s4] =	stream.indirect.scatter.add.f32 [tilespmem:s13], [sflag:$0x9], $0x10, s31, s12, $0xb8;
	[tilespmem:$0xF000] =	vst v63  }
0xc6: {  	_ =	swait.ge [sflag:s6], $0x800  }
0xc7: {  	p0 =	seq.s32 s24, $0x9800;
	[sflag:s6] =	ssyncset.done $0x0  }
0xc8: {  	s31 =	simm.s32 @!p0 $0x5;
	[sflag:s6] =	ssyncadd.s32 $0xFFFFF800  }
0xc9: {  	_ =	swait.ge @!p0 [sflag:s31], $0x800  }
0xca: {  	[sflag:s31] =	ssyncset.done @!p0 $0x0  }
0xcb: {  	[sflag:s31] =	ssyncadd.s32 @!p0 $0xFFFFF800;
	s31 =	simm.s32 @!p0 $0x0  }
0xcc: {  	[tilespmem:s31], [sflag:$0x1] =	stream.linear.gather @!p0 [hbm4b:s28+s31], $0x800, $0x38;
	[tilespmem:$0xF000] =	vst v63  }
0xcd: {  	_ =	swait.ge [sflag:s16], $0x800  }
0xce: {  	[sflag:s16] =	ssyncset.done $0x0  }
0xcf: {  	s31 =	sadd.s32 $0x2980, s30;
	[sflag:s16] =	ssyncadd.s32 $0xFFFFF800  }
0xd0: {  	[spmem:s2] =	stream.indirect.scatter.add.f32 [tilespmem:s17], [sflag:$0x8], $0x10, s31, s12, $0xb8;
	[tilespmem:$0xF000] =	vst v63  }
0xd1: {  	_ = 	snop  }
0xd2: {  	[spmem:s3] =	stream.indirect.scatter.add.f32 [tilespmem:s13], [sflag:$0x9], $0x10, s31, s12, $0xb8;
	[tilespmem:$0xF000] =	vst v63  }
0xd3: {  	_ =	swait.ge [sflag:s6], $0x800  }
0xd4: {  	[sflag:s6] =	ssyncset.done $0x0  }
.Ltmp4:
0xd5: {  	s30 =	sadd.s32 $0x5180, s30;
	[sflag:s6] =	ssyncadd.s32 $0xFFFFF800;
	(pc) =	sbr.rel @p0 .LBB2_8-.Ltmp4, $4  }
0xd6: {  	[spmem:s4] =	stream.indirect.scatter.add.f32 [tilespmem:s13], [sflag:$0x9], $0x10, s30, s12, $0xb8;
	[tilespmem:$0xF000] =	vst v63  }
0xd7: {  	_ =	swait.ge [sflag:s6], $0x800  }
0xd8: {  	[sflag:s6] =	ssyncset.done $0x0  }
0xd9: {  	[sflag:s6] =	ssyncadd.s32 $0xFFFFF800  }
.Ltmp5:
0xda: {  	_ =	swait.ge [sflag:s21], $0x800;
	(pc) =	sbr.rel .LBB2_6-.Ltmp5, $4  }
0xdb: {  	[sflag:s21] =	ssyncset.done $0x0  }
0xdc: {  	s28 =	sadd.s32 $0x400, s28;
	s24 =	sadd.s32 $0x800, s24;
	[sflag:s21] =	ssyncadd.s32 $0xFFFFF800  }
0xdd: {  	[tilespmem:s7], [sflag:$0x2] =	stream.linear.gather [hbm4b:s29+s5], $0x800, $0x38;
	[tilespmem:$0xF000] =	vst v63  }
0xde: {  	s26 =	sadd.s32 $0x400, s26;
	s25 =	sadd.s32 $0x400, s25;
	s29 =	sadd.s32 $0x400, s29  }
.LBB2_9:
0xdf: {  	_ =	sfence.sel $0x180000  }
0xe0: {  	[bflag:$0x0] =	sbarrier.arrive $0xFFFF  }
0xe1: {  	_ =	strace $0x90000047  }
0xe2: {  	s0 =	stileid.u32;
	[bflag:$0x2] =	sbarrier.arrive $0xFFFF  }
0xe3: {  	p0 =	sne.s32 s0, $0x0;
	s0 =	rddreg [dreg:$0x4]  }
0xe4: {  	s0 =	sadd.s32 @!p0 $0x100000, s0  }
0xe5: {  	[sflag:s0] =	ssyncadd.tile.s32 @!p0 $0x1;
	_ =	shalt  }
.Lfunc_end2:
_tile_overlayer_lowered:
.L_overlay_start_2:
0xe6: {  	(tag) =	ssettag $0x2  }
0xe7: {  	s0 =	rddreg [dreg:$0x0];
	s2 =	stileid.u32  }
0xe8: {  	s1 =	rddreg [dreg:$0x1];
	p0 =	sne.s32 s2, $0x0  }
0xe9: {  	s3 =	rddreg [dreg:$0x2];
	[bflag:$0x3] =	sbarrier.arrive $0xFFFF;
	s2 =	simm.s32 @!p0 $0x1C09  }
0xea: {  	[timem:s3], [sflag:s2] =	dma.local @!p0 [hbm:s0], s1  }
0xeb: {  	s0 =	simm.s32 @!p0 $0x9  }
0xec: {  	_ =	swait.ge @!p0 [sflag:s0], s1  }
0xed: {  	s1 =	ssub.s32 @!p0 $0x0, s1;
	[sflag:s0] =	ssyncset.done @!p0 $0x0  }
0xee: {  	[sflag:s0] =	ssyncadd.s32 @!p0 s1  }
0xef: {  	[bflag:$0x3] =	sbarrier.arrive $0xFFFF  }
0xf0: {  	_ =	shalt  }

</sc_bundles>
